<compile_context>
chip_gen: v7x
topology: tpu7x:2x2x1
jax: 0.10.2.dev20260603
libtpu: 0.0.44.dev20260713+nightly
codegen_flags: <defaults>
</compile_context>

<pallas_src>
import functools

import jax
import jax.numpy as jnp
from jax import lax
from jax.experimental import pallas as pl
from jax.experimental.pallas import tpu as pltpu
from jax.experimental.pallas import tpu_sc as plsc

_NC = 2
_NS = 16
_NW = _NC * _NS
_CH = 80
_G = 64


def _pad_up(n, m):
    return (n + m - 1) // m * m



_KB = 4


def _deg_call(npad, kc):
    mesh = plsc.VectorSubcoreMesh(core_axis_name="c", subcore_axis_name="s")
    rpt = npad // _NS
    nblk = kc // _KB

    half = nblk // 2

    @functools.partial(
        pl.kernel,
        out_type=jax.ShapeDtypeStruct((_NC, npad), jnp.float32),
        mesh=mesh,
        scratch_types=[
            pltpu.VMEM((2, _KB, _CH), jnp.int32),
            pltpu.VMEM((_CH,), jnp.float32),
            pltpu.VMEM_SHARED((npad,), jnp.float32),
            pltpu.SemaphoreType.DMA,
            pltpu.SemaphoreType.DMA,
            pltpu.SemaphoreType.DMA,
            pltpu.SemaphoreType.DMA,
        ],
    )
    def deg(dst_hbm, z1_hbm, out_hbm, dst_v, ones_v, acc_sh,
            ssemA, ssemB, isemA, isemB):
        cid = lax.axis_index("c")
        sid = lax.axis_index("s")
        wid = sid * _NC + cid
        for j in range(_CH // 16):
            ones_v[pl.ds(j * 16, 16)] = jnp.ones((16,), jnp.float32)
        pltpu.sync_copy(z1_hbm.at[pl.ds(sid * rpt, rpt)],
                        acc_sh.at[pl.ds(sid * rpt, rpt)])
        plsc.subcore_barrier()
        ssems = (ssemA, ssemB)
        isems = (isemA, isemB)

        def load_idx(blk, ring):
            pltpu.async_copy(dst_hbm.at[wid, pl.ds(blk * _KB, _KB)],
                             dst_v.at[ring], isems[ring])

        def drain_idx(ring):
            pltpu.make_async_copy(dst_hbm.at[wid, pl.ds(0, _KB)],
                                  dst_v.at[ring], isems[ring]).wait()

        def drain_scat(ring):
            for _ in range(_KB):
                pltpu.make_async_copy(
                    ones_v, acc_sh.at[dst_v.at[ring, 0]], ssems[ring]).wait()

        load_idx(0, 0)
        load_idx(1, 1)

        def body(t, carry):
            for ring in range(2):
                drain_idx(ring)
                for j in range(_KB):
                    pltpu.async_copy(ones_v, acc_sh.at[dst_v.at[ring, j]],
                                     ssems[ring], add=True)

            @pl.when(t + 1 < half)
            def _():
                for ring in range(2):
                    drain_scat(ring)
                    load_idx(2 * t + 2 + ring, ring)
            return carry

        lax.fori_loop(0, half, body, 0)
        drain_scat(0)
        drain_scat(1)
        plsc.subcore_barrier()
        pltpu.sync_copy(acc_sh.at[pl.ds(sid * rpt, rpt)],
                        out_hbm.at[cid, pl.ds(sid * rpt, rpt)])

    return deg


def _spmm_call(npad, kc, d):
    mesh = plsc.VectorSubcoreMesh(core_axis_name="c", subcore_axis_name="s")
    rpt = npad // _NS
    nblk = kc // _KB
    half = nblk // 2

    @functools.partial(
        pl.kernel,
        out_type=jax.ShapeDtypeStruct((_NC, npad, d), jnp.float32),
        mesh=mesh,
        scratch_types=[
            pltpu.VMEM((2, _KB, _CH), jnp.int32),
            pltpu.VMEM((2, _KB, _CH), jnp.int32),
            pltpu.VMEM((2, _CH, d), jnp.float32),
            pltpu.VMEM_SHARED((npad, d), jnp.float32),
            pltpu.SemaphoreType.DMA,
            pltpu.SemaphoreType.DMA,
            pltpu.SemaphoreType.DMA,
            pltpu.SemaphoreType.DMA,
            pltpu.SemaphoreType.DMA,
            pltpu.SemaphoreType.DMA,
        ],
    )
    def spmm(src_hbm, dst_hbm, hs_hbm, zr_hbm, out_hbm,
             src_v, dst_v, rows_v, acc_sh,
             gsem0, gsem1, ssem0, ssem1, isemA, isemB):
        cid = lax.axis_index("c")
        sid = lax.axis_index("s")
        wid = sid * _NC + cid
        pltpu.sync_copy(zr_hbm.at[sid], acc_sh.at[pl.ds(sid * rpt, rpt)])
        plsc.subcore_barrier()
        gsems = (gsem0, gsem1)
        ssems = (ssem0, ssem1)
        isems = (isemA, isemB)

        def load_idx(blk, ring):
            pltpu.async_copy(src_hbm.at[wid, pl.ds(blk * _KB, _KB)],
                             src_v.at[ring], isems[ring])
            pltpu.async_copy(dst_hbm.at[wid, pl.ds(blk * _KB, _KB)],
                             dst_v.at[ring], isems[ring])

        def drain_idx(ring):
            pltpu.make_async_copy(src_hbm.at[wid, pl.ds(0, _KB)],
                                  src_v.at[ring], isems[ring]).wait()
            pltpu.make_async_copy(dst_hbm.at[wid, pl.ds(0, _KB)],
                                  dst_v.at[ring], isems[ring]).wait()

        def fire_gather(ring, j, buf):
            pltpu.async_copy(hs_hbm.at[src_v.at[ring, j]], rows_v.at[buf],
                             gsems[buf])

        def drain_gather(buf):
            pltpu.make_async_copy(hs_hbm.at[src_v.at[0, 0]], rows_v.at[buf],
                                  gsems[buf]).wait()

        def fire_scat(ring, j, buf):
            pltpu.async_copy(rows_v.at[buf], acc_sh.at[dst_v.at[ring, j]],
                             ssems[buf], add=True)

        def drain_scat(buf):
            pltpu.make_async_copy(rows_v.at[buf],
                                  acc_sh.at[dst_v.at[0, 0]],
                                  ssems[buf]).wait()

        load_idx(0, 0)
        drain_idx(0)
        load_idx(1, 1)
        fire_gather(0, 0, 0)

        def body(t, carry):
            for s in range(2 * _KB):
                ring = s // _KB
                j = s % _KB
                buf = s % 2
                nring = (s + 1) // _KB
                nj = (s + 1) % _KB
                if s + 1 < 2 * _KB:
                    if nj == 0:
                        drain_idx(nring)
                    fire_gather(nring, nj, (s + 1) % 2)
                else:
                    @pl.when(t + 1 < half)
                    def _():
                        drain_idx(0)
                        fire_gather(0, 0, (s + 1) % 2)
                drain_gather(buf)
                pltpu.sync_copy(rows_v.at[buf], acc_sh.at[dst_v.at[ring, j]],
                                add=True)
                if s == _KB - 1:
                    @pl.when(t + 1 < half)
                    def _():
                        load_idx(2 * t + 2, 0)
                if s == 2 * _KB - 1:
                    @pl.when(t + 1 < half)
                    def _():
                        load_idx(2 * t + 3, 1)
            return carry

        lax.fori_loop(0, half, body, 0)
        plsc.subcore_barrier()
        pltpu.sync_copy(acc_sh.at[pl.ds(sid * rpt, rpt)],
                        out_hbm.at[cid, pl.ds(sid * rpt, rpt)])

    return spmm




def _disb(degc_ref, bm, h):
    return jnp.broadcast_to(lax.rsqrt(degc_ref[...]), (bm, h))


def _mm_scale_call(n, npad, d, h, bm):

    def body(x_ref, w_ref, deg_ref, hs_ref):
        disb = _disb(deg_ref, bm, h)
        mm = jnp.dot(x_ref[...], w_ref[...], preferred_element_type=jnp.float32)
        hs_ref[...] = mm * disb

    return pl.pallas_call(
        body,
        grid=(n // bm,),
        in_specs=[
            pl.BlockSpec((bm, d), lambda i: (i, 0)),
            pl.BlockSpec((d, h), lambda i: (0, 0)),
            pl.BlockSpec((bm, 1), lambda i: (i, 0)),
        ],
        out_specs=pl.BlockSpec((bm, h), lambda i: (i, 0)),
        out_shape=jax.ShapeDtypeStruct((npad, h), jnp.float32),
    )


def _post(acc_ref, hs_ref, disb, b_ref, g_ref, be_ref):
    z = (acc_ref[0] + acc_ref[1] + hs_ref[...]) * disb + b_ref[...]
    mu = jnp.mean(z, axis=1, keepdims=True)
    zc = z - mu
    var = jnp.mean(zc * zc, axis=1, keepdims=True)
    zn = zc * lax.rsqrt(var + 1e-5) * g_ref[...] + be_ref[...]
    return jnp.maximum(zn, 0.0)


def _post_mm_call(n, npad, h, bm):

    def body(acc_ref, hs_ref, deg_ref, b_ref, g_ref, be_ref, w_ref, o_ref):
        disb = _disb(deg_ref, bm, h)
        z = _post(acc_ref, hs_ref, disb, b_ref, g_ref, be_ref)
        o_ref[...] = jnp.dot(z, w_ref[...],
                             preferred_element_type=jnp.float32) * disb

    return pl.pallas_call(
        body,
        grid=(n // bm,),
        in_specs=[
            pl.BlockSpec((_NC, bm, h), lambda i: (0, i, 0)),
            pl.BlockSpec((bm, h), lambda i: (i, 0)),
            pl.BlockSpec((bm, 1), lambda i: (i, 0)),
            pl.BlockSpec((1, h), lambda i: (0, 0)),
            pl.BlockSpec((1, h), lambda i: (0, 0)),
            pl.BlockSpec((1, h), lambda i: (0, 0)),
            pl.BlockSpec((h, h), lambda i: (0, 0)),
        ],
        out_specs=pl.BlockSpec((bm, h), lambda i: (i, 0)),
        out_shape=jax.ShapeDtypeStruct((npad, h), jnp.float32),
    )


def _post_pool_call(n, npad, h, c, bm):
    nb = n // bm

    def body(acc_ref, hs_ref, deg_ref, b_ref, g_ref, be_ref, bt_ref,
             wl_ref, bl_ref, o_ref, sums_ref, cnts_ref):
        i = pl.program_id(0)
        z = _post(acc_ref, hs_ref, _disb(deg_ref, bm, h), b_ref, g_ref, be_ref)
        seg = lax.broadcasted_iota(jnp.int32, (bm, _G), 1)
        mask = (bt_ref[...] == seg).astype(jnp.float32)

        @pl.when(i == 0)
        def _():
            sums_ref[...] = jnp.zeros((_G, h), jnp.float32)
            cnts_ref[...] = jnp.zeros((_G, h), jnp.float32)

        dn = (((0,), (0,)), ((), ()))
        sums_ref[...] += lax.dot_general(
            mask, z, dn, preferred_element_type=jnp.float32)
        cnts_ref[...] += jnp.broadcast_to(
            lax.dot_general(mask, jnp.ones((bm, 1), jnp.float32), dn,
                            preferred_element_type=jnp.float32), (_G, h))

        @pl.when(i == nb - 1)
        def _():
            pooled = sums_ref[...] / jnp.maximum(cnts_ref[...], 1.0)
            o_ref[...] = jnp.dot(pooled, wl_ref[...],
                                 preferred_element_type=jnp.float32) + bl_ref[...]

    return pl.pallas_call(
        body,
        grid=(nb,),
        in_specs=[
            pl.BlockSpec((_NC, bm, h), lambda i: (0, i, 0)),
            pl.BlockSpec((bm, h), lambda i: (i, 0)),
            pl.BlockSpec((bm, 1), lambda i: (i, 0)),
            pl.BlockSpec((1, h), lambda i: (0, 0)),
            pl.BlockSpec((1, h), lambda i: (0, 0)),
            pl.BlockSpec((1, h), lambda i: (0, 0)),
            pl.BlockSpec((bm, 1), lambda i: (i, 0)),
            pl.BlockSpec((h, c), lambda i: (0, 0)),
            pl.BlockSpec((1, c), lambda i: (0, 0)),
        ],
        out_specs=pl.BlockSpec((_G, c), lambda i: (0, 0)),
        out_shape=jax.ShapeDtypeStruct((_G, c), jnp.float32),
        scratch_shapes=[
            pltpu.VMEM((_G, h), jnp.float32),
            pltpu.VMEM((_G, h), jnp.float32),
        ],
    )



def kernel(x, edge, batch, W1, b1, W2, b2, gamma, beta, Wl, bl):
    n, d = x.shape
    e = edge.shape[1]
    h = W1.shape[1]
    c = Wl.shape[1]

    npad = _pad_up(n + 1, _NS * 128)
    ech = _NW * _CH
    kc = _pad_up(e, 2 * _KB * ech) // ech
    epad = kc * ech
    nscr = npad - n

    npd = jnp.arange(epad - e, dtype=jnp.int32)
    src_ch = jnp.concatenate([edge[0], npd % n]).reshape(_NW, kc, _CH)
    dst_ch = jnp.concatenate([edge[1], n + npd % nscr]).reshape(_NW, kc, _CH)

    batchc = batch.reshape(n, 1)
    rpt = npad // _NS
    z1 = jnp.zeros((npad,), jnp.float32)
    zr = jnp.zeros((_NS, rpt, h), jnp.float32)

    b1r = b1.reshape(1, h)
    b2r = b2.reshape(1, h)
    gr = gamma.reshape(1, h)
    ber = beta.reshape(1, h)
    blr = bl.reshape(1, c)

    bm = 2000

    deg = _deg_call(npad, kc)(dst_ch, z1)
    degc = (deg[0, :n] + deg[1, :n] + 1.0).reshape(n, 1)
    hs1 = _mm_scale_call(n, npad, d, h, bm)(x, W1, degc)
    acc1 = _spmm_call(npad, kc, h)(src_ch, dst_ch, hs1, zr)
    hs2 = _post_mm_call(n, npad, h, bm)(acc1, hs1, degc, b1r, gr, ber, W2)
    acc2 = _spmm_call(npad, kc, h)(src_ch, dst_ch, hs2, zr)
    out = _post_pool_call(n, npad, h, c, bm)(
        acc2, hs2, degc, b2r, gr, ber, batchc, Wl, blr)
    return out

# --- scband reference (transcript-rebuilt; emitter-appended) ---
"""Pipeline reference for scband-gcn-31353261261178 (READ-ONLY COPY).

The authoritative reference and input builder live on the scoring server;
editing this copy changes nothing except your own understanding.
"""

import jax, jax.numpy as jnp
import numpy as np

N = 10000
E = 320000
D = 128
H = 128
C = 128
G = 64


def setup_inputs(seed: int = 0) -> dict:
    key = jax.random.key(seed)
    ks = jax.random.split(key, 12)
    x = jax.random.normal(ks[0], (N, D), dtype=jnp.float32)
    edge = jax.random.randint(ks[1], (2, E), 0, N, dtype=jnp.int32)
    batch = jnp.sort(jax.random.randint(ks[2], (N,), 0, G, dtype=jnp.int32))
    W1 = jax.random.normal(ks[3], (D, H), dtype=jnp.float32) * (1.0 / np.sqrt(D))
    b1 = jnp.zeros((H,), dtype=jnp.float32)
    W2 = jax.random.normal(ks[4], (H, H), dtype=jnp.float32) * (1.0 / np.sqrt(H))
    b2 = jnp.zeros((H,), dtype=jnp.float32)
    gamma = jnp.ones((H,), dtype=jnp.float32)
    beta = jnp.zeros((H,), dtype=jnp.float32)
    Wl = jax.random.normal(ks[5], (H, C), dtype=jnp.float32) * (1.0 / np.sqrt(H))
    bl = jnp.zeros((C,), dtype=jnp.float32)
    return {"x": x, "edge": edge, "batch": batch, "W1": W1, "b1": b1,
            "W2": W2, "b2": b2, "gamma": gamma, "beta": beta, "Wl": Wl, "bl": bl}


def _gcn_conv(x, src, dst, W, b):
    n = x.shape[0]
    loop = jnp.arange(n, dtype=src.dtype)
    s = jnp.concatenate([src, loop])
    d = jnp.concatenate([dst, loop])
    deg = jnp.zeros((n,), x.dtype).at[d].add(1.0)
    dis = jnp.where(deg > 0, jax.lax.rsqrt(jnp.maximum(deg, 1e-12)), 0.0)
    norm = dis[s] * dis[d]
    h = x @ W
    msg = h[s] * norm[:, None]
    out = jnp.zeros((n, W.shape[1]), x.dtype).at[d].add(msg)
    return out + b


def _layer_norm(h, gamma, beta, eps=1e-5):
    mu = jnp.mean(h, axis=-1, keepdims=True)
    var = jnp.mean((h - mu) ** 2, axis=-1, keepdims=True)
    return (h - mu) * jax.lax.rsqrt(var + eps) * gamma + beta


def reference(x, edge, batch, W1, b1, W2, b2, gamma, beta, Wl, bl):
    src, dst = edge[0], edge[1]
    h = _gcn_conv(x, src, dst, W1, b1)
    h = _layer_norm(h, gamma, beta)
    h = jax.nn.relu(h)
    h = _gcn_conv(h, src, dst, W2, b2)
    h = _layer_norm(h, gamma, beta)
    h = jax.nn.relu(h)
    sums = jax.ops.segment_sum(h, batch, num_segments=G)
    counts = jax.ops.segment_sum(jnp.ones((h.shape[0],), h.dtype), batch, num_segments=G)
    pooled = sums / jnp.maximum(counts, 1.0)[:, None]
    # dropout is identity in eval mode
    out = pooled @ Wl + bl
    return out

if __name__ == "__main__":
    import jax
    _d = setup_inputs()
    print(jax.jit(kernel)(*tuple(_d.values())))

</pallas_src>

<mosaic_0001>
#map = affine_map<(d0, d1) -> (0, 0, 0)>
#map1 = affine_map<(d0, d1) -> (0)>
#map2 = affine_map<(d0, d1) -> (0, 0)>
module attributes {stable_mosaic.version = 14 : i64} {
  func.func @deg(%arg0: i32, %arg1: i32, %arg2: memref<32x128x80xi32, #tpu.memory_space<hbm>>, %arg3: memref<10240xf32, #tpu.memory_space<hbm>>, %arg4: memref<2x10240xf32, #tpu.memory_space<hbm>>, %arg5: memref<2x4x80xi32, #tpu.memory_space<vmem>>, %arg6: memref<80xf32, #tpu.memory_space<vmem>>, %arg7: memref<10240xf32, #tpu.memory_space<vmem_shared>>, %arg8: memref<!tpu.dma_semaphore, #tpu.memory_space<semaphore_mem>>, %arg9: memref<!tpu.dma_semaphore, #tpu.memory_space<semaphore_mem>>, %arg10: memref<!tpu.dma_semaphore, #tpu.memory_space<semaphore_mem>>, %arg11: memref<!tpu.dma_semaphore, #tpu.memory_space<semaphore_mem>>) attributes {dimension_semantics = [#tpu.dimension_semantics<core_parallel>, #tpu.dimension_semantics<subcore_parallel>], iteration_bounds = array<i64: 2, 16>, scalar_prefetch = 0 : i64, scratch_operands = 7 : i64, tpu.core_type = #tpu.core_type<sc_vector_subcore>, window_params = [{transform_indices = #map}, {transform_indices = #map1}, {transform_indices = #map2}]} {
    %mul3A = arith.constant 2 : i32
    %mul3A_0 = arith.muli %arg1, %mul3A : i32
    %add3A = arith.addi %mul3A_0, %arg0 : i32
    %broadcast_in_dim3A = arith.constant 1.000000e+00 : f32
    %broadcast_in_dim3A_1 = vector.broadcast %broadcast_in_dim3A : f32 to vector<16xf32>
    %swap3A = arith.constant 0 : index
    %swap3A_2 = tpu.vector_load %arg6[%swap3A] {strides = array<i32>} : memref<80xf32, #tpu.memory_space<vmem>>, vector<16xf32>,
    %swap3A_3 = vector.shape_cast %swap3A_2 : vector<16xf32> to vector<16xf32>
    %swap3A_4 = vector.shape_cast %broadcast_in_dim3A_1 : vector<16xf32> to vector<16xf32>
    tpu.vector_store %arg6[%swap3A], %swap3A_4 {strides = array<i32>} : memref<80xf32, #tpu.memory_space<vmem>>, vector<16xf32>,
    %broadcast_in_dim3A_5 = arith.constant 1.000000e+00 : f32
    %broadcast_in_dim3A_6 = vector.broadcast %broadcast_in_dim3A_5 : f32 to vector<16xf32>
    %swap3A_7 = arith.constant 16 : index
    %swap3A_8 = tpu.vector_load %arg6[%swap3A_7] {strides = array<i32>} : memref<80xf32, #tpu.memory_space<vmem>>, vector<16xf32>,
    %swap3A_9 = vector.shape_cast %swap3A_8 : vector<16xf32> to vector<16xf32>
    %swap3A_10 = vector.shape_cast %broadcast_in_dim3A_6 : vector<16xf32> to vector<16xf32>
    tpu.vector_store %arg6[%swap3A_7], %swap3A_10 {strides = array<i32>} : memref<80xf32, #tpu.memory_space<vmem>>, vector<16xf32>,
    %broadcast_in_dim3A_11 = arith.constant 1.000000e+00 : f32
    %broadcast_in_dim3A_12 = vector.broadcast %broadcast_in_dim3A_11 : f32 to vector<16xf32>
    %swap3A_13 = arith.constant 32 : index
    %swap3A_14 = tpu.vector_load %arg6[%swap3A_13] {strides = array<i32>} : memref<80xf32, #tpu.memory_space<vmem>>, vector<16xf32>,
    %swap3A_15 = vector.shape_cast %swap3A_14 : vector<16xf32> to vector<16xf32>
    %swap3A_16 = vector.shape_cast %broadcast_in_dim3A_12 : vector<16xf32> to vector<16xf32>
    tpu.vector_store %arg6[%swap3A_13], %swap3A_16 {strides = array<i32>} : memref<80xf32, #tpu.memory_space<vmem>>, vector<16xf32>,
    %broadcast_in_dim3A_17 = arith.constant 1.000000e+00 : f32
    %broadcast_in_dim3A_18 = vector.broadcast %broadcast_in_dim3A_17 : f32 to vector<16xf32>
    %swap3A_19 = arith.constant 48 : index
    %swap3A_20 = tpu.vector_load %arg6[%swap3A_19] {strides = array<i32>} : memref<80xf32, #tpu.memory_space<vmem>>, vector<16xf32>,
    %swap3A_21 = vector.shape_cast %swap3A_20 : vector<16xf32> to vector<16xf32>
    %swap3A_22 = vector.shape_cast %broadcast_in_dim3A_18 : vector<16xf32> to vector<16xf32>
    tpu.vector_store %arg6[%swap3A_19], %swap3A_22 {strides = array<i32>} : memref<80xf32, #tpu.memory_space<vmem>>, vector<16xf32>,
    %broadcast_in_dim3A_23 = arith.constant 1.000000e+00 : f32
    %broadcast_in_dim3A_24 = vector.broadcast %broadcast_in_dim3A_23 : f32 to vector<16xf32>
    %swap3A_25 = arith.constant 64 : index
    %swap3A_26 = tpu.vector_load %arg6[%swap3A_25] {strides = array<i32>} : memref<80xf32, #tpu.memory_space<vmem>>, vector<16xf32>,
    %swap3A_27 = vector.shape_cast %swap3A_26 : vector<16xf32> to vector<16xf32>
    %swap3A_28 = vector.shape_cast %broadcast_in_dim3A_24 : vector<16xf32> to vector<16xf32>
    tpu.vector_store %arg6[%swap3A_25], %swap3A_28 {strides = array<i32>} : memref<80xf32, #tpu.memory_space<vmem>>, vector<16xf32>,
    %mul3A_29 = arith.constant 640 : i32
    %mul3A_30 = arith.muli %arg1, %mul3A_29 : i32
    %mul3A_31 = arith.constant 640 : i32
    %mul3A_32 = arith.muli %arg1, %mul3A_31 : i32
    "tpu.region"() ({
      %run_scoped3A = tpu.sem_alloc : memref<!tpu.dma_semaphore, #tpu.memory_space<semaphore_mem>>
      %dma_start3A_131 = tpu.memref_slice %arg7[%mul3A_32] : memref<10240xf32, #tpu.memory_space<vmem_shared>> -> memref<640xf32, #tpu.memory_space<vmem_shared>>
      %dma_start3A_132 = tpu.memref_slice %arg3[%mul3A_30] : memref<10240xf32, #tpu.memory_space<hbm>> -> memref<640xf32, #tpu.memory_space<hbm>>
      tpu.enqueue_dma source(%dma_start3A_132 : memref<640xf32, #tpu.memory_space<hbm>>) target(%dma_start3A_131 : memref<640xf32, #tpu.memory_space<vmem_shared>>) target_semaphore(%run_scoped3A : memref<!tpu.dma_semaphore, #tpu.memory_space<semaphore_mem>>)
      %dma_wait3A_133 = tpu.memref_slice %arg7[%mul3A_32] : memref<10240xf32, #tpu.memory_space<vmem_shared>> -> memref<640xf32, #tpu.memory_space<vmem_shared>>
      %dma_wait3A_134 = tpu.memref_slice %arg3[%mul3A_30] : memref<10240xf32, #tpu.memory_space<hbm>> -> memref<640xf32, #tpu.memory_space<hbm>>
      tpu.wait_dma2 semaphore(%run_scoped3A : memref<!tpu.dma_semaphore, #tpu.memory_space<semaphore_mem>>) src(%dma_wait3A_134 : memref<640xf32, #tpu.memory_space<hbm>>) dst(%dma_wait3A_133 : memref<640xf32, #tpu.memory_space<vmem_shared>>)
      tpu.yield
    }) : () -> ()
    %barrier3A = arith.constant 0 : index
    tpu.barrier barrier_id(%barrier3A)
    %dma_start3A = arith.constant 0 : i32
    %dma_start3A_33 = arith.constant 0 : i32
    %dma_start3A_34 = arith.constant 0 : i32
    %dma_start3A_35 = tpu.memref_slice %arg5[%dma_start3A, %dma_start3A_33, %dma_start3A_34] : memref<2x4x80xi32, #tpu.memory_space<vmem>> -> memref<1x4x80xi32, #tpu.memory_space<vmem>>
    %dma_start3A_36 = tpu.memref_squeeze %dma_start3A_35 : memref<1x4x80xi32, #tpu.memory_space<vmem>> -> memref<4x80xi32, #tpu.memory_space<vmem>>
    %dma_start3A_37 = arith.constant 0 : i32
    %dma_start3A_38 = arith.constant 0 : i32
    %dma_start3A_39 = tpu.memref_slice %arg2[%add3A, %dma_start3A_37, %dma_start3A_38] : memref<32x128x80xi32, #tpu.memory_space<hbm>> -> memref<1x4x80xi32, #tpu.memory_space<hbm>>
    %dma_start3A_40 = tpu.memref_squeeze %dma_start3A_39 : memref<1x4x80xi32, #tpu.memory_space<hbm>> -> memref<4x80xi32, #tpu.memory_space<hbm>>
    %dma_start3A_41 = arith.constant 0 : i32
    %dma_start3A_42 = arith.constant 0 : i32
    %dma_start3A_43 = tpu.memref_slice %arg5[%dma_start3A, %dma_start3A_41, %dma_start3A_42] : memref<2x4x80xi32, #tpu.memory_space<vmem>> -> memref<1x4x80xi32, #tpu.memory_space<vmem>>
    %dma_start3A_44 = tpu.memref_squeeze %dma_start3A_43 : memref<1x4x80xi32, #tpu.memory_space<vmem>> -> memref<4x80xi32, #tpu.memory_space<vmem>>
    %dma_start3A_45 = arith.constant 0 : i32
    %dma_start3A_46 = arith.constant 0 : i32
    %dma_start3A_47 = tpu.memref_slice %arg2[%add3A, %dma_start3A_45, %dma_start3A_46] : memref<32x128x80xi32, #tpu.memory_space<hbm>> -> memref<1x4x80xi32, #tpu.memory_space<hbm>>
    %dma_start3A_48 = tpu.memref_squeeze %dma_start3A_47 : memref<1x4x80xi32, #tpu.memory_space<hbm>> -> memref<4x80xi32, #tpu.memory_space<hbm>>
    tpu.enqueue_dma source(%dma_start3A_48 : memref<4x80xi32, #tpu.memory_space<hbm>>) target(%dma_start3A_44 : memref<4x80xi32, #tpu.memory_space<vmem>>) target_semaphore(%arg10 : memref<!tpu.dma_semaphore, #tpu.memory_space<semaphore_mem>>)
    %dma_start3A_49 = arith.constant 1 : i32
    %dma_start3A_50 = arith.constant 0 : i32
    %dma_start3A_51 = arith.constant 0 : i32
    %dma_start3A_52 = tpu.memref_slice %arg5[%dma_start3A_49, %dma_start3A_50, %dma_start3A_51] : memref<2x4x80xi32, #tpu.memory_space<vmem>> -> memref<1x4x80xi32, #tpu.memory_space<vmem>>
    %dma_start3A_53 = tpu.memref_squeeze %dma_start3A_52 : memref<1x4x80xi32, #tpu.memory_space<vmem>> -> memref<4x80xi32, #tpu.memory_space<vmem>>
    %dma_start3A_54 = arith.constant 4 : i32
    %dma_start3A_55 = arith.constant 0 : i32
    %dma_start3A_56 = tpu.memref_slice %arg2[%add3A, %dma_start3A_54, %dma_start3A_55] : memref<32x128x80xi32, #tpu.memory_space<hbm>> -> memref<1x4x80xi32, #tpu.memory_space<hbm>>
    %dma_start3A_57 = tpu.memref_squeeze %dma_start3A_56 : memref<1x4x80xi32, #tpu.memory_space<hbm>> -> memref<4x80xi32, #tpu.memory_space<hbm>>
    %dma_start3A_58 = arith.constant 0 : i32
    %dma_start3A_59 = arith.constant 0 : i32
    %dma_start3A_60 = tpu.memref_slice %arg5[%dma_start3A_49, %dma_start3A_58, %dma_start3A_59] : memref<2x4x80xi32, #tpu.memory_space<vmem>> -> memref<1x4x80xi32, #tpu.memory_space<vmem>>
    %dma_start3A_61 = tpu.memref_squeeze %dma_start3A_60 : memref<1x4x80xi32, #tpu.memory_space<vmem>> -> memref<4x80xi32, #tpu.memory_space<vmem>>
    %dma_start3A_62 = arith.constant 4 : i32
    %dma_start3A_63 = arith.constant 0 : i32
    %dma_start3A_64 = tpu.memref_slice %arg2[%add3A, %dma_start3A_62, %dma_start3A_63] : memref<32x128x80xi32, #tpu.memory_space<hbm>> -> memref<1x4x80xi32, #tpu.memory_space<hbm>>
    %dma_start3A_65 = tpu.memref_squeeze %dma_start3A_64 : memref<1x4x80xi32, #tpu.memory_space<hbm>> -> memref<4x80xi32, #tpu.memory_space<hbm>>
    tpu.enqueue_dma source(%dma_start3A_65 : memref<4x80xi32, #tpu.memory_space<hbm>>) target(%dma_start3A_61 : memref<4x80xi32, #tpu.memory_space<vmem>>) target_semaphore(%arg11 : memref<!tpu.dma_semaphore, #tpu.memory_space<semaphore_mem>>)
    %scan3A = arith.constant 0 : i32
    %scan3A_66 = arith.constant 0 : i32
    %scan3A_67 = arith.constant 16 : i32
    %scan3A_68 = arith.addi %scan3A_66, %scan3A_67 : i32
    %scan3A_69 = arith.constant 1 : i32
    scf.for %scan3A_131 = %scan3A_66 to %scan3A_68 step %scan3A_69  : i32 {
      %dma_wait3A_132 = arith.constant 0 : i32
      %dma_wait3A_133 = arith.constant 0 : i32
      %dma_wait3A_134 = arith.constant 0 : i32
      %dma_wait3A_135 = tpu.memref_slice %arg5[%dma_wait3A_132, %dma_wait3A_133, %dma_wait3A_134] : memref<2x4x80xi32, #tpu.memory_space<vmem>> -> memref<1x4x80xi32, #tpu.memory_space<vmem>>
      %dma_wait3A_136 = tpu.memref_squeeze %dma_wait3A_135 : memref<1x4x80xi32, #tpu.memory_space<vmem>> -> memref<4x80xi32, #tpu.memory_space<vmem>>
      %dma_wait3A_137 = arith.constant 0 : i32
      %dma_wait3A_138 = arith.constant 0 : i32
      %dma_wait3A_139 = tpu.memref_slice %arg2[%add3A, %dma_wait3A_137, %dma_wait3A_138] : memref<32x128x80xi32, #tpu.memory_space<hbm>> -> memref<1x4x80xi32, #tpu.memory_space<hbm>>
      %dma_wait3A_140 = tpu.memref_squeeze %dma_wait3A_139 : memref<1x4x80xi32, #tpu.memory_space<hbm>> -> memref<4x80xi32, #tpu.memory_space<hbm>>
      %dma_wait3A_141 = arith.constant 0 : i32
      %dma_wait3A_142 = arith.constant 0 : i32
      %dma_wait3A_143 = tpu.memref_slice %arg5[%dma_wait3A_132, %dma_wait3A_141, %dma_wait3A_142] : memref<2x4x80xi32, #tpu.memory_space<vmem>> -> memref<1x4x80xi32, #tpu.memory_space<vmem>>
      %dma_wait3A_144 = tpu.memref_squeeze %dma_wait3A_143 : memref<1x4x80xi32, #tpu.memory_space<vmem>> -> memref<4x80xi32, #tpu.memory_space<vmem>>
      %dma_wait3A_145 = arith.constant 0 : i32
      %dma_wait3A_146 = arith.constant 0 : i32
      %dma_wait3A_147 = tpu.memref_slice %arg2[%add3A, %dma_wait3A_145, %dma_wait3A_146] : memref<32x128x80xi32, #tpu.memory_space<hbm>> -> memref<1x4x80xi32, #tpu.memory_space<hbm>>
      %dma_wait3A_148 = tpu.memref_squeeze %dma_wait3A_147 : memref<1x4x80xi32, #tpu.memory_space<hbm>> -> memref<4x80xi32, #tpu.memory_space<hbm>>
      tpu.wait_dma2 semaphore(%arg10 : memref<!tpu.dma_semaphore, #tpu.memory_space<semaphore_mem>>) src(%dma_wait3A_148 : memref<4x80xi32, #tpu.memory_space<hbm>>) dst(%dma_wait3A_144 : memref<4x80xi32, #tpu.memory_space<vmem>>)
      %dma_start3A_149 = arith.constant 0 : i32
      %dma_start3A_150 = arith.constant 0 : i32
      %dma_start3A_151 = arith.constant 0 : i32
      %dma_start3A_152 = tpu.memref_slice %arg5[%dma_start3A_149, %dma_start3A_150, %dma_start3A_151] : memref<2x4x80xi32, #tpu.memory_space<vmem>> -> memref<1x1x80xi32, #tpu.memory_space<vmem>>
      %dma_start3A_153 = tpu.memref_squeeze %dma_start3A_152 : memref<1x1x80xi32, #tpu.memory_space<vmem>> -> memref<80xi32, #tpu.memory_space<vmem>>
      %dma_start3A_154 = arith.constant 0 : i32
      %dma_start3A_155 = tpu.memref_slice %arg7[%dma_start3A_154] : memref<10240xf32, #tpu.memory_space<vmem_shared>> -> memref<10240xf32, #tpu.memory_space<vmem_shared>>
      tpu.enqueue_indirect_dma source(%arg6 : memref<80xf32, #tpu.memory_space<vmem>>) target(%dma_start3A_155 : memref<10240xf32, #tpu.memory_space<vmem_shared>>) offsets(%dma_start3A_153 : memref<80xi32, #tpu.memory_space<vmem>>) semaphore(%arg8 : memref<!tpu.dma_semaphore, #tpu.memory_space<semaphore_mem>>) {add = true}
      %dma_start3A_156 = arith.constant 0 : i32
      %dma_start3A_157 = arith.constant 1 : i32
      %dma_start3A_158 = arith.constant 0 : i32
      %dma_start3A_159 = tpu.memref_slice %arg5[%dma_start3A_156, %dma_start3A_157, %dma_start3A_158] : memref<2x4x80xi32, #tpu.memory_space<vmem>> -> memref<1x1x80xi32, #tpu.memory_space<vmem>>
      %dma_start3A_160 = tpu.memref_squeeze %dma_start3A_159 : memref<1x1x80xi32, #tpu.memory_space<vmem>> -> memref<80xi32, #tpu.memory_space<vmem>>
      %dma_start3A_161 = arith.constant 0 : i32
      %dma_start3A_162 = tpu.memref_slice %arg7[%dma_start3A_161] : memref<10240xf32, #tpu.memory_space<vmem_shared>> -> memref<10240xf32, #tpu.memory_space<vmem_shared>>
      tpu.enqueue_indirect_dma source(%arg6 : memref<80xf32, #tpu.memory_space<vmem>>) target(%dma_start3A_162 : memref<10240xf32, #tpu.memory_space<vmem_shared>>) offsets(%dma_start3A_160 : memref<80xi32, #tpu.memory_space<vmem>>) semaphore(%arg8 : memref<!tpu.dma_semaphore, #tpu.memory_space<semaphore_mem>>) {add = true}
      %dma_start3A_163 = arith.constant 0 : i32
      %dma_start3A_164 = arith.constant 2 : i32
      %dma_start3A_165 = arith.constant 0 : i32
      %dma_start3A_166 = tpu.memref_slice %arg5[%dma_start3A_163, %dma_start3A_164, %dma_start3A_165] : memref<2x4x80xi32, #tpu.memory_space<vmem>> -> memref<1x1x80xi32, #tpu.memory_space<vmem>>
      %dma_start3A_167 = tpu.memref_squeeze %dma_start3A_166 : memref<1x1x80xi32, #tpu.memory_space<vmem>> -> memref<80xi32, #tpu.memory_space<vmem>>
      %dma_start3A_168 = arith.constant 0 : i32
      %dma_start3A_169 = tpu.memref_slice %arg7[%dma_start3A_168] : memref<10240xf32, #tpu.memory_space<vmem_shared>> -> memref<10240xf32, #tpu.memory_space<vmem_shared>>
      tpu.enqueue_indirect_dma source(%arg6 : memref<80xf32, #tpu.memory_space<vmem>>) target(%dma_start3A_169 : memref<10240xf32, #tpu.memory_space<vmem_shared>>) offsets(%dma_start3A_167 : memref<80xi32, #tpu.memory_space<vmem>>) semaphore(%arg8 : memref<!tpu.dma_semaphore, #tpu.memory_space<semaphore_mem>>) {add = true}
      %dma_start3A_170 = arith.constant 0 : i32
      %dma_start3A_171 = arith.constant 3 : i32
      %dma_start3A_172 = arith.constant 0 : i32
      %dma_start3A_173 = tpu.memref_slice %arg5[%dma_start3A_170, %dma_start3A_171, %dma_start3A_172] : memref<2x4x80xi32, #tpu.memory_space<vmem>> -> memref<1x1x80xi32, #tpu.memory_space<vmem>>
      %dma_start3A_174 = tpu.memref_squeeze %dma_start3A_173 : memref<1x1x80xi32, #tpu.memory_space<vmem>> -> memref<80xi32, #tpu.memory_space<vmem>>
      %dma_start3A_175 = arith.constant 0 : i32
      %dma_start3A_176 = tpu.memref_slice %arg7[%dma_start3A_175] : memref<10240xf32, #tpu.memory_space<vmem_shared>> -> memref<10240xf32, #tpu.memory_space<vmem_shared>>
      tpu.enqueue_indirect_dma source(%arg6 : memref<80xf32, #tpu.memory_space<vmem>>) target(%dma_start3A_176 : memref<10240xf32, #tpu.memory_space<vmem_shared>>) offsets(%dma_start3A_174 : memref<80xi32, #tpu.memory_space<vmem>>) semaphore(%arg8 : memref<!tpu.dma_semaphore, #tpu.memory_space<semaphore_mem>>) {add = true}
      %dma_wait3A_177 = arith.constant 1 : i32
      %dma_wait3A_178 = arith.constant 0 : i32
      %dma_wait3A_179 = arith.constant 0 : i32
      %dma_wait3A_180 = tpu.memref_slice %arg5[%dma_wait3A_177, %dma_wait3A_178, %dma_wait3A_179] : memref<2x4x80xi32, #tpu.memory_space<vmem>> -> memref<1x4x80xi32, #tpu.memory_space<vmem>>
      %dma_wait3A_181 = tpu.memref_squeeze %dma_wait3A_180 : memref<1x4x80xi32, #tpu.memory_space<vmem>> -> memref<4x80xi32, #tpu.memory_space<vmem>>
      %dma_wait3A_182 = arith.constant 0 : i32
      %dma_wait3A_183 = arith.constant 0 : i32
      %dma_wait3A_184 = tpu.memref_slice %arg2[%add3A, %dma_wait3A_182, %dma_wait3A_183] : memref<32x128x80xi32, #tpu.memory_space<hbm>> -> memref<1x4x80xi32, #tpu.memory_space<hbm>>
      %dma_wait3A_185 = tpu.memref_squeeze %dma_wait3A_184 : memref<1x4x80xi32, #tpu.memory_space<hbm>> -> memref<4x80xi32, #tpu.memory_space<hbm>>
      %dma_wait3A_186 = arith.constant 0 : i32
      %dma_wait3A_187 = arith.constant 0 : i32
      %dma_wait3A_188 = tpu.memref_slice %arg5[%dma_wait3A_177, %dma_wait3A_186, %dma_wait3A_187] : memref<2x4x80xi32, #tpu.memory_space<vmem>> -> memref<1x4x80xi32, #tpu.memory_space<vmem>>
      %dma_wait3A_189 = tpu.memref_squeeze %dma_wait3A_188 : memref<1x4x80xi32, #tpu.memory_space<vmem>> -> memref<4x80xi32, #tpu.memory_space<vmem>>
      %dma_wait3A_190 = arith.constant 0 : i32
      %dma_wait3A_191 = arith.constant 0 : i32
      %dma_wait3A_192 = tpu.memref_slice %arg2[%add3A, %dma_wait3A_190, %dma_wait3A_191] : memref<32x128x80xi32, #tpu.memory_space<hbm>> -> memref<1x4x80xi32, #tpu.memory_space<hbm>>
      %dma_wait3A_193 = tpu.memref_squeeze %dma_wait3A_192 : memref<1x4x80xi32, #tpu.memory_space<hbm>> -> memref<4x80xi32, #tpu.memory_space<hbm>>
      tpu.wait_dma2 semaphore(%arg11 : memref<!tpu.dma_semaphore, #tpu.memory_space<semaphore_mem>>) src(%dma_wait3A_193 : memref<4x80xi32, #tpu.memory_space<hbm>>) dst(%dma_wait3A_189 : memref<4x80xi32, #tpu.memory_space<vmem>>)
      %dma_start3A_194 = arith.constant 1 : i32
      %dma_start3A_195 = arith.constant 0 : i32
      %dma_start3A_196 = arith.constant 0 : i32
      %dma_start3A_197 = tpu.memref_slice %arg5[%dma_start3A_194, %dma_start3A_195, %dma_start3A_196] : memref<2x4x80xi32, #tpu.memory_space<vmem>> -> memref<1x1x80xi32, #tpu.memory_space<vmem>>
      %dma_start3A_198 = tpu.memref_squeeze %dma_start3A_197 : memref<1x1x80xi32, #tpu.memory_space<vmem>> -> memref<80xi32, #tpu.memory_space<vmem>>
      %dma_start3A_199 = arith.constant 0 : i32
      %dma_start3A_200 = tpu.memref_slice %arg7[%dma_start3A_199] : memref<10240xf32, #tpu.memory_space<vmem_shared>> -> memref<10240xf32, #tpu.memory_space<vmem_shared>>
      tpu.enqueue_indirect_dma source(%arg6 : memref<80xf32, #tpu.memory_space<vmem>>) target(%dma_start3A_200 : memref<10240xf32, #tpu.memory_space<vmem_shared>>) offsets(%dma_start3A_198 : memref<80xi32, #tpu.memory_space<vmem>>) semaphore(%arg9 : memref<!tpu.dma_semaphore, #tpu.memory_space<semaphore_mem>>) {add = true}
      %dma_start3A_201 = arith.constant 1 : i32
      %dma_start3A_202 = arith.constant 1 : i32
      %dma_start3A_203 = arith.constant 0 : i32
      %dma_start3A_204 = tpu.memref_slice %arg5[%dma_start3A_201, %dma_start3A_202, %dma_start3A_203] : memref<2x4x80xi32, #tpu.memory_space<vmem>> -> memref<1x1x80xi32, #tpu.memory_space<vmem>>
      %dma_start3A_205 = tpu.memref_squeeze %dma_start3A_204 : memref<1x1x80xi32, #tpu.memory_space<vmem>> -> memref<80xi32, #tpu.memory_space<vmem>>
      %dma_start3A_206 = arith.constant 0 : i32
      %dma_start3A_207 = tpu.memref_slice %arg7[%dma_start3A_206] : memref<10240xf32, #tpu.memory_space<vmem_shared>> -> memref<10240xf32, #tpu.memory_space<vmem_shared>>
      tpu.enqueue_indirect_dma source(%arg6 : memref<80xf32, #tpu.memory_space<vmem>>) target(%dma_start3A_207 : memref<10240xf32, #tpu.memory_space<vmem_shared>>) offsets(%dma_start3A_205 : memref<80xi32, #tpu.memory_space<vmem>>) semaphore(%arg9 : memref<!tpu.dma_semaphore, #tpu.memory_space<semaphore_mem>>) {add = true}
      %dma_start3A_208 = arith.constant 1 : i32
      %dma_start3A_209 = arith.constant 2 : i32
      %dma_start3A_210 = arith.constant 0 : i32
      %dma_start3A_211 = tpu.memref_slice %arg5[%dma_start3A_208, %dma_start3A_209, %dma_start3A_210] : memref<2x4x80xi32, #tpu.memory_space<vmem>> -> memref<1x1x80xi32, #tpu.memory_space<vmem>>
      %dma_start3A_212 = tpu.memref_squeeze %dma_start3A_211 : memref<1x1x80xi32, #tpu.memory_space<vmem>> -> memref<80xi32, #tpu.memory_space<vmem>>
      %dma_start3A_213 = arith.constant 0 : i32
      %dma_start3A_214 = tpu.memref_slice %arg7[%dma_start3A_213] : memref<10240xf32, #tpu.memory_space<vmem_shared>> -> memref<10240xf32, #tpu.memory_space<vmem_shared>>
      tpu.enqueue_indirect_dma source(%arg6 : memref<80xf32, #tpu.memory_space<vmem>>) target(%dma_start3A_214 : memref<10240xf32, #tpu.memory_space<vmem_shared>>) offsets(%dma_start3A_212 : memref<80xi32, #tpu.memory_space<vmem>>) semaphore(%arg9 : memref<!tpu.dma_semaphore, #tpu.memory_space<semaphore_mem>>) {add = true}
      %dma_start3A_215 = arith.constant 1 : i32
      %dma_start3A_216 = arith.constant 3 : i32
      %dma_start3A_217 = arith.constant 0 : i32
      %dma_start3A_218 = tpu.memref_slice %arg5[%dma_start3A_215, %dma_start3A_216, %dma_start3A_217] : memref<2x4x80xi32, #tpu.memory_space<vmem>> -> memref<1x1x80xi32, #tpu.memory_space<vmem>>
      %dma_start3A_219 = tpu.memref_squeeze %dma_start3A_218 : memref<1x1x80xi32, #tpu.memory_space<vmem>> -> memref<80xi32, #tpu.memory_space<vmem>>
      %dma_start3A_220 = arith.constant 0 : i32
      %dma_start3A_221 = tpu.memref_slice %arg7[%dma_start3A_220] : memref<10240xf32, #tpu.memory_space<vmem_shared>> -> memref<10240xf32, #tpu.memory_space<vmem_shared>>
      tpu.enqueue_indirect_dma source(%arg6 : memref<80xf32, #tpu.memory_space<vmem>>) target(%dma_start3A_221 : memref<10240xf32, #tpu.memory_space<vmem_shared>>) offsets(%dma_start3A_219 : memref<80xi32, #tpu.memory_space<vmem>>) semaphore(%arg9 : memref<!tpu.dma_semaphore, #tpu.memory_space<semaphore_mem>>) {add = true}
      %add3A_222 = arith.constant 1 : i32
      %add3A_223 = arith.addi %scan3A_131, %add3A_222 : i32
      %lt3A = arith.constant 16 : i32
      %lt3A_224 = arith.cmpi slt, %add3A_223, %lt3A : i32
      %convert_element_type3A = arith.extui %lt3A_224 : i1 to i32
      %cond3A = arith.constant 0 : i32
      %cond3A_225 = arith.cmpi ne, %convert_element_type3A, %cond3A : i32
      scf.if %cond3A_225 {
        %dma_wait3A_226 = arith.constant 0 : i32
        %dma_wait3A_227 = arith.constant 0 : i32
        %dma_wait3A_228 = arith.constant 0 : i32
        %dma_wait3A_229 = tpu.memref_slice %arg5[%dma_wait3A_226, %dma_wait3A_227, %dma_wait3A_228] : memref<2x4x80xi32, #tpu.memory_space<vmem>> -> memref<1x1x80xi32, #tpu.memory_space<vmem>>
        %dma_wait3A_230 = tpu.memref_squeeze %dma_wait3A_229 : memref<1x1x80xi32, #tpu.memory_space<vmem>> -> memref<80xi32, #tpu.memory_space<vmem>>
        %dma_wait3A_231 = arith.constant 0 : i32
        %dma_wait3A_232 = tpu.memref_slice %arg7[%dma_wait3A_231] : memref<10240xf32, #tpu.memory_space<vmem_shared>> -> memref<10240xf32, #tpu.memory_space<vmem_shared>>
        tpu.wait_indirect_dma semaphore(%arg8 : memref<!tpu.dma_semaphore, #tpu.memory_space<semaphore_mem>>) src(%arg6 : memref<80xf32, #tpu.memory_space<vmem>>) dst(%dma_wait3A_232 : memref<10240xf32, #tpu.memory_space<vmem_shared>>)
        %dma_wait3A_233 = arith.constant 0 : i32
        %dma_wait3A_234 = arith.constant 0 : i32
        %dma_wait3A_235 = arith.constant 0 : i32
        %dma_wait3A_236 = tpu.memref_slice %arg5[%dma_wait3A_233, %dma_wait3A_234, %dma_wait3A_235] : memref<2x4x80xi32, #tpu.memory_space<vmem>> -> memref<1x1x80xi32, #tpu.memory_space<vmem>>
        %dma_wait3A_237 = tpu.memref_squeeze %dma_wait3A_236 : memref<1x1x80xi32, #tpu.memory_space<vmem>> -> memref<80xi32, #tpu.memory_space<vmem>>
        %dma_wait3A_238 = arith.constant 0 : i32
        %dma_wait3A_239 = tpu.memref_slice %arg7[%dma_wait3A_238] : memref<10240xf32, #tpu.memory_space<vmem_shared>> -> memref<10240xf32, #tpu.memory_space<vmem_shared>>
        tpu.wait_indirect_dma semaphore(%arg8 : memref<!tpu.dma_semaphore, #tpu.memory_space<semaphore_mem>>) src(%arg6 : memref<80xf32, #tpu.memory_space<vmem>>) dst(%dma_wait3A_239 : memref<10240xf32, #tpu.memory_space<vmem_shared>>)
        %dma_wait3A_240 = arith.constant 0 : i32
        %dma_wait3A_241 = arith.constant 0 : i32
        %dma_wait3A_242 = arith.constant 0 : i32
        %dma_wait3A_243 = tpu.memref_slice %arg5[%dma_wait3A_240, %dma_wait3A_241, %dma_wait3A_242] : memref<2x4x80xi32, #tpu.memory_space<vmem>> -> memref<1x1x80xi32, #tpu.memory_space<vmem>>
        %dma_wait3A_244 = tpu.memref_squeeze %dma_wait3A_243 : memref<1x1x80xi32, #tpu.memory_space<vmem>> -> memref<80xi32, #tpu.memory_space<vmem>>
        %dma_wait3A_245 = arith.constant 0 : i32
        %dma_wait3A_246 = tpu.memref_slice %arg7[%dma_wait3A_245] : memref<10240xf32, #tpu.memory_space<vmem_shared>> -> memref<10240xf32, #tpu.memory_space<vmem_shared>>
        tpu.wait_indirect_dma semaphore(%arg8 : memref<!tpu.dma_semaphore, #tpu.memory_space<semaphore_mem>>) src(%arg6 : memref<80xf32, #tpu.memory_space<vmem>>) dst(%dma_wait3A_246 : memref<10240xf32, #tpu.memory_space<vmem_shared>>)
        %dma_wait3A_247 = arith.constant 0 : i32
        %dma_wait3A_248 = arith.constant 0 : i32
        %dma_wait3A_249 = arith.constant 0 : i32
        %dma_wait3A_250 = tpu.memref_slice %arg5[%dma_wait3A_247, %dma_wait3A_248, %dma_wait3A_249] : memref<2x4x80xi32, #tpu.memory_space<vmem>> -> memref<1x1x80xi32, #tpu.memory_space<vmem>>
        %dma_wait3A_251 = tpu.memref_squeeze %dma_wait3A_250 : memref<1x1x80xi32, #tpu.memory_space<vmem>> -> memref<80xi32, #tpu.memory_space<vmem>>
        %dma_wait3A_252 = arith.constant 0 : i32
        %dma_wait3A_253 = tpu.memref_slice %arg7[%dma_wait3A_252] : memref<10240xf32, #tpu.memory_space<vmem_shared>> -> memref<10240xf32, #tpu.memory_space<vmem_shared>>
        tpu.wait_indirect_dma semaphore(%arg8 : memref<!tpu.dma_semaphore, #tpu.memory_space<semaphore_mem>>) src(%arg6 : memref<80xf32, #tpu.memory_space<vmem>>) dst(%dma_wait3A_253 : memref<10240xf32, #tpu.memory_space<vmem_shared>>)
        %mul3A_254 = arith.constant 2 : i32
        %mul3A_255 = arith.muli %mul3A_254, %scan3A_131 : i32
        %add3A_256 = arith.constant 2 : i32
        %add3A_257 = arith.addi %mul3A_255, %add3A_256 : i32
        %add3A_258 = arith.constant 0 : i32
        %add3A_259 = arith.addi %add3A_257, %add3A_258 : i32
        %mul3A_260 = arith.constant 4 : i32
        %mul3A_261 = arith.muli %add3A_259, %mul3A_260 : i32
        %dma_start3A_262 = arith.constant 0 : i32
        %dma_start3A_263 = arith.constant 0 : i32
        %dma_start3A_264 = arith.constant 0 : i32
        %dma_start3A_265 = tpu.memref_slice %arg5[%dma_start3A_262, %dma_start3A_263, %dma_start3A_264] : memref<2x4x80xi32, #tpu.memory_space<vmem>> -> memref<1x4x80xi32, #tpu.memory_space<vmem>>
        %dma_start3A_266 = tpu.memref_squeeze %dma_start3A_265 : memref<1x4x80xi32, #tpu.memory_space<vmem>> -> memref<4x80xi32, #tpu.memory_space<vmem>>
        %dma_start3A_267 = arith.constant 0 : i32
        %dma_start3A_268 = tpu.memref_slice %arg2[%add3A, %mul3A_261, %dma_start3A_267] : memref<32x128x80xi32, #tpu.memory_space<hbm>> -> memref<1x4x80xi32, #tpu.memory_space<hbm>>
        %dma_start3A_269 = tpu.memref_squeeze %dma_start3A_268 : memref<1x4x80xi32, #tpu.memory_space<hbm>> -> memref<4x80xi32, #tpu.memory_space<hbm>>
        %dma_start3A_270 = arith.constant 0 : i32
        %dma_start3A_271 = arith.constant 0 : i32
        %dma_start3A_272 = tpu.memref_slice %arg5[%dma_start3A_262, %dma_start3A_270, %dma_start3A_271] : memref<2x4x80xi32, #tpu.memory_space<vmem>> -> memref<1x4x80xi32, #tpu.memory_space<vmem>>
        %dma_start3A_273 = tpu.memref_squeeze %dma_start3A_272 : memref<1x4x80xi32, #tpu.memory_space<vmem>> -> memref<4x80xi32, #tpu.memory_space<vmem>>
        %dma_start3A_274 = arith.constant 0 : i32
        %dma_start3A_275 = tpu.memref_slice %arg2[%add3A, %mul3A_261, %dma_start3A_274] : memref<32x128x80xi32, #tpu.memory_space<hbm>> -> memref<1x4x80xi32, #tpu.memory_space<hbm>>
        %dma_start3A_276 = tpu.memref_squeeze %dma_start3A_275 : memref<1x4x80xi32, #tpu.memory_space<hbm>> -> memref<4x80xi32, #tpu.memory_space<hbm>>
        tpu.enqueue_dma source(%dma_start3A_276 : memref<4x80xi32, #tpu.memory_space<hbm>>) target(%dma_start3A_273 : memref<4x80xi32, #tpu.memory_space<vmem>>) target_semaphore(%arg10 : memref<!tpu.dma_semaphore, #tpu.memory_space<semaphore_mem>>)
        %dma_wait3A_277 = arith.constant 1 : i32
        %dma_wait3A_278 = arith.constant 0 : i32
        %dma_wait3A_279 = arith.constant 0 : i32
        %dma_wait3A_280 = tpu.memref_slice %arg5[%dma_wait3A_277, %dma_wait3A_278, %dma_wait3A_279] : memref<2x4x80xi32, #tpu.memory_space<vmem>> -> memref<1x1x80xi32, #tpu.memory_space<vmem>>
        %dma_wait3A_281 = tpu.memref_squeeze %dma_wait3A_280 : memref<1x1x80xi32, #tpu.memory_space<vmem>> -> memref<80xi32, #tpu.memory_space<vmem>>
        %dma_wait3A_282 = arith.constant 0 : i32
        %dma_wait3A_283 = tpu.memref_slice %arg7[%dma_wait3A_282] : memref<10240xf32, #tpu.memory_space<vmem_shared>> -> memref<10240xf32, #tpu.memory_space<vmem_shared>>
        tpu.wait_indirect_dma semaphore(%arg9 : memref<!tpu.dma_semaphore, #tpu.memory_space<semaphore_mem>>) src(%arg6 : memref<80xf32, #tpu.memory_space<vmem>>) dst(%dma_wait3A_283 : memref<10240xf32, #tpu.memory_space<vmem_shared>>)
        %dma_wait3A_284 = arith.constant 1 : i32
        %dma_wait3A_285 = arith.constant 0 : i32
        %dma_wait3A_286 = arith.constant 0 : i32
        %dma_wait3A_287 = tpu.memref_slice %arg5[%dma_wait3A_284, %dma_wait3A_285, %dma_wait3A_286] : memref<2x4x80xi32, #tpu.memory_space<vmem>> -> memref<1x1x80xi32, #tpu.memory_space<vmem>>
        %dma_wait3A_288 = tpu.memref_squeeze %dma_wait3A_287 : memref<1x1x80xi32, #tpu.memory_space<vmem>> -> memref<80xi32, #tpu.memory_space<vmem>>
        %dma_wait3A_289 = arith.constant 0 : i32
        %dma_wait3A_290 = tpu.memref_slice %arg7[%dma_wait3A_289] : memref<10240xf32, #tpu.memory_space<vmem_shared>> -> memref<10240xf32, #tpu.memory_space<vmem_shared>>
        tpu.wait_indirect_dma semaphore(%arg9 : memref<!tpu.dma_semaphore, #tpu.memory_space<semaphore_mem>>) src(%arg6 : memref<80xf32, #tpu.memory_space<vmem>>) dst(%dma_wait3A_290 : memref<10240xf32, #tpu.memory_space<vmem_shared>>)
        %dma_wait3A_291 = arith.constant 1 : i32
        %dma_wait3A_292 = arith.constant 0 : i32
        %dma_wait3A_293 = arith.constant 0 : i32
        %dma_wait3A_294 = tpu.memref_slice %arg5[%dma_wait3A_291, %dma_wait3A_292, %dma_wait3A_293] : memref<2x4x80xi32, #tpu.memory_space<vmem>> -> memref<1x1x80xi32, #tpu.memory_space<vmem>>
        %dma_wait3A_295 = tpu.memref_squeeze %dma_wait3A_294 : memref<1x1x80xi32, #tpu.memory_space<vmem>> -> memref<80xi32, #tpu.memory_space<vmem>>
        %dma_wait3A_296 = arith.constant 0 : i32
        %dma_wait3A_297 = tpu.memref_slice %arg7[%dma_wait3A_296] : memref<10240xf32, #tpu.memory_space<vmem_shared>> -> memref<10240xf32, #tpu.memory_space<vmem_shared>>
        tpu.wait_indirect_dma semaphore(%arg9 : memref<!tpu.dma_semaphore, #tpu.memory_space<semaphore_mem>>) src(%arg6 : memref<80xf32, #tpu.memory_space<vmem>>) dst(%dma_wait3A_297 : memref<10240xf32, #tpu.memory_space<vmem_shared>>)
        %dma_wait3A_298 = arith.constant 1 : i32
        %dma_wait3A_299 = arith.constant 0 : i32
        %dma_wait3A_300 = arith.constant 0 : i32
        %dma_wait3A_301 = tpu.memref_slice %arg5[%dma_wait3A_298, %dma_wait3A_299, %dma_wait3A_300] : memref<2x4x80xi32, #tpu.memory_space<vmem>> -> memref<1x1x80xi32, #tpu.memory_space<vmem>>
        %dma_wait3A_302 = tpu.memref_squeeze %dma_wait3A_301 : memref<1x1x80xi32, #tpu.memory_space<vmem>> -> memref<80xi32, #tpu.memory_space<vmem>>
        %dma_wait3A_303 = arith.constant 0 : i32
        %dma_wait3A_304 = tpu.memref_slice %arg7[%dma_wait3A_303] : memref<10240xf32, #tpu.memory_space<vmem_shared>> -> memref<10240xf32, #tpu.memory_space<vmem_shared>>
        tpu.wait_indirect_dma semaphore(%arg9 : memref<!tpu.dma_semaphore, #tpu.memory_space<semaphore_mem>>) src(%arg6 : memref<80xf32, #tpu.memory_space<vmem>>) dst(%dma_wait3A_304 : memref<10240xf32, #tpu.memory_space<vmem_shared>>)
        %mul3A_305 = arith.constant 2 : i32
        %mul3A_306 = arith.muli %mul3A_305, %scan3A_131 : i32
        %add3A_307 = arith.constant 2 : i32
        %add3A_308 = arith.addi %mul3A_306, %add3A_307 : i32
        %add3A_309 = arith.constant 1 : i32
        %add3A_310 = arith.addi %add3A_308, %add3A_309 : i32
        %mul3A_311 = arith.constant 4 : i32
        %mul3A_312 = arith.muli %add3A_310, %mul3A_311 : i32
        %dma_start3A_313 = arith.constant 1 : i32
        %dma_start3A_314 = arith.constant 0 : i32
        %dma_start3A_315 = arith.constant 0 : i32
        %dma_start3A_316 = tpu.memref_slice %arg5[%dma_start3A_313, %dma_start3A_314, %dma_start3A_315] : memref<2x4x80xi32, #tpu.memory_space<vmem>> -> memref<1x4x80xi32, #tpu.memory_space<vmem>>
        %dma_start3A_317 = tpu.memref_squeeze %dma_start3A_316 : memref<1x4x80xi32, #tpu.memory_space<vmem>> -> memref<4x80xi32, #tpu.memory_space<vmem>>
        %dma_start3A_318 = arith.constant 0 : i32
        %dma_start3A_319 = tpu.memref_slice %arg2[%add3A, %mul3A_312, %dma_start3A_318] : memref<32x128x80xi32, #tpu.memory_space<hbm>> -> memref<1x4x80xi32, #tpu.memory_space<hbm>>
        %dma_start3A_320 = tpu.memref_squeeze %dma_start3A_319 : memref<1x4x80xi32, #tpu.memory_space<hbm>> -> memref<4x80xi32, #tpu.memory_space<hbm>>
        %dma_start3A_321 = arith.constant 0 : i32
        %dma_start3A_322 = arith.constant 0 : i32
        %dma_start3A_323 = tpu.memref_slice %arg5[%dma_start3A_313, %dma_start3A_321, %dma_start3A_322] : memref<2x4x80xi32, #tpu.memory_space<vmem>> -> memref<1x4x80xi32, #tpu.memory_space<vmem>>
        %dma_start3A_324 = tpu.memref_squeeze %dma_start3A_323 : memref<1x4x80xi32, #tpu.memory_space<vmem>> -> memref<4x80xi32, #tpu.memory_space<vmem>>
        %dma_start3A_325 = arith.constant 0 : i32
        %dma_start3A_326 = tpu.memref_slice %arg2[%add3A, %mul3A_312, %dma_start3A_325] : memref<32x128x80xi32, #tpu.memory_space<hbm>> -> memref<1x4x80xi32, #tpu.memory_space<hbm>>
        %dma_start3A_327 = tpu.memref_squeeze %dma_start3A_326 : memref<1x4x80xi32, #tpu.memory_space<hbm>> -> memref<4x80xi32, #tpu.memory_space<hbm>>
        tpu.enqueue_dma source(%dma_start3A_327 : memref<4x80xi32, #tpu.memory_space<hbm>>) target(%dma_start3A_324 : memref<4x80xi32, #tpu.memory_space<vmem>>) target_semaphore(%arg11 : memref<!tpu.dma_semaphore, #tpu.memory_space<semaphore_mem>>)
      } else {
      }
    }
    %scan3A_70 = arith.constant 16 : i32
    %dma_wait3A = arith.constant 0 : i32
    %dma_wait3A_71 = arith.constant 0 : i32
    %dma_wait3A_72 = arith.constant 0 : i32
    %dma_wait3A_73 = tpu.memref_slice %arg5[%dma_wait3A, %dma_wait3A_71, %dma_wait3A_72] : memref<2x4x80xi32, #tpu.memory_space<vmem>> -> memref<1x1x80xi32, #tpu.memory_space<vmem>>
    %dma_wait3A_74 = tpu.memref_squeeze %dma_wait3A_73 : memref<1x1x80xi32, #tpu.memory_space<vmem>> -> memref<80xi32, #tpu.memory_space<vmem>>
    %dma_wait3A_75 = arith.constant 0 : i32
    %dma_wait3A_76 = tpu.memref_slice %arg7[%dma_wait3A_75] : memref<10240xf32, #tpu.memory_space<vmem_shared>> -> memref<10240xf32, #tpu.memory_space<vmem_shared>>
    tpu.wait_indirect_dma semaphore(%arg8 : memref<!tpu.dma_semaphore, #tpu.memory_space<semaphore_mem>>) src(%arg6 : memref<80xf32, #tpu.memory_space<vmem>>) dst(%dma_wait3A_76 : memref<10240xf32, #tpu.memory_space<vmem_shared>>)
    %dma_wait3A_77 = arith.constant 0 : i32
    %dma_wait3A_78 = arith.constant 0 : i32
    %dma_wait3A_79 = arith.constant 0 : i32
    %dma_wait3A_80 = tpu.memref_slice %arg5[%dma_wait3A_77, %dma_wait3A_78, %dma_wait3A_79] : memref<2x4x80xi32, #tpu.memory_space<vmem>> -> memref<1x1x80xi32, #tpu.memory_space<vmem>>
    %dma_wait3A_81 = tpu.memref_squeeze %dma_wait3A_80 : memref<1x1x80xi32, #tpu.memory_space<vmem>> -> memref<80xi32, #tpu.memory_space<vmem>>
    %dma_wait3A_82 = arith.constant 0 : i32
    %dma_wait3A_83 = tpu.memref_slice %arg7[%dma_wait3A_82] : memref<10240xf32, #tpu.memory_space<vmem_shared>> -> memref<10240xf32, #tpu.memory_space<vmem_shared>>
    tpu.wait_indirect_dma semaphore(%arg8 : memref<!tpu.dma_semaphore, #tpu.memory_space<semaphore_mem>>) src(%arg6 : memref<80xf32, #tpu.memory_space<vmem>>) dst(%dma_wait3A_83 : memref<10240xf32, #tpu.memory_space<vmem_shared>>)
    %dma_wait3A_84 = arith.constant 0 : i32
    %dma_wait3A_85 = arith.constant 0 : i32
    %dma_wait3A_86 = arith.constant 0 : i32
    %dma_wait3A_87 = tpu.memref_slice %arg5[%dma_wait3A_84, %dma_wait3A_85, %dma_wait3A_86] : memref<2x4x80xi32, #tpu.memory_space<vmem>> -> memref<1x1x80xi32, #tpu.memory_space<vmem>>
    %dma_wait3A_88 = tpu.memref_squeeze %dma_wait3A_87 : memref<1x1x80xi32, #tpu.memory_space<vmem>> -> memref<80xi32, #tpu.memory_space<vmem>>
    %dma_wait3A_89 = arith.constant 0 : i32
    %dma_wait3A_90 = tpu.memref_slice %arg7[%dma_wait3A_89] : memref<10240xf32, #tpu.memory_space<vmem_shared>> -> memref<10240xf32, #tpu.memory_space<vmem_shared>>
    tpu.wait_indirect_dma semaphore(%arg8 : memref<!tpu.dma_semaphore, #tpu.memory_space<semaphore_mem>>) src(%arg6 : memref<80xf32, #tpu.memory_space<vmem>>) dst(%dma_wait3A_90 : memref<10240xf32, #tpu.memory_space<vmem_shared>>)
    %dma_wait3A_91 = arith.constant 0 : i32
    %dma_wait3A_92 = arith.constant 0 : i32
    %dma_wait3A_93 = arith.constant 0 : i32
    %dma_wait3A_94 = tpu.memref_slice %arg5[%dma_wait3A_91, %dma_wait3A_92, %dma_wait3A_93] : memref<2x4x80xi32, #tpu.memory_space<vmem>> -> memref<1x1x80xi32, #tpu.memory_space<vmem>>
    %dma_wait3A_95 = tpu.memref_squeeze %dma_wait3A_94 : memref<1x1x80xi32, #tpu.memory_space<vmem>> -> memref<80xi32, #tpu.memory_space<vmem>>
    %dma_wait3A_96 = arith.constant 0 : i32
    %dma_wait3A_97 = tpu.memref_slice %arg7[%dma_wait3A_96] : memref<10240xf32, #tpu.memory_space<vmem_shared>> -> memref<10240xf32, #tpu.memory_space<vmem_shared>>
    tpu.wait_indirect_dma semaphore(%arg8 : memref<!tpu.dma_semaphore, #tpu.memory_space<semaphore_mem>>) src(%arg6 : memref<80xf32, #tpu.memory_space<vmem>>) dst(%dma_wait3A_97 : memref<10240xf32, #tpu.memory_space<vmem_shared>>)
    %dma_wait3A_98 = arith.constant 1 : i32
    %dma_wait3A_99 = arith.constant 0 : i32
    %dma_wait3A_100 = arith.constant 0 : i32
    %dma_wait3A_101 = tpu.memref_slice %arg5[%dma_wait3A_98, %dma_wait3A_99, %dma_wait3A_100] : memref<2x4x80xi32, #tpu.memory_space<vmem>> -> memref<1x1x80xi32, #tpu.memory_space<vmem>>
    %dma_wait3A_102 = tpu.memref_squeeze %dma_wait3A_101 : memref<1x1x80xi32, #tpu.memory_space<vmem>> -> memref<80xi32, #tpu.memory_space<vmem>>
    %dma_wait3A_103 = arith.constant 0 : i32
    %dma_wait3A_104 = tpu.memref_slice %arg7[%dma_wait3A_103] : memref<10240xf32, #tpu.memory_space<vmem_shared>> -> memref<10240xf32, #tpu.memory_space<vmem_shared>>
    tpu.wait_indirect_dma semaphore(%arg9 : memref<!tpu.dma_semaphore, #tpu.memory_space<semaphore_mem>>) src(%arg6 : memref<80xf32, #tpu.memory_space<vmem>>) dst(%dma_wait3A_104 : memref<10240xf32, #tpu.memory_space<vmem_shared>>)
    %dma_wait3A_105 = arith.constant 1 : i32
    %dma_wait3A_106 = arith.constant 0 : i32
    %dma_wait3A_107 = arith.constant 0 : i32
    %dma_wait3A_108 = tpu.memref_slice %arg5[%dma_wait3A_105, %dma_wait3A_106, %dma_wait3A_107] : memref<2x4x80xi32, #tpu.memory_space<vmem>> -> memref<1x1x80xi32, #tpu.memory_space<vmem>>
    %dma_wait3A_109 = tpu.memref_squeeze %dma_wait3A_108 : memref<1x1x80xi32, #tpu.memory_space<vmem>> -> memref<80xi32, #tpu.memory_space<vmem>>
    %dma_wait3A_110 = arith.constant 0 : i32
    %dma_wait3A_111 = tpu.memref_slice %arg7[%dma_wait3A_110] : memref<10240xf32, #tpu.memory_space<vmem_shared>> -> memref<10240xf32, #tpu.memory_space<vmem_shared>>
    tpu.wait_indirect_dma semaphore(%arg9 : memref<!tpu.dma_semaphore, #tpu.memory_space<semaphore_mem>>) src(%arg6 : memref<80xf32, #tpu.memory_space<vmem>>) dst(%dma_wait3A_111 : memref<10240xf32, #tpu.memory_space<vmem_shared>>)
    %dma_wait3A_112 = arith.constant 1 : i32
    %dma_wait3A_113 = arith.constant 0 : i32
    %dma_wait3A_114 = arith.constant 0 : i32
    %dma_wait3A_115 = tpu.memref_slice %arg5[%dma_wait3A_112, %dma_wait3A_113, %dma_wait3A_114] : memref<2x4x80xi32, #tpu.memory_space<vmem>> -> memref<1x1x80xi32, #tpu.memory_space<vmem>>
    %dma_wait3A_116 = tpu.memref_squeeze %dma_wait3A_115 : memref<1x1x80xi32, #tpu.memory_space<vmem>> -> memref<80xi32, #tpu.memory_space<vmem>>
    %dma_wait3A_117 = arith.constant 0 : i32
    %dma_wait3A_118 = tpu.memref_slice %arg7[%dma_wait3A_117] : memref<10240xf32, #tpu.memory_space<vmem_shared>> -> memref<10240xf32, #tpu.memory_space<vmem_shared>>
    tpu.wait_indirect_dma semaphore(%arg9 : memref<!tpu.dma_semaphore, #tpu.memory_space<semaphore_mem>>) src(%arg6 : memref<80xf32, #tpu.memory_space<vmem>>) dst(%dma_wait3A_118 : memref<10240xf32, #tpu.memory_space<vmem_shared>>)
    %dma_wait3A_119 = arith.constant 1 : i32
    %dma_wait3A_120 = arith.constant 0 : i32
    %dma_wait3A_121 = arith.constant 0 : i32
    %dma_wait3A_122 = tpu.memref_slice %arg5[%dma_wait3A_119, %dma_wait3A_120, %dma_wait3A_121] : memref<2x4x80xi32, #tpu.memory_space<vmem>> -> memref<1x1x80xi32, #tpu.memory_space<vmem>>
    %dma_wait3A_123 = tpu.memref_squeeze %dma_wait3A_122 : memref<1x1x80xi32, #tpu.memory_space<vmem>> -> memref<80xi32, #tpu.memory_space<vmem>>
    %dma_wait3A_124 = arith.constant 0 : i32
    %dma_wait3A_125 = tpu.memref_slice %arg7[%dma_wait3A_124] : memref<10240xf32, #tpu.memory_space<vmem_shared>> -> memref<10240xf32, #tpu.memory_space<vmem_shared>>
    tpu.wait_indirect_dma semaphore(%arg9 : memref<!tpu.dma_semaphore, #tpu.memory_space<semaphore_mem>>) src(%arg6 : memref<80xf32, #tpu.memory_space<vmem>>) dst(%dma_wait3A_125 : memref<10240xf32, #tpu.memory_space<vmem_shared>>)
    %barrier3A_126 = arith.constant 0 : index
    tpu.barrier barrier_id(%barrier3A_126)
    %mul3A_127 = arith.constant 640 : i32
    %mul3A_128 = arith.muli %arg1, %mul3A_127 : i32
    %mul3A_129 = arith.constant 640 : i32
    %mul3A_130 = arith.muli %arg1, %mul3A_129 : i32
    "tpu.region"() ({
      %run_scoped3A = tpu.sem_alloc : memref<!tpu.dma_semaphore, #tpu.memory_space<semaphore_mem>>
      %dma_start3A_131 = tpu.memref_slice %arg4[%arg0, %mul3A_130] : memref<2x10240xf32, #tpu.memory_space<hbm>> -> memref<1x640xf32, #tpu.memory_space<hbm>>
      %dma_start3A_132 = tpu.memref_squeeze %dma_start3A_131 : memref<1x640xf32, #tpu.memory_space<hbm>> -> memref<640xf32, #tpu.memory_space<hbm>>
      %dma_start3A_133 = tpu.memref_slice %arg7[%mul3A_128] : memref<10240xf32, #tpu.memory_space<vmem_shared>> -> memref<640xf32, #tpu.memory_space<vmem_shared>>
      tpu.enqueue_dma source(%dma_start3A_133 : memref<640xf32, #tpu.memory_space<vmem_shared>>) target(%dma_start3A_132 : memref<640xf32, #tpu.memory_space<hbm>>) target_semaphore(%run_scoped3A : memref<!tpu.dma_semaphore, #tpu.memory_space<semaphore_mem>>)
      %dma_wait3A_134 = tpu.memref_slice %arg4[%arg0, %mul3A_130] : memref<2x10240xf32, #tpu.memory_space<hbm>> -> memref<1x640xf32, #tpu.memory_space<hbm>>
      %dma_wait3A_135 = tpu.memref_squeeze %dma_wait3A_134 : memref<1x640xf32, #tpu.memory_space<hbm>> -> memref<640xf32, #tpu.memory_space<hbm>>
      %dma_wait3A_136 = tpu.memref_slice %arg7[%mul3A_128] : memref<10240xf32, #tpu.memory_space<vmem_shared>> -> memref<640xf32, #tpu.memory_space<vmem_shared>>
      tpu.wait_dma2 semaphore(%run_scoped3A : memref<!tpu.dma_semaphore, #tpu.memory_space<semaphore_mem>>) src(%dma_wait3A_136 : memref<640xf32, #tpu.memory_space<vmem_shared>>) dst(%dma_wait3A_135 : memref<640xf32, #tpu.memory_space<hbm>>)
      tpu.yield
    }) : () -> ()
    return
  }
}

#map = affine_map<(d0, d1) -> (0, 0, 0)>
#map1 = affine_map<(d0, d1) -> (0, 0)>
module attributes {stable_mosaic.version = 14 : i64} {
  func.func @spmm(%arg0: i32, %arg1: i32, %arg2: memref<32x128x80xi32, #tpu.memory_space<hbm>>, %arg3: memref<32x128x80xi32, #tpu.memory_space<hbm>>, %arg4: memref<10240x128xf32, #tpu.memory_space<hbm>>, %arg5: memref<16x640x128xf32, #tpu.memory_space<hbm>>, %arg6: memref<2x10240x128xf32, #tpu.memory_space<hbm>>, %arg7: memref<2x4x80xi32, #tpu.memory_space<vmem>>, %arg8: memref<2x4x80xi32, #tpu.memory_space<vmem>>, %arg9: memref<2x80x128xf32, #tpu.memory_space<vmem>>, %arg10: memref<10240x128xf32, #tpu.memory_space<vmem_shared>>, %arg11: memref<!tpu.dma_semaphore, #tpu.memory_space<semaphore_mem>>, %arg12: memref<!tpu.dma_semaphore, #tpu.memory_space<semaphore_mem>>, %arg13: memref<!tpu.dma_semaphore, #tpu.memory_space<semaphore_mem>>, %arg14: memref<!tpu.dma_semaphore, #tpu.memory_space<semaphore_mem>>, %arg15: memref<!tpu.dma_semaphore, #tpu.memory_space<semaphore_mem>>, %arg16: memref<!tpu.dma_semaphore, #tpu.memory_space<semaphore_mem>>) attributes {dimension_semantics = [#tpu.dimension_semantics<core_parallel>, #tpu.dimension_semantics<subcore_parallel>], iteration_bounds = array<i64: 2, 16>, scalar_prefetch = 0 : i64, scratch_operands = 10 : i64, tpu.core_type = #tpu.core_type<sc_vector_subcore>, window_params = [{transform_indices = #map}, {transform_indices = #map}, {transform_indices = #map1}, {transform_indices = #map}, {transform_indices = #map}]} {
    %mul3A = arith.constant 2 : i32
    %mul3A_0 = arith.muli %arg1, %mul3A : i32
    %add3A = arith.addi %mul3A_0, %arg0 : i32
    %mul3A_1 = arith.constant 640 : i32
    %mul3A_2 = arith.muli %arg1, %mul3A_1 : i32
    "tpu.region"() ({
      %run_scoped3A = tpu.sem_alloc : memref<!tpu.dma_semaphore, #tpu.memory_space<semaphore_mem>>
      %dma_start3A_126 = arith.constant 0 : i32
      %dma_start3A_127 = tpu.memref_slice %arg10[%mul3A_2, %dma_start3A_126] : memref<10240x128xf32, #tpu.memory_space<vmem_shared>> -> memref<640x128xf32, #tpu.memory_space<vmem_shared>>
      %dma_start3A_128 = arith.constant 0 : i32
      %dma_start3A_129 = arith.constant 0 : i32
      %dma_start3A_130 = tpu.memref_slice %arg5[%arg1, %dma_start3A_128, %dma_start3A_129] : memref<16x640x128xf32, #tpu.memory_space<hbm>> -> memref<1x640x128xf32, #tpu.memory_space<hbm>>
      %dma_start3A_131 = tpu.memref_squeeze %dma_start3A_130 : memref<1x640x128xf32, #tpu.memory_space<hbm>> -> memref<640x128xf32, #tpu.memory_space<hbm>>
      tpu.enqueue_dma source(%dma_start3A_131 : memref<640x128xf32, #tpu.memory_space<hbm>>) target(%dma_start3A_127 : memref<640x128xf32, #tpu.memory_space<vmem_shared>>) target_semaphore(%run_scoped3A : memref<!tpu.dma_semaphore, #tpu.memory_space<semaphore_mem>>)
      %dma_wait3A_132 = arith.constant 0 : i32
      %dma_wait3A_133 = tpu.memref_slice %arg10[%mul3A_2, %dma_wait3A_132] : memref<10240x128xf32, #tpu.memory_space<vmem_shared>> -> memref<640x128xf32, #tpu.memory_space<vmem_shared>>
      %dma_wait3A_134 = arith.constant 0 : i32
      %dma_wait3A_135 = arith.constant 0 : i32
      %dma_wait3A_136 = tpu.memref_slice %arg5[%arg1, %dma_wait3A_134, %dma_wait3A_135] : memref<16x640x128xf32, #tpu.memory_space<hbm>> -> memref<1x640x128xf32, #tpu.memory_space<hbm>>
      %dma_wait3A_137 = tpu.memref_squeeze %dma_wait3A_136 : memref<1x640x128xf32, #tpu.memory_space<hbm>> -> memref<640x128xf32, #tpu.memory_space<hbm>>
      tpu.wait_dma2 semaphore(%run_scoped3A : memref<!tpu.dma_semaphore, #tpu.memory_space<semaphore_mem>>) src(%dma_wait3A_137 : memref<640x128xf32, #tpu.memory_space<hbm>>) dst(%dma_wait3A_133 : memref<640x128xf32, #tpu.memory_space<vmem_shared>>)
      tpu.yield
    }) : () -> ()
    %barrier3A = arith.constant 0 : index
    tpu.barrier barrier_id(%barrier3A)
    %dma_start3A = arith.constant 0 : i32
    %dma_start3A_3 = arith.constant 0 : i32
    %dma_start3A_4 = arith.constant 0 : i32
    %dma_start3A_5 = tpu.memref_slice %arg7[%dma_start3A, %dma_start3A_3, %dma_start3A_4] : memref<2x4x80xi32, #tpu.memory_space<vmem>> -> memref<1x4x80xi32, #tpu.memory_space<vmem>>
    %dma_start3A_6 = tpu.memref_squeeze %dma_start3A_5 : memref<1x4x80xi32, #tpu.memory_space<vmem>> -> memref<4x80xi32, #tpu.memory_space<vmem>>
    %dma_start3A_7 = arith.constant 0 : i32
    %dma_start3A_8 = arith.constant 0 : i32
    %dma_start3A_9 = tpu.memref_slice %arg2[%add3A, %dma_start3A_7, %dma_start3A_8] : memref<32x128x80xi32, #tpu.memory_space<hbm>> -> memref<1x4x80xi32, #tpu.memory_space<hbm>>
    %dma_start3A_10 = tpu.memref_squeeze %dma_start3A_9 : memref<1x4x80xi32, #tpu.memory_space<hbm>> -> memref<4x80xi32, #tpu.memory_space<hbm>>
    %dma_start3A_11 = arith.constant 0 : i32
    %dma_start3A_12 = arith.constant 0 : i32
    %dma_start3A_13 = tpu.memref_slice %arg7[%dma_start3A, %dma_start3A_11, %dma_start3A_12] : memref<2x4x80xi32, #tpu.memory_space<vmem>> -> memref<1x4x80xi32, #tpu.memory_space<vmem>>
    %dma_start3A_14 = tpu.memref_squeeze %dma_start3A_13 : memref<1x4x80xi32, #tpu.memory_space<vmem>> -> memref<4x80xi32, #tpu.memory_space<vmem>>
    %dma_start3A_15 = arith.constant 0 : i32
    %dma_start3A_16 = arith.constant 0 : i32
    %dma_start3A_17 = tpu.memref_slice %arg2[%add3A, %dma_start3A_15, %dma_start3A_16] : memref<32x128x80xi32, #tpu.memory_space<hbm>> -> memref<1x4x80xi32, #tpu.memory_space<hbm>>
    %dma_start3A_18 = tpu.memref_squeeze %dma_start3A_17 : memref<1x4x80xi32, #tpu.memory_space<hbm>> -> memref<4x80xi32, #tpu.memory_space<hbm>>
    tpu.enqueue_dma source(%dma_start3A_18 : memref<4x80xi32, #tpu.memory_space<hbm>>) target(%dma_start3A_14 : memref<4x80xi32, #tpu.memory_space<vmem>>) target_semaphore(%arg15 : memref<!tpu.dma_semaphore, #tpu.memory_space<semaphore_mem>>)
    %dma_start3A_19 = arith.constant 0 : i32
    %dma_start3A_20 = arith.constant 0 : i32
    %dma_start3A_21 = arith.constant 0 : i32
    %dma_start3A_22 = tpu.memref_slice %arg8[%dma_start3A_19, %dma_start3A_20, %dma_start3A_21] : memref<2x4x80xi32, #tpu.memory_space<vmem>> -> memref<1x4x80xi32, #tpu.memory_space<vmem>>
    %dma_start3A_23 = tpu.memref_squeeze %dma_start3A_22 : memref<1x4x80xi32, #tpu.memory_space<vmem>> -> memref<4x80xi32, #tpu.memory_space<vmem>>
    %dma_start3A_24 = arith.constant 0 : i32
    %dma_start3A_25 = arith.constant 0 : i32
    %dma_start3A_26 = tpu.memref_slice %arg3[%add3A, %dma_start3A_24, %dma_start3A_25] : memref<32x128x80xi32, #tpu.memory_space<hbm>> -> memref<1x4x80xi32, #tpu.memory_space<hbm>>
    %dma_start3A_27 = tpu.memref_squeeze %dma_start3A_26 : memref<1x4x80xi32, #tpu.memory_space<hbm>> -> memref<4x80xi32, #tpu.memory_space<hbm>>
    %dma_start3A_28 = arith.constant 0 : i32
    %dma_start3A_29 = arith.constant 0 : i32
    %dma_start3A_30 = tpu.memref_slice %arg8[%dma_start3A_19, %dma_start3A_28, %dma_start3A_29] : memref<2x4x80xi32, #tpu.memory_space<vmem>> -> memref<1x4x80xi32, #tpu.memory_space<vmem>>
    %dma_start3A_31 = tpu.memref_squeeze %dma_start3A_30 : memref<1x4x80xi32, #tpu.memory_space<vmem>> -> memref<4x80xi32, #tpu.memory_space<vmem>>
    %dma_start3A_32 = arith.constant 0 : i32
    %dma_start3A_33 = arith.constant 0 : i32
    %dma_start3A_34 = tpu.memref_slice %arg3[%add3A, %dma_start3A_32, %dma_start3A_33] : memref<32x128x80xi32, #tpu.memory_space<hbm>> -> memref<1x4x80xi32, #tpu.memory_space<hbm>>
    %dma_start3A_35 = tpu.memref_squeeze %dma_start3A_34 : memref<1x4x80xi32, #tpu.memory_space<hbm>> -> memref<4x80xi32, #tpu.memory_space<hbm>>
    tpu.enqueue_dma source(%dma_start3A_35 : memref<4x80xi32, #tpu.memory_space<hbm>>) target(%dma_start3A_31 : memref<4x80xi32, #tpu.memory_space<vmem>>) target_semaphore(%arg15 : memref<!tpu.dma_semaphore, #tpu.memory_space<semaphore_mem>>)
    %dma_wait3A = arith.constant 0 : i32
    %dma_wait3A_36 = arith.constant 0 : i32
    %dma_wait3A_37 = arith.constant 0 : i32
    %dma_wait3A_38 = tpu.memref_slice %arg7[%dma_wait3A, %dma_wait3A_36, %dma_wait3A_37] : memref<2x4x80xi32, #tpu.memory_space<vmem>> -> memref<1x4x80xi32, #tpu.memory_space<vmem>>
    %dma_wait3A_39 = tpu.memref_squeeze %dma_wait3A_38 : memref<1x4x80xi32, #tpu.memory_space<vmem>> -> memref<4x80xi32, #tpu.memory_space<vmem>>
    %dma_wait3A_40 = arith.constant 0 : i32
    %dma_wait3A_41 = arith.constant 0 : i32
    %dma_wait3A_42 = tpu.memref_slice %arg2[%add3A, %dma_wait3A_40, %dma_wait3A_41] : memref<32x128x80xi32, #tpu.memory_space<hbm>> -> memref<1x4x80xi32, #tpu.memory_space<hbm>>
    %dma_wait3A_43 = tpu.memref_squeeze %dma_wait3A_42 : memref<1x4x80xi32, #tpu.memory_space<hbm>> -> memref<4x80xi32, #tpu.memory_space<hbm>>
    %dma_wait3A_44 = arith.constant 0 : i32
    %dma_wait3A_45 = arith.constant 0 : i32
    %dma_wait3A_46 = tpu.memref_slice %arg7[%dma_wait3A, %dma_wait3A_44, %dma_wait3A_45] : memref<2x4x80xi32, #tpu.memory_space<vmem>> -> memref<1x4x80xi32, #tpu.memory_space<vmem>>
    %dma_wait3A_47 = tpu.memref_squeeze %dma_wait3A_46 : memref<1x4x80xi32, #tpu.memory_space<vmem>> -> memref<4x80xi32, #tpu.memory_space<vmem>>
    %dma_wait3A_48 = arith.constant 0 : i32
    %dma_wait3A_49 = arith.constant 0 : i32
    %dma_wait3A_50 = tpu.memref_slice %arg2[%add3A, %dma_wait3A_48, %dma_wait3A_49] : memref<32x128x80xi32, #tpu.memory_space<hbm>> -> memref<1x4x80xi32, #tpu.memory_space<hbm>>
    %dma_wait3A_51 = tpu.memref_squeeze %dma_wait3A_50 : memref<1x4x80xi32, #tpu.memory_space<hbm>> -> memref<4x80xi32, #tpu.memory_space<hbm>>
    tpu.wait_dma2 semaphore(%arg15 : memref<!tpu.dma_semaphore, #tpu.memory_space<semaphore_mem>>) src(%dma_wait3A_51 : memref<4x80xi32, #tpu.memory_space<hbm>>) dst(%dma_wait3A_47 : memref<4x80xi32, #tpu.memory_space<vmem>>)
    %dma_wait3A_52 = arith.constant 0 : i32
    %dma_wait3A_53 = arith.constant 0 : i32
    %dma_wait3A_54 = arith.constant 0 : i32
    %dma_wait3A_55 = tpu.memref_slice %arg8[%dma_wait3A_52, %dma_wait3A_53, %dma_wait3A_54] : memref<2x4x80xi32, #tpu.memory_space<vmem>> -> memref<1x4x80xi32, #tpu.memory_space<vmem>>
    %dma_wait3A_56 = tpu.memref_squeeze %dma_wait3A_55 : memref<1x4x80xi32, #tpu.memory_space<vmem>> -> memref<4x80xi32, #tpu.memory_space<vmem>>
    %dma_wait3A_57 = arith.constant 0 : i32
    %dma_wait3A_58 = arith.constant 0 : i32
    %dma_wait3A_59 = tpu.memref_slice %arg3[%add3A, %dma_wait3A_57, %dma_wait3A_58] : memref<32x128x80xi32, #tpu.memory_space<hbm>> -> memref<1x4x80xi32, #tpu.memory_space<hbm>>
    %dma_wait3A_60 = tpu.memref_squeeze %dma_wait3A_59 : memref<1x4x80xi32, #tpu.memory_space<hbm>> -> memref<4x80xi32, #tpu.memory_space<hbm>>
    %dma_wait3A_61 = arith.constant 0 : i32
    %dma_wait3A_62 = arith.constant 0 : i32
    %dma_wait3A_63 = tpu.memref_slice %arg8[%dma_wait3A_52, %dma_wait3A_61, %dma_wait3A_62] : memref<2x4x80xi32, #tpu.memory_space<vmem>> -> memref<1x4x80xi32, #tpu.memory_space<vmem>>
    %dma_wait3A_64 = tpu.memref_squeeze %dma_wait3A_63 : memref<1x4x80xi32, #tpu.memory_space<vmem>> -> memref<4x80xi32, #tpu.memory_space<vmem>>
    %dma_wait3A_65 = arith.constant 0 : i32
    %dma_wait3A_66 = arith.constant 0 : i32
    %dma_wait3A_67 = tpu.memref_slice %arg3[%add3A, %dma_wait3A_65, %dma_wait3A_66] : memref<32x128x80xi32, #tpu.memory_space<hbm>> -> memref<1x4x80xi32, #tpu.memory_space<hbm>>
    %dma_wait3A_68 = tpu.memref_squeeze %dma_wait3A_67 : memref<1x4x80xi32, #tpu.memory_space<hbm>> -> memref<4x80xi32, #tpu.memory_space<hbm>>
    tpu.wait_dma2 semaphore(%arg15 : memref<!tpu.dma_semaphore, #tpu.memory_space<semaphore_mem>>) src(%dma_wait3A_68 : memref<4x80xi32, #tpu.memory_space<hbm>>) dst(%dma_wait3A_64 : memref<4x80xi32, #tpu.memory_space<vmem>>)
    %dma_start3A_69 = arith.constant 1 : i32
    %dma_start3A_70 = arith.constant 0 : i32
    %dma_start3A_71 = arith.constant 0 : i32
    %dma_start3A_72 = tpu.memref_slice %arg7[%dma_start3A_69, %dma_start3A_70, %dma_start3A_71] : memref<2x4x80xi32, #tpu.memory_space<vmem>> -> memref<1x4x80xi32, #tpu.memory_space<vmem>>
    %dma_start3A_73 = tpu.memref_squeeze %dma_start3A_72 : memref<1x4x80xi32, #tpu.memory_space<vmem>> -> memref<4x80xi32, #tpu.memory_space<vmem>>
    %dma_start3A_74 = arith.constant 4 : i32
    %dma_start3A_75 = arith.constant 0 : i32
    %dma_start3A_76 = tpu.memref_slice %arg2[%add3A, %dma_start3A_74, %dma_start3A_75] : memref<32x128x80xi32, #tpu.memory_space<hbm>> -> memref<1x4x80xi32, #tpu.memory_space<hbm>>
    %dma_start3A_77 = tpu.memref_squeeze %dma_start3A_76 : memref<1x4x80xi32, #tpu.memory_space<hbm>> -> memref<4x80xi32, #tpu.memory_space<hbm>>
    %dma_start3A_78 = arith.constant 0 : i32
    %dma_start3A_79 = arith.constant 0 : i32
    %dma_start3A_80 = tpu.memref_slice %arg7[%dma_start3A_69, %dma_start3A_78, %dma_start3A_79] : memref<2x4x80xi32, #tpu.memory_space<vmem>> -> memref<1x4x80xi32, #tpu.memory_space<vmem>>
    %dma_start3A_81 = tpu.memref_squeeze %dma_start3A_80 : memref<1x4x80xi32, #tpu.memory_space<vmem>> -> memref<4x80xi32, #tpu.memory_space<vmem>>
    %dma_start3A_82 = arith.constant 4 : i32
    %dma_start3A_83 = arith.constant 0 : i32
    %dma_start3A_84 = tpu.memref_slice %arg2[%add3A, %dma_start3A_82, %dma_start3A_83] : memref<32x128x80xi32, #tpu.memory_space<hbm>> -> memref<1x4x80xi32, #tpu.memory_space<hbm>>
    %dma_start3A_85 = tpu.memref_squeeze %dma_start3A_84 : memref<1x4x80xi32, #tpu.memory_space<hbm>> -> memref<4x80xi32, #tpu.memory_space<hbm>>
    tpu.enqueue_dma source(%dma_start3A_85 : memref<4x80xi32, #tpu.memory_space<hbm>>) target(%dma_start3A_81 : memref<4x80xi32, #tpu.memory_space<vmem>>) target_semaphore(%arg16 : memref<!tpu.dma_semaphore, #tpu.memory_space<semaphore_mem>>)
    %dma_start3A_86 = arith.constant 1 : i32
    %dma_start3A_87 = arith.constant 0 : i32
    %dma_start3A_88 = arith.constant 0 : i32
    %dma_start3A_89 = tpu.memref_slice %arg8[%dma_start3A_86, %dma_start3A_87, %dma_start3A_88] : memref<2x4x80xi32, #tpu.memory_space<vmem>> -> memref<1x4x80xi32, #tpu.memory_space<vmem>>
    %dma_start3A_90 = tpu.memref_squeeze %dma_start3A_89 : memref<1x4x80xi32, #tpu.memory_space<vmem>> -> memref<4x80xi32, #tpu.memory_space<vmem>>
    %dma_start3A_91 = arith.constant 4 : i32
    %dma_start3A_92 = arith.constant 0 : i32
    %dma_start3A_93 = tpu.memref_slice %arg3[%add3A, %dma_start3A_91, %dma_start3A_92] : memref<32x128x80xi32, #tpu.memory_space<hbm>> -> memref<1x4x80xi32, #tpu.memory_space<hbm>>
    %dma_start3A_94 = tpu.memref_squeeze %dma_start3A_93 : memref<1x4x80xi32, #tpu.memory_space<hbm>> -> memref<4x80xi32, #tpu.memory_space<hbm>>
    %dma_start3A_95 = arith.constant 0 : i32
    %dma_start3A_96 = arith.constant 0 : i32
    %dma_start3A_97 = tpu.memref_slice %arg8[%dma_start3A_86, %dma_start3A_95, %dma_start3A_96] : memref<2x4x80xi32, #tpu.memory_space<vmem>> -> memref<1x4x80xi32, #tpu.memory_space<vmem>>
    %dma_start3A_98 = tpu.memref_squeeze %dma_start3A_97 : memref<1x4x80xi32, #tpu.memory_space<vmem>> -> memref<4x80xi32, #tpu.memory_space<vmem>>
    %dma_start3A_99 = arith.constant 4 : i32
    %dma_start3A_100 = arith.constant 0 : i32
    %dma_start3A_101 = tpu.memref_slice %arg3[%add3A, %dma_start3A_99, %dma_start3A_100] : memref<32x128x80xi32, #tpu.memory_space<hbm>> -> memref<1x4x80xi32, #tpu.memory_space<hbm>>
    %dma_start3A_102 = tpu.memref_squeeze %dma_start3A_101 : memref<1x4x80xi32, #tpu.memory_space<hbm>> -> memref<4x80xi32, #tpu.memory_space<hbm>>
    tpu.enqueue_dma source(%dma_start3A_102 : memref<4x80xi32, #tpu.memory_space<hbm>>) target(%dma_start3A_98 : memref<4x80xi32, #tpu.memory_space<vmem>>) target_semaphore(%arg16 : memref<!tpu.dma_semaphore, #tpu.memory_space<semaphore_mem>>)
    %dma_start3A_103 = arith.constant 0 : i32
    %dma_start3A_104 = arith.constant 0 : i32
    %dma_start3A_105 = arith.constant 0 : i32
    %dma_start3A_106 = arith.constant 0 : i32
    %dma_start3A_107 = arith.constant 0 : i32
    %dma_start3A_108 = tpu.memref_slice %arg9[%dma_start3A_105, %dma_start3A_106, %dma_start3A_107] : memref<2x80x128xf32, #tpu.memory_space<vmem>> -> memref<1x80x128xf32, #tpu.memory_space<vmem>>
    %dma_start3A_109 = tpu.memref_squeeze %dma_start3A_108 : memref<1x80x128xf32, #tpu.memory_space<vmem>> -> memref<80x128xf32, #tpu.memory_space<vmem>>
    %dma_start3A_110 = arith.constant 0 : i32
    %dma_start3A_111 = tpu.memref_slice %arg7[%dma_start3A_103, %dma_start3A_104, %dma_start3A_110] : memref<2x4x80xi32, #tpu.memory_space<vmem>> -> memref<1x1x80xi32, #tpu.memory_space<vmem>>
    %dma_start3A_112 = tpu.memref_squeeze %dma_start3A_111 : memref<1x1x80xi32, #tpu.memory_space<vmem>> -> memref<80xi32, #tpu.memory_space<vmem>>
    %dma_start3A_113 = arith.constant 0 : i32
    %dma_start3A_114 = arith.constant 0 : i32
    %dma_start3A_115 = tpu.memref_slice %arg4[%dma_start3A_113, %dma_start3A_114] : memref<10240x128xf32, #tpu.memory_space<hbm>> -> memref<10240x128xf32, #tpu.memory_space<hbm>>
    tpu.enqueue_indirect_dma source(%dma_start3A_115 : memref<10240x128xf32, #tpu.memory_space<hbm>>) target(%dma_start3A_109 : memref<80x128xf32, #tpu.memory_space<vmem>>) offsets(%dma_start3A_112 : memref<80xi32, #tpu.memory_space<vmem>>) semaphore(%arg11 : memref<!tpu.dma_semaphore, #tpu.memory_space<semaphore_mem>>)
    %scan3A = arith.constant 0 : i32
    %scan3A_116 = arith.constant 0 : i32
    %scan3A_117 = arith.constant 16 : i32
    %scan3A_118 = arith.addi %scan3A_116, %scan3A_117 : i32
    %scan3A_119 = arith.constant 1 : i32
    scf.for %scan3A_126 = %scan3A_116 to %scan3A_118 step %scan3A_119  : i32 {
      %dma_start3A_127 = arith.constant 0 : i32
      %dma_start3A_128 = arith.constant 1 : i32
      %dma_start3A_129 = arith.constant 1 : i32
      %dma_start3A_130 = arith.constant 0 : i32
      %dma_start3A_131 = arith.constant 0 : i32
      %dma_start3A_132 = tpu.memref_slice %arg9[%dma_start3A_129, %dma_start3A_130, %dma_start3A_131] : memref<2x80x128xf32, #tpu.memory_space<vmem>> -> memref<1x80x128xf32, #tpu.memory_space<vmem>>
      %dma_start3A_133 = tpu.memref_squeeze %dma_start3A_132 : memref<1x80x128xf32, #tpu.memory_space<vmem>> -> memref<80x128xf32, #tpu.memory_space<vmem>>
      %dma_start3A_134 = arith.constant 0 : i32
      %dma_start3A_135 = tpu.memref_slice %arg7[%dma_start3A_127, %dma_start3A_128, %dma_start3A_134] : memref<2x4x80xi32, #tpu.memory_space<vmem>> -> memref<1x1x80xi32, #tpu.memory_space<vmem>>
      %dma_start3A_136 = tpu.memref_squeeze %dma_start3A_135 : memref<1x1x80xi32, #tpu.memory_space<vmem>> -> memref<80xi32, #tpu.memory_space<vmem>>
      %dma_start3A_137 = arith.constant 0 : i32
      %dma_start3A_138 = arith.constant 0 : i32
      %dma_start3A_139 = tpu.memref_slice %arg4[%dma_start3A_137, %dma_start3A_138] : memref<10240x128xf32, #tpu.memory_space<hbm>> -> memref<10240x128xf32, #tpu.memory_space<hbm>>
      tpu.enqueue_indirect_dma source(%dma_start3A_139 : memref<10240x128xf32, #tpu.memory_space<hbm>>) target(%dma_start3A_133 : memref<80x128xf32, #tpu.memory_space<vmem>>) offsets(%dma_start3A_136 : memref<80xi32, #tpu.memory_space<vmem>>) semaphore(%arg12 : memref<!tpu.dma_semaphore, #tpu.memory_space<semaphore_mem>>)
      %dma_wait3A_140 = arith.constant 0 : i32
      %dma_wait3A_141 = arith.constant 0 : i32
      %dma_wait3A_142 = arith.constant 0 : i32
      %dma_wait3A_143 = arith.constant 0 : i32
      %dma_wait3A_144 = arith.constant 0 : i32
      %dma_wait3A_145 = tpu.memref_slice %arg9[%dma_wait3A_142, %dma_wait3A_143, %dma_wait3A_144] : memref<2x80x128xf32, #tpu.memory_space<vmem>> -> memref<1x80x128xf32, #tpu.memory_space<vmem>>
      %dma_wait3A_146 = tpu.memref_squeeze %dma_wait3A_145 : memref<1x80x128xf32, #tpu.memory_space<vmem>> -> memref<80x128xf32, #tpu.memory_space<vmem>>
      %dma_wait3A_147 = arith.constant 0 : i32
      %dma_wait3A_148 = tpu.memref_slice %arg7[%dma_wait3A_140, %dma_wait3A_141, %dma_wait3A_147] : memref<2x4x80xi32, #tpu.memory_space<vmem>> -> memref<1x1x80xi32, #tpu.memory_space<vmem>>
      %dma_wait3A_149 = tpu.memref_squeeze %dma_wait3A_148 : memref<1x1x80xi32, #tpu.memory_space<vmem>> -> memref<80xi32, #tpu.memory_space<vmem>>
      %dma_wait3A_150 = arith.constant 0 : i32
      %dma_wait3A_151 = arith.constant 0 : i32
      %dma_wait3A_152 = tpu.memref_slice %arg4[%dma_wait3A_150, %dma_wait3A_151] : memref<10240x128xf32, #tpu.memory_space<hbm>> -> memref<10240x128xf32, #tpu.memory_space<hbm>>
      tpu.wait_indirect_dma semaphore(%arg11 : memref<!tpu.dma_semaphore, #tpu.memory_space<semaphore_mem>>) src(%dma_wait3A_152 : memref<10240x128xf32, #tpu.memory_space<hbm>>) dst(%dma_wait3A_146 : memref<80x128xf32, #tpu.memory_space<vmem>>)
      %run_scoped3A = arith.constant 0 : i32
      %run_scoped3A_153 = arith.constant 0 : i32
      %run_scoped3A_154 = arith.constant 0 : i32
      "tpu.region"() ({
        %run_scoped3A_397 = tpu.sem_alloc : memref<!tpu.dma_semaphore, #tpu.memory_space<semaphore_mem>>
        %dma_start3A_398 = arith.constant 0 : i32
        %dma_start3A_399 = arith.constant 0 : i32
        %dma_start3A_400 = tpu.memref_slice %arg9[%run_scoped3A, %dma_start3A_398, %dma_start3A_399] : memref<2x80x128xf32, #tpu.memory_space<vmem>> -> memref<1x80x128xf32, #tpu.memory_space<vmem>>
        %dma_start3A_401 = tpu.memref_squeeze %dma_start3A_400 : memref<1x80x128xf32, #tpu.memory_space<vmem>> -> memref<80x128xf32, #tpu.memory_space<vmem>>
        %dma_start3A_402 = arith.constant 0 : i32
        %dma_start3A_403 = tpu.memref_slice %arg8[%run_scoped3A_153, %run_scoped3A_154, %dma_start3A_402] : memref<2x4x80xi32, #tpu.memory_space<vmem>> -> memref<1x1x80xi32, #tpu.memory_space<vmem>>
        %dma_start3A_404 = tpu.memref_squeeze %dma_start3A_403 : memref<1x1x80xi32, #tpu.memory_space<vmem>> -> memref<80xi32, #tpu.memory_space<vmem>>
        %dma_start3A_405 = arith.constant 0 : i32
        %dma_start3A_406 = arith.constant 0 : i32
        %dma_start3A_407 = tpu.memref_slice %arg10[%dma_start3A_405, %dma_start3A_406] : memref<10240x128xf32, #tpu.memory_space<vmem_shared>> -> memref<10240x128xf32, #tpu.memory_space<vmem_shared>>
        tpu.enqueue_indirect_dma source(%dma_start3A_401 : memref<80x128xf32, #tpu.memory_space<vmem>>) target(%dma_start3A_407 : memref<10240x128xf32, #tpu.memory_space<vmem_shared>>) offsets(%dma_start3A_404 : memref<80xi32, #tpu.memory_space<vmem>>) semaphore(%run_scoped3A_397 : memref<!tpu.dma_semaphore, #tpu.memory_space<semaphore_mem>>) {add = true}
        %dma_wait3A_408 = arith.constant 0 : i32
        %dma_wait3A_409 = arith.constant 0 : i32
        %dma_wait3A_410 = tpu.memref_slice %arg9[%run_scoped3A, %dma_wait3A_408, %dma_wait3A_409] : memref<2x80x128xf32, #tpu.memory_space<vmem>> -> memref<1x80x128xf32, #tpu.memory_space<vmem>>
        %dma_wait3A_411 = tpu.memref_squeeze %dma_wait3A_410 : memref<1x80x128xf32, #tpu.memory_space<vmem>> -> memref<80x128xf32, #tpu.memory_space<vmem>>
        %dma_wait3A_412 = arith.constant 0 : i32
        %dma_wait3A_413 = tpu.memref_slice %arg8[%run_scoped3A_153, %run_scoped3A_154, %dma_wait3A_412] : memref<2x4x80xi32, #tpu.memory_space<vmem>> -> memref<1x1x80xi32, #tpu.memory_space<vmem>>
        %dma_wait3A_414 = tpu.memref_squeeze %dma_wait3A_413 : memref<1x1x80xi32, #tpu.memory_space<vmem>> -> memref<80xi32, #tpu.memory_space<vmem>>
        %dma_wait3A_415 = arith.constant 0 : i32
        %dma_wait3A_416 = arith.constant 0 : i32
        %dma_wait3A_417 = tpu.memref_slice %arg10[%dma_wait3A_415, %dma_wait3A_416] : memref<10240x128xf32, #tpu.memory_space<vmem_shared>> -> memref<10240x128xf32, #tpu.memory_space<vmem_shared>>
        tpu.wait_indirect_dma semaphore(%run_scoped3A_397 : memref<!tpu.dma_semaphore, #tpu.memory_space<semaphore_mem>>) src(%dma_wait3A_411 : memref<80x128xf32, #tpu.memory_space<vmem>>) dst(%dma_wait3A_417 : memref<10240x128xf32, #tpu.memory_space<vmem_shared>>)
        tpu.yield
      }) : () -> ()
      %dma_start3A_155 = arith.constant 0 : i32
      %dma_start3A_156 = arith.constant 2 : i32
      %dma_start3A_157 = arith.constant 0 : i32
      %dma_start3A_158 = arith.constant 0 : i32
      %dma_start3A_159 = arith.constant 0 : i32
      %dma_start3A_160 = tpu.memref_slice %arg9[%dma_start3A_157, %dma_start3A_158, %dma_start3A_159] : memref<2x80x128xf32, #tpu.memory_space<vmem>> -> memref<1x80x128xf32, #tpu.memory_space<vmem>>
      %dma_start3A_161 = tpu.memref_squeeze %dma_start3A_160 : memref<1x80x128xf32, #tpu.memory_space<vmem>> -> memref<80x128xf32, #tpu.memory_space<vmem>>
      %dma_start3A_162 = arith.constant 0 : i32
      %dma_start3A_163 = tpu.memref_slice %arg7[%dma_start3A_155, %dma_start3A_156, %dma_start3A_162] : memref<2x4x80xi32, #tpu.memory_space<vmem>> -> memref<1x1x80xi32, #tpu.memory_space<vmem>>
      %dma_start3A_164 = tpu.memref_squeeze %dma_start3A_163 : memref<1x1x80xi32, #tpu.memory_space<vmem>> -> memref<80xi32, #tpu.memory_space<vmem>>
      %dma_start3A_165 = arith.constant 0 : i32
      %dma_start3A_166 = arith.constant 0 : i32
      %dma_start3A_167 = tpu.memref_slice %arg4[%dma_start3A_165, %dma_start3A_166] : memref<10240x128xf32, #tpu.memory_space<hbm>> -> memref<10240x128xf32, #tpu.memory_space<hbm>>
      tpu.enqueue_indirect_dma source(%dma_start3A_167 : memref<10240x128xf32, #tpu.memory_space<hbm>>) target(%dma_start3A_161 : memref<80x128xf32, #tpu.memory_space<vmem>>) offsets(%dma_start3A_164 : memref<80xi32, #tpu.memory_space<vmem>>) semaphore(%arg11 : memref<!tpu.dma_semaphore, #tpu.memory_space<semaphore_mem>>)
      %dma_wait3A_168 = arith.constant 0 : i32
      %dma_wait3A_169 = arith.constant 0 : i32
      %dma_wait3A_170 = arith.constant 1 : i32
      %dma_wait3A_171 = arith.constant 0 : i32
      %dma_wait3A_172 = arith.constant 0 : i32
      %dma_wait3A_173 = tpu.memref_slice %arg9[%dma_wait3A_170, %dma_wait3A_171, %dma_wait3A_172] : memref<2x80x128xf32, #tpu.memory_space<vmem>> -> memref<1x80x128xf32, #tpu.memory_space<vmem>>
      %dma_wait3A_174 = tpu.memref_squeeze %dma_wait3A_173 : memref<1x80x128xf32, #tpu.memory_space<vmem>> -> memref<80x128xf32, #tpu.memory_space<vmem>>
      %dma_wait3A_175 = arith.constant 0 : i32
      %dma_wait3A_176 = tpu.memref_slice %arg7[%dma_wait3A_168, %dma_wait3A_169, %dma_wait3A_175] : memref<2x4x80xi32, #tpu.memory_space<vmem>> -> memref<1x1x80xi32, #tpu.memory_space<vmem>>
      %dma_wait3A_177 = tpu.memref_squeeze %dma_wait3A_176 : memref<1x1x80xi32, #tpu.memory_space<vmem>> -> memref<80xi32, #tpu.memory_space<vmem>>
      %dma_wait3A_178 = arith.constant 0 : i32
      %dma_wait3A_179 = arith.constant 0 : i32
      %dma_wait3A_180 = tpu.memref_slice %arg4[%dma_wait3A_178, %dma_wait3A_179] : memref<10240x128xf32, #tpu.memory_space<hbm>> -> memref<10240x128xf32, #tpu.memory_space<hbm>>
      tpu.wait_indirect_dma semaphore(%arg12 : memref<!tpu.dma_semaphore, #tpu.memory_space<semaphore_mem>>) src(%dma_wait3A_180 : memref<10240x128xf32, #tpu.memory_space<hbm>>) dst(%dma_wait3A_174 : memref<80x128xf32, #tpu.memory_space<vmem>>)
      %run_scoped3A_181 = arith.constant 1 : i32
      %run_scoped3A_182 = arith.constant 0 : i32
      %run_scoped3A_183 = arith.constant 1 : i32
      "tpu.region"() ({
        %run_scoped3A_397 = tpu.sem_alloc : memref<!tpu.dma_semaphore, #tpu.memory_space<semaphore_mem>>
        %dma_start3A_398 = arith.constant 0 : i32
        %dma_start3A_399 = arith.constant 0 : i32
        %dma_start3A_400 = tpu.memref_slice %arg9[%run_scoped3A_181, %dma_start3A_398, %dma_start3A_399] : memref<2x80x128xf32, #tpu.memory_space<vmem>> -> memref<1x80x128xf32, #tpu.memory_space<vmem>>
        %dma_start3A_401 = tpu.memref_squeeze %dma_start3A_400 : memref<1x80x128xf32, #tpu.memory_space<vmem>> -> memref<80x128xf32, #tpu.memory_space<vmem>>
        %dma_start3A_402 = arith.constant 0 : i32
        %dma_start3A_403 = tpu.memref_slice %arg8[%run_scoped3A_182, %run_scoped3A_183, %dma_start3A_402] : memref<2x4x80xi32, #tpu.memory_space<vmem>> -> memref<1x1x80xi32, #tpu.memory_space<vmem>>
        %dma_start3A_404 = tpu.memref_squeeze %dma_start3A_403 : memref<1x1x80xi32, #tpu.memory_space<vmem>> -> memref<80xi32, #tpu.memory_space<vmem>>
        %dma_start3A_405 = arith.constant 0 : i32
        %dma_start3A_406 = arith.constant 0 : i32
        %dma_start3A_407 = tpu.memref_slice %arg10[%dma_start3A_405, %dma_start3A_406] : memref<10240x128xf32, #tpu.memory_space<vmem_shared>> -> memref<10240x128xf32, #tpu.memory_space<vmem_shared>>
        tpu.enqueue_indirect_dma source(%dma_start3A_401 : memref<80x128xf32, #tpu.memory_space<vmem>>) target(%dma_start3A_407 : memref<10240x128xf32, #tpu.memory_space<vmem_shared>>) offsets(%dma_start3A_404 : memref<80xi32, #tpu.memory_space<vmem>>) semaphore(%run_scoped3A_397 : memref<!tpu.dma_semaphore, #tpu.memory_space<semaphore_mem>>) {add = true}
        %dma_wait3A_408 = arith.constant 0 : i32
        %dma_wait3A_409 = arith.constant 0 : i32
        %dma_wait3A_410 = tpu.memref_slice %arg9[%run_scoped3A_181, %dma_wait3A_408, %dma_wait3A_409] : memref<2x80x128xf32, #tpu.memory_space<vmem>> -> memref<1x80x128xf32, #tpu.memory_space<vmem>>
        %dma_wait3A_411 = tpu.memref_squeeze %dma_wait3A_410 : memref<1x80x128xf32, #tpu.memory_space<vmem>> -> memref<80x128xf32, #tpu.memory_space<vmem>>
        %dma_wait3A_412 = arith.constant 0 : i32
        %dma_wait3A_413 = tpu.memref_slice %arg8[%run_scoped3A_182, %run_scoped3A_183, %dma_wait3A_412] : memref<2x4x80xi32, #tpu.memory_space<vmem>> -> memref<1x1x80xi32, #tpu.memory_space<vmem>>
        %dma_wait3A_414 = tpu.memref_squeeze %dma_wait3A_413 : memref<1x1x80xi32, #tpu.memory_space<vmem>> -> memref<80xi32, #tpu.memory_space<vmem>>
        %dma_wait3A_415 = arith.constant 0 : i32
        %dma_wait3A_416 = arith.constant 0 : i32
        %dma_wait3A_417 = tpu.memref_slice %arg10[%dma_wait3A_415, %dma_wait3A_416] : memref<10240x128xf32, #tpu.memory_space<vmem_shared>> -> memref<10240x128xf32, #tpu.memory_space<vmem_shared>>
        tpu.wait_indirect_dma semaphore(%run_scoped3A_397 : memref<!tpu.dma_semaphore, #tpu.memory_space<semaphore_mem>>) src(%dma_wait3A_411 : memref<80x128xf32, #tpu.memory_space<vmem>>) dst(%dma_wait3A_417 : memref<10240x128xf32, #tpu.memory_space<vmem_shared>>)
        tpu.yield
      }) : () -> ()
      %dma_start3A_184 = arith.constant 0 : i32
      %dma_start3A_185 = arith.constant 3 : i32
      %dma_start3A_186 = arith.constant 1 : i32
      %dma_start3A_187 = arith.constant 0 : i32
      %dma_start3A_188 = arith.constant 0 : i32
      %dma_start3A_189 = tpu.memref_slice %arg9[%dma_start3A_186, %dma_start3A_187, %dma_start3A_188] : memref<2x80x128xf32, #tpu.memory_space<vmem>> -> memref<1x80x128xf32, #tpu.memory_space<vmem>>
      %dma_start3A_190 = tpu.memref_squeeze %dma_start3A_189 : memref<1x80x128xf32, #tpu.memory_space<vmem>> -> memref<80x128xf32, #tpu.memory_space<vmem>>
      %dma_start3A_191 = arith.constant 0 : i32
      %dma_start3A_192 = tpu.memref_slice %arg7[%dma_start3A_184, %dma_start3A_185, %dma_start3A_191] : memref<2x4x80xi32, #tpu.memory_space<vmem>> -> memref<1x1x80xi32, #tpu.memory_space<vmem>>
      %dma_start3A_193 = tpu.memref_squeeze %dma_start3A_192 : memref<1x1x80xi32, #tpu.memory_space<vmem>> -> memref<80xi32, #tpu.memory_space<vmem>>
      %dma_start3A_194 = arith.constant 0 : i32
      %dma_start3A_195 = arith.constant 0 : i32
      %dma_start3A_196 = tpu.memref_slice %arg4[%dma_start3A_194, %dma_start3A_195] : memref<10240x128xf32, #tpu.memory_space<hbm>> -> memref<10240x128xf32, #tpu.memory_space<hbm>>
      tpu.enqueue_indirect_dma source(%dma_start3A_196 : memref<10240x128xf32, #tpu.memory_space<hbm>>) target(%dma_start3A_190 : memref<80x128xf32, #tpu.memory_space<vmem>>) offsets(%dma_start3A_193 : memref<80xi32, #tpu.memory_space<vmem>>) semaphore(%arg12 : memref<!tpu.dma_semaphore, #tpu.memory_space<semaphore_mem>>)
      %dma_wait3A_197 = arith.constant 0 : i32
      %dma_wait3A_198 = arith.constant 0 : i32
      %dma_wait3A_199 = arith.constant 0 : i32
      %dma_wait3A_200 = arith.constant 0 : i32
      %dma_wait3A_201 = arith.constant 0 : i32
      %dma_wait3A_202 = tpu.memref_slice %arg9[%dma_wait3A_199, %dma_wait3A_200, %dma_wait3A_201] : memref<2x80x128xf32, #tpu.memory_space<vmem>> -> memref<1x80x128xf32, #tpu.memory_space<vmem>>
      %dma_wait3A_203 = tpu.memref_squeeze %dma_wait3A_202 : memref<1x80x128xf32, #tpu.memory_space<vmem>> -> memref<80x128xf32, #tpu.memory_space<vmem>>
      %dma_wait3A_204 = arith.constant 0 : i32
      %dma_wait3A_205 = tpu.memref_slice %arg7[%dma_wait3A_197, %dma_wait3A_198, %dma_wait3A_204] : memref<2x4x80xi32, #tpu.memory_space<vmem>> -> memref<1x1x80xi32, #tpu.memory_space<vmem>>
      %dma_wait3A_206 = tpu.memref_squeeze %dma_wait3A_205 : memref<1x1x80xi32, #tpu.memory_space<vmem>> -> memref<80xi32, #tpu.memory_space<vmem>>
      %dma_wait3A_207 = arith.constant 0 : i32
      %dma_wait3A_208 = arith.constant 0 : i32
      %dma_wait3A_209 = tpu.memref_slice %arg4[%dma_wait3A_207, %dma_wait3A_208] : memref<10240x128xf32, #tpu.memory_space<hbm>> -> memref<10240x128xf32, #tpu.memory_space<hbm>>
      tpu.wait_indirect_dma semaphore(%arg11 : memref<!tpu.dma_semaphore, #tpu.memory_space<semaphore_mem>>) src(%dma_wait3A_209 : memref<10240x128xf32, #tpu.memory_space<hbm>>) dst(%dma_wait3A_203 : memref<80x128xf32, #tpu.memory_space<vmem>>)
      %run_scoped3A_210 = arith.constant 0 : i32
      %run_scoped3A_211 = arith.constant 0 : i32
      %run_scoped3A_212 = arith.constant 2 : i32
      "tpu.region"() ({
        %run_scoped3A_397 = tpu.sem_alloc : memref<!tpu.dma_semaphore, #tpu.memory_space<semaphore_mem>>
        %dma_start3A_398 = arith.constant 0 : i32
        %dma_start3A_399 = arith.constant 0 : i32
        %dma_start3A_400 = tpu.memref_slice %arg9[%run_scoped3A_210, %dma_start3A_398, %dma_start3A_399] : memref<2x80x128xf32, #tpu.memory_space<vmem>> -> memref<1x80x128xf32, #tpu.memory_space<vmem>>
        %dma_start3A_401 = tpu.memref_squeeze %dma_start3A_400 : memref<1x80x128xf32, #tpu.memory_space<vmem>> -> memref<80x128xf32, #tpu.memory_space<vmem>>
        %dma_start3A_402 = arith.constant 0 : i32
        %dma_start3A_403 = tpu.memref_slice %arg8[%run_scoped3A_211, %run_scoped3A_212, %dma_start3A_402] : memref<2x4x80xi32, #tpu.memory_space<vmem>> -> memref<1x1x80xi32, #tpu.memory_space<vmem>>
        %dma_start3A_404 = tpu.memref_squeeze %dma_start3A_403 : memref<1x1x80xi32, #tpu.memory_space<vmem>> -> memref<80xi32, #tpu.memory_space<vmem>>
        %dma_start3A_405 = arith.constant 0 : i32
        %dma_start3A_406 = arith.constant 0 : i32
        %dma_start3A_407 = tpu.memref_slice %arg10[%dma_start3A_405, %dma_start3A_406] : memref<10240x128xf32, #tpu.memory_space<vmem_shared>> -> memref<10240x128xf32, #tpu.memory_space<vmem_shared>>
        tpu.enqueue_indirect_dma source(%dma_start3A_401 : memref<80x128xf32, #tpu.memory_space<vmem>>) target(%dma_start3A_407 : memref<10240x128xf32, #tpu.memory_space<vmem_shared>>) offsets(%dma_start3A_404 : memref<80xi32, #tpu.memory_space<vmem>>) semaphore(%run_scoped3A_397 : memref<!tpu.dma_semaphore, #tpu.memory_space<semaphore_mem>>) {add = true}
        %dma_wait3A_408 = arith.constant 0 : i32
        %dma_wait3A_409 = arith.constant 0 : i32
        %dma_wait3A_410 = tpu.memref_slice %arg9[%run_scoped3A_210, %dma_wait3A_408, %dma_wait3A_409] : memref<2x80x128xf32, #tpu.memory_space<vmem>> -> memref<1x80x128xf32, #tpu.memory_space<vmem>>
        %dma_wait3A_411 = tpu.memref_squeeze %dma_wait3A_410 : memref<1x80x128xf32, #tpu.memory_space<vmem>> -> memref<80x128xf32, #tpu.memory_space<vmem>>
        %dma_wait3A_412 = arith.constant 0 : i32
        %dma_wait3A_413 = tpu.memref_slice %arg8[%run_scoped3A_211, %run_scoped3A_212, %dma_wait3A_412] : memref<2x4x80xi32, #tpu.memory_space<vmem>> -> memref<1x1x80xi32, #tpu.memory_space<vmem>>
        %dma_wait3A_414 = tpu.memref_squeeze %dma_wait3A_413 : memref<1x1x80xi32, #tpu.memory_space<vmem>> -> memref<80xi32, #tpu.memory_space<vmem>>
        %dma_wait3A_415 = arith.constant 0 : i32
        %dma_wait3A_416 = arith.constant 0 : i32
        %dma_wait3A_417 = tpu.memref_slice %arg10[%dma_wait3A_415, %dma_wait3A_416] : memref<10240x128xf32, #tpu.memory_space<vmem_shared>> -> memref<10240x128xf32, #tpu.memory_space<vmem_shared>>
        tpu.wait_indirect_dma semaphore(%run_scoped3A_397 : memref<!tpu.dma_semaphore, #tpu.memory_space<semaphore_mem>>) src(%dma_wait3A_411 : memref<80x128xf32, #tpu.memory_space<vmem>>) dst(%dma_wait3A_417 : memref<10240x128xf32, #tpu.memory_space<vmem_shared>>)
        tpu.yield
      }) : () -> ()
      %dma_wait3A_213 = arith.constant 1 : i32
      %dma_wait3A_214 = arith.constant 0 : i32
      %dma_wait3A_215 = arith.constant 0 : i32
      %dma_wait3A_216 = tpu.memref_slice %arg7[%dma_wait3A_213, %dma_wait3A_214, %dma_wait3A_215] : memref<2x4x80xi32, #tpu.memory_space<vmem>> -> memref<1x4x80xi32, #tpu.memory_space<vmem>>
      %dma_wait3A_217 = tpu.memref_squeeze %dma_wait3A_216 : memref<1x4x80xi32, #tpu.memory_space<vmem>> -> memref<4x80xi32, #tpu.memory_space<vmem>>
      %dma_wait3A_218 = arith.constant 0 : i32
      %dma_wait3A_219 = arith.constant 0 : i32
      %dma_wait3A_220 = tpu.memref_slice %arg2[%add3A, %dma_wait3A_218, %dma_wait3A_219] : memref<32x128x80xi32, #tpu.memory_space<hbm>> -> memref<1x4x80xi32, #tpu.memory_space<hbm>>
      %dma_wait3A_221 = tpu.memref_squeeze %dma_wait3A_220 : memref<1x4x80xi32, #tpu.memory_space<hbm>> -> memref<4x80xi32, #tpu.memory_space<hbm>>
      %dma_wait3A_222 = arith.constant 0 : i32
      %dma_wait3A_223 = arith.constant 0 : i32
      %dma_wait3A_224 = tpu.memref_slice %arg7[%dma_wait3A_213, %dma_wait3A_222, %dma_wait3A_223] : memref<2x4x80xi32, #tpu.memory_space<vmem>> -> memref<1x4x80xi32, #tpu.memory_space<vmem>>
      %dma_wait3A_225 = tpu.memref_squeeze %dma_wait3A_224 : memref<1x4x80xi32, #tpu.memory_space<vmem>> -> memref<4x80xi32, #tpu.memory_space<vmem>>
      %dma_wait3A_226 = arith.constant 0 : i32
      %dma_wait3A_227 = arith.constant 0 : i32
      %dma_wait3A_228 = tpu.memref_slice %arg2[%add3A, %dma_wait3A_226, %dma_wait3A_227] : memref<32x128x80xi32, #tpu.memory_space<hbm>> -> memref<1x4x80xi32, #tpu.memory_space<hbm>>
      %dma_wait3A_229 = tpu.memref_squeeze %dma_wait3A_228 : memref<1x4x80xi32, #tpu.memory_space<hbm>> -> memref<4x80xi32, #tpu.memory_space<hbm>>
      tpu.wait_dma2 semaphore(%arg16 : memref<!tpu.dma_semaphore, #tpu.memory_space<semaphore_mem>>) src(%dma_wait3A_229 : memref<4x80xi32, #tpu.memory_space<hbm>>) dst(%dma_wait3A_225 : memref<4x80xi32, #tpu.memory_space<vmem>>)
      %dma_wait3A_230 = arith.constant 1 : i32
      %dma_wait3A_231 = arith.constant 0 : i32
      %dma_wait3A_232 = arith.constant 0 : i32
      %dma_wait3A_233 = tpu.memref_slice %arg8[%dma_wait3A_230, %dma_wait3A_231, %dma_wait3A_232] : memref<2x4x80xi32, #tpu.memory_space<vmem>> -> memref<1x4x80xi32, #tpu.memory_space<vmem>>
      %dma_wait3A_234 = tpu.memref_squeeze %dma_wait3A_233 : memref<1x4x80xi32, #tpu.memory_space<vmem>> -> memref<4x80xi32, #tpu.memory_space<vmem>>
      %dma_wait3A_235 = arith.constant 0 : i32
      %dma_wait3A_236 = arith.constant 0 : i32
      %dma_wait3A_237 = tpu.memref_slice %arg3[%add3A, %dma_wait3A_235, %dma_wait3A_236] : memref<32x128x80xi32, #tpu.memory_space<hbm>> -> memref<1x4x80xi32, #tpu.memory_space<hbm>>
      %dma_wait3A_238 = tpu.memref_squeeze %dma_wait3A_237 : memref<1x4x80xi32, #tpu.memory_space<hbm>> -> memref<4x80xi32, #tpu.memory_space<hbm>>
      %dma_wait3A_239 = arith.constant 0 : i32
      %dma_wait3A_240 = arith.constant 0 : i32
      %dma_wait3A_241 = tpu.memref_slice %arg8[%dma_wait3A_230, %dma_wait3A_239, %dma_wait3A_240] : memref<2x4x80xi32, #tpu.memory_space<vmem>> -> memref<1x4x80xi32, #tpu.memory_space<vmem>>
      %dma_wait3A_242 = tpu.memref_squeeze %dma_wait3A_241 : memref<1x4x80xi32, #tpu.memory_space<vmem>> -> memref<4x80xi32, #tpu.memory_space<vmem>>
      %dma_wait3A_243 = arith.constant 0 : i32
      %dma_wait3A_244 = arith.constant 0 : i32
      %dma_wait3A_245 = tpu.memref_slice %arg3[%add3A, %dma_wait3A_243, %dma_wait3A_244] : memref<32x128x80xi32, #tpu.memory_space<hbm>> -> memref<1x4x80xi32, #tpu.memory_space<hbm>>
      %dma_wait3A_246 = tpu.memref_squeeze %dma_wait3A_245 : memref<1x4x80xi32, #tpu.memory_space<hbm>> -> memref<4x80xi32, #tpu.memory_space<hbm>>
      tpu.wait_dma2 semaphore(%arg16 : memref<!tpu.dma_semaphore, #tpu.memory_space<semaphore_mem>>) src(%dma_wait3A_246 : memref<4x80xi32, #tpu.memory_space<hbm>>) dst(%dma_wait3A_242 : memref<4x80xi32, #tpu.memory_space<vmem>>)
      %dma_start3A_247 = arith.constant 1 : i32
      %dma_start3A_248 = arith.constant 0 : i32
      %dma_start3A_249 = arith.constant 0 : i32
      %dma_start3A_250 = arith.constant 0 : i32
      %dma_start3A_251 = arith.constant 0 : i32
      %dma_start3A_252 = tpu.memref_slice %arg9[%dma_start3A_249, %dma_start3A_250, %dma_start3A_251] : memref<2x80x128xf32, #tpu.memory_space<vmem>> -> memref<1x80x128xf32, #tpu.memory_space<vmem>>
      %dma_start3A_253 = tpu.memref_squeeze %dma_start3A_252 : memref<1x80x128xf32, #tpu.memory_space<vmem>> -> memref<80x128xf32, #tpu.memory_space<vmem>>
      %dma_start3A_254 = arith.constant 0 : i32
      %dma_start3A_255 = tpu.memref_slice %arg7[%dma_start3A_247, %dma_start3A_248, %dma_start3A_254] : memref<2x4x80xi32, #tpu.memory_space<vmem>> -> memref<1x1x80xi32, #tpu.memory_space<vmem>>
      %dma_start3A_256 = tpu.memref_squeeze %dma_start3A_255 : memref<1x1x80xi32, #tpu.memory_space<vmem>> -> memref<80xi32, #tpu.memory_space<vmem>>
      %dma_start3A_257 = arith.constant 0 : i32
      %dma_start3A_258 = arith.constant 0 : i32
      %dma_start3A_259 = tpu.memref_slice %arg4[%dma_start3A_257, %dma_start3A_258] : memref<10240x128xf32, #tpu.memory_space<hbm>> -> memref<10240x128xf32, #tpu.memory_space<hbm>>
      tpu.enqueue_indirect_dma source(%dma_start3A_259 : memref<10240x128xf32, #tpu.memory_space<hbm>>) target(%dma_start3A_253 : memref<80x128xf32, #tpu.memory_space<vmem>>) offsets(%dma_start3A_256 : memref<80xi32, #tpu.memory_space<vmem>>) semaphore(%arg11 : memref<!tpu.dma_semaphore, #tpu.memory_space<semaphore_mem>>)
      %dma_wait3A_260 = arith.constant 0 : i32
      %dma_wait3A_261 = arith.constant 0 : i32
      %dma_wait3A_262 = arith.constant 1 : i32
      %dma_wait3A_263 = arith.constant 0 : i32
      %dma_wait3A_264 = arith.constant 0 : i32
      %dma_wait3A_265 = tpu.memref_slice %arg9[%dma_wait3A_262, %dma_wait3A_263, %dma_wait3A_264] : memref<2x80x128xf32, #tpu.memory_space<vmem>> -> memref<1x80x128xf32, #tpu.memory_space<vmem>>
      %dma_wait3A_266 = tpu.memref_squeeze %dma_wait3A_265 : memref<1x80x128xf32, #tpu.memory_space<vmem>> -> memref<80x128xf32, #tpu.memory_space<vmem>>
      %dma_wait3A_267 = arith.constant 0 : i32
      %dma_wait3A_268 = tpu.memref_slice %arg7[%dma_wait3A_260, %dma_wait3A_261, %dma_wait3A_267] : memref<2x4x80xi32, #tpu.memory_space<vmem>> -> memref<1x1x80xi32, #tpu.memory_space<vmem>>
      %dma_wait3A_269 = tpu.memref_squeeze %dma_wait3A_268 : memref<1x1x80xi32, #tpu.memory_space<vmem>> -> memref<80xi32, #tpu.memory_space<vmem>>
      %dma_wait3A_270 = arith.constant 0 : i32
      %dma_wait3A_271 = arith.constant 0 : i32
      %dma_wait3A_272 = tpu.memref_slice %arg4[%dma_wait3A_270, %dma_wait3A_271] : memref<10240x128xf32, #tpu.memory_space<hbm>> -> memref<10240x128xf32, #tpu.memory_space<hbm>>
      tpu.wait_indirect_dma semaphore(%arg12 : memref<!tpu.dma_semaphore, #tpu.memory_space<semaphore_mem>>) src(%dma_wait3A_272 : memref<10240x128xf32, #tpu.memory_space<hbm>>) dst(%dma_wait3A_266 : memref<80x128xf32, #tpu.memory_space<vmem>>)
      %run_scoped3A_273 = arith.constant 1 : i32
      %run_scoped3A_274 = arith.constant 0 : i32
      %run_scoped3A_275 = arith.constant 3 : i32
      "tpu.region"() ({
        %run_scoped3A_397 = tpu.sem_alloc : memref<!tpu.dma_semaphore, #tpu.memory_space<semaphore_mem>>
        %dma_start3A_398 = arith.constant 0 : i32
        %dma_start3A_399 = arith.constant 0 : i32
        %dma_start3A_400 = tpu.memref_slice %arg9[%run_scoped3A_273, %dma_start3A_398, %dma_start3A_399] : memref<2x80x128xf32, #tpu.memory_space<vmem>> -> memref<1x80x128xf32, #tpu.memory_space<vmem>>
        %dma_start3A_401 = tpu.memref_squeeze %dma_start3A_400 : memref<1x80x128xf32, #tpu.memory_space<vmem>> -> memref<80x128xf32, #tpu.memory_space<vmem>>
        %dma_start3A_402 = arith.constant 0 : i32
        %dma_start3A_403 = tpu.memref_slice %arg8[%run_scoped3A_274, %run_scoped3A_275, %dma_start3A_402] : memref<2x4x80xi32, #tpu.memory_space<vmem>> -> memref<1x1x80xi32, #tpu.memory_space<vmem>>
        %dma_start3A_404 = tpu.memref_squeeze %dma_start3A_403 : memref<1x1x80xi32, #tpu.memory_space<vmem>> -> memref<80xi32, #tpu.memory_space<vmem>>
        %dma_start3A_405 = arith.constant 0 : i32
        %dma_start3A_406 = arith.constant 0 : i32
        %dma_start3A_407 = tpu.memref_slice %arg10[%dma_start3A_405, %dma_start3A_406] : memref<10240x128xf32, #tpu.memory_space<vmem_shared>> -> memref<10240x128xf32, #tpu.memory_space<vmem_shared>>
        tpu.enqueue_indirect_dma source(%dma_start3A_401 : memref<80x128xf32, #tpu.memory_space<vmem>>) target(%dma_start3A_407 : memref<10240x128xf32, #tpu.memory_space<vmem_shared>>) offsets(%dma_start3A_404 : memref<80xi32, #tpu.memory_space<vmem>>) semaphore(%run_scoped3A_397 : memref<!tpu.dma_semaphore, #tpu.memory_space<semaphore_mem>>) {add = true}
        %dma_wait3A_408 = arith.constant 0 : i32
        %dma_wait3A_409 = arith.constant 0 : i32
        %dma_wait3A_410 = tpu.memref_slice %arg9[%run_scoped3A_273, %dma_wait3A_408, %dma_wait3A_409] : memref<2x80x128xf32, #tpu.memory_space<vmem>> -> memref<1x80x128xf32, #tpu.memory_space<vmem>>
        %dma_wait3A_411 = tpu.memref_squeeze %dma_wait3A_410 : memref<1x80x128xf32, #tpu.memory_space<vmem>> -> memref<80x128xf32, #tpu.memory_space<vmem>>
        %dma_wait3A_412 = arith.constant 0 : i32
        %dma_wait3A_413 = tpu.memref_slice %arg8[%run_scoped3A_274, %run_scoped3A_275, %dma_wait3A_412] : memref<2x4x80xi32, #tpu.memory_space<vmem>> -> memref<1x1x80xi32, #tpu.memory_space<vmem>>
        %dma_wait3A_414 = tpu.memref_squeeze %dma_wait3A_413 : memref<1x1x80xi32, #tpu.memory_space<vmem>> -> memref<80xi32, #tpu.memory_space<vmem>>
        %dma_wait3A_415 = arith.constant 0 : i32
        %dma_wait3A_416 = arith.constant 0 : i32
        %dma_wait3A_417 = tpu.memref_slice %arg10[%dma_wait3A_415, %dma_wait3A_416] : memref<10240x128xf32, #tpu.memory_space<vmem_shared>> -> memref<10240x128xf32, #tpu.memory_space<vmem_shared>>
        tpu.wait_indirect_dma semaphore(%run_scoped3A_397 : memref<!tpu.dma_semaphore, #tpu.memory_space<semaphore_mem>>) src(%dma_wait3A_411 : memref<80x128xf32, #tpu.memory_space<vmem>>) dst(%dma_wait3A_417 : memref<10240x128xf32, #tpu.memory_space<vmem_shared>>)
        tpu.yield
      }) : () -> ()
      %add3A_276 = arith.constant 1 : i32
      %add3A_277 = arith.addi %scan3A_126, %add3A_276 : i32
      %lt3A = arith.constant 16 : i32
      %lt3A_278 = arith.cmpi slt, %add3A_277, %lt3A : i32
      %convert_element_type3A = arith.extui %lt3A_278 : i1 to i32
      %cond3A = arith.constant 0 : i32
      %cond3A_279 = arith.cmpi ne, %convert_element_type3A, %cond3A : i32
      scf.if %cond3A_279 {
        %mul3A_397 = arith.constant 2 : i32
        %mul3A_398 = arith.muli %mul3A_397, %scan3A_126 : i32
        %add3A_399 = arith.constant 2 : i32
        %add3A_400 = arith.addi %mul3A_398, %add3A_399 : i32
        %mul3A_401 = arith.constant 4 : i32
        %mul3A_402 = arith.muli %add3A_400, %mul3A_401 : i32
        %dma_start3A_403 = arith.constant 0 : i32
        %dma_start3A_404 = arith.constant 0 : i32
        %dma_start3A_405 = arith.constant 0 : i32
        %dma_start3A_406 = tpu.memref_slice %arg7[%dma_start3A_403, %dma_start3A_404, %dma_start3A_405] : memref<2x4x80xi32, #tpu.memory_space<vmem>> -> memref<1x4x80xi32, #tpu.memory_space<vmem>>
        %dma_start3A_407 = tpu.memref_squeeze %dma_start3A_406 : memref<1x4x80xi32, #tpu.memory_space<vmem>> -> memref<4x80xi32, #tpu.memory_space<vmem>>
        %dma_start3A_408 = arith.constant 0 : i32
        %dma_start3A_409 = tpu.memref_slice %arg2[%add3A, %mul3A_402, %dma_start3A_408] : memref<32x128x80xi32, #tpu.memory_space<hbm>> -> memref<1x4x80xi32, #tpu.memory_space<hbm>>
        %dma_start3A_410 = tpu.memref_squeeze %dma_start3A_409 : memref<1x4x80xi32, #tpu.memory_space<hbm>> -> memref<4x80xi32, #tpu.memory_space<hbm>>
        %dma_start3A_411 = arith.constant 0 : i32
        %dma_start3A_412 = arith.constant 0 : i32
        %dma_start3A_413 = tpu.memref_slice %arg7[%dma_start3A_403, %dma_start3A_411, %dma_start3A_412] : memref<2x4x80xi32, #tpu.memory_space<vmem>> -> memref<1x4x80xi32, #tpu.memory_space<vmem>>
        %dma_start3A_414 = tpu.memref_squeeze %dma_start3A_413 : memref<1x4x80xi32, #tpu.memory_space<vmem>> -> memref<4x80xi32, #tpu.memory_space<vmem>>
        %dma_start3A_415 = arith.constant 0 : i32
        %dma_start3A_416 = tpu.memref_slice %arg2[%add3A, %mul3A_402, %dma_start3A_415] : memref<32x128x80xi32, #tpu.memory_space<hbm>> -> memref<1x4x80xi32, #tpu.memory_space<hbm>>
        %dma_start3A_417 = tpu.memref_squeeze %dma_start3A_416 : memref<1x4x80xi32, #tpu.memory_space<hbm>> -> memref<4x80xi32, #tpu.memory_space<hbm>>
        tpu.enqueue_dma source(%dma_start3A_417 : memref<4x80xi32, #tpu.memory_space<hbm>>) target(%dma_start3A_414 : memref<4x80xi32, #tpu.memory_space<vmem>>) target_semaphore(%arg15 : memref<!tpu.dma_semaphore, #tpu.memory_space<semaphore_mem>>)
        %mul3A_418 = arith.constant 4 : i32
        %mul3A_419 = arith.muli %add3A_400, %mul3A_418 : i32
        %dma_start3A_420 = arith.constant 0 : i32
        %dma_start3A_421 = arith.constant 0 : i32
        %dma_start3A_422 = arith.constant 0 : i32
        %dma_start3A_423 = tpu.memref_slice %arg8[%dma_start3A_420, %dma_start3A_421, %dma_start3A_422] : memref<2x4x80xi32, #tpu.memory_space<vmem>> -> memref<1x4x80xi32, #tpu.memory_space<vmem>>
        %dma_start3A_424 = tpu.memref_squeeze %dma_start3A_423 : memref<1x4x80xi32, #tpu.memory_space<vmem>> -> memref<4x80xi32, #tpu.memory_space<vmem>>
        %dma_start3A_425 = arith.constant 0 : i32
        %dma_start3A_426 = tpu.memref_slice %arg3[%add3A, %mul3A_419, %dma_start3A_425] : memref<32x128x80xi32, #tpu.memory_space<hbm>> -> memref<1x4x80xi32, #tpu.memory_space<hbm>>
        %dma_start3A_427 = tpu.memref_squeeze %dma_start3A_426 : memref<1x4x80xi32, #tpu.memory_space<hbm>> -> memref<4x80xi32, #tpu.memory_space<hbm>>
        %dma_start3A_428 = arith.constant 0 : i32
        %dma_start3A_429 = arith.constant 0 : i32
        %dma_start3A_430 = tpu.memref_slice %arg8[%dma_start3A_420, %dma_start3A_428, %dma_start3A_429] : memref<2x4x80xi32, #tpu.memory_space<vmem>> -> memref<1x4x80xi32, #tpu.memory_space<vmem>>
        %dma_start3A_431 = tpu.memref_squeeze %dma_start3A_430 : memref<1x4x80xi32, #tpu.memory_space<vmem>> -> memref<4x80xi32, #tpu.memory_space<vmem>>
        %dma_start3A_432 = arith.constant 0 : i32
        %dma_start3A_433 = tpu.memref_slice %arg3[%add3A, %mul3A_419, %dma_start3A_432] : memref<32x128x80xi32, #tpu.memory_space<hbm>> -> memref<1x4x80xi32, #tpu.memory_space<hbm>>
        %dma_start3A_434 = tpu.memref_squeeze %dma_start3A_433 : memref<1x4x80xi32, #tpu.memory_space<hbm>> -> memref<4x80xi32, #tpu.memory_space<hbm>>
        tpu.enqueue_dma source(%dma_start3A_434 : memref<4x80xi32, #tpu.memory_space<hbm>>) target(%dma_start3A_431 : memref<4x80xi32, #tpu.memory_space<vmem>>) target_semaphore(%arg15 : memref<!tpu.dma_semaphore, #tpu.memory_space<semaphore_mem>>)
      } else {
      }
      %dma_start3A_280 = arith.constant 1 : i32
      %dma_start3A_281 = arith.constant 1 : i32
      %dma_start3A_282 = arith.constant 1 : i32
      %dma_start3A_283 = arith.constant 0 : i32
      %dma_start3A_284 = arith.constant 0 : i32
      %dma_start3A_285 = tpu.memref_slice %arg9[%dma_start3A_282, %dma_start3A_283, %dma_start3A_284] : memref<2x80x128xf32, #tpu.memory_space<vmem>> -> memref<1x80x128xf32, #tpu.memory_space<vmem>>
      %dma_start3A_286 = tpu.memref_squeeze %dma_start3A_285 : memref<1x80x128xf32, #tpu.memory_space<vmem>> -> memref<80x128xf32, #tpu.memory_space<vmem>>
      %dma_start3A_287 = arith.constant 0 : i32
      %dma_start3A_288 = tpu.memref_slice %arg7[%dma_start3A_280, %dma_start3A_281, %dma_start3A_287] : memref<2x4x80xi32, #tpu.memory_space<vmem>> -> memref<1x1x80xi32, #tpu.memory_space<vmem>>
      %dma_start3A_289 = tpu.memref_squeeze %dma_start3A_288 : memref<1x1x80xi32, #tpu.memory_space<vmem>> -> memref<80xi32, #tpu.memory_space<vmem>>
      %dma_start3A_290 = arith.constant 0 : i32
      %dma_start3A_291 = arith.constant 0 : i32
      %dma_start3A_292 = tpu.memref_slice %arg4[%dma_start3A_290, %dma_start3A_291] : memref<10240x128xf32, #tpu.memory_space<hbm>> -> memref<10240x128xf32, #tpu.memory_space<hbm>>
      tpu.enqueue_indirect_dma source(%dma_start3A_292 : memref<10240x128xf32, #tpu.memory_space<hbm>>) target(%dma_start3A_286 : memref<80x128xf32, #tpu.memory_space<vmem>>) offsets(%dma_start3A_289 : memref<80xi32, #tpu.memory_space<vmem>>) semaphore(%arg12 : memref<!tpu.dma_semaphore, #tpu.memory_space<semaphore_mem>>)
      %dma_wait3A_293 = arith.constant 0 : i32
      %dma_wait3A_294 = arith.constant 0 : i32
      %dma_wait3A_295 = arith.constant 0 : i32
      %dma_wait3A_296 = arith.constant 0 : i32
      %dma_wait3A_297 = arith.constant 0 : i32
      %dma_wait3A_298 = tpu.memref_slice %arg9[%dma_wait3A_295, %dma_wait3A_296, %dma_wait3A_297] : memref<2x80x128xf32, #tpu.memory_space<vmem>> -> memref<1x80x128xf32, #tpu.memory_space<vmem>>
      %dma_wait3A_299 = tpu.memref_squeeze %dma_wait3A_298 : memref<1x80x128xf32, #tpu.memory_space<vmem>> -> memref<80x128xf32, #tpu.memory_space<vmem>>
      %dma_wait3A_300 = arith.constant 0 : i32
      %dma_wait3A_301 = tpu.memref_slice %arg7[%dma_wait3A_293, %dma_wait3A_294, %dma_wait3A_300] : memref<2x4x80xi32, #tpu.memory_space<vmem>> -> memref<1x1x80xi32, #tpu.memory_space<vmem>>
      %dma_wait3A_302 = tpu.memref_squeeze %dma_wait3A_301 : memref<1x1x80xi32, #tpu.memory_space<vmem>> -> memref<80xi32, #tpu.memory_space<vmem>>
      %dma_wait3A_303 = arith.constant 0 : i32
      %dma_wait3A_304 = arith.constant 0 : i32
      %dma_wait3A_305 = tpu.memref_slice %arg4[%dma_wait3A_303, %dma_wait3A_304] : memref<10240x128xf32, #tpu.memory_space<hbm>> -> memref<10240x128xf32, #tpu.memory_space<hbm>>
      tpu.wait_indirect_dma semaphore(%arg11 : memref<!tpu.dma_semaphore, #tpu.memory_space<semaphore_mem>>) src(%dma_wait3A_305 : memref<10240x128xf32, #tpu.memory_space<hbm>>) dst(%dma_wait3A_299 : memref<80x128xf32, #tpu.memory_space<vmem>>)
      %run_scoped3A_306 = arith.constant 0 : i32
      %run_scoped3A_307 = arith.constant 1 : i32
      %run_scoped3A_308 = arith.constant 0 : i32
      "tpu.region"() ({
        %run_scoped3A_397 = tpu.sem_alloc : memref<!tpu.dma_semaphore, #tpu.memory_space<semaphore_mem>>
        %dma_start3A_398 = arith.constant 0 : i32
        %dma_start3A_399 = arith.constant 0 : i32
        %dma_start3A_400 = tpu.memref_slice %arg9[%run_scoped3A_306, %dma_start3A_398, %dma_start3A_399] : memref<2x80x128xf32, #tpu.memory_space<vmem>> -> memref<1x80x128xf32, #tpu.memory_space<vmem>>
        %dma_start3A_401 = tpu.memref_squeeze %dma_start3A_400 : memref<1x80x128xf32, #tpu.memory_space<vmem>> -> memref<80x128xf32, #tpu.memory_space<vmem>>
        %dma_start3A_402 = arith.constant 0 : i32
        %dma_start3A_403 = tpu.memref_slice %arg8[%run_scoped3A_307, %run_scoped3A_308, %dma_start3A_402] : memref<2x4x80xi32, #tpu.memory_space<vmem>> -> memref<1x1x80xi32, #tpu.memory_space<vmem>>
        %dma_start3A_404 = tpu.memref_squeeze %dma_start3A_403 : memref<1x1x80xi32, #tpu.memory_space<vmem>> -> memref<80xi32, #tpu.memory_space<vmem>>
        %dma_start3A_405 = arith.constant 0 : i32
        %dma_start3A_406 = arith.constant 0 : i32
        %dma_start3A_407 = tpu.memref_slice %arg10[%dma_start3A_405, %dma_start3A_406] : memref<10240x128xf32, #tpu.memory_space<vmem_shared>> -> memref<10240x128xf32, #tpu.memory_space<vmem_shared>>
        tpu.enqueue_indirect_dma source(%dma_start3A_401 : memref<80x128xf32, #tpu.memory_space<vmem>>) target(%dma_start3A_407 : memref<10240x128xf32, #tpu.memory_space<vmem_shared>>) offsets(%dma_start3A_404 : memref<80xi32, #tpu.memory_space<vmem>>) semaphore(%run_scoped3A_397 : memref<!tpu.dma_semaphore, #tpu.memory_space<semaphore_mem>>) {add = true}
        %dma_wait3A_408 = arith.constant 0 : i32
        %dma_wait3A_409 = arith.constant 0 : i32
        %dma_wait3A_410 = tpu.memref_slice %arg9[%run_scoped3A_306, %dma_wait3A_408, %dma_wait3A_409] : memref<2x80x128xf32, #tpu.memory_space<vmem>> -> memref<1x80x128xf32, #tpu.memory_space<vmem>>
        %dma_wait3A_411 = tpu.memref_squeeze %dma_wait3A_410 : memref<1x80x128xf32, #tpu.memory_space<vmem>> -> memref<80x128xf32, #tpu.memory_space<vmem>>
        %dma_wait3A_412 = arith.constant 0 : i32
        %dma_wait3A_413 = tpu.memref_slice %arg8[%run_scoped3A_307, %run_scoped3A_308, %dma_wait3A_412] : memref<2x4x80xi32, #tpu.memory_space<vmem>> -> memref<1x1x80xi32, #tpu.memory_space<vmem>>
        %dma_wait3A_414 = tpu.memref_squeeze %dma_wait3A_413 : memref<1x1x80xi32, #tpu.memory_space<vmem>> -> memref<80xi32, #tpu.memory_space<vmem>>
        %dma_wait3A_415 = arith.constant 0 : i32
        %dma_wait3A_416 = arith.constant 0 : i32
        %dma_wait3A_417 = tpu.memref_slice %arg10[%dma_wait3A_415, %dma_wait3A_416] : memref<10240x128xf32, #tpu.memory_space<vmem_shared>> -> memref<10240x128xf32, #tpu.memory_space<vmem_shared>>
        tpu.wait_indirect_dma semaphore(%run_scoped3A_397 : memref<!tpu.dma_semaphore, #tpu.memory_space<semaphore_mem>>) src(%dma_wait3A_411 : memref<80x128xf32, #tpu.memory_space<vmem>>) dst(%dma_wait3A_417 : memref<10240x128xf32, #tpu.memory_space<vmem_shared>>)
        tpu.yield
      }) : () -> ()
      %dma_start3A_309 = arith.constant 1 : i32
      %dma_start3A_310 = arith.constant 2 : i32
      %dma_start3A_311 = arith.constant 0 : i32
      %dma_start3A_312 = arith.constant 0 : i32
      %dma_start3A_313 = arith.constant 0 : i32
      %dma_start3A_314 = tpu.memref_slice %arg9[%dma_start3A_311, %dma_start3A_312, %dma_start3A_313] : memref<2x80x128xf32, #tpu.memory_space<vmem>> -> memref<1x80x128xf32, #tpu.memory_space<vmem>>
      %dma_start3A_315 = tpu.memref_squeeze %dma_start3A_314 : memref<1x80x128xf32, #tpu.memory_space<vmem>> -> memref<80x128xf32, #tpu.memory_space<vmem>>
      %dma_start3A_316 = arith.constant 0 : i32
      %dma_start3A_317 = tpu.memref_slice %arg7[%dma_start3A_309, %dma_start3A_310, %dma_start3A_316] : memref<2x4x80xi32, #tpu.memory_space<vmem>> -> memref<1x1x80xi32, #tpu.memory_space<vmem>>
      %dma_start3A_318 = tpu.memref_squeeze %dma_start3A_317 : memref<1x1x80xi32, #tpu.memory_space<vmem>> -> memref<80xi32, #tpu.memory_space<vmem>>
      %dma_start3A_319 = arith.constant 0 : i32
      %dma_start3A_320 = arith.constant 0 : i32
      %dma_start3A_321 = tpu.memref_slice %arg4[%dma_start3A_319, %dma_start3A_320] : memref<10240x128xf32, #tpu.memory_space<hbm>> -> memref<10240x128xf32, #tpu.memory_space<hbm>>
      tpu.enqueue_indirect_dma source(%dma_start3A_321 : memref<10240x128xf32, #tpu.memory_space<hbm>>) target(%dma_start3A_315 : memref<80x128xf32, #tpu.memory_space<vmem>>) offsets(%dma_start3A_318 : memref<80xi32, #tpu.memory_space<vmem>>) semaphore(%arg11 : memref<!tpu.dma_semaphore, #tpu.memory_space<semaphore_mem>>)
      %dma_wait3A_322 = arith.constant 0 : i32
      %dma_wait3A_323 = arith.constant 0 : i32
      %dma_wait3A_324 = arith.constant 1 : i32
      %dma_wait3A_325 = arith.constant 0 : i32
      %dma_wait3A_326 = arith.constant 0 : i32
      %dma_wait3A_327 = tpu.memref_slice %arg9[%dma_wait3A_324, %dma_wait3A_325, %dma_wait3A_326] : memref<2x80x128xf32, #tpu.memory_space<vmem>> -> memref<1x80x128xf32, #tpu.memory_space<vmem>>
      %dma_wait3A_328 = tpu.memref_squeeze %dma_wait3A_327 : memref<1x80x128xf32, #tpu.memory_space<vmem>> -> memref<80x128xf32, #tpu.memory_space<vmem>>
      %dma_wait3A_329 = arith.constant 0 : i32
      %dma_wait3A_330 = tpu.memref_slice %arg7[%dma_wait3A_322, %dma_wait3A_323, %dma_wait3A_329] : memref<2x4x80xi32, #tpu.memory_space<vmem>> -> memref<1x1x80xi32, #tpu.memory_space<vmem>>
      %dma_wait3A_331 = tpu.memref_squeeze %dma_wait3A_330 : memref<1x1x80xi32, #tpu.memory_space<vmem>> -> memref<80xi32, #tpu.memory_space<vmem>>
      %dma_wait3A_332 = arith.constant 0 : i32
      %dma_wait3A_333 = arith.constant 0 : i32
      %dma_wait3A_334 = tpu.memref_slice %arg4[%dma_wait3A_332, %dma_wait3A_333] : memref<10240x128xf32, #tpu.memory_space<hbm>> -> memref<10240x128xf32, #tpu.memory_space<hbm>>
      tpu.wait_indirect_dma semaphore(%arg12 : memref<!tpu.dma_semaphore, #tpu.memory_space<semaphore_mem>>) src(%dma_wait3A_334 : memref<10240x128xf32, #tpu.memory_space<hbm>>) dst(%dma_wait3A_328 : memref<80x128xf32, #tpu.memory_space<vmem>>)
      %run_scoped3A_335 = arith.constant 1 : i32
      %run_scoped3A_336 = arith.constant 1 : i32
      %run_scoped3A_337 = arith.constant 1 : i32
      "tpu.region"() ({
        %run_scoped3A_397 = tpu.sem_alloc : memref<!tpu.dma_semaphore, #tpu.memory_space<semaphore_mem>>
        %dma_start3A_398 = arith.constant 0 : i32
        %dma_start3A_399 = arith.constant 0 : i32
        %dma_start3A_400 = tpu.memref_slice %arg9[%run_scoped3A_335, %dma_start3A_398, %dma_start3A_399] : memref<2x80x128xf32, #tpu.memory_space<vmem>> -> memref<1x80x128xf32, #tpu.memory_space<vmem>>
        %dma_start3A_401 = tpu.memref_squeeze %dma_start3A_400 : memref<1x80x128xf32, #tpu.memory_space<vmem>> -> memref<80x128xf32, #tpu.memory_space<vmem>>
        %dma_start3A_402 = arith.constant 0 : i32
        %dma_start3A_403 = tpu.memref_slice %arg8[%run_scoped3A_336, %run_scoped3A_337, %dma_start3A_402] : memref<2x4x80xi32, #tpu.memory_space<vmem>> -> memref<1x1x80xi32, #tpu.memory_space<vmem>>
        %dma_start3A_404 = tpu.memref_squeeze %dma_start3A_403 : memref<1x1x80xi32, #tpu.memory_space<vmem>> -> memref<80xi32, #tpu.memory_space<vmem>>
        %dma_start3A_405 = arith.constant 0 : i32
        %dma_start3A_406 = arith.constant 0 : i32
        %dma_start3A_407 = tpu.memref_slice %arg10[%dma_start3A_405, %dma_start3A_406] : memref<10240x128xf32, #tpu.memory_space<vmem_shared>> -> memref<10240x128xf32, #tpu.memory_space<vmem_shared>>
        tpu.enqueue_indirect_dma source(%dma_start3A_401 : memref<80x128xf32, #tpu.memory_space<vmem>>) target(%dma_start3A_407 : memref<10240x128xf32, #tpu.memory_space<vmem_shared>>) offsets(%dma_start3A_404 : memref<80xi32, #tpu.memory_space<vmem>>) semaphore(%run_scoped3A_397 : memref<!tpu.dma_semaphore, #tpu.memory_space<semaphore_mem>>) {add = true}
        %dma_wait3A_408 = arith.constant 0 : i32
        %dma_wait3A_409 = arith.constant 0 : i32
        %dma_wait3A_410 = tpu.memref_slice %arg9[%run_scoped3A_335, %dma_wait3A_408, %dma_wait3A_409] : memref<2x80x128xf32, #tpu.memory_space<vmem>> -> memref<1x80x128xf32, #tpu.memory_space<vmem>>
        %dma_wait3A_411 = tpu.memref_squeeze %dma_wait3A_410 : memref<1x80x128xf32, #tpu.memory_space<vmem>> -> memref<80x128xf32, #tpu.memory_space<vmem>>
        %dma_wait3A_412 = arith.constant 0 : i32
        %dma_wait3A_413 = tpu.memref_slice %arg8[%run_scoped3A_336, %run_scoped3A_337, %dma_wait3A_412] : memref<2x4x80xi32, #tpu.memory_space<vmem>> -> memref<1x1x80xi32, #tpu.memory_space<vmem>>
        %dma_wait3A_414 = tpu.memref_squeeze %dma_wait3A_413 : memref<1x1x80xi32, #tpu.memory_space<vmem>> -> memref<80xi32, #tpu.memory_space<vmem>>
        %dma_wait3A_415 = arith.constant 0 : i32
        %dma_wait3A_416 = arith.constant 0 : i32
        %dma_wait3A_417 = tpu.memref_slice %arg10[%dma_wait3A_415, %dma_wait3A_416] : memref<10240x128xf32, #tpu.memory_space<vmem_shared>> -> memref<10240x128xf32, #tpu.memory_space<vmem_shared>>
        tpu.wait_indirect_dma semaphore(%run_scoped3A_397 : memref<!tpu.dma_semaphore, #tpu.memory_space<semaphore_mem>>) src(%dma_wait3A_411 : memref<80x128xf32, #tpu.memory_space<vmem>>) dst(%dma_wait3A_417 : memref<10240x128xf32, #tpu.memory_space<vmem_shared>>)
        tpu.yield
      }) : () -> ()
      %dma_start3A_338 = arith.constant 1 : i32
      %dma_start3A_339 = arith.constant 3 : i32
      %dma_start3A_340 = arith.constant 1 : i32
      %dma_start3A_341 = arith.constant 0 : i32
      %dma_start3A_342 = arith.constant 0 : i32
      %dma_start3A_343 = tpu.memref_slice %arg9[%dma_start3A_340, %dma_start3A_341, %dma_start3A_342] : memref<2x80x128xf32, #tpu.memory_space<vmem>> -> memref<1x80x128xf32, #tpu.memory_space<vmem>>
      %dma_start3A_344 = tpu.memref_squeeze %dma_start3A_343 : memref<1x80x128xf32, #tpu.memory_space<vmem>> -> memref<80x128xf32, #tpu.memory_space<vmem>>
      %dma_start3A_345 = arith.constant 0 : i32
      %dma_start3A_346 = tpu.memref_slice %arg7[%dma_start3A_338, %dma_start3A_339, %dma_start3A_345] : memref<2x4x80xi32, #tpu.memory_space<vmem>> -> memref<1x1x80xi32, #tpu.memory_space<vmem>>
      %dma_start3A_347 = tpu.memref_squeeze %dma_start3A_346 : memref<1x1x80xi32, #tpu.memory_space<vmem>> -> memref<80xi32, #tpu.memory_space<vmem>>
      %dma_start3A_348 = arith.constant 0 : i32
      %dma_start3A_349 = arith.constant 0 : i32
      %dma_start3A_350 = tpu.memref_slice %arg4[%dma_start3A_348, %dma_start3A_349] : memref<10240x128xf32, #tpu.memory_space<hbm>> -> memref<10240x128xf32, #tpu.memory_space<hbm>>
      tpu.enqueue_indirect_dma source(%dma_start3A_350 : memref<10240x128xf32, #tpu.memory_space<hbm>>) target(%dma_start3A_344 : memref<80x128xf32, #tpu.memory_space<vmem>>) offsets(%dma_start3A_347 : memref<80xi32, #tpu.memory_space<vmem>>) semaphore(%arg12 : memref<!tpu.dma_semaphore, #tpu.memory_space<semaphore_mem>>)
      %dma_wait3A_351 = arith.constant 0 : i32
      %dma_wait3A_352 = arith.constant 0 : i32
      %dma_wait3A_353 = arith.constant 0 : i32
      %dma_wait3A_354 = arith.constant 0 : i32
      %dma_wait3A_355 = arith.constant 0 : i32
      %dma_wait3A_356 = tpu.memref_slice %arg9[%dma_wait3A_353, %dma_wait3A_354, %dma_wait3A_355] : memref<2x80x128xf32, #tpu.memory_space<vmem>> -> memref<1x80x128xf32, #tpu.memory_space<vmem>>
      %dma_wait3A_357 = tpu.memref_squeeze %dma_wait3A_356 : memref<1x80x128xf32, #tpu.memory_space<vmem>> -> memref<80x128xf32, #tpu.memory_space<vmem>>
      %dma_wait3A_358 = arith.constant 0 : i32
      %dma_wait3A_359 = tpu.memref_slice %arg7[%dma_wait3A_351, %dma_wait3A_352, %dma_wait3A_358] : memref<2x4x80xi32, #tpu.memory_space<vmem>> -> memref<1x1x80xi32, #tpu.memory_space<vmem>>
      %dma_wait3A_360 = tpu.memref_squeeze %dma_wait3A_359 : memref<1x1x80xi32, #tpu.memory_space<vmem>> -> memref<80xi32, #tpu.memory_space<vmem>>
      %dma_wait3A_361 = arith.constant 0 : i32
      %dma_wait3A_362 = arith.constant 0 : i32
      %dma_wait3A_363 = tpu.memref_slice %arg4[%dma_wait3A_361, %dma_wait3A_362] : memref<10240x128xf32, #tpu.memory_space<hbm>> -> memref<10240x128xf32, #tpu.memory_space<hbm>>
      tpu.wait_indirect_dma semaphore(%arg11 : memref<!tpu.dma_semaphore, #tpu.memory_space<semaphore_mem>>) src(%dma_wait3A_363 : memref<10240x128xf32, #tpu.memory_space<hbm>>) dst(%dma_wait3A_357 : memref<80x128xf32, #tpu.memory_space<vmem>>)
      %run_scoped3A_364 = arith.constant 0 : i32
      %run_scoped3A_365 = arith.constant 1 : i32
      %run_scoped3A_366 = arith.constant 2 : i32
      "tpu.region"() ({
        %run_scoped3A_397 = tpu.sem_alloc : memref<!tpu.dma_semaphore, #tpu.memory_space<semaphore_mem>>
        %dma_start3A_398 = arith.constant 0 : i32
        %dma_start3A_399 = arith.constant 0 : i32
        %dma_start3A_400 = tpu.memref_slice %arg9[%run_scoped3A_364, %dma_start3A_398, %dma_start3A_399] : memref<2x80x128xf32, #tpu.memory_space<vmem>> -> memref<1x80x128xf32, #tpu.memory_space<vmem>>
        %dma_start3A_401 = tpu.memref_squeeze %dma_start3A_400 : memref<1x80x128xf32, #tpu.memory_space<vmem>> -> memref<80x128xf32, #tpu.memory_space<vmem>>
        %dma_start3A_402 = arith.constant 0 : i32
        %dma_start3A_403 = tpu.memref_slice %arg8[%run_scoped3A_365, %run_scoped3A_366, %dma_start3A_402] : memref<2x4x80xi32, #tpu.memory_space<vmem>> -> memref<1x1x80xi32, #tpu.memory_space<vmem>>
        %dma_start3A_404 = tpu.memref_squeeze %dma_start3A_403 : memref<1x1x80xi32, #tpu.memory_space<vmem>> -> memref<80xi32, #tpu.memory_space<vmem>>
        %dma_start3A_405 = arith.constant 0 : i32
        %dma_start3A_406 = arith.constant 0 : i32
        %dma_start3A_407 = tpu.memref_slice %arg10[%dma_start3A_405, %dma_start3A_406] : memref<10240x128xf32, #tpu.memory_space<vmem_shared>> -> memref<10240x128xf32, #tpu.memory_space<vmem_shared>>
        tpu.enqueue_indirect_dma source(%dma_start3A_401 : memref<80x128xf32, #tpu.memory_space<vmem>>) target(%dma_start3A_407 : memref<10240x128xf32, #tpu.memory_space<vmem_shared>>) offsets(%dma_start3A_404 : memref<80xi32, #tpu.memory_space<vmem>>) semaphore(%run_scoped3A_397 : memref<!tpu.dma_semaphore, #tpu.memory_space<semaphore_mem>>) {add = true}
        %dma_wait3A_408 = arith.constant 0 : i32
        %dma_wait3A_409 = arith.constant 0 : i32
        %dma_wait3A_410 = tpu.memref_slice %arg9[%run_scoped3A_364, %dma_wait3A_408, %dma_wait3A_409] : memref<2x80x128xf32, #tpu.memory_space<vmem>> -> memref<1x80x128xf32, #tpu.memory_space<vmem>>
        %dma_wait3A_411 = tpu.memref_squeeze %dma_wait3A_410 : memref<1x80x128xf32, #tpu.memory_space<vmem>> -> memref<80x128xf32, #tpu.memory_space<vmem>>
        %dma_wait3A_412 = arith.constant 0 : i32
        %dma_wait3A_413 = tpu.memref_slice %arg8[%run_scoped3A_365, %run_scoped3A_366, %dma_wait3A_412] : memref<2x4x80xi32, #tpu.memory_space<vmem>> -> memref<1x1x80xi32, #tpu.memory_space<vmem>>
        %dma_wait3A_414 = tpu.memref_squeeze %dma_wait3A_413 : memref<1x1x80xi32, #tpu.memory_space<vmem>> -> memref<80xi32, #tpu.memory_space<vmem>>
        %dma_wait3A_415 = arith.constant 0 : i32
        %dma_wait3A_416 = arith.constant 0 : i32
        %dma_wait3A_417 = tpu.memref_slice %arg10[%dma_wait3A_415, %dma_wait3A_416] : memref<10240x128xf32, #tpu.memory_space<vmem_shared>> -> memref<10240x128xf32, #tpu.memory_space<vmem_shared>>
        tpu.wait_indirect_dma semaphore(%run_scoped3A_397 : memref<!tpu.dma_semaphore, #tpu.memory_space<semaphore_mem>>) src(%dma_wait3A_411 : memref<80x128xf32, #tpu.memory_space<vmem>>) dst(%dma_wait3A_417 : memref<10240x128xf32, #tpu.memory_space<vmem_shared>>)
        tpu.yield
      }) : () -> ()
      %add3A_367 = arith.constant 1 : i32
      %add3A_368 = arith.addi %scan3A_126, %add3A_367 : i32
      %lt3A_369 = arith.constant 16 : i32
      %lt3A_370 = arith.cmpi slt, %add3A_368, %lt3A_369 : i32
      %convert_element_type3A_371 = arith.extui %lt3A_370 : i1 to i32
      %cond3A_372 = arith.constant 0 : i32
      %cond3A_373 = arith.cmpi ne, %convert_element_type3A_371, %cond3A_372 : i32
      scf.if %cond3A_373 {
        %dma_wait3A_397 = arith.constant 0 : i32
        %dma_wait3A_398 = arith.constant 0 : i32
        %dma_wait3A_399 = arith.constant 0 : i32
        %dma_wait3A_400 = tpu.memref_slice %arg7[%dma_wait3A_397, %dma_wait3A_398, %dma_wait3A_399] : memref<2x4x80xi32, #tpu.memory_space<vmem>> -> memref<1x4x80xi32, #tpu.memory_space<vmem>>
        %dma_wait3A_401 = tpu.memref_squeeze %dma_wait3A_400 : memref<1x4x80xi32, #tpu.memory_space<vmem>> -> memref<4x80xi32, #tpu.memory_space<vmem>>
        %dma_wait3A_402 = arith.constant 0 : i32
        %dma_wait3A_403 = arith.constant 0 : i32
        %dma_wait3A_404 = tpu.memref_slice %arg2[%add3A, %dma_wait3A_402, %dma_wait3A_403] : memref<32x128x80xi32, #tpu.memory_space<hbm>> -> memref<1x4x80xi32, #tpu.memory_space<hbm>>
        %dma_wait3A_405 = tpu.memref_squeeze %dma_wait3A_404 : memref<1x4x80xi32, #tpu.memory_space<hbm>> -> memref<4x80xi32, #tpu.memory_space<hbm>>
        %dma_wait3A_406 = arith.constant 0 : i32
        %dma_wait3A_407 = arith.constant 0 : i32
        %dma_wait3A_408 = tpu.memref_slice %arg7[%dma_wait3A_397, %dma_wait3A_406, %dma_wait3A_407] : memref<2x4x80xi32, #tpu.memory_space<vmem>> -> memref<1x4x80xi32, #tpu.memory_space<vmem>>
        %dma_wait3A_409 = tpu.memref_squeeze %dma_wait3A_408 : memref<1x4x80xi32, #tpu.memory_space<vmem>> -> memref<4x80xi32, #tpu.memory_space<vmem>>
        %dma_wait3A_410 = arith.constant 0 : i32
        %dma_wait3A_411 = arith.constant 0 : i32
        %dma_wait3A_412 = tpu.memref_slice %arg2[%add3A, %dma_wait3A_410, %dma_wait3A_411] : memref<32x128x80xi32, #tpu.memory_space<hbm>> -> memref<1x4x80xi32, #tpu.memory_space<hbm>>
        %dma_wait3A_413 = tpu.memref_squeeze %dma_wait3A_412 : memref<1x4x80xi32, #tpu.memory_space<hbm>> -> memref<4x80xi32, #tpu.memory_space<hbm>>
        tpu.wait_dma2 semaphore(%arg15 : memref<!tpu.dma_semaphore, #tpu.memory_space<semaphore_mem>>) src(%dma_wait3A_413 : memref<4x80xi32, #tpu.memory_space<hbm>>) dst(%dma_wait3A_409 : memref<4x80xi32, #tpu.memory_space<vmem>>)
        %dma_wait3A_414 = arith.constant 0 : i32
        %dma_wait3A_415 = arith.constant 0 : i32
        %dma_wait3A_416 = arith.constant 0 : i32
        %dma_wait3A_417 = tpu.memref_slice %arg8[%dma_wait3A_414, %dma_wait3A_415, %dma_wait3A_416] : memref<2x4x80xi32, #tpu.memory_space<vmem>> -> memref<1x4x80xi32, #tpu.memory_space<vmem>>
        %dma_wait3A_418 = tpu.memref_squeeze %dma_wait3A_417 : memref<1x4x80xi32, #tpu.memory_space<vmem>> -> memref<4x80xi32, #tpu.memory_space<vmem>>
        %dma_wait3A_419 = arith.constant 0 : i32
        %dma_wait3A_420 = arith.constant 0 : i32
        %dma_wait3A_421 = tpu.memref_slice %arg3[%add3A, %dma_wait3A_419, %dma_wait3A_420] : memref<32x128x80xi32, #tpu.memory_space<hbm>> -> memref<1x4x80xi32, #tpu.memory_space<hbm>>
        %dma_wait3A_422 = tpu.memref_squeeze %dma_wait3A_421 : memref<1x4x80xi32, #tpu.memory_space<hbm>> -> memref<4x80xi32, #tpu.memory_space<hbm>>
        %dma_wait3A_423 = arith.constant 0 : i32
        %dma_wait3A_424 = arith.constant 0 : i32
        %dma_wait3A_425 = tpu.memref_slice %arg8[%dma_wait3A_414, %dma_wait3A_423, %dma_wait3A_424] : memref<2x4x80xi32, #tpu.memory_space<vmem>> -> memref<1x4x80xi32, #tpu.memory_space<vmem>>
        %dma_wait3A_426 = tpu.memref_squeeze %dma_wait3A_425 : memref<1x4x80xi32, #tpu.memory_space<vmem>> -> memref<4x80xi32, #tpu.memory_space<vmem>>
        %dma_wait3A_427 = arith.constant 0 : i32
        %dma_wait3A_428 = arith.constant 0 : i32
        %dma_wait3A_429 = tpu.memref_slice %arg3[%add3A, %dma_wait3A_427, %dma_wait3A_428] : memref<32x128x80xi32, #tpu.memory_space<hbm>> -> memref<1x4x80xi32, #tpu.memory_space<hbm>>
        %dma_wait3A_430 = tpu.memref_squeeze %dma_wait3A_429 : memref<1x4x80xi32, #tpu.memory_space<hbm>> -> memref<4x80xi32, #tpu.memory_space<hbm>>
        tpu.wait_dma2 semaphore(%arg15 : memref<!tpu.dma_semaphore, #tpu.memory_space<semaphore_mem>>) src(%dma_wait3A_430 : memref<4x80xi32, #tpu.memory_space<hbm>>) dst(%dma_wait3A_426 : memref<4x80xi32, #tpu.memory_space<vmem>>)
        %dma_start3A_431 = arith.constant 0 : i32
        %dma_start3A_432 = arith.constant 0 : i32
        %dma_start3A_433 = arith.constant 0 : i32
        %dma_start3A_434 = arith.constant 0 : i32
        %dma_start3A_435 = arith.constant 0 : i32
        %dma_start3A_436 = tpu.memref_slice %arg9[%dma_start3A_433, %dma_start3A_434, %dma_start3A_435] : memref<2x80x128xf32, #tpu.memory_space<vmem>> -> memref<1x80x128xf32, #tpu.memory_space<vmem>>
        %dma_start3A_437 = tpu.memref_squeeze %dma_start3A_436 : memref<1x80x128xf32, #tpu.memory_space<vmem>> -> memref<80x128xf32, #tpu.memory_space<vmem>>
        %dma_start3A_438 = arith.constant 0 : i32
        %dma_start3A_439 = tpu.memref_slice %arg7[%dma_start3A_431, %dma_start3A_432, %dma_start3A_438] : memref<2x4x80xi32, #tpu.memory_space<vmem>> -> memref<1x1x80xi32, #tpu.memory_space<vmem>>
        %dma_start3A_440 = tpu.memref_squeeze %dma_start3A_439 : memref<1x1x80xi32, #tpu.memory_space<vmem>> -> memref<80xi32, #tpu.memory_space<vmem>>
        %dma_start3A_441 = arith.constant 0 : i32
        %dma_start3A_442 = arith.constant 0 : i32
        %dma_start3A_443 = tpu.memref_slice %arg4[%dma_start3A_441, %dma_start3A_442] : memref<10240x128xf32, #tpu.memory_space<hbm>> -> memref<10240x128xf32, #tpu.memory_space<hbm>>
        tpu.enqueue_indirect_dma source(%dma_start3A_443 : memref<10240x128xf32, #tpu.memory_space<hbm>>) target(%dma_start3A_437 : memref<80x128xf32, #tpu.memory_space<vmem>>) offsets(%dma_start3A_440 : memref<80xi32, #tpu.memory_space<vmem>>) semaphore(%arg11 : memref<!tpu.dma_semaphore, #tpu.memory_space<semaphore_mem>>)
      } else {
      }
      %dma_wait3A_374 = arith.constant 0 : i32
      %dma_wait3A_375 = arith.constant 0 : i32
      %dma_wait3A_376 = arith.constant 1 : i32
      %dma_wait3A_377 = arith.constant 0 : i32
      %dma_wait3A_378 = arith.constant 0 : i32
      %dma_wait3A_379 = tpu.memref_slice %arg9[%dma_wait3A_376, %dma_wait3A_377, %dma_wait3A_378] : memref<2x80x128xf32, #tpu.memory_space<vmem>> -> memref<1x80x128xf32, #tpu.memory_space<vmem>>
      %dma_wait3A_380 = tpu.memref_squeeze %dma_wait3A_379 : memref<1x80x128xf32, #tpu.memory_space<vmem>> -> memref<80x128xf32, #tpu.memory_space<vmem>>
      %dma_wait3A_381 = arith.constant 0 : i32
      %dma_wait3A_382 = tpu.memref_slice %arg7[%dma_wait3A_374, %dma_wait3A_375, %dma_wait3A_381] : memref<2x4x80xi32, #tpu.memory_space<vmem>> -> memref<1x1x80xi32, #tpu.memory_space<vmem>>
      %dma_wait3A_383 = tpu.memref_squeeze %dma_wait3A_382 : memref<1x1x80xi32, #tpu.memory_space<vmem>> -> memref<80xi32, #tpu.memory_space<vmem>>
      %dma_wait3A_384 = arith.constant 0 : i32
      %dma_wait3A_385 = arith.constant 0 : i32
      %dma_wait3A_386 = tpu.memref_slice %arg4[%dma_wait3A_384, %dma_wait3A_385] : memref<10240x128xf32, #tpu.memory_space<hbm>> -> memref<10240x128xf32, #tpu.memory_space<hbm>>
      tpu.wait_indirect_dma semaphore(%arg12 : memref<!tpu.dma_semaphore, #tpu.memory_space<semaphore_mem>>) src(%dma_wait3A_386 : memref<10240x128xf32, #tpu.memory_space<hbm>>) dst(%dma_wait3A_380 : memref<80x128xf32, #tpu.memory_space<vmem>>)
      %run_scoped3A_387 = arith.constant 1 : i32
      %run_scoped3A_388 = arith.constant 1 : i32
      %run_scoped3A_389 = arith.constant 3 : i32
      "tpu.region"() ({
        %run_scoped3A_397 = tpu.sem_alloc : memref<!tpu.dma_semaphore, #tpu.memory_space<semaphore_mem>>
        %dma_start3A_398 = arith.constant 0 : i32
        %dma_start3A_399 = arith.constant 0 : i32
        %dma_start3A_400 = tpu.memref_slice %arg9[%run_scoped3A_387, %dma_start3A_398, %dma_start3A_399] : memref<2x80x128xf32, #tpu.memory_space<vmem>> -> memref<1x80x128xf32, #tpu.memory_space<vmem>>
        %dma_start3A_401 = tpu.memref_squeeze %dma_start3A_400 : memref<1x80x128xf32, #tpu.memory_space<vmem>> -> memref<80x128xf32, #tpu.memory_space<vmem>>
        %dma_start3A_402 = arith.constant 0 : i32
        %dma_start3A_403 = tpu.memref_slice %arg8[%run_scoped3A_388, %run_scoped3A_389, %dma_start3A_402] : memref<2x4x80xi32, #tpu.memory_space<vmem>> -> memref<1x1x80xi32, #tpu.memory_space<vmem>>
        %dma_start3A_404 = tpu.memref_squeeze %dma_start3A_403 : memref<1x1x80xi32, #tpu.memory_space<vmem>> -> memref<80xi32, #tpu.memory_space<vmem>>
        %dma_start3A_405 = arith.constant 0 : i32
        %dma_start3A_406 = arith.constant 0 : i32
        %dma_start3A_407 = tpu.memref_slice %arg10[%dma_start3A_405, %dma_start3A_406] : memref<10240x128xf32, #tpu.memory_space<vmem_shared>> -> memref<10240x128xf32, #tpu.memory_space<vmem_shared>>
        tpu.enqueue_indirect_dma source(%dma_start3A_401 : memref<80x128xf32, #tpu.memory_space<vmem>>) target(%dma_start3A_407 : memref<10240x128xf32, #tpu.memory_space<vmem_shared>>) offsets(%dma_start3A_404 : memref<80xi32, #tpu.memory_space<vmem>>) semaphore(%run_scoped3A_397 : memref<!tpu.dma_semaphore, #tpu.memory_space<semaphore_mem>>) {add = true}
        %dma_wait3A_408 = arith.constant 0 : i32
        %dma_wait3A_409 = arith.constant 0 : i32
        %dma_wait3A_410 = tpu.memref_slice %arg9[%run_scoped3A_387, %dma_wait3A_408, %dma_wait3A_409] : memref<2x80x128xf32, #tpu.memory_space<vmem>> -> memref<1x80x128xf32, #tpu.memory_space<vmem>>
        %dma_wait3A_411 = tpu.memref_squeeze %dma_wait3A_410 : memref<1x80x128xf32, #tpu.memory_space<vmem>> -> memref<80x128xf32, #tpu.memory_space<vmem>>
        %dma_wait3A_412 = arith.constant 0 : i32
        %dma_wait3A_413 = tpu.memref_slice %arg8[%run_scoped3A_388, %run_scoped3A_389, %dma_wait3A_412] : memref<2x4x80xi32, #tpu.memory_space<vmem>> -> memref<1x1x80xi32, #tpu.memory_space<vmem>>
        %dma_wait3A_414 = tpu.memref_squeeze %dma_wait3A_413 : memref<1x1x80xi32, #tpu.memory_space<vmem>> -> memref<80xi32, #tpu.memory_space<vmem>>
        %dma_wait3A_415 = arith.constant 0 : i32
        %dma_wait3A_416 = arith.constant 0 : i32
        %dma_wait3A_417 = tpu.memref_slice %arg10[%dma_wait3A_415, %dma_wait3A_416] : memref<10240x128xf32, #tpu.memory_space<vmem_shared>> -> memref<10240x128xf32, #tpu.memory_space<vmem_shared>>
        tpu.wait_indirect_dma semaphore(%run_scoped3A_397 : memref<!tpu.dma_semaphore, #tpu.memory_space<semaphore_mem>>) src(%dma_wait3A_411 : memref<80x128xf32, #tpu.memory_space<vmem>>) dst(%dma_wait3A_417 : memref<10240x128xf32, #tpu.memory_space<vmem_shared>>)
        tpu.yield
      }) : () -> ()
      %add3A_390 = arith.constant 1 : i32
      %add3A_391 = arith.addi %scan3A_126, %add3A_390 : i32
      %lt3A_392 = arith.constant 16 : i32
      %lt3A_393 = arith.cmpi slt, %add3A_391, %lt3A_392 : i32
      %convert_element_type3A_394 = arith.extui %lt3A_393 : i1 to i32
      %cond3A_395 = arith.constant 0 : i32
      %cond3A_396 = arith.cmpi ne, %convert_element_type3A_394, %cond3A_395 : i32
      scf.if %cond3A_396 {
        %mul3A_397 = arith.constant 2 : i32
        %mul3A_398 = arith.muli %mul3A_397, %scan3A_126 : i32
        %add3A_399 = arith.constant 3 : i32
        %add3A_400 = arith.addi %mul3A_398, %add3A_399 : i32
        %mul3A_401 = arith.constant 4 : i32
        %mul3A_402 = arith.muli %add3A_400, %mul3A_401 : i32
        %dma_start3A_403 = arith.constant 1 : i32
        %dma_start3A_404 = arith.constant 0 : i32
        %dma_start3A_405 = arith.constant 0 : i32
        %dma_start3A_406 = tpu.memref_slice %arg7[%dma_start3A_403, %dma_start3A_404, %dma_start3A_405] : memref<2x4x80xi32, #tpu.memory_space<vmem>> -> memref<1x4x80xi32, #tpu.memory_space<vmem>>
        %dma_start3A_407 = tpu.memref_squeeze %dma_start3A_406 : memref<1x4x80xi32, #tpu.memory_space<vmem>> -> memref<4x80xi32, #tpu.memory_space<vmem>>
        %dma_start3A_408 = arith.constant 0 : i32
        %dma_start3A_409 = tpu.memref_slice %arg2[%add3A, %mul3A_402, %dma_start3A_408] : memref<32x128x80xi32, #tpu.memory_space<hbm>> -> memref<1x4x80xi32, #tpu.memory_space<hbm>>
        %dma_start3A_410 = tpu.memref_squeeze %dma_start3A_409 : memref<1x4x80xi32, #tpu.memory_space<hbm>> -> memref<4x80xi32, #tpu.memory_space<hbm>>
        %dma_start3A_411 = arith.constant 0 : i32
        %dma_start3A_412 = arith.constant 0 : i32
        %dma_start3A_413 = tpu.memref_slice %arg7[%dma_start3A_403, %dma_start3A_411, %dma_start3A_412] : memref<2x4x80xi32, #tpu.memory_space<vmem>> -> memref<1x4x80xi32, #tpu.memory_space<vmem>>
        %dma_start3A_414 = tpu.memref_squeeze %dma_start3A_413 : memref<1x4x80xi32, #tpu.memory_space<vmem>> -> memref<4x80xi32, #tpu.memory_space<vmem>>
        %dma_start3A_415 = arith.constant 0 : i32
        %dma_start3A_416 = tpu.memref_slice %arg2[%add3A, %mul3A_402, %dma_start3A_415] : memref<32x128x80xi32, #tpu.memory_space<hbm>> -> memref<1x4x80xi32, #tpu.memory_space<hbm>>
        %dma_start3A_417 = tpu.memref_squeeze %dma_start3A_416 : memref<1x4x80xi32, #tpu.memory_space<hbm>> -> memref<4x80xi32, #tpu.memory_space<hbm>>
        tpu.enqueue_dma source(%dma_start3A_417 : memref<4x80xi32, #tpu.memory_space<hbm>>) target(%dma_start3A_414 : memref<4x80xi32, #tpu.memory_space<vmem>>) target_semaphore(%arg16 : memref<!tpu.dma_semaphore, #tpu.memory_space<semaphore_mem>>)
        %mul3A_418 = arith.constant 4 : i32
        %mul3A_419 = arith.muli %add3A_400, %mul3A_418 : i32
        %dma_start3A_420 = arith.constant 1 : i32
        %dma_start3A_421 = arith.constant 0 : i32
        %dma_start3A_422 = arith.constant 0 : i32
        %dma_start3A_423 = tpu.memref_slice %arg8[%dma_start3A_420, %dma_start3A_421, %dma_start3A_422] : memref<2x4x80xi32, #tpu.memory_space<vmem>> -> memref<1x4x80xi32, #tpu.memory_space<vmem>>
        %dma_start3A_424 = tpu.memref_squeeze %dma_start3A_423 : memref<1x4x80xi32, #tpu.memory_space<vmem>> -> memref<4x80xi32, #tpu.memory_space<vmem>>
        %dma_start3A_425 = arith.constant 0 : i32
        %dma_start3A_426 = tpu.memref_slice %arg3[%add3A, %mul3A_419, %dma_start3A_425] : memref<32x128x80xi32, #tpu.memory_space<hbm>> -> memref<1x4x80xi32, #tpu.memory_space<hbm>>
        %dma_start3A_427 = tpu.memref_squeeze %dma_start3A_426 : memref<1x4x80xi32, #tpu.memory_space<hbm>> -> memref<4x80xi32, #tpu.memory_space<hbm>>
        %dma_start3A_428 = arith.constant 0 : i32
        %dma_start3A_429 = arith.constant 0 : i32
        %dma_start3A_430 = tpu.memref_slice %arg8[%dma_start3A_420, %dma_start3A_428, %dma_start3A_429] : memref<2x4x80xi32, #tpu.memory_space<vmem>> -> memref<1x4x80xi32, #tpu.memory_space<vmem>>
        %dma_start3A_431 = tpu.memref_squeeze %dma_start3A_430 : memref<1x4x80xi32, #tpu.memory_space<vmem>> -> memref<4x80xi32, #tpu.memory_space<vmem>>
        %dma_start3A_432 = arith.constant 0 : i32
        %dma_start3A_433 = tpu.memref_slice %arg3[%add3A, %mul3A_419, %dma_start3A_432] : memref<32x128x80xi32, #tpu.memory_space<hbm>> -> memref<1x4x80xi32, #tpu.memory_space<hbm>>
        %dma_start3A_434 = tpu.memref_squeeze %dma_start3A_433 : memref<1x4x80xi32, #tpu.memory_space<hbm>> -> memref<4x80xi32, #tpu.memory_space<hbm>>
        tpu.enqueue_dma source(%dma_start3A_434 : memref<4x80xi32, #tpu.memory_space<hbm>>) target(%dma_start3A_431 : memref<4x80xi32, #tpu.memory_space<vmem>>) target_semaphore(%arg16 : memref<!tpu.dma_semaphore, #tpu.memory_space<semaphore_mem>>)
      } else {
      }
    }
    %scan3A_120 = arith.constant 16 : i32
    %barrier3A_121 = arith.constant 0 : index
    tpu.barrier barrier_id(%barrier3A_121)
    %mul3A_122 = arith.constant 640 : i32
    %mul3A_123 = arith.muli %arg1, %mul3A_122 : i32
    %mul3A_124 = arith.constant 640 : i32
    %mul3A_125 = arith.muli %arg1, %mul3A_124 : i32
    "tpu.region"() ({
      %run_scoped3A = tpu.sem_alloc : memref<!tpu.dma_semaphore, #tpu.memory_space<semaphore_mem>>
      %dma_start3A_126 = arith.constant 0 : i32
      %dma_start3A_127 = tpu.memref_slice %arg6[%arg0, %mul3A_125, %dma_start3A_126] : memref<2x10240x128xf32, #tpu.memory_space<hbm>> -> memref<1x640x128xf32, #tpu.memory_space<hbm>>
      %dma_start3A_128 = tpu.memref_squeeze %dma_start3A_127 : memref<1x640x128xf32, #tpu.memory_space<hbm>> -> memref<640x128xf32, #tpu.memory_space<hbm>>
      %dma_start3A_129 = arith.constant 0 : i32
      %dma_start3A_130 = tpu.memref_slice %arg10[%mul3A_123, %dma_start3A_129] : memref<10240x128xf32, #tpu.memory_space<vmem_shared>> -> memref<640x128xf32, #tpu.memory_space<vmem_shared>>
      tpu.enqueue_dma source(%dma_start3A_130 : memref<640x128xf32, #tpu.memory_space<vmem_shared>>) target(%dma_start3A_128 : memref<640x128xf32, #tpu.memory_space<hbm>>) target_semaphore(%run_scoped3A : memref<!tpu.dma_semaphore, #tpu.memory_space<semaphore_mem>>)
      %dma_wait3A_131 = arith.constant 0 : i32
      %dma_wait3A_132 = tpu.memref_slice %arg6[%arg0, %mul3A_125, %dma_wait3A_131] : memref<2x10240x128xf32, #tpu.memory_space<hbm>> -> memref<1x640x128xf32, #tpu.memory_space<hbm>>
      %dma_wait3A_133 = tpu.memref_squeeze %dma_wait3A_132 : memref<1x640x128xf32, #tpu.memory_space<hbm>> -> memref<640x128xf32, #tpu.memory_space<hbm>>
      %dma_wait3A_134 = arith.constant 0 : i32
      %dma_wait3A_135 = tpu.memref_slice %arg10[%mul3A_123, %dma_wait3A_134] : memref<10240x128xf32, #tpu.memory_space<vmem_shared>> -> memref<640x128xf32, #tpu.memory_space<vmem_shared>>
      tpu.wait_dma2 semaphore(%run_scoped3A : memref<!tpu.dma_semaphore, #tpu.memory_space<semaphore_mem>>) src(%dma_wait3A_135 : memref<640x128xf32, #tpu.memory_space<vmem_shared>>) dst(%dma_wait3A_133 : memref<640x128xf32, #tpu.memory_space<hbm>>)
      tpu.yield
    }) : () -> ()
    return
  }
}

#map = affine_map<(d0, d1) -> (0, 0, 0)>
#map1 = affine_map<(d0, d1) -> (0, 0)>
module attributes {stable_mosaic.version = 14 : i64} {
  func.func @spmm(%arg0: i32, %arg1: i32, %arg2: memref<32x128x80xi32, #tpu.memory_space<hbm>>, %arg3: memref<32x128x80xi32, #tpu.memory_space<hbm>>, %arg4: memref<10240x128xf32, #tpu.memory_space<hbm>>, %arg5: memref<16x640x128xf32, #tpu.memory_space<hbm>>, %arg6: memref<2x10240x128xf32, #tpu.memory_space<hbm>>, %arg7: memref<2x4x80xi32, #tpu.memory_space<vmem>>, %arg8: memref<2x4x80xi32, #tpu.memory_space<vmem>>, %arg9: memref<2x80x128xf32, #tpu.memory_space<vmem>>, %arg10: memref<10240x128xf32, #tpu.memory_space<vmem_shared>>, %arg11: memref<!tpu.dma_semaphore, #tpu.memory_space<semaphore_mem>>, %arg12: memref<!tpu.dma_semaphore, #tpu.memory_space<semaphore_mem>>, %arg13: memref<!tpu.dma_semaphore, #tpu.memory_space<semaphore_mem>>, %arg14: memref<!tpu.dma_semaphore, #tpu.memory_space<semaphore_mem>>, %arg15: memref<!tpu.dma_semaphore, #tpu.memory_space<semaphore_mem>>, %arg16: memref<!tpu.dma_semaphore, #tpu.memory_space<semaphore_mem>>) attributes {dimension_semantics = [#tpu.dimension_semantics<core_parallel>, #tpu.dimension_semantics<subcore_parallel>], iteration_bounds = array<i64: 2, 16>, scalar_prefetch = 0 : i64, scratch_operands = 10 : i64, tpu.core_type = #tpu.core_type<sc_vector_subcore>, window_params = [{transform_indices = #map}, {transform_indices = #map}, {transform_indices = #map1}, {transform_indices = #map}, {transform_indices = #map}]} {
    %mul3A = arith.constant 2 : i32
    %mul3A_0 = arith.muli %arg1, %mul3A : i32
    %add3A = arith.addi %mul3A_0, %arg0 : i32
    %mul3A_1 = arith.constant 640 : i32
    %mul3A_2 = arith.muli %arg1, %mul3A_1 : i32
    "tpu.region"() ({
      %run_scoped3A = tpu.sem_alloc : memref<!tpu.dma_semaphore, #tpu.memory_space<semaphore_mem>>
      %dma_start3A_126 = arith.constant 0 : i32
      %dma_start3A_127 = tpu.memref_slice %arg10[%mul3A_2, %dma_start3A_126] : memref<10240x128xf32, #tpu.memory_space<vmem_shared>> -> memref<640x128xf32, #tpu.memory_space<vmem_shared>>
      %dma_start3A_128 = arith.constant 0 : i32
      %dma_start3A_129 = arith.constant 0 : i32
      %dma_start3A_130 = tpu.memref_slice %arg5[%arg1, %dma_start3A_128, %dma_start3A_129] : memref<16x640x128xf32, #tpu.memory_space<hbm>> -> memref<1x640x128xf32, #tpu.memory_space<hbm>>
      %dma_start3A_131 = tpu.memref_squeeze %dma_start3A_130 : memref<1x640x128xf32, #tpu.memory_space<hbm>> -> memref<640x128xf32, #tpu.memory_space<hbm>>
      tpu.enqueue_dma source(%dma_start3A_131 : memref<640x128xf32, #tpu.memory_space<hbm>>) target(%dma_start3A_127 : memref<640x128xf32, #tpu.memory_space<vmem_shared>>) target_semaphore(%run_scoped3A : memref<!tpu.dma_semaphore, #tpu.memory_space<semaphore_mem>>)
      %dma_wait3A_132 = arith.constant 0 : i32
      %dma_wait3A_133 = tpu.memref_slice %arg10[%mul3A_2, %dma_wait3A_132] : memref<10240x128xf32, #tpu.memory_space<vmem_shared>> -> memref<640x128xf32, #tpu.memory_space<vmem_shared>>
      %dma_wait3A_134 = arith.constant 0 : i32
      %dma_wait3A_135 = arith.constant 0 : i32
      %dma_wait3A_136 = tpu.memref_slice %arg5[%arg1, %dma_wait3A_134, %dma_wait3A_135] : memref<16x640x128xf32, #tpu.memory_space<hbm>> -> memref<1x640x128xf32, #tpu.memory_space<hbm>>
      %dma_wait3A_137 = tpu.memref_squeeze %dma_wait3A_136 : memref<1x640x128xf32, #tpu.memory_space<hbm>> -> memref<640x128xf32, #tpu.memory_space<hbm>>
      tpu.wait_dma2 semaphore(%run_scoped3A : memref<!tpu.dma_semaphore, #tpu.memory_space<semaphore_mem>>) src(%dma_wait3A_137 : memref<640x128xf32, #tpu.memory_space<hbm>>) dst(%dma_wait3A_133 : memref<640x128xf32, #tpu.memory_space<vmem_shared>>)
      tpu.yield
    }) : () -> ()
    %barrier3A = arith.constant 0 : index
    tpu.barrier barrier_id(%barrier3A)
    %dma_start3A = arith.constant 0 : i32
    %dma_start3A_3 = arith.constant 0 : i32
    %dma_start3A_4 = arith.constant 0 : i32
    %dma_start3A_5 = tpu.memref_slice %arg7[%dma_start3A, %dma_start3A_3, %dma_start3A_4] : memref<2x4x80xi32, #tpu.memory_space<vmem>> -> memref<1x4x80xi32, #tpu.memory_space<vmem>>
    %dma_start3A_6 = tpu.memref_squeeze %dma_start3A_5 : memref<1x4x80xi32, #tpu.memory_space<vmem>> -> memref<4x80xi32, #tpu.memory_space<vmem>>
    %dma_start3A_7 = arith.constant 0 : i32
    %dma_start3A_8 = arith.constant 0 : i32
    %dma_start3A_9 = tpu.memref_slice %arg2[%add3A, %dma_start3A_7, %dma_start3A_8] : memref<32x128x80xi32, #tpu.memory_space<hbm>> -> memref<1x4x80xi32, #tpu.memory_space<hbm>>
    %dma_start3A_10 = tpu.memref_squeeze %dma_start3A_9 : memref<1x4x80xi32, #tpu.memory_space<hbm>> -> memref<4x80xi32, #tpu.memory_space<hbm>>
    %dma_start3A_11 = arith.constant 0 : i32
    %dma_start3A_12 = arith.constant 0 : i32
    %dma_start3A_13 = tpu.memref_slice %arg7[%dma_start3A, %dma_start3A_11, %dma_start3A_12] : memref<2x4x80xi32, #tpu.memory_space<vmem>> -> memref<1x4x80xi32, #tpu.memory_space<vmem>>
    %dma_start3A_14 = tpu.memref_squeeze %dma_start3A_13 : memref<1x4x80xi32, #tpu.memory_space<vmem>> -> memref<4x80xi32, #tpu.memory_space<vmem>>
    %dma_start3A_15 = arith.constant 0 : i32
    %dma_start3A_16 = arith.constant 0 : i32
    %dma_start3A_17 = tpu.memref_slice %arg2[%add3A, %dma_start3A_15, %dma_start3A_16] : memref<32x128x80xi32, #tpu.memory_space<hbm>> -> memref<1x4x80xi32, #tpu.memory_space<hbm>>
    %dma_start3A_18 = tpu.memref_squeeze %dma_start3A_17 : memref<1x4x80xi32, #tpu.memory_space<hbm>> -> memref<4x80xi32, #tpu.memory_space<hbm>>
    tpu.enqueue_dma source(%dma_start3A_18 : memref<4x80xi32, #tpu.memory_space<hbm>>) target(%dma_start3A_14 : memref<4x80xi32, #tpu.memory_space<vmem>>) target_semaphore(%arg15 : memref<!tpu.dma_semaphore, #tpu.memory_space<semaphore_mem>>)
    %dma_start3A_19 = arith.constant 0 : i32
    %dma_start3A_20 = arith.constant 0 : i32
    %dma_start3A_21 = arith.constant 0 : i32
    %dma_start3A_22 = tpu.memref_slice %arg8[%dma_start3A_19, %dma_start3A_20, %dma_start3A_21] : memref<2x4x80xi32, #tpu.memory_space<vmem>> -> memref<1x4x80xi32, #tpu.memory_space<vmem>>
    %dma_start3A_23 = tpu.memref_squeeze %dma_start3A_22 : memref<1x4x80xi32, #tpu.memory_space<vmem>> -> memref<4x80xi32, #tpu.memory_space<vmem>>
    %dma_start3A_24 = arith.constant 0 : i32
    %dma_start3A_25 = arith.constant 0 : i32
    %dma_start3A_26 = tpu.memref_slice %arg3[%add3A, %dma_start3A_24, %dma_start3A_25] : memref<32x128x80xi32, #tpu.memory_space<hbm>> -> memref<1x4x80xi32, #tpu.memory_space<hbm>>
    %dma_start3A_27 = tpu.memref_squeeze %dma_start3A_26 : memref<1x4x80xi32, #tpu.memory_space<hbm>> -> memref<4x80xi32, #tpu.memory_space<hbm>>
    %dma_start3A_28 = arith.constant 0 : i32
    %dma_start3A_29 = arith.constant 0 : i32
    %dma_start3A_30 = tpu.memref_slice %arg8[%dma_start3A_19, %dma_start3A_28, %dma_start3A_29] : memref<2x4x80xi32, #tpu.memory_space<vmem>> -> memref<1x4x80xi32, #tpu.memory_space<vmem>>
    %dma_start3A_31 = tpu.memref_squeeze %dma_start3A_30 : memref<1x4x80xi32, #tpu.memory_space<vmem>> -> memref<4x80xi32, #tpu.memory_space<vmem>>
    %dma_start3A_32 = arith.constant 0 : i32
    %dma_start3A_33 = arith.constant 0 : i32
    %dma_start3A_34 = tpu.memref_slice %arg3[%add3A, %dma_start3A_32, %dma_start3A_33] : memref<32x128x80xi32, #tpu.memory_space<hbm>> -> memref<1x4x80xi32, #tpu.memory_space<hbm>>
    %dma_start3A_35 = tpu.memref_squeeze %dma_start3A_34 : memref<1x4x80xi32, #tpu.memory_space<hbm>> -> memref<4x80xi32, #tpu.memory_space<hbm>>
    tpu.enqueue_dma source(%dma_start3A_35 : memref<4x80xi32, #tpu.memory_space<hbm>>) target(%dma_start3A_31 : memref<4x80xi32, #tpu.memory_space<vmem>>) target_semaphore(%arg15 : memref<!tpu.dma_semaphore, #tpu.memory_space<semaphore_mem>>)
    %dma_wait3A = arith.constant 0 : i32
    %dma_wait3A_36 = arith.constant 0 : i32
    %dma_wait3A_37 = arith.constant 0 : i32
    %dma_wait3A_38 = tpu.memref_slice %arg7[%dma_wait3A, %dma_wait3A_36, %dma_wait3A_37] : memref<2x4x80xi32, #tpu.memory_space<vmem>> -> memref<1x4x80xi32, #tpu.memory_space<vmem>>
    %dma_wait3A_39 = tpu.memref_squeeze %dma_wait3A_38 : memref<1x4x80xi32, #tpu.memory_space<vmem>> -> memref<4x80xi32, #tpu.memory_space<vmem>>
    %dma_wait3A_40 = arith.constant 0 : i32
    %dma_wait3A_41 = arith.constant 0 : i32
    %dma_wait3A_42 = tpu.memref_slice %arg2[%add3A, %dma_wait3A_40, %dma_wait3A_41] : memref<32x128x80xi32, #tpu.memory_space<hbm>> -> memref<1x4x80xi32, #tpu.memory_space<hbm>>
    %dma_wait3A_43 = tpu.memref_squeeze %dma_wait3A_42 : memref<1x4x80xi32, #tpu.memory_space<hbm>> -> memref<4x80xi32, #tpu.memory_space<hbm>>
    %dma_wait3A_44 = arith.constant 0 : i32
    %dma_wait3A_45 = arith.constant 0 : i32
    %dma_wait3A_46 = tpu.memref_slice %arg7[%dma_wait3A, %dma_wait3A_44, %dma_wait3A_45] : memref<2x4x80xi32, #tpu.memory_space<vmem>> -> memref<1x4x80xi32, #tpu.memory_space<vmem>>
    %dma_wait3A_47 = tpu.memref_squeeze %dma_wait3A_46 : memref<1x4x80xi32, #tpu.memory_space<vmem>> -> memref<4x80xi32, #tpu.memory_space<vmem>>
    %dma_wait3A_48 = arith.constant 0 : i32
    %dma_wait3A_49 = arith.constant 0 : i32
    %dma_wait3A_50 = tpu.memref_slice %arg2[%add3A, %dma_wait3A_48, %dma_wait3A_49] : memref<32x128x80xi32, #tpu.memory_space<hbm>> -> memref<1x4x80xi32, #tpu.memory_space<hbm>>
    %dma_wait3A_51 = tpu.memref_squeeze %dma_wait3A_50 : memref<1x4x80xi32, #tpu.memory_space<hbm>> -> memref<4x80xi32, #tpu.memory_space<hbm>>
    tpu.wait_dma2 semaphore(%arg15 : memref<!tpu.dma_semaphore, #tpu.memory_space<semaphore_mem>>) src(%dma_wait3A_51 : memref<4x80xi32, #tpu.memory_space<hbm>>) dst(%dma_wait3A_47 : memref<4x80xi32, #tpu.memory_space<vmem>>)
    %dma_wait3A_52 = arith.constant 0 : i32
    %dma_wait3A_53 = arith.constant 0 : i32
    %dma_wait3A_54 = arith.constant 0 : i32
    %dma_wait3A_55 = tpu.memref_slice %arg8[%dma_wait3A_52, %dma_wait3A_53, %dma_wait3A_54] : memref<2x4x80xi32, #tpu.memory_space<vmem>> -> memref<1x4x80xi32, #tpu.memory_space<vmem>>
    %dma_wait3A_56 = tpu.memref_squeeze %dma_wait3A_55 : memref<1x4x80xi32, #tpu.memory_space<vmem>> -> memref<4x80xi32, #tpu.memory_space<vmem>>
    %dma_wait3A_57 = arith.constant 0 : i32
    %dma_wait3A_58 = arith.constant 0 : i32
    %dma_wait3A_59 = tpu.memref_slice %arg3[%add3A, %dma_wait3A_57, %dma_wait3A_58] : memref<32x128x80xi32, #tpu.memory_space<hbm>> -> memref<1x4x80xi32, #tpu.memory_space<hbm>>
    %dma_wait3A_60 = tpu.memref_squeeze %dma_wait3A_59 : memref<1x4x80xi32, #tpu.memory_space<hbm>> -> memref<4x80xi32, #tpu.memory_space<hbm>>
    %dma_wait3A_61 = arith.constant 0 : i32
    %dma_wait3A_62 = arith.constant 0 : i32
    %dma_wait3A_63 = tpu.memref_slice %arg8[%dma_wait3A_52, %dma_wait3A_61, %dma_wait3A_62] : memref<2x4x80xi32, #tpu.memory_space<vmem>> -> memref<1x4x80xi32, #tpu.memory_space<vmem>>
    %dma_wait3A_64 = tpu.memref_squeeze %dma_wait3A_63 : memref<1x4x80xi32, #tpu.memory_space<vmem>> -> memref<4x80xi32, #tpu.memory_space<vmem>>
    %dma_wait3A_65 = arith.constant 0 : i32
    %dma_wait3A_66 = arith.constant 0 : i32
    %dma_wait3A_67 = tpu.memref_slice %arg3[%add3A, %dma_wait3A_65, %dma_wait3A_66] : memref<32x128x80xi32, #tpu.memory_space<hbm>> -> memref<1x4x80xi32, #tpu.memory_space<hbm>>
    %dma_wait3A_68 = tpu.memref_squeeze %dma_wait3A_67 : memref<1x4x80xi32, #tpu.memory_space<hbm>> -> memref<4x80xi32, #tpu.memory_space<hbm>>
    tpu.wait_dma2 semaphore(%arg15 : memref<!tpu.dma_semaphore, #tpu.memory_space<semaphore_mem>>) src(%dma_wait3A_68 : memref<4x80xi32, #tpu.memory_space<hbm>>) dst(%dma_wait3A_64 : memref<4x80xi32, #tpu.memory_space<vmem>>)
    %dma_start3A_69 = arith.constant 1 : i32
    %dma_start3A_70 = arith.constant 0 : i32
    %dma_start3A_71 = arith.constant 0 : i32
    %dma_start3A_72 = tpu.memref_slice %arg7[%dma_start3A_69, %dma_start3A_70, %dma_start3A_71] : memref<2x4x80xi32, #tpu.memory_space<vmem>> -> memref<1x4x80xi32, #tpu.memory_space<vmem>>
    %dma_start3A_73 = tpu.memref_squeeze %dma_start3A_72 : memref<1x4x80xi32, #tpu.memory_space<vmem>> -> memref<4x80xi32, #tpu.memory_space<vmem>>
    %dma_start3A_74 = arith.constant 4 : i32
    %dma_start3A_75 = arith.constant 0 : i32
    %dma_start3A_76 = tpu.memref_slice %arg2[%add3A, %dma_start3A_74, %dma_start3A_75] : memref<32x128x80xi32, #tpu.memory_space<hbm>> -> memref<1x4x80xi32, #tpu.memory_space<hbm>>
    %dma_start3A_77 = tpu.memref_squeeze %dma_start3A_76 : memref<1x4x80xi32, #tpu.memory_space<hbm>> -> memref<4x80xi32, #tpu.memory_space<hbm>>
    %dma_start3A_78 = arith.constant 0 : i32
    %dma_start3A_79 = arith.constant 0 : i32
    %dma_start3A_80 = tpu.memref_slice %arg7[%dma_start3A_69, %dma_start3A_78, %dma_start3A_79] : memref<2x4x80xi32, #tpu.memory_space<vmem>> -> memref<1x4x80xi32, #tpu.memory_space<vmem>>
    %dma_start3A_81 = tpu.memref_squeeze %dma_start3A_80 : memref<1x4x80xi32, #tpu.memory_space<vmem>> -> memref<4x80xi32, #tpu.memory_space<vmem>>
    %dma_start3A_82 = arith.constant 4 : i32
    %dma_start3A_83 = arith.constant 0 : i32
    %dma_start3A_84 = tpu.memref_slice %arg2[%add3A, %dma_start3A_82, %dma_start3A_83] : memref<32x128x80xi32, #tpu.memory_space<hbm>> -> memref<1x4x80xi32, #tpu.memory_space<hbm>>
    %dma_start3A_85 = tpu.memref_squeeze %dma_start3A_84 : memref<1x4x80xi32, #tpu.memory_space<hbm>> -> memref<4x80xi32, #tpu.memory_space<hbm>>
    tpu.enqueue_dma source(%dma_start3A_85 : memref<4x80xi32, #tpu.memory_space<hbm>>) target(%dma_start3A_81 : memref<4x80xi32, #tpu.memory_space<vmem>>) target_semaphore(%arg16 : memref<!tpu.dma_semaphore, #tpu.memory_space<semaphore_mem>>)
    %dma_start3A_86 = arith.constant 1 : i32
    %dma_start3A_87 = arith.constant 0 : i32
    %dma_start3A_88 = arith.constant 0 : i32
    %dma_start3A_89 = tpu.memref_slice %arg8[%dma_start3A_86, %dma_start3A_87, %dma_start3A_88] : memref<2x4x80xi32, #tpu.memory_space<vmem>> -> memref<1x4x80xi32, #tpu.memory_space<vmem>>
    %dma_start3A_90 = tpu.memref_squeeze %dma_start3A_89 : memref<1x4x80xi32, #tpu.memory_space<vmem>> -> memref<4x80xi32, #tpu.memory_space<vmem>>
    %dma_start3A_91 = arith.constant 4 : i32
    %dma_start3A_92 = arith.constant 0 : i32
    %dma_start3A_93 = tpu.memref_slice %arg3[%add3A, %dma_start3A_91, %dma_start3A_92] : memref<32x128x80xi32, #tpu.memory_space<hbm>> -> memref<1x4x80xi32, #tpu.memory_space<hbm>>
    %dma_start3A_94 = tpu.memref_squeeze %dma_start3A_93 : memref<1x4x80xi32, #tpu.memory_space<hbm>> -> memref<4x80xi32, #tpu.memory_space<hbm>>
    %dma_start3A_95 = arith.constant 0 : i32
    %dma_start3A_96 = arith.constant 0 : i32
    %dma_start3A_97 = tpu.memref_slice %arg8[%dma_start3A_86, %dma_start3A_95, %dma_start3A_96] : memref<2x4x80xi32, #tpu.memory_space<vmem>> -> memref<1x4x80xi32, #tpu.memory_space<vmem>>
    %dma_start3A_98 = tpu.memref_squeeze %dma_start3A_97 : memref<1x4x80xi32, #tpu.memory_space<vmem>> -> memref<4x80xi32, #tpu.memory_space<vmem>>
    %dma_start3A_99 = arith.constant 4 : i32
    %dma_start3A_100 = arith.constant 0 : i32
    %dma_start3A_101 = tpu.memref_slice %arg3[%add3A, %dma_start3A_99, %dma_start3A_100] : memref<32x128x80xi32, #tpu.memory_space<hbm>> -> memref<1x4x80xi32, #tpu.memory_space<hbm>>
    %dma_start3A_102 = tpu.memref_squeeze %dma_start3A_101 : memref<1x4x80xi32, #tpu.memory_space<hbm>> -> memref<4x80xi32, #tpu.memory_space<hbm>>
    tpu.enqueue_dma source(%dma_start3A_102 : memref<4x80xi32, #tpu.memory_space<hbm>>) target(%dma_start3A_98 : memref<4x80xi32, #tpu.memory_space<vmem>>) target_semaphore(%arg16 : memref<!tpu.dma_semaphore, #tpu.memory_space<semaphore_mem>>)
    %dma_start3A_103 = arith.constant 0 : i32
    %dma_start3A_104 = arith.constant 0 : i32
    %dma_start3A_105 = arith.constant 0 : i32
    %dma_start3A_106 = arith.constant 0 : i32
    %dma_start3A_107 = arith.constant 0 : i32
    %dma_start3A_108 = tpu.memref_slice %arg9[%dma_start3A_105, %dma_start3A_106, %dma_start3A_107] : memref<2x80x128xf32, #tpu.memory_space<vmem>> -> memref<1x80x128xf32, #tpu.memory_space<vmem>>
    %dma_start3A_109 = tpu.memref_squeeze %dma_start3A_108 : memref<1x80x128xf32, #tpu.memory_space<vmem>> -> memref<80x128xf32, #tpu.memory_space<vmem>>
    %dma_start3A_110 = arith.constant 0 : i32
    %dma_start3A_111 = tpu.memref_slice %arg7[%dma_start3A_103, %dma_start3A_104, %dma_start3A_110] : memref<2x4x80xi32, #tpu.memory_space<vmem>> -> memref<1x1x80xi32, #tpu.memory_space<vmem>>
    %dma_start3A_112 = tpu.memref_squeeze %dma_start3A_111 : memref<1x1x80xi32, #tpu.memory_space<vmem>> -> memref<80xi32, #tpu.memory_space<vmem>>
    %dma_start3A_113 = arith.constant 0 : i32
    %dma_start3A_114 = arith.constant 0 : i32
    %dma_start3A_115 = tpu.memref_slice %arg4[%dma_start3A_113, %dma_start3A_114] : memref<10240x128xf32, #tpu.memory_space<hbm>> -> memref<10240x128xf32, #tpu.memory_space<hbm>>
    tpu.enqueue_indirect_dma source(%dma_start3A_115 : memref<10240x128xf32, #tpu.memory_space<hbm>>) target(%dma_start3A_109 : memref<80x128xf32, #tpu.memory_space<vmem>>) offsets(%dma_start3A_112 : memref<80xi32, #tpu.memory_space<vmem>>) semaphore(%arg11 : memref<!tpu.dma_semaphore, #tpu.memory_space<semaphore_mem>>)
    %scan3A = arith.constant 0 : i32
    %scan3A_116 = arith.constant 0 : i32
    %scan3A_117 = arith.constant 16 : i32
    %scan3A_118 = arith.addi %scan3A_116, %scan3A_117 : i32
    %scan3A_119 = arith.constant 1 : i32
    scf.for %scan3A_126 = %scan3A_116 to %scan3A_118 step %scan3A_119  : i32 {
      %dma_start3A_127 = arith.constant 0 : i32
      %dma_start3A_128 = arith.constant 1 : i32
      %dma_start3A_129 = arith.constant 1 : i32
      %dma_start3A_130 = arith.constant 0 : i32
      %dma_start3A_131 = arith.constant 0 : i32
      %dma_start3A_132 = tpu.memref_slice %arg9[%dma_start3A_129, %dma_start3A_130, %dma_start3A_131] : memref<2x80x128xf32, #tpu.memory_space<vmem>> -> memref<1x80x128xf32, #tpu.memory_space<vmem>>
      %dma_start3A_133 = tpu.memref_squeeze %dma_start3A_132 : memref<1x80x128xf32, #tpu.memory_space<vmem>> -> memref<80x128xf32, #tpu.memory_space<vmem>>
      %dma_start3A_134 = arith.constant 0 : i32
      %dma_start3A_135 = tpu.memref_slice %arg7[%dma_start3A_127, %dma_start3A_128, %dma_start3A_134] : memref<2x4x80xi32, #tpu.memory_space<vmem>> -> memref<1x1x80xi32, #tpu.memory_space<vmem>>
      %dma_start3A_136 = tpu.memref_squeeze %dma_start3A_135 : memref<1x1x80xi32, #tpu.memory_space<vmem>> -> memref<80xi32, #tpu.memory_space<vmem>>
      %dma_start3A_137 = arith.constant 0 : i32
      %dma_start3A_138 = arith.constant 0 : i32
      %dma_start3A_139 = tpu.memref_slice %arg4[%dma_start3A_137, %dma_start3A_138] : memref<10240x128xf32, #tpu.memory_space<hbm>> -> memref<10240x128xf32, #tpu.memory_space<hbm>>
      tpu.enqueue_indirect_dma source(%dma_start3A_139 : memref<10240x128xf32, #tpu.memory_space<hbm>>) target(%dma_start3A_133 : memref<80x128xf32, #tpu.memory_space<vmem>>) offsets(%dma_start3A_136 : memref<80xi32, #tpu.memory_space<vmem>>) semaphore(%arg12 : memref<!tpu.dma_semaphore, #tpu.memory_space<semaphore_mem>>)
      %dma_wait3A_140 = arith.constant 0 : i32
      %dma_wait3A_141 = arith.constant 0 : i32
      %dma_wait3A_142 = arith.constant 0 : i32
      %dma_wait3A_143 = arith.constant 0 : i32
      %dma_wait3A_144 = arith.constant 0 : i32
      %dma_wait3A_145 = tpu.memref_slice %arg9[%dma_wait3A_142, %dma_wait3A_143, %dma_wait3A_144] : memref<2x80x128xf32, #tpu.memory_space<vmem>> -> memref<1x80x128xf32, #tpu.memory_space<vmem>>
      %dma_wait3A_146 = tpu.memref_squeeze %dma_wait3A_145 : memref<1x80x128xf32, #tpu.memory_space<vmem>> -> memref<80x128xf32, #tpu.memory_space<vmem>>
      %dma_wait3A_147 = arith.constant 0 : i32
      %dma_wait3A_148 = tpu.memref_slice %arg7[%dma_wait3A_140, %dma_wait3A_141, %dma_wait3A_147] : memref<2x4x80xi32, #tpu.memory_space<vmem>> -> memref<1x1x80xi32, #tpu.memory_space<vmem>>
      %dma_wait3A_149 = tpu.memref_squeeze %dma_wait3A_148 : memref<1x1x80xi32, #tpu.memory_space<vmem>> -> memref<80xi32, #tpu.memory_space<vmem>>
      %dma_wait3A_150 = arith.constant 0 : i32
      %dma_wait3A_151 = arith.constant 0 : i32
      %dma_wait3A_152 = tpu.memref_slice %arg4[%dma_wait3A_150, %dma_wait3A_151] : memref<10240x128xf32, #tpu.memory_space<hbm>> -> memref<10240x128xf32, #tpu.memory_space<hbm>>
      tpu.wait_indirect_dma semaphore(%arg11 : memref<!tpu.dma_semaphore, #tpu.memory_space<semaphore_mem>>) src(%dma_wait3A_152 : memref<10240x128xf32, #tpu.memory_space<hbm>>) dst(%dma_wait3A_146 : memref<80x128xf32, #tpu.memory_space<vmem>>)
      %run_scoped3A = arith.constant 0 : i32
      %run_scoped3A_153 = arith.constant 0 : i32
      %run_scoped3A_154 = arith.constant 0 : i32
      "tpu.region"() ({
        %run_scoped3A_397 = tpu.sem_alloc : memref<!tpu.dma_semaphore, #tpu.memory_space<semaphore_mem>>
        %dma_start3A_398 = arith.constant 0 : i32
        %dma_start3A_399 = arith.constant 0 : i32
        %dma_start3A_400 = tpu.memref_slice %arg9[%run_scoped3A, %dma_start3A_398, %dma_start3A_399] : memref<2x80x128xf32, #tpu.memory_space<vmem>> -> memref<1x80x128xf32, #tpu.memory_space<vmem>>
        %dma_start3A_401 = tpu.memref_squeeze %dma_start3A_400 : memref<1x80x128xf32, #tpu.memory_space<vmem>> -> memref<80x128xf32, #tpu.memory_space<vmem>>
        %dma_start3A_402 = arith.constant 0 : i32
        %dma_start3A_403 = tpu.memref_slice %arg8[%run_scoped3A_153, %run_scoped3A_154, %dma_start3A_402] : memref<2x4x80xi32, #tpu.memory_space<vmem>> -> memref<1x1x80xi32, #tpu.memory_space<vmem>>
        %dma_start3A_404 = tpu.memref_squeeze %dma_start3A_403 : memref<1x1x80xi32, #tpu.memory_space<vmem>> -> memref<80xi32, #tpu.memory_space<vmem>>
        %dma_start3A_405 = arith.constant 0 : i32
        %dma_start3A_406 = arith.constant 0 : i32
        %dma_start3A_407 = tpu.memref_slice %arg10[%dma_start3A_405, %dma_start3A_406] : memref<10240x128xf32, #tpu.memory_space<vmem_shared>> -> memref<10240x128xf32, #tpu.memory_space<vmem_shared>>
        tpu.enqueue_indirect_dma source(%dma_start3A_401 : memref<80x128xf32, #tpu.memory_space<vmem>>) target(%dma_start3A_407 : memref<10240x128xf32, #tpu.memory_space<vmem_shared>>) offsets(%dma_start3A_404 : memref<80xi32, #tpu.memory_space<vmem>>) semaphore(%run_scoped3A_397 : memref<!tpu.dma_semaphore, #tpu.memory_space<semaphore_mem>>) {add = true}
        %dma_wait3A_408 = arith.constant 0 : i32
        %dma_wait3A_409 = arith.constant 0 : i32
        %dma_wait3A_410 = tpu.memref_slice %arg9[%run_scoped3A, %dma_wait3A_408, %dma_wait3A_409] : memref<2x80x128xf32, #tpu.memory_space<vmem>> -> memref<1x80x128xf32, #tpu.memory_space<vmem>>
        %dma_wait3A_411 = tpu.memref_squeeze %dma_wait3A_410 : memref<1x80x128xf32, #tpu.memory_space<vmem>> -> memref<80x128xf32, #tpu.memory_space<vmem>>
        %dma_wait3A_412 = arith.constant 0 : i32
        %dma_wait3A_413 = tpu.memref_slice %arg8[%run_scoped3A_153, %run_scoped3A_154, %dma_wait3A_412] : memref<2x4x80xi32, #tpu.memory_space<vmem>> -> memref<1x1x80xi32, #tpu.memory_space<vmem>>
        %dma_wait3A_414 = tpu.memref_squeeze %dma_wait3A_413 : memref<1x1x80xi32, #tpu.memory_space<vmem>> -> memref<80xi32, #tpu.memory_space<vmem>>
        %dma_wait3A_415 = arith.constant 0 : i32
        %dma_wait3A_416 = arith.constant 0 : i32
        %dma_wait3A_417 = tpu.memref_slice %arg10[%dma_wait3A_415, %dma_wait3A_416] : memref<10240x128xf32, #tpu.memory_space<vmem_shared>> -> memref<10240x128xf32, #tpu.memory_space<vmem_shared>>
        tpu.wait_indirect_dma semaphore(%run_scoped3A_397 : memref<!tpu.dma_semaphore, #tpu.memory_space<semaphore_mem>>) src(%dma_wait3A_411 : memref<80x128xf32, #tpu.memory_space<vmem>>) dst(%dma_wait3A_417 : memref<10240x128xf32, #tpu.memory_space<vmem_shared>>)
        tpu.yield
      }) : () -> ()
      %dma_start3A_155 = arith.constant 0 : i32
      %dma_start3A_156 = arith.constant 2 : i32
      %dma_start3A_157 = arith.constant 0 : i32
      %dma_start3A_158 = arith.constant 0 : i32
      %dma_start3A_159 = arith.constant 0 : i32
      %dma_start3A_160 = tpu.memref_slice %arg9[%dma_start3A_157, %dma_start3A_158, %dma_start3A_159] : memref<2x80x128xf32, #tpu.memory_space<vmem>> -> memref<1x80x128xf32, #tpu.memory_space<vmem>>
      %dma_start3A_161 = tpu.memref_squeeze %dma_start3A_160 : memref<1x80x128xf32, #tpu.memory_space<vmem>> -> memref<80x128xf32, #tpu.memory_space<vmem>>
      %dma_start3A_162 = arith.constant 0 : i32
      %dma_start3A_163 = tpu.memref_slice %arg7[%dma_start3A_155, %dma_start3A_156, %dma_start3A_162] : memref<2x4x80xi32, #tpu.memory_space<vmem>> -> memref<1x1x80xi32, #tpu.memory_space<vmem>>
      %dma_start3A_164 = tpu.memref_squeeze %dma_start3A_163 : memref<1x1x80xi32, #tpu.memory_space<vmem>> -> memref<80xi32, #tpu.memory_space<vmem>>
      %dma_start3A_165 = arith.constant 0 : i32
      %dma_start3A_166 = arith.constant 0 : i32
      %dma_start3A_167 = tpu.memref_slice %arg4[%dma_start3A_165, %dma_start3A_166] : memref<10240x128xf32, #tpu.memory_space<hbm>> -> memref<10240x128xf32, #tpu.memory_space<hbm>>
      tpu.enqueue_indirect_dma source(%dma_start3A_167 : memref<10240x128xf32, #tpu.memory_space<hbm>>) target(%dma_start3A_161 : memref<80x128xf32, #tpu.memory_space<vmem>>) offsets(%dma_start3A_164 : memref<80xi32, #tpu.memory_space<vmem>>) semaphore(%arg11 : memref<!tpu.dma_semaphore, #tpu.memory_space<semaphore_mem>>)
      %dma_wait3A_168 = arith.constant 0 : i32
      %dma_wait3A_169 = arith.constant 0 : i32
      %dma_wait3A_170 = arith.constant 1 : i32
      %dma_wait3A_171 = arith.constant 0 : i32
      %dma_wait3A_172 = arith.constant 0 : i32
      %dma_wait3A_173 = tpu.memref_slice %arg9[%dma_wait3A_170, %dma_wait3A_171, %dma_wait3A_172] : memref<2x80x128xf32, #tpu.memory_space<vmem>> -> memref<1x80x128xf32, #tpu.memory_space<vmem>>
      %dma_wait3A_174 = tpu.memref_squeeze %dma_wait3A_173 : memref<1x80x128xf32, #tpu.memory_space<vmem>> -> memref<80x128xf32, #tpu.memory_space<vmem>>
      %dma_wait3A_175 = arith.constant 0 : i32
      %dma_wait3A_176 = tpu.memref_slice %arg7[%dma_wait3A_168, %dma_wait3A_169, %dma_wait3A_175] : memref<2x4x80xi32, #tpu.memory_space<vmem>> -> memref<1x1x80xi32, #tpu.memory_space<vmem>>
      %dma_wait3A_177 = tpu.memref_squeeze %dma_wait3A_176 : memref<1x1x80xi32, #tpu.memory_space<vmem>> -> memref<80xi32, #tpu.memory_space<vmem>>
      %dma_wait3A_178 = arith.constant 0 : i32
      %dma_wait3A_179 = arith.constant 0 : i32
      %dma_wait3A_180 = tpu.memref_slice %arg4[%dma_wait3A_178, %dma_wait3A_179] : memref<10240x128xf32, #tpu.memory_space<hbm>> -> memref<10240x128xf32, #tpu.memory_space<hbm>>
      tpu.wait_indirect_dma semaphore(%arg12 : memref<!tpu.dma_semaphore, #tpu.memory_space<semaphore_mem>>) src(%dma_wait3A_180 : memref<10240x128xf32, #tpu.memory_space<hbm>>) dst(%dma_wait3A_174 : memref<80x128xf32, #tpu.memory_space<vmem>>)
      %run_scoped3A_181 = arith.constant 1 : i32
      %run_scoped3A_182 = arith.constant 0 : i32
      %run_scoped3A_183 = arith.constant 1 : i32
      "tpu.region"() ({
        %run_scoped3A_397 = tpu.sem_alloc : memref<!tpu.dma_semaphore, #tpu.memory_space<semaphore_mem>>
        %dma_start3A_398 = arith.constant 0 : i32
        %dma_start3A_399 = arith.constant 0 : i32
        %dma_start3A_400 = tpu.memref_slice %arg9[%run_scoped3A_181, %dma_start3A_398, %dma_start3A_399] : memref<2x80x128xf32, #tpu.memory_space<vmem>> -> memref<1x80x128xf32, #tpu.memory_space<vmem>>
        %dma_start3A_401 = tpu.memref_squeeze %dma_start3A_400 : memref<1x80x128xf32, #tpu.memory_space<vmem>> -> memref<80x128xf32, #tpu.memory_space<vmem>>
        %dma_start3A_402 = arith.constant 0 : i32
        %dma_start3A_403 = tpu.memref_slice %arg8[%run_scoped3A_182, %run_scoped3A_183, %dma_start3A_402] : memref<2x4x80xi32, #tpu.memory_space<vmem>> -> memref<1x1x80xi32, #tpu.memory_space<vmem>>
        %dma_start3A_404 = tpu.memref_squeeze %dma_start3A_403 : memref<1x1x80xi32, #tpu.memory_space<vmem>> -> memref<80xi32, #tpu.memory_space<vmem>>
        %dma_start3A_405 = arith.constant 0 : i32
        %dma_start3A_406 = arith.constant 0 : i32
        %dma_start3A_407 = tpu.memref_slice %arg10[%dma_start3A_405, %dma_start3A_406] : memref<10240x128xf32, #tpu.memory_space<vmem_shared>> -> memref<10240x128xf32, #tpu.memory_space<vmem_shared>>
        tpu.enqueue_indirect_dma source(%dma_start3A_401 : memref<80x128xf32, #tpu.memory_space<vmem>>) target(%dma_start3A_407 : memref<10240x128xf32, #tpu.memory_space<vmem_shared>>) offsets(%dma_start3A_404 : memref<80xi32, #tpu.memory_space<vmem>>) semaphore(%run_scoped3A_397 : memref<!tpu.dma_semaphore, #tpu.memory_space<semaphore_mem>>) {add = true}
        %dma_wait3A_408 = arith.constant 0 : i32
        %dma_wait3A_409 = arith.constant 0 : i32
        %dma_wait3A_410 = tpu.memref_slice %arg9[%run_scoped3A_181, %dma_wait3A_408, %dma_wait3A_409] : memref<2x80x128xf32, #tpu.memory_space<vmem>> -> memref<1x80x128xf32, #tpu.memory_space<vmem>>
        %dma_wait3A_411 = tpu.memref_squeeze %dma_wait3A_410 : memref<1x80x128xf32, #tpu.memory_space<vmem>> -> memref<80x128xf32, #tpu.memory_space<vmem>>
        %dma_wait3A_412 = arith.constant 0 : i32
        %dma_wait3A_413 = tpu.memref_slice %arg8[%run_scoped3A_182, %run_scoped3A_183, %dma_wait3A_412] : memref<2x4x80xi32, #tpu.memory_space<vmem>> -> memref<1x1x80xi32, #tpu.memory_space<vmem>>
        %dma_wait3A_414 = tpu.memref_squeeze %dma_wait3A_413 : memref<1x1x80xi32, #tpu.memory_space<vmem>> -> memref<80xi32, #tpu.memory_space<vmem>>
        %dma_wait3A_415 = arith.constant 0 : i32
        %dma_wait3A_416 = arith.constant 0 : i32
        %dma_wait3A_417 = tpu.memref_slice %arg10[%dma_wait3A_415, %dma_wait3A_416] : memref<10240x128xf32, #tpu.memory_space<vmem_shared>> -> memref<10240x128xf32, #tpu.memory_space<vmem_shared>>
        tpu.wait_indirect_dma semaphore(%run_scoped3A_397 : memref<!tpu.dma_semaphore, #tpu.memory_space<semaphore_mem>>) src(%dma_wait3A_411 : memref<80x128xf32, #tpu.memory_space<vmem>>) dst(%dma_wait3A_417 : memref<10240x128xf32, #tpu.memory_space<vmem_shared>>)
        tpu.yield
      }) : () -> ()
      %dma_start3A_184 = arith.constant 0 : i32
      %dma_start3A_185 = arith.constant 3 : i32
      %dma_start3A_186 = arith.constant 1 : i32
      %dma_start3A_187 = arith.constant 0 : i32
      %dma_start3A_188 = arith.constant 0 : i32
      %dma_start3A_189 = tpu.memref_slice %arg9[%dma_start3A_186, %dma_start3A_187, %dma_start3A_188] : memref<2x80x128xf32, #tpu.memory_space<vmem>> -> memref<1x80x128xf32, #tpu.memory_space<vmem>>
      %dma_start3A_190 = tpu.memref_squeeze %dma_start3A_189 : memref<1x80x128xf32, #tpu.memory_space<vmem>> -> memref<80x128xf32, #tpu.memory_space<vmem>>
      %dma_start3A_191 = arith.constant 0 : i32
      %dma_start3A_192 = tpu.memref_slice %arg7[%dma_start3A_184, %dma_start3A_185, %dma_start3A_191] : memref<2x4x80xi32, #tpu.memory_space<vmem>> -> memref<1x1x80xi32, #tpu.memory_space<vmem>>
      %dma_start3A_193 = tpu.memref_squeeze %dma_start3A_192 : memref<1x1x80xi32, #tpu.memory_space<vmem>> -> memref<80xi32, #tpu.memory_space<vmem>>
      %dma_start3A_194 = arith.constant 0 : i32
      %dma_start3A_195 = arith.constant 0 : i32
      %dma_start3A_196 = tpu.memref_slice %arg4[%dma_start3A_194, %dma_start3A_195] : memref<10240x128xf32, #tpu.memory_space<hbm>> -> memref<10240x128xf32, #tpu.memory_space<hbm>>
      tpu.enqueue_indirect_dma source(%dma_start3A_196 : memref<10240x128xf32, #tpu.memory_space<hbm>>) target(%dma_start3A_190 : memref<80x128xf32, #tpu.memory_space<vmem>>) offsets(%dma_start3A_193 : memref<80xi32, #tpu.memory_space<vmem>>) semaphore(%arg12 : memref<!tpu.dma_semaphore, #tpu.memory_space<semaphore_mem>>)
      %dma_wait3A_197 = arith.constant 0 : i32
      %dma_wait3A_198 = arith.constant 0 : i32
      %dma_wait3A_199 = arith.constant 0 : i32
      %dma_wait3A_200 = arith.constant 0 : i32
      %dma_wait3A_201 = arith.constant 0 : i32
      %dma_wait3A_202 = tpu.memref_slice %arg9[%dma_wait3A_199, %dma_wait3A_200, %dma_wait3A_201] : memref<2x80x128xf32, #tpu.memory_space<vmem>> -> memref<1x80x128xf32, #tpu.memory_space<vmem>>
      %dma_wait3A_203 = tpu.memref_squeeze %dma_wait3A_202 : memref<1x80x128xf32, #tpu.memory_space<vmem>> -> memref<80x128xf32, #tpu.memory_space<vmem>>
      %dma_wait3A_204 = arith.constant 0 : i32
      %dma_wait3A_205 = tpu.memref_slice %arg7[%dma_wait3A_197, %dma_wait3A_198, %dma_wait3A_204] : memref<2x4x80xi32, #tpu.memory_space<vmem>> -> memref<1x1x80xi32, #tpu.memory_space<vmem>>
      %dma_wait3A_206 = tpu.memref_squeeze %dma_wait3A_205 : memref<1x1x80xi32, #tpu.memory_space<vmem>> -> memref<80xi32, #tpu.memory_space<vmem>>
      %dma_wait3A_207 = arith.constant 0 : i32
      %dma_wait3A_208 = arith.constant 0 : i32
      %dma_wait3A_209 = tpu.memref_slice %arg4[%dma_wait3A_207, %dma_wait3A_208] : memref<10240x128xf32, #tpu.memory_space<hbm>> -> memref<10240x128xf32, #tpu.memory_space<hbm>>
      tpu.wait_indirect_dma semaphore(%arg11 : memref<!tpu.dma_semaphore, #tpu.memory_space<semaphore_mem>>) src(%dma_wait3A_209 : memref<10240x128xf32, #tpu.memory_space<hbm>>) dst(%dma_wait3A_203 : memref<80x128xf32, #tpu.memory_space<vmem>>)
      %run_scoped3A_210 = arith.constant 0 : i32
      %run_scoped3A_211 = arith.constant 0 : i32
      %run_scoped3A_212 = arith.constant 2 : i32
      "tpu.region"() ({
        %run_scoped3A_397 = tpu.sem_alloc : memref<!tpu.dma_semaphore, #tpu.memory_space<semaphore_mem>>
        %dma_start3A_398 = arith.constant 0 : i32
        %dma_start3A_399 = arith.constant 0 : i32
        %dma_start3A_400 = tpu.memref_slice %arg9[%run_scoped3A_210, %dma_start3A_398, %dma_start3A_399] : memref<2x80x128xf32, #tpu.memory_space<vmem>> -> memref<1x80x128xf32, #tpu.memory_space<vmem>>
        %dma_start3A_401 = tpu.memref_squeeze %dma_start3A_400 : memref<1x80x128xf32, #tpu.memory_space<vmem>> -> memref<80x128xf32, #tpu.memory_space<vmem>>
        %dma_start3A_402 = arith.constant 0 : i32
        %dma_start3A_403 = tpu.memref_slice %arg8[%run_scoped3A_211, %run_scoped3A_212, %dma_start3A_402] : memref<2x4x80xi32, #tpu.memory_space<vmem>> -> memref<1x1x80xi32, #tpu.memory_space<vmem>>
        %dma_start3A_404 = tpu.memref_squeeze %dma_start3A_403 : memref<1x1x80xi32, #tpu.memory_space<vmem>> -> memref<80xi32, #tpu.memory_space<vmem>>
        %dma_start3A_405 = arith.constant 0 : i32
        %dma_start3A_406 = arith.constant 0 : i32
        %dma_start3A_407 = tpu.memref_slice %arg10[%dma_start3A_405, %dma_start3A_406] : memref<10240x128xf32, #tpu.memory_space<vmem_shared>> -> memref<10240x128xf32, #tpu.memory_space<vmem_shared>>
        tpu.enqueue_indirect_dma source(%dma_start3A_401 : memref<80x128xf32, #tpu.memory_space<vmem>>) target(%dma_start3A_407 : memref<10240x128xf32, #tpu.memory_space<vmem_shared>>) offsets(%dma_start3A_404 : memref<80xi32, #tpu.memory_space<vmem>>) semaphore(%run_scoped3A_397 : memref<!tpu.dma_semaphore, #tpu.memory_space<semaphore_mem>>) {add = true}
        %dma_wait3A_408 = arith.constant 0 : i32
        %dma_wait3A_409 = arith.constant 0 : i32
        %dma_wait3A_410 = tpu.memref_slice %arg9[%run_scoped3A_210, %dma_wait3A_408, %dma_wait3A_409] : memref<2x80x128xf32, #tpu.memory_space<vmem>> -> memref<1x80x128xf32, #tpu.memory_space<vmem>>
        %dma_wait3A_411 = tpu.memref_squeeze %dma_wait3A_410 : memref<1x80x128xf32, #tpu.memory_space<vmem>> -> memref<80x128xf32, #tpu.memory_space<vmem>>
        %dma_wait3A_412 = arith.constant 0 : i32
        %dma_wait3A_413 = tpu.memref_slice %arg8[%run_scoped3A_211, %run_scoped3A_212, %dma_wait3A_412] : memref<2x4x80xi32, #tpu.memory_space<vmem>> -> memref<1x1x80xi32, #tpu.memory_space<vmem>>
        %dma_wait3A_414 = tpu.memref_squeeze %dma_wait3A_413 : memref<1x1x80xi32, #tpu.memory_space<vmem>> -> memref<80xi32, #tpu.memory_space<vmem>>
        %dma_wait3A_415 = arith.constant 0 : i32
        %dma_wait3A_416 = arith.constant 0 : i32
        %dma_wait3A_417 = tpu.memref_slice %arg10[%dma_wait3A_415, %dma_wait3A_416] : memref<10240x128xf32, #tpu.memory_space<vmem_shared>> -> memref<10240x128xf32, #tpu.memory_space<vmem_shared>>
        tpu.wait_indirect_dma semaphore(%run_scoped3A_397 : memref<!tpu.dma_semaphore, #tpu.memory_space<semaphore_mem>>) src(%dma_wait3A_411 : memref<80x128xf32, #tpu.memory_space<vmem>>) dst(%dma_wait3A_417 : memref<10240x128xf32, #tpu.memory_space<vmem_shared>>)
        tpu.yield
      }) : () -> ()
      %dma_wait3A_213 = arith.constant 1 : i32
      %dma_wait3A_214 = arith.constant 0 : i32
      %dma_wait3A_215 = arith.constant 0 : i32
      %dma_wait3A_216 = tpu.memref_slice %arg7[%dma_wait3A_213, %dma_wait3A_214, %dma_wait3A_215] : memref<2x4x80xi32, #tpu.memory_space<vmem>> -> memref<1x4x80xi32, #tpu.memory_space<vmem>>
      %dma_wait3A_217 = tpu.memref_squeeze %dma_wait3A_216 : memref<1x4x80xi32, #tpu.memory_space<vmem>> -> memref<4x80xi32, #tpu.memory_space<vmem>>
      %dma_wait3A_218 = arith.constant 0 : i32
      %dma_wait3A_219 = arith.constant 0 : i32
      %dma_wait3A_220 = tpu.memref_slice %arg2[%add3A, %dma_wait3A_218, %dma_wait3A_219] : memref<32x128x80xi32, #tpu.memory_space<hbm>> -> memref<1x4x80xi32, #tpu.memory_space<hbm>>
      %dma_wait3A_221 = tpu.memref_squeeze %dma_wait3A_220 : memref<1x4x80xi32, #tpu.memory_space<hbm>> -> memref<4x80xi32, #tpu.memory_space<hbm>>
      %dma_wait3A_222 = arith.constant 0 : i32
      %dma_wait3A_223 = arith.constant 0 : i32
      %dma_wait3A_224 = tpu.memref_slice %arg7[%dma_wait3A_213, %dma_wait3A_222, %dma_wait3A_223] : memref<2x4x80xi32, #tpu.memory_space<vmem>> -> memref<1x4x80xi32, #tpu.memory_space<vmem>>
      %dma_wait3A_225 = tpu.memref_squeeze %dma_wait3A_224 : memref<1x4x80xi32, #tpu.memory_space<vmem>> -> memref<4x80xi32, #tpu.memory_space<vmem>>
      %dma_wait3A_226 = arith.constant 0 : i32
      %dma_wait3A_227 = arith.constant 0 : i32
      %dma_wait3A_228 = tpu.memref_slice %arg2[%add3A, %dma_wait3A_226, %dma_wait3A_227] : memref<32x128x80xi32, #tpu.memory_space<hbm>> -> memref<1x4x80xi32, #tpu.memory_space<hbm>>
      %dma_wait3A_229 = tpu.memref_squeeze %dma_wait3A_228 : memref<1x4x80xi32, #tpu.memory_space<hbm>> -> memref<4x80xi32, #tpu.memory_space<hbm>>
      tpu.wait_dma2 semaphore(%arg16 : memref<!tpu.dma_semaphore, #tpu.memory_space<semaphore_mem>>) src(%dma_wait3A_229 : memref<4x80xi32, #tpu.memory_space<hbm>>) dst(%dma_wait3A_225 : memref<4x80xi32, #tpu.memory_space<vmem>>)
      %dma_wait3A_230 = arith.constant 1 : i32
      %dma_wait3A_231 = arith.constant 0 : i32
      %dma_wait3A_232 = arith.constant 0 : i32
      %dma_wait3A_233 = tpu.memref_slice %arg8[%dma_wait3A_230, %dma_wait3A_231, %dma_wait3A_232] : memref<2x4x80xi32, #tpu.memory_space<vmem>> -> memref<1x4x80xi32, #tpu.memory_space<vmem>>
      %dma_wait3A_234 = tpu.memref_squeeze %dma_wait3A_233 : memref<1x4x80xi32, #tpu.memory_space<vmem>> -> memref<4x80xi32, #tpu.memory_space<vmem>>
      %dma_wait3A_235 = arith.constant 0 : i32
      %dma_wait3A_236 = arith.constant 0 : i32
      %dma_wait3A_237 = tpu.memref_slice %arg3[%add3A, %dma_wait3A_235, %dma_wait3A_236] : memref<32x128x80xi32, #tpu.memory_space<hbm>> -> memref<1x4x80xi32, #tpu.memory_space<hbm>>
      %dma_wait3A_238 = tpu.memref_squeeze %dma_wait3A_237 : memref<1x4x80xi32, #tpu.memory_space<hbm>> -> memref<4x80xi32, #tpu.memory_space<hbm>>
      %dma_wait3A_239 = arith.constant 0 : i32
      %dma_wait3A_240 = arith.constant 0 : i32
      %dma_wait3A_241 = tpu.memref_slice %arg8[%dma_wait3A_230, %dma_wait3A_239, %dma_wait3A_240] : memref<2x4x80xi32, #tpu.memory_space<vmem>> -> memref<1x4x80xi32, #tpu.memory_space<vmem>>
      %dma_wait3A_242 = tpu.memref_squeeze %dma_wait3A_241 : memref<1x4x80xi32, #tpu.memory_space<vmem>> -> memref<4x80xi32, #tpu.memory_space<vmem>>
      %dma_wait3A_243 = arith.constant 0 : i32
      %dma_wait3A_244 = arith.constant 0 : i32
      %dma_wait3A_245 = tpu.memref_slice %arg3[%add3A, %dma_wait3A_243, %dma_wait3A_244] : memref<32x128x80xi32, #tpu.memory_space<hbm>> -> memref<1x4x80xi32, #tpu.memory_space<hbm>>
      %dma_wait3A_246 = tpu.memref_squeeze %dma_wait3A_245 : memref<1x4x80xi32, #tpu.memory_space<hbm>> -> memref<4x80xi32, #tpu.memory_space<hbm>>
      tpu.wait_dma2 semaphore(%arg16 : memref<!tpu.dma_semaphore, #tpu.memory_space<semaphore_mem>>) src(%dma_wait3A_246 : memref<4x80xi32, #tpu.memory_space<hbm>>) dst(%dma_wait3A_242 : memref<4x80xi32, #tpu.memory_space<vmem>>)
      %dma_start3A_247 = arith.constant 1 : i32
      %dma_start3A_248 = arith.constant 0 : i32
      %dma_start3A_249 = arith.constant 0 : i32
      %dma_start3A_250 = arith.constant 0 : i32
      %dma_start3A_251 = arith.constant 0 : i32
      %dma_start3A_252 = tpu.memref_slice %arg9[%dma_start3A_249, %dma_start3A_250, %dma_start3A_251] : memref<2x80x128xf32, #tpu.memory_space<vmem>> -> memref<1x80x128xf32, #tpu.memory_space<vmem>>
      %dma_start3A_253 = tpu.memref_squeeze %dma_start3A_252 : memref<1x80x128xf32, #tpu.memory_space<vmem>> -> memref<80x128xf32, #tpu.memory_space<vmem>>
      %dma_start3A_254 = arith.constant 0 : i32
      %dma_start3A_255 = tpu.memref_slice %arg7[%dma_start3A_247, %dma_start3A_248, %dma_start3A_254] : memref<2x4x80xi32, #tpu.memory_space<vmem>> -> memref<1x1x80xi32, #tpu.memory_space<vmem>>
      %dma_start3A_256 = tpu.memref_squeeze %dma_start3A_255 : memref<1x1x80xi32, #tpu.memory_space<vmem>> -> memref<80xi32, #tpu.memory_space<vmem>>
      %dma_start3A_257 = arith.constant 0 : i32
      %dma_start3A_258 = arith.constant 0 : i32
      %dma_start3A_259 = tpu.memref_slice %arg4[%dma_start3A_257, %dma_start3A_258] : memref<10240x128xf32, #tpu.memory_space<hbm>> -> memref<10240x128xf32, #tpu.memory_space<hbm>>
      tpu.enqueue_indirect_dma source(%dma_start3A_259 : memref<10240x128xf32, #tpu.memory_space<hbm>>) target(%dma_start3A_253 : memref<80x128xf32, #tpu.memory_space<vmem>>) offsets(%dma_start3A_256 : memref<80xi32, #tpu.memory_space<vmem>>) semaphore(%arg11 : memref<!tpu.dma_semaphore, #tpu.memory_space<semaphore_mem>>)
      %dma_wait3A_260 = arith.constant 0 : i32
      %dma_wait3A_261 = arith.constant 0 : i32
      %dma_wait3A_262 = arith.constant 1 : i32
      %dma_wait3A_263 = arith.constant 0 : i32
      %dma_wait3A_264 = arith.constant 0 : i32
      %dma_wait3A_265 = tpu.memref_slice %arg9[%dma_wait3A_262, %dma_wait3A_263, %dma_wait3A_264] : memref<2x80x128xf32, #tpu.memory_space<vmem>> -> memref<1x80x128xf32, #tpu.memory_space<vmem>>
      %dma_wait3A_266 = tpu.memref_squeeze %dma_wait3A_265 : memref<1x80x128xf32, #tpu.memory_space<vmem>> -> memref<80x128xf32, #tpu.memory_space<vmem>>
      %dma_wait3A_267 = arith.constant 0 : i32
      %dma_wait3A_268 = tpu.memref_slice %arg7[%dma_wait3A_260, %dma_wait3A_261, %dma_wait3A_267] : memref<2x4x80xi32, #tpu.memory_space<vmem>> -> memref<1x1x80xi32, #tpu.memory_space<vmem>>
      %dma_wait3A_269 = tpu.memref_squeeze %dma_wait3A_268 : memref<1x1x80xi32, #tpu.memory_space<vmem>> -> memref<80xi32, #tpu.memory_space<vmem>>
      %dma_wait3A_270 = arith.constant 0 : i32
      %dma_wait3A_271 = arith.constant 0 : i32
      %dma_wait3A_272 = tpu.memref_slice %arg4[%dma_wait3A_270, %dma_wait3A_271] : memref<10240x128xf32, #tpu.memory_space<hbm>> -> memref<10240x128xf32, #tpu.memory_space<hbm>>
      tpu.wait_indirect_dma semaphore(%arg12 : memref<!tpu.dma_semaphore, #tpu.memory_space<semaphore_mem>>) src(%dma_wait3A_272 : memref<10240x128xf32, #tpu.memory_space<hbm>>) dst(%dma_wait3A_266 : memref<80x128xf32, #tpu.memory_space<vmem>>)
      %run_scoped3A_273 = arith.constant 1 : i32
      %run_scoped3A_274 = arith.constant 0 : i32
      %run_scoped3A_275 = arith.constant 3 : i32
      "tpu.region"() ({
        %run_scoped3A_397 = tpu.sem_alloc : memref<!tpu.dma_semaphore, #tpu.memory_space<semaphore_mem>>
        %dma_start3A_398 = arith.constant 0 : i32
        %dma_start3A_399 = arith.constant 0 : i32
        %dma_start3A_400 = tpu.memref_slice %arg9[%run_scoped3A_273, %dma_start3A_398, %dma_start3A_399] : memref<2x80x128xf32, #tpu.memory_space<vmem>> -> memref<1x80x128xf32, #tpu.memory_space<vmem>>
        %dma_start3A_401 = tpu.memref_squeeze %dma_start3A_400 : memref<1x80x128xf32, #tpu.memory_space<vmem>> -> memref<80x128xf32, #tpu.memory_space<vmem>>
        %dma_start3A_402 = arith.constant 0 : i32
        %dma_start3A_403 = tpu.memref_slice %arg8[%run_scoped3A_274, %run_scoped3A_275, %dma_start3A_402] : memref<2x4x80xi32, #tpu.memory_space<vmem>> -> memref<1x1x80xi32, #tpu.memory_space<vmem>>
        %dma_start3A_404 = tpu.memref_squeeze %dma_start3A_403 : memref<1x1x80xi32, #tpu.memory_space<vmem>> -> memref<80xi32, #tpu.memory_space<vmem>>
        %dma_start3A_405 = arith.constant 0 : i32
        %dma_start3A_406 = arith.constant 0 : i32
        %dma_start3A_407 = tpu.memref_slice %arg10[%dma_start3A_405, %dma_start3A_406] : memref<10240x128xf32, #tpu.memory_space<vmem_shared>> -> memref<10240x128xf32, #tpu.memory_space<vmem_shared>>
        tpu.enqueue_indirect_dma source(%dma_start3A_401 : memref<80x128xf32, #tpu.memory_space<vmem>>) target(%dma_start3A_407 : memref<10240x128xf32, #tpu.memory_space<vmem_shared>>) offsets(%dma_start3A_404 : memref<80xi32, #tpu.memory_space<vmem>>) semaphore(%run_scoped3A_397 : memref<!tpu.dma_semaphore, #tpu.memory_space<semaphore_mem>>) {add = true}
        %dma_wait3A_408 = arith.constant 0 : i32
        %dma_wait3A_409 = arith.constant 0 : i32
        %dma_wait3A_410 = tpu.memref_slice %arg9[%run_scoped3A_273, %dma_wait3A_408, %dma_wait3A_409] : memref<2x80x128xf32, #tpu.memory_space<vmem>> -> memref<1x80x128xf32, #tpu.memory_space<vmem>>
        %dma_wait3A_411 = tpu.memref_squeeze %dma_wait3A_410 : memref<1x80x128xf32, #tpu.memory_space<vmem>> -> memref<80x128xf32, #tpu.memory_space<vmem>>
        %dma_wait3A_412 = arith.constant 0 : i32
        %dma_wait3A_413 = tpu.memref_slice %arg8[%run_scoped3A_274, %run_scoped3A_275, %dma_wait3A_412] : memref<2x4x80xi32, #tpu.memory_space<vmem>> -> memref<1x1x80xi32, #tpu.memory_space<vmem>>
        %dma_wait3A_414 = tpu.memref_squeeze %dma_wait3A_413 : memref<1x1x80xi32, #tpu.memory_space<vmem>> -> memref<80xi32, #tpu.memory_space<vmem>>
        %dma_wait3A_415 = arith.constant 0 : i32
        %dma_wait3A_416 = arith.constant 0 : i32
        %dma_wait3A_417 = tpu.memref_slice %arg10[%dma_wait3A_415, %dma_wait3A_416] : memref<10240x128xf32, #tpu.memory_space<vmem_shared>> -> memref<10240x128xf32, #tpu.memory_space<vmem_shared>>
        tpu.wait_indirect_dma semaphore(%run_scoped3A_397 : memref<!tpu.dma_semaphore, #tpu.memory_space<semaphore_mem>>) src(%dma_wait3A_411 : memref<80x128xf32, #tpu.memory_space<vmem>>) dst(%dma_wait3A_417 : memref<10240x128xf32, #tpu.memory_space<vmem_shared>>)
        tpu.yield
      }) : () -> ()
      %add3A_276 = arith.constant 1 : i32
      %add3A_277 = arith.addi %scan3A_126, %add3A_276 : i32
      %lt3A = arith.constant 16 : i32
      %lt3A_278 = arith.cmpi slt, %add3A_277, %lt3A : i32
      %convert_element_type3A = arith.extui %lt3A_278 : i1 to i32
      %cond3A = arith.constant 0 : i32
      %cond3A_279 = arith.cmpi ne, %convert_element_type3A, %cond3A : i32
      scf.if %cond3A_279 {
        %mul3A_397 = arith.constant 2 : i32
        %mul3A_398 = arith.muli %mul3A_397, %scan3A_126 : i32
        %add3A_399 = arith.constant 2 : i32
        %add3A_400 = arith.addi %mul3A_398, %add3A_399 : i32
        %mul3A_401 = arith.constant 4 : i32
        %mul3A_402 = arith.muli %add3A_400, %mul3A_401 : i32
        %dma_start3A_403 = arith.constant 0 : i32
        %dma_start3A_404 = arith.constant 0 : i32
        %dma_start3A_405 = arith.constant 0 : i32
        %dma_start3A_406 = tpu.memref_slice %arg7[%dma_start3A_403, %dma_start3A_404, %dma_start3A_405] : memref<2x4x80xi32, #tpu.memory_space<vmem>> -> memref<1x4x80xi32, #tpu.memory_space<vmem>>
        %dma_start3A_407 = tpu.memref_squeeze %dma_start3A_406 : memref<1x4x80xi32, #tpu.memory_space<vmem>> -> memref<4x80xi32, #tpu.memory_space<vmem>>
        %dma_start3A_408 = arith.constant 0 : i32
        %dma_start3A_409 = tpu.memref_slice %arg2[%add3A, %mul3A_402, %dma_start3A_408] : memref<32x128x80xi32, #tpu.memory_space<hbm>> -> memref<1x4x80xi32, #tpu.memory_space<hbm>>
        %dma_start3A_410 = tpu.memref_squeeze %dma_start3A_409 : memref<1x4x80xi32, #tpu.memory_space<hbm>> -> memref<4x80xi32, #tpu.memory_space<hbm>>
        %dma_start3A_411 = arith.constant 0 : i32
        %dma_start3A_412 = arith.constant 0 : i32
        %dma_start3A_413 = tpu.memref_slice %arg7[%dma_start3A_403, %dma_start3A_411, %dma_start3A_412] : memref<2x4x80xi32, #tpu.memory_space<vmem>> -> memref<1x4x80xi32, #tpu.memory_space<vmem>>
        %dma_start3A_414 = tpu.memref_squeeze %dma_start3A_413 : memref<1x4x80xi32, #tpu.memory_space<vmem>> -> memref<4x80xi32, #tpu.memory_space<vmem>>
        %dma_start3A_415 = arith.constant 0 : i32
        %dma_start3A_416 = tpu.memref_slice %arg2[%add3A, %mul3A_402, %dma_start3A_415] : memref<32x128x80xi32, #tpu.memory_space<hbm>> -> memref<1x4x80xi32, #tpu.memory_space<hbm>>
        %dma_start3A_417 = tpu.memref_squeeze %dma_start3A_416 : memref<1x4x80xi32, #tpu.memory_space<hbm>> -> memref<4x80xi32, #tpu.memory_space<hbm>>
        tpu.enqueue_dma source(%dma_start3A_417 : memref<4x80xi32, #tpu.memory_space<hbm>>) target(%dma_start3A_414 : memref<4x80xi32, #tpu.memory_space<vmem>>) target_semaphore(%arg15 : memref<!tpu.dma_semaphore, #tpu.memory_space<semaphore_mem>>)
        %mul3A_418 = arith.constant 4 : i32
        %mul3A_419 = arith.muli %add3A_400, %mul3A_418 : i32
        %dma_start3A_420 = arith.constant 0 : i32
        %dma_start3A_421 = arith.constant 0 : i32
        %dma_start3A_422 = arith.constant 0 : i32
        %dma_start3A_423 = tpu.memref_slice %arg8[%dma_start3A_420, %dma_start3A_421, %dma_start3A_422] : memref<2x4x80xi32, #tpu.memory_space<vmem>> -> memref<1x4x80xi32, #tpu.memory_space<vmem>>
        %dma_start3A_424 = tpu.memref_squeeze %dma_start3A_423 : memref<1x4x80xi32, #tpu.memory_space<vmem>> -> memref<4x80xi32, #tpu.memory_space<vmem>>
        %dma_start3A_425 = arith.constant 0 : i32
        %dma_start3A_426 = tpu.memref_slice %arg3[%add3A, %mul3A_419, %dma_start3A_425] : memref<32x128x80xi32, #tpu.memory_space<hbm>> -> memref<1x4x80xi32, #tpu.memory_space<hbm>>
        %dma_start3A_427 = tpu.memref_squeeze %dma_start3A_426 : memref<1x4x80xi32, #tpu.memory_space<hbm>> -> memref<4x80xi32, #tpu.memory_space<hbm>>
        %dma_start3A_428 = arith.constant 0 : i32
        %dma_start3A_429 = arith.constant 0 : i32
        %dma_start3A_430 = tpu.memref_slice %arg8[%dma_start3A_420, %dma_start3A_428, %dma_start3A_429] : memref<2x4x80xi32, #tpu.memory_space<vmem>> -> memref<1x4x80xi32, #tpu.memory_space<vmem>>
        %dma_start3A_431 = tpu.memref_squeeze %dma_start3A_430 : memref<1x4x80xi32, #tpu.memory_space<vmem>> -> memref<4x80xi32, #tpu.memory_space<vmem>>
        %dma_start3A_432 = arith.constant 0 : i32
        %dma_start3A_433 = tpu.memref_slice %arg3[%add3A, %mul3A_419, %dma_start3A_432] : memref<32x128x80xi32, #tpu.memory_space<hbm>> -> memref<1x4x80xi32, #tpu.memory_space<hbm>>
        %dma_start3A_434 = tpu.memref_squeeze %dma_start3A_433 : memref<1x4x80xi32, #tpu.memory_space<hbm>> -> memref<4x80xi32, #tpu.memory_space<hbm>>
        tpu.enqueue_dma source(%dma_start3A_434 : memref<4x80xi32, #tpu.memory_space<hbm>>) target(%dma_start3A_431 : memref<4x80xi32, #tpu.memory_space<vmem>>) target_semaphore(%arg15 : memref<!tpu.dma_semaphore, #tpu.memory_space<semaphore_mem>>)
      } else {
      }
      %dma_start3A_280 = arith.constant 1 : i32
      %dma_start3A_281 = arith.constant 1 : i32
      %dma_start3A_282 = arith.constant 1 : i32
      %dma_start3A_283 = arith.constant 0 : i32
      %dma_start3A_284 = arith.constant 0 : i32
      %dma_start3A_285 = tpu.memref_slice %arg9[%dma_start3A_282, %dma_start3A_283, %dma_start3A_284] : memref<2x80x128xf32, #tpu.memory_space<vmem>> -> memref<1x80x128xf32, #tpu.memory_space<vmem>>
      %dma_start3A_286 = tpu.memref_squeeze %dma_start3A_285 : memref<1x80x128xf32, #tpu.memory_space<vmem>> -> memref<80x128xf32, #tpu.memory_space<vmem>>
      %dma_start3A_287 = arith.constant 0 : i32
      %dma_start3A_288 = tpu.memref_slice %arg7[%dma_start3A_280, %dma_start3A_281, %dma_start3A_287] : memref<2x4x80xi32, #tpu.memory_space<vmem>> -> memref<1x1x80xi32, #tpu.memory_space<vmem>>
      %dma_start3A_289 = tpu.memref_squeeze %dma_start3A_288 : memref<1x1x80xi32, #tpu.memory_space<vmem>> -> memref<80xi32, #tpu.memory_space<vmem>>
      %dma_start3A_290 = arith.constant 0 : i32
      %dma_start3A_291 = arith.constant 0 : i32
      %dma_start3A_292 = tpu.memref_slice %arg4[%dma_start3A_290, %dma_start3A_291] : memref<10240x128xf32, #tpu.memory_space<hbm>> -> memref<10240x128xf32, #tpu.memory_space<hbm>>
      tpu.enqueue_indirect_dma source(%dma_start3A_292 : memref<10240x128xf32, #tpu.memory_space<hbm>>) target(%dma_start3A_286 : memref<80x128xf32, #tpu.memory_space<vmem>>) offsets(%dma_start3A_289 : memref<80xi32, #tpu.memory_space<vmem>>) semaphore(%arg12 : memref<!tpu.dma_semaphore, #tpu.memory_space<semaphore_mem>>)
      %dma_wait3A_293 = arith.constant 0 : i32
      %dma_wait3A_294 = arith.constant 0 : i32
      %dma_wait3A_295 = arith.constant 0 : i32
      %dma_wait3A_296 = arith.constant 0 : i32
      %dma_wait3A_297 = arith.constant 0 : i32
      %dma_wait3A_298 = tpu.memref_slice %arg9[%dma_wait3A_295, %dma_wait3A_296, %dma_wait3A_297] : memref<2x80x128xf32, #tpu.memory_space<vmem>> -> memref<1x80x128xf32, #tpu.memory_space<vmem>>
      %dma_wait3A_299 = tpu.memref_squeeze %dma_wait3A_298 : memref<1x80x128xf32, #tpu.memory_space<vmem>> -> memref<80x128xf32, #tpu.memory_space<vmem>>
      %dma_wait3A_300 = arith.constant 0 : i32
      %dma_wait3A_301 = tpu.memref_slice %arg7[%dma_wait3A_293, %dma_wait3A_294, %dma_wait3A_300] : memref<2x4x80xi32, #tpu.memory_space<vmem>> -> memref<1x1x80xi32, #tpu.memory_space<vmem>>
      %dma_wait3A_302 = tpu.memref_squeeze %dma_wait3A_301 : memref<1x1x80xi32, #tpu.memory_space<vmem>> -> memref<80xi32, #tpu.memory_space<vmem>>
      %dma_wait3A_303 = arith.constant 0 : i32
      %dma_wait3A_304 = arith.constant 0 : i32
      %dma_wait3A_305 = tpu.memref_slice %arg4[%dma_wait3A_303, %dma_wait3A_304] : memref<10240x128xf32, #tpu.memory_space<hbm>> -> memref<10240x128xf32, #tpu.memory_space<hbm>>
      tpu.wait_indirect_dma semaphore(%arg11 : memref<!tpu.dma_semaphore, #tpu.memory_space<semaphore_mem>>) src(%dma_wait3A_305 : memref<10240x128xf32, #tpu.memory_space<hbm>>) dst(%dma_wait3A_299 : memref<80x128xf32, #tpu.memory_space<vmem>>)
      %run_scoped3A_306 = arith.constant 0 : i32
      %run_scoped3A_307 = arith.constant 1 : i32
      %run_scoped3A_308 = arith.constant 0 : i32
      "tpu.region"() ({
        %run_scoped3A_397 = tpu.sem_alloc : memref<!tpu.dma_semaphore, #tpu.memory_space<semaphore_mem>>
        %dma_start3A_398 = arith.constant 0 : i32
        %dma_start3A_399 = arith.constant 0 : i32
        %dma_start3A_400 = tpu.memref_slice %arg9[%run_scoped3A_306, %dma_start3A_398, %dma_start3A_399] : memref<2x80x128xf32, #tpu.memory_space<vmem>> -> memref<1x80x128xf32, #tpu.memory_space<vmem>>
        %dma_start3A_401 = tpu.memref_squeeze %dma_start3A_400 : memref<1x80x128xf32, #tpu.memory_space<vmem>> -> memref<80x128xf32, #tpu.memory_space<vmem>>
        %dma_start3A_402 = arith.constant 0 : i32
        %dma_start3A_403 = tpu.memref_slice %arg8[%run_scoped3A_307, %run_scoped3A_308, %dma_start3A_402] : memref<2x4x80xi32, #tpu.memory_space<vmem>> -> memref<1x1x80xi32, #tpu.memory_space<vmem>>
        %dma_start3A_404 = tpu.memref_squeeze %dma_start3A_403 : memref<1x1x80xi32, #tpu.memory_space<vmem>> -> memref<80xi32, #tpu.memory_space<vmem>>
        %dma_start3A_405 = arith.constant 0 : i32
        %dma_start3A_406 = arith.constant 0 : i32
        %dma_start3A_407 = tpu.memref_slice %arg10[%dma_start3A_405, %dma_start3A_406] : memref<10240x128xf32, #tpu.memory_space<vmem_shared>> -> memref<10240x128xf32, #tpu.memory_space<vmem_shared>>
        tpu.enqueue_indirect_dma source(%dma_start3A_401 : memref<80x128xf32, #tpu.memory_space<vmem>>) target(%dma_start3A_407 : memref<10240x128xf32, #tpu.memory_space<vmem_shared>>) offsets(%dma_start3A_404 : memref<80xi32, #tpu.memory_space<vmem>>) semaphore(%run_scoped3A_397 : memref<!tpu.dma_semaphore, #tpu.memory_space<semaphore_mem>>) {add = true}
        %dma_wait3A_408 = arith.constant 0 : i32
        %dma_wait3A_409 = arith.constant 0 : i32
        %dma_wait3A_410 = tpu.memref_slice %arg9[%run_scoped3A_306, %dma_wait3A_408, %dma_wait3A_409] : memref<2x80x128xf32, #tpu.memory_space<vmem>> -> memref<1x80x128xf32, #tpu.memory_space<vmem>>
        %dma_wait3A_411 = tpu.memref_squeeze %dma_wait3A_410 : memref<1x80x128xf32, #tpu.memory_space<vmem>> -> memref<80x128xf32, #tpu.memory_space<vmem>>
        %dma_wait3A_412 = arith.constant 0 : i32
        %dma_wait3A_413 = tpu.memref_slice %arg8[%run_scoped3A_307, %run_scoped3A_308, %dma_wait3A_412] : memref<2x4x80xi32, #tpu.memory_space<vmem>> -> memref<1x1x80xi32, #tpu.memory_space<vmem>>
        %dma_wait3A_414 = tpu.memref_squeeze %dma_wait3A_413 : memref<1x1x80xi32, #tpu.memory_space<vmem>> -> memref<80xi32, #tpu.memory_space<vmem>>
        %dma_wait3A_415 = arith.constant 0 : i32
        %dma_wait3A_416 = arith.constant 0 : i32
        %dma_wait3A_417 = tpu.memref_slice %arg10[%dma_wait3A_415, %dma_wait3A_416] : memref<10240x128xf32, #tpu.memory_space<vmem_shared>> -> memref<10240x128xf32, #tpu.memory_space<vmem_shared>>
        tpu.wait_indirect_dma semaphore(%run_scoped3A_397 : memref<!tpu.dma_semaphore, #tpu.memory_space<semaphore_mem>>) src(%dma_wait3A_411 : memref<80x128xf32, #tpu.memory_space<vmem>>) dst(%dma_wait3A_417 : memref<10240x128xf32, #tpu.memory_space<vmem_shared>>)
        tpu.yield
      }) : () -> ()
      %dma_start3A_309 = arith.constant 1 : i32
      %dma_start3A_310 = arith.constant 2 : i32
      %dma_start3A_311 = arith.constant 0 : i32
      %dma_start3A_312 = arith.constant 0 : i32
      %dma_start3A_313 = arith.constant 0 : i32
      %dma_start3A_314 = tpu.memref_slice %arg9[%dma_start3A_311, %dma_start3A_312, %dma_start3A_313] : memref<2x80x128xf32, #tpu.memory_space<vmem>> -> memref<1x80x128xf32, #tpu.memory_space<vmem>>
      %dma_start3A_315 = tpu.memref_squeeze %dma_start3A_314 : memref<1x80x128xf32, #tpu.memory_space<vmem>> -> memref<80x128xf32, #tpu.memory_space<vmem>>
      %dma_start3A_316 = arith.constant 0 : i32
      %dma_start3A_317 = tpu.memref_slice %arg7[%dma_start3A_309, %dma_start3A_310, %dma_start3A_316] : memref<2x4x80xi32, #tpu.memory_space<vmem>> -> memref<1x1x80xi32, #tpu.memory_space<vmem>>
      %dma_start3A_318 = tpu.memref_squeeze %dma_start3A_317 : memref<1x1x80xi32, #tpu.memory_space<vmem>> -> memref<80xi32, #tpu.memory_space<vmem>>
      %dma_start3A_319 = arith.constant 0 : i32
      %dma_start3A_320 = arith.constant 0 : i32
      %dma_start3A_321 = tpu.memref_slice %arg4[%dma_start3A_319, %dma_start3A_320] : memref<10240x128xf32, #tpu.memory_space<hbm>> -> memref<10240x128xf32, #tpu.memory_space<hbm>>
      tpu.enqueue_indirect_dma source(%dma_start3A_321 : memref<10240x128xf32, #tpu.memory_space<hbm>>) target(%dma_start3A_315 : memref<80x128xf32, #tpu.memory_space<vmem>>) offsets(%dma_start3A_318 : memref<80xi32, #tpu.memory_space<vmem>>) semaphore(%arg11 : memref<!tpu.dma_semaphore, #tpu.memory_space<semaphore_mem>>)
      %dma_wait3A_322 = arith.constant 0 : i32
      %dma_wait3A_323 = arith.constant 0 : i32
      %dma_wait3A_324 = arith.constant 1 : i32
      %dma_wait3A_325 = arith.constant 0 : i32
      %dma_wait3A_326 = arith.constant 0 : i32
      %dma_wait3A_327 = tpu.memref_slice %arg9[%dma_wait3A_324, %dma_wait3A_325, %dma_wait3A_326] : memref<2x80x128xf32, #tpu.memory_space<vmem>> -> memref<1x80x128xf32, #tpu.memory_space<vmem>>
      %dma_wait3A_328 = tpu.memref_squeeze %dma_wait3A_327 : memref<1x80x128xf32, #tpu.memory_space<vmem>> -> memref<80x128xf32, #tpu.memory_space<vmem>>
      %dma_wait3A_329 = arith.constant 0 : i32
      %dma_wait3A_330 = tpu.memref_slice %arg7[%dma_wait3A_322, %dma_wait3A_323, %dma_wait3A_329] : memref<2x4x80xi32, #tpu.memory_space<vmem>> -> memref<1x1x80xi32, #tpu.memory_space<vmem>>
      %dma_wait3A_331 = tpu.memref_squeeze %dma_wait3A_330 : memref<1x1x80xi32, #tpu.memory_space<vmem>> -> memref<80xi32, #tpu.memory_space<vmem>>
      %dma_wait3A_332 = arith.constant 0 : i32
      %dma_wait3A_333 = arith.constant 0 : i32
      %dma_wait3A_334 = tpu.memref_slice %arg4[%dma_wait3A_332, %dma_wait3A_333] : memref<10240x128xf32, #tpu.memory_space<hbm>> -> memref<10240x128xf32, #tpu.memory_space<hbm>>
      tpu.wait_indirect_dma semaphore(%arg12 : memref<!tpu.dma_semaphore, #tpu.memory_space<semaphore_mem>>) src(%dma_wait3A_334 : memref<10240x128xf32, #tpu.memory_space<hbm>>) dst(%dma_wait3A_328 : memref<80x128xf32, #tpu.memory_space<vmem>>)
      %run_scoped3A_335 = arith.constant 1 : i32
      %run_scoped3A_336 = arith.constant 1 : i32
      %run_scoped3A_337 = arith.constant 1 : i32
      "tpu.region"() ({
        %run_scoped3A_397 = tpu.sem_alloc : memref<!tpu.dma_semaphore, #tpu.memory_space<semaphore_mem>>
        %dma_start3A_398 = arith.constant 0 : i32
        %dma_start3A_399 = arith.constant 0 : i32
        %dma_start3A_400 = tpu.memref_slice %arg9[%run_scoped3A_335, %dma_start3A_398, %dma_start3A_399] : memref<2x80x128xf32, #tpu.memory_space<vmem>> -> memref<1x80x128xf32, #tpu.memory_space<vmem>>
        %dma_start3A_401 = tpu.memref_squeeze %dma_start3A_400 : memref<1x80x128xf32, #tpu.memory_space<vmem>> -> memref<80x128xf32, #tpu.memory_space<vmem>>
        %dma_start3A_402 = arith.constant 0 : i32
        %dma_start3A_403 = tpu.memref_slice %arg8[%run_scoped3A_336, %run_scoped3A_337, %dma_start3A_402] : memref<2x4x80xi32, #tpu.memory_space<vmem>> -> memref<1x1x80xi32, #tpu.memory_space<vmem>>
        %dma_start3A_404 = tpu.memref_squeeze %dma_start3A_403 : memref<1x1x80xi32, #tpu.memory_space<vmem>> -> memref<80xi32, #tpu.memory_space<vmem>>
        %dma_start3A_405 = arith.constant 0 : i32
        %dma_start3A_406 = arith.constant 0 : i32
        %dma_start3A_407 = tpu.memref_slice %arg10[%dma_start3A_405, %dma_start3A_406] : memref<10240x128xf32, #tpu.memory_space<vmem_shared>> -> memref<10240x128xf32, #tpu.memory_space<vmem_shared>>
        tpu.enqueue_indirect_dma source(%dma_start3A_401 : memref<80x128xf32, #tpu.memory_space<vmem>>) target(%dma_start3A_407 : memref<10240x128xf32, #tpu.memory_space<vmem_shared>>) offsets(%dma_start3A_404 : memref<80xi32, #tpu.memory_space<vmem>>) semaphore(%run_scoped3A_397 : memref<!tpu.dma_semaphore, #tpu.memory_space<semaphore_mem>>) {add = true}
        %dma_wait3A_408 = arith.constant 0 : i32
        %dma_wait3A_409 = arith.constant 0 : i32
        %dma_wait3A_410 = tpu.memref_slice %arg9[%run_scoped3A_335, %dma_wait3A_408, %dma_wait3A_409] : memref<2x80x128xf32, #tpu.memory_space<vmem>> -> memref<1x80x128xf32, #tpu.memory_space<vmem>>
        %dma_wait3A_411 = tpu.memref_squeeze %dma_wait3A_410 : memref<1x80x128xf32, #tpu.memory_space<vmem>> -> memref<80x128xf32, #tpu.memory_space<vmem>>
        %dma_wait3A_412 = arith.constant 0 : i32
        %dma_wait3A_413 = tpu.memref_slice %arg8[%run_scoped3A_336, %run_scoped3A_337, %dma_wait3A_412] : memref<2x4x80xi32, #tpu.memory_space<vmem>> -> memref<1x1x80xi32, #tpu.memory_space<vmem>>
        %dma_wait3A_414 = tpu.memref_squeeze %dma_wait3A_413 : memref<1x1x80xi32, #tpu.memory_space<vmem>> -> memref<80xi32, #tpu.memory_space<vmem>>
        %dma_wait3A_415 = arith.constant 0 : i32
        %dma_wait3A_416 = arith.constant 0 : i32
        %dma_wait3A_417 = tpu.memref_slice %arg10[%dma_wait3A_415, %dma_wait3A_416] : memref<10240x128xf32, #tpu.memory_space<vmem_shared>> -> memref<10240x128xf32, #tpu.memory_space<vmem_shared>>
        tpu.wait_indirect_dma semaphore(%run_scoped3A_397 : memref<!tpu.dma_semaphore, #tpu.memory_space<semaphore_mem>>) src(%dma_wait3A_411 : memref<80x128xf32, #tpu.memory_space<vmem>>) dst(%dma_wait3A_417 : memref<10240x128xf32, #tpu.memory_space<vmem_shared>>)
        tpu.yield
      }) : () -> ()
      %dma_start3A_338 = arith.constant 1 : i32
      %dma_start3A_339 = arith.constant 3 : i32
      %dma_start3A_340 = arith.constant 1 : i32
      %dma_start3A_341 = arith.constant 0 : i32
      %dma_start3A_342 = arith.constant 0 : i32
      %dma_start3A_343 = tpu.memref_slice %arg9[%dma_start3A_340, %dma_start3A_341, %dma_start3A_342] : memref<2x80x128xf32, #tpu.memory_space<vmem>> -> memref<1x80x128xf32, #tpu.memory_space<vmem>>
      %dma_start3A_344 = tpu.memref_squeeze %dma_start3A_343 : memref<1x80x128xf32, #tpu.memory_space<vmem>> -> memref<80x128xf32, #tpu.memory_space<vmem>>
      %dma_start3A_345 = arith.constant 0 : i32
      %dma_start3A_346 = tpu.memref_slice %arg7[%dma_start3A_338, %dma_start3A_339, %dma_start3A_345] : memref<2x4x80xi32, #tpu.memory_space<vmem>> -> memref<1x1x80xi32, #tpu.memory_space<vmem>>
      %dma_start3A_347 = tpu.memref_squeeze %dma_start3A_346 : memref<1x1x80xi32, #tpu.memory_space<vmem>> -> memref<80xi32, #tpu.memory_space<vmem>>
      %dma_start3A_348 = arith.constant 0 : i32
      %dma_start3A_349 = arith.constant 0 : i32
      %dma_start3A_350 = tpu.memref_slice %arg4[%dma_start3A_348, %dma_start3A_349] : memref<10240x128xf32, #tpu.memory_space<hbm>> -> memref<10240x128xf32, #tpu.memory_space<hbm>>
      tpu.enqueue_indirect_dma source(%dma_start3A_350 : memref<10240x128xf32, #tpu.memory_space<hbm>>) target(%dma_start3A_344 : memref<80x128xf32, #tpu.memory_space<vmem>>) offsets(%dma_start3A_347 : memref<80xi32, #tpu.memory_space<vmem>>) semaphore(%arg12 : memref<!tpu.dma_semaphore, #tpu.memory_space<semaphore_mem>>)
      %dma_wait3A_351 = arith.constant 0 : i32
      %dma_wait3A_352 = arith.constant 0 : i32
      %dma_wait3A_353 = arith.constant 0 : i32
      %dma_wait3A_354 = arith.constant 0 : i32
      %dma_wait3A_355 = arith.constant 0 : i32
      %dma_wait3A_356 = tpu.memref_slice %arg9[%dma_wait3A_353, %dma_wait3A_354, %dma_wait3A_355] : memref<2x80x128xf32, #tpu.memory_space<vmem>> -> memref<1x80x128xf32, #tpu.memory_space<vmem>>
      %dma_wait3A_357 = tpu.memref_squeeze %dma_wait3A_356 : memref<1x80x128xf32, #tpu.memory_space<vmem>> -> memref<80x128xf32, #tpu.memory_space<vmem>>
      %dma_wait3A_358 = arith.constant 0 : i32
      %dma_wait3A_359 = tpu.memref_slice %arg7[%dma_wait3A_351, %dma_wait3A_352, %dma_wait3A_358] : memref<2x4x80xi32, #tpu.memory_space<vmem>> -> memref<1x1x80xi32, #tpu.memory_space<vmem>>
      %dma_wait3A_360 = tpu.memref_squeeze %dma_wait3A_359 : memref<1x1x80xi32, #tpu.memory_space<vmem>> -> memref<80xi32, #tpu.memory_space<vmem>>
      %dma_wait3A_361 = arith.constant 0 : i32
      %dma_wait3A_362 = arith.constant 0 : i32
      %dma_wait3A_363 = tpu.memref_slice %arg4[%dma_wait3A_361, %dma_wait3A_362] : memref<10240x128xf32, #tpu.memory_space<hbm>> -> memref<10240x128xf32, #tpu.memory_space<hbm>>
      tpu.wait_indirect_dma semaphore(%arg11 : memref<!tpu.dma_semaphore, #tpu.memory_space<semaphore_mem>>) src(%dma_wait3A_363 : memref<10240x128xf32, #tpu.memory_space<hbm>>) dst(%dma_wait3A_357 : memref<80x128xf32, #tpu.memory_space<vmem>>)
      %run_scoped3A_364 = arith.constant 0 : i32
      %run_scoped3A_365 = arith.constant 1 : i32
      %run_scoped3A_366 = arith.constant 2 : i32
      "tpu.region"() ({
        %run_scoped3A_397 = tpu.sem_alloc : memref<!tpu.dma_semaphore, #tpu.memory_space<semaphore_mem>>
        %dma_start3A_398 = arith.constant 0 : i32
        %dma_start3A_399 = arith.constant 0 : i32
        %dma_start3A_400 = tpu.memref_slice %arg9[%run_scoped3A_364, %dma_start3A_398, %dma_start3A_399] : memref<2x80x128xf32, #tpu.memory_space<vmem>> -> memref<1x80x128xf32, #tpu.memory_space<vmem>>
        %dma_start3A_401 = tpu.memref_squeeze %dma_start3A_400 : memref<1x80x128xf32, #tpu.memory_space<vmem>> -> memref<80x128xf32, #tpu.memory_space<vmem>>
        %dma_start3A_402 = arith.constant 0 : i32
        %dma_start3A_403 = tpu.memref_slice %arg8[%run_scoped3A_365, %run_scoped3A_366, %dma_start3A_402] : memref<2x4x80xi32, #tpu.memory_space<vmem>> -> memref<1x1x80xi32, #tpu.memory_space<vmem>>
        %dma_start3A_404 = tpu.memref_squeeze %dma_start3A_403 : memref<1x1x80xi32, #tpu.memory_space<vmem>> -> memref<80xi32, #tpu.memory_space<vmem>>
        %dma_start3A_405 = arith.constant 0 : i32
        %dma_start3A_406 = arith.constant 0 : i32
        %dma_start3A_407 = tpu.memref_slice %arg10[%dma_start3A_405, %dma_start3A_406] : memref<10240x128xf32, #tpu.memory_space<vmem_shared>> -> memref<10240x128xf32, #tpu.memory_space<vmem_shared>>
        tpu.enqueue_indirect_dma source(%dma_start3A_401 : memref<80x128xf32, #tpu.memory_space<vmem>>) target(%dma_start3A_407 : memref<10240x128xf32, #tpu.memory_space<vmem_shared>>) offsets(%dma_start3A_404 : memref<80xi32, #tpu.memory_space<vmem>>) semaphore(%run_scoped3A_397 : memref<!tpu.dma_semaphore, #tpu.memory_space<semaphore_mem>>) {add = true}
        %dma_wait3A_408 = arith.constant 0 : i32
        %dma_wait3A_409 = arith.constant 0 : i32
        %dma_wait3A_410 = tpu.memref_slice %arg9[%run_scoped3A_364, %dma_wait3A_408, %dma_wait3A_409] : memref<2x80x128xf32, #tpu.memory_space<vmem>> -> memref<1x80x128xf32, #tpu.memory_space<vmem>>
        %dma_wait3A_411 = tpu.memref_squeeze %dma_wait3A_410 : memref<1x80x128xf32, #tpu.memory_space<vmem>> -> memref<80x128xf32, #tpu.memory_space<vmem>>
        %dma_wait3A_412 = arith.constant 0 : i32
        %dma_wait3A_413 = tpu.memref_slice %arg8[%run_scoped3A_365, %run_scoped3A_366, %dma_wait3A_412] : memref<2x4x80xi32, #tpu.memory_space<vmem>> -> memref<1x1x80xi32, #tpu.memory_space<vmem>>
        %dma_wait3A_414 = tpu.memref_squeeze %dma_wait3A_413 : memref<1x1x80xi32, #tpu.memory_space<vmem>> -> memref<80xi32, #tpu.memory_space<vmem>>
        %dma_wait3A_415 = arith.constant 0 : i32
        %dma_wait3A_416 = arith.constant 0 : i32
        %dma_wait3A_417 = tpu.memref_slice %arg10[%dma_wait3A_415, %dma_wait3A_416] : memref<10240x128xf32, #tpu.memory_space<vmem_shared>> -> memref<10240x128xf32, #tpu.memory_space<vmem_shared>>
        tpu.wait_indirect_dma semaphore(%run_scoped3A_397 : memref<!tpu.dma_semaphore, #tpu.memory_space<semaphore_mem>>) src(%dma_wait3A_411 : memref<80x128xf32, #tpu.memory_space<vmem>>) dst(%dma_wait3A_417 : memref<10240x128xf32, #tpu.memory_space<vmem_shared>>)
        tpu.yield
      }) : () -> ()
      %add3A_367 = arith.constant 1 : i32
      %add3A_368 = arith.addi %scan3A_126, %add3A_367 : i32
      %lt3A_369 = arith.constant 16 : i32
      %lt3A_370 = arith.cmpi slt, %add3A_368, %lt3A_369 : i32
      %convert_element_type3A_371 = arith.extui %lt3A_370 : i1 to i32
      %cond3A_372 = arith.constant 0 : i32
      %cond3A_373 = arith.cmpi ne, %convert_element_type3A_371, %cond3A_372 : i32
      scf.if %cond3A_373 {
        %dma_wait3A_397 = arith.constant 0 : i32
        %dma_wait3A_398 = arith.constant 0 : i32
        %dma_wait3A_399 = arith.constant 0 : i32
        %dma_wait3A_400 = tpu.memref_slice %arg7[%dma_wait3A_397, %dma_wait3A_398, %dma_wait3A_399] : memref<2x4x80xi32, #tpu.memory_space<vmem>> -> memref<1x4x80xi32, #tpu.memory_space<vmem>>
        %dma_wait3A_401 = tpu.memref_squeeze %dma_wait3A_400 : memref<1x4x80xi32, #tpu.memory_space<vmem>> -> memref<4x80xi32, #tpu.memory_space<vmem>>
        %dma_wait3A_402 = arith.constant 0 : i32
        %dma_wait3A_403 = arith.constant 0 : i32
        %dma_wait3A_404 = tpu.memref_slice %arg2[%add3A, %dma_wait3A_402, %dma_wait3A_403] : memref<32x128x80xi32, #tpu.memory_space<hbm>> -> memref<1x4x80xi32, #tpu.memory_space<hbm>>
        %dma_wait3A_405 = tpu.memref_squeeze %dma_wait3A_404 : memref<1x4x80xi32, #tpu.memory_space<hbm>> -> memref<4x80xi32, #tpu.memory_space<hbm>>
        %dma_wait3A_406 = arith.constant 0 : i32
        %dma_wait3A_407 = arith.constant 0 : i32
        %dma_wait3A_408 = tpu.memref_slice %arg7[%dma_wait3A_397, %dma_wait3A_406, %dma_wait3A_407] : memref<2x4x80xi32, #tpu.memory_space<vmem>> -> memref<1x4x80xi32, #tpu.memory_space<vmem>>
        %dma_wait3A_409 = tpu.memref_squeeze %dma_wait3A_408 : memref<1x4x80xi32, #tpu.memory_space<vmem>> -> memref<4x80xi32, #tpu.memory_space<vmem>>
        %dma_wait3A_410 = arith.constant 0 : i32
        %dma_wait3A_411 = arith.constant 0 : i32
        %dma_wait3A_412 = tpu.memref_slice %arg2[%add3A, %dma_wait3A_410, %dma_wait3A_411] : memref<32x128x80xi32, #tpu.memory_space<hbm>> -> memref<1x4x80xi32, #tpu.memory_space<hbm>>
        %dma_wait3A_413 = tpu.memref_squeeze %dma_wait3A_412 : memref<1x4x80xi32, #tpu.memory_space<hbm>> -> memref<4x80xi32, #tpu.memory_space<hbm>>
        tpu.wait_dma2 semaphore(%arg15 : memref<!tpu.dma_semaphore, #tpu.memory_space<semaphore_mem>>) src(%dma_wait3A_413 : memref<4x80xi32, #tpu.memory_space<hbm>>) dst(%dma_wait3A_409 : memref<4x80xi32, #tpu.memory_space<vmem>>)
        %dma_wait3A_414 = arith.constant 0 : i32
        %dma_wait3A_415 = arith.constant 0 : i32
        %dma_wait3A_416 = arith.constant 0 : i32
        %dma_wait3A_417 = tpu.memref_slice %arg8[%dma_wait3A_414, %dma_wait3A_415, %dma_wait3A_416] : memref<2x4x80xi32, #tpu.memory_space<vmem>> -> memref<1x4x80xi32, #tpu.memory_space<vmem>>
        %dma_wait3A_418 = tpu.memref_squeeze %dma_wait3A_417 : memref<1x4x80xi32, #tpu.memory_space<vmem>> -> memref<4x80xi32, #tpu.memory_space<vmem>>
        %dma_wait3A_419 = arith.constant 0 : i32
        %dma_wait3A_420 = arith.constant 0 : i32
        %dma_wait3A_421 = tpu.memref_slice %arg3[%add3A, %dma_wait3A_419, %dma_wait3A_420] : memref<32x128x80xi32, #tpu.memory_space<hbm>> -> memref<1x4x80xi32, #tpu.memory_space<hbm>>
        %dma_wait3A_422 = tpu.memref_squeeze %dma_wait3A_421 : memref<1x4x80xi32, #tpu.memory_space<hbm>> -> memref<4x80xi32, #tpu.memory_space<hbm>>
        %dma_wait3A_423 = arith.constant 0 : i32
        %dma_wait3A_424 = arith.constant 0 : i32
        %dma_wait3A_425 = tpu.memref_slice %arg8[%dma_wait3A_414, %dma_wait3A_423, %dma_wait3A_424] : memref<2x4x80xi32, #tpu.memory_space<vmem>> -> memref<1x4x80xi32, #tpu.memory_space<vmem>>
        %dma_wait3A_426 = tpu.memref_squeeze %dma_wait3A_425 : memref<1x4x80xi32, #tpu.memory_space<vmem>> -> memref<4x80xi32, #tpu.memory_space<vmem>>
        %dma_wait3A_427 = arith.constant 0 : i32
        %dma_wait3A_428 = arith.constant 0 : i32
        %dma_wait3A_429 = tpu.memref_slice %arg3[%add3A, %dma_wait3A_427, %dma_wait3A_428] : memref<32x128x80xi32, #tpu.memory_space<hbm>> -> memref<1x4x80xi32, #tpu.memory_space<hbm>>
        %dma_wait3A_430 = tpu.memref_squeeze %dma_wait3A_429 : memref<1x4x80xi32, #tpu.memory_space<hbm>> -> memref<4x80xi32, #tpu.memory_space<hbm>>
        tpu.wait_dma2 semaphore(%arg15 : memref<!tpu.dma_semaphore, #tpu.memory_space<semaphore_mem>>) src(%dma_wait3A_430 : memref<4x80xi32, #tpu.memory_space<hbm>>) dst(%dma_wait3A_426 : memref<4x80xi32, #tpu.memory_space<vmem>>)
        %dma_start3A_431 = arith.constant 0 : i32
        %dma_start3A_432 = arith.constant 0 : i32
        %dma_start3A_433 = arith.constant 0 : i32
        %dma_start3A_434 = arith.constant 0 : i32
        %dma_start3A_435 = arith.constant 0 : i32
        %dma_start3A_436 = tpu.memref_slice %arg9[%dma_start3A_433, %dma_start3A_434, %dma_start3A_435] : memref<2x80x128xf32, #tpu.memory_space<vmem>> -> memref<1x80x128xf32, #tpu.memory_space<vmem>>
        %dma_start3A_437 = tpu.memref_squeeze %dma_start3A_436 : memref<1x80x128xf32, #tpu.memory_space<vmem>> -> memref<80x128xf32, #tpu.memory_space<vmem>>
        %dma_start3A_438 = arith.constant 0 : i32
        %dma_start3A_439 = tpu.memref_slice %arg7[%dma_start3A_431, %dma_start3A_432, %dma_start3A_438] : memref<2x4x80xi32, #tpu.memory_space<vmem>> -> memref<1x1x80xi32, #tpu.memory_space<vmem>>
        %dma_start3A_440 = tpu.memref_squeeze %dma_start3A_439 : memref<1x1x80xi32, #tpu.memory_space<vmem>> -> memref<80xi32, #tpu.memory_space<vmem>>
        %dma_start3A_441 = arith.constant 0 : i32
        %dma_start3A_442 = arith.constant 0 : i32
        %dma_start3A_443 = tpu.memref_slice %arg4[%dma_start3A_441, %dma_start3A_442] : memref<10240x128xf32, #tpu.memory_space<hbm>> -> memref<10240x128xf32, #tpu.memory_space<hbm>>
        tpu.enqueue_indirect_dma source(%dma_start3A_443 : memref<10240x128xf32, #tpu.memory_space<hbm>>) target(%dma_start3A_437 : memref<80x128xf32, #tpu.memory_space<vmem>>) offsets(%dma_start3A_440 : memref<80xi32, #tpu.memory_space<vmem>>) semaphore(%arg11 : memref<!tpu.dma_semaphore, #tpu.memory_space<semaphore_mem>>)
      } else {
      }
      %dma_wait3A_374 = arith.constant 0 : i32
      %dma_wait3A_375 = arith.constant 0 : i32
      %dma_wait3A_376 = arith.constant 1 : i32
      %dma_wait3A_377 = arith.constant 0 : i32
      %dma_wait3A_378 = arith.constant 0 : i32
      %dma_wait3A_379 = tpu.memref_slice %arg9[%dma_wait3A_376, %dma_wait3A_377, %dma_wait3A_378] : memref<2x80x128xf32, #tpu.memory_space<vmem>> -> memref<1x80x128xf32, #tpu.memory_space<vmem>>
      %dma_wait3A_380 = tpu.memref_squeeze %dma_wait3A_379 : memref<1x80x128xf32, #tpu.memory_space<vmem>> -> memref<80x128xf32, #tpu.memory_space<vmem>>
      %dma_wait3A_381 = arith.constant 0 : i32
      %dma_wait3A_382 = tpu.memref_slice %arg7[%dma_wait3A_374, %dma_wait3A_375, %dma_wait3A_381] : memref<2x4x80xi32, #tpu.memory_space<vmem>> -> memref<1x1x80xi32, #tpu.memory_space<vmem>>
      %dma_wait3A_383 = tpu.memref_squeeze %dma_wait3A_382 : memref<1x1x80xi32, #tpu.memory_space<vmem>> -> memref<80xi32, #tpu.memory_space<vmem>>
      %dma_wait3A_384 = arith.constant 0 : i32
      %dma_wait3A_385 = arith.constant 0 : i32
      %dma_wait3A_386 = tpu.memref_slice %arg4[%dma_wait3A_384, %dma_wait3A_385] : memref<10240x128xf32, #tpu.memory_space<hbm>> -> memref<10240x128xf32, #tpu.memory_space<hbm>>
      tpu.wait_indirect_dma semaphore(%arg12 : memref<!tpu.dma_semaphore, #tpu.memory_space<semaphore_mem>>) src(%dma_wait3A_386 : memref<10240x128xf32, #tpu.memory_space<hbm>>) dst(%dma_wait3A_380 : memref<80x128xf32, #tpu.memory_space<vmem>>)
      %run_scoped3A_387 = arith.constant 1 : i32
      %run_scoped3A_388 = arith.constant 1 : i32
      %run_scoped3A_389 = arith.constant 3 : i32
      "tpu.region"() ({
        %run_scoped3A_397 = tpu.sem_alloc : memref<!tpu.dma_semaphore, #tpu.memory_space<semaphore_mem>>
        %dma_start3A_398 = arith.constant 0 : i32
        %dma_start3A_399 = arith.constant 0 : i32
        %dma_start3A_400 = tpu.memref_slice %arg9[%run_scoped3A_387, %dma_start3A_398, %dma_start3A_399] : memref<2x80x128xf32, #tpu.memory_space<vmem>> -> memref<1x80x128xf32, #tpu.memory_space<vmem>>
        %dma_start3A_401 = tpu.memref_squeeze %dma_start3A_400 : memref<1x80x128xf32, #tpu.memory_space<vmem>> -> memref<80x128xf32, #tpu.memory_space<vmem>>
        %dma_start3A_402 = arith.constant 0 : i32
        %dma_start3A_403 = tpu.memref_slice %arg8[%run_scoped3A_388, %run_scoped3A_389, %dma_start3A_402] : memref<2x4x80xi32, #tpu.memory_space<vmem>> -> memref<1x1x80xi32, #tpu.memory_space<vmem>>
        %dma_start3A_404 = tpu.memref_squeeze %dma_start3A_403 : memref<1x1x80xi32, #tpu.memory_space<vmem>> -> memref<80xi32, #tpu.memory_space<vmem>>
        %dma_start3A_405 = arith.constant 0 : i32
        %dma_start3A_406 = arith.constant 0 : i32
        %dma_start3A_407 = tpu.memref_slice %arg10[%dma_start3A_405, %dma_start3A_406] : memref<10240x128xf32, #tpu.memory_space<vmem_shared>> -> memref<10240x128xf32, #tpu.memory_space<vmem_shared>>
        tpu.enqueue_indirect_dma source(%dma_start3A_401 : memref<80x128xf32, #tpu.memory_space<vmem>>) target(%dma_start3A_407 : memref<10240x128xf32, #tpu.memory_space<vmem_shared>>) offsets(%dma_start3A_404 : memref<80xi32, #tpu.memory_space<vmem>>) semaphore(%run_scoped3A_397 : memref<!tpu.dma_semaphore, #tpu.memory_space<semaphore_mem>>) {add = true}
        %dma_wait3A_408 = arith.constant 0 : i32
        %dma_wait3A_409 = arith.constant 0 : i32
        %dma_wait3A_410 = tpu.memref_slice %arg9[%run_scoped3A_387, %dma_wait3A_408, %dma_wait3A_409] : memref<2x80x128xf32, #tpu.memory_space<vmem>> -> memref<1x80x128xf32, #tpu.memory_space<vmem>>
        %dma_wait3A_411 = tpu.memref_squeeze %dma_wait3A_410 : memref<1x80x128xf32, #tpu.memory_space<vmem>> -> memref<80x128xf32, #tpu.memory_space<vmem>>
        %dma_wait3A_412 = arith.constant 0 : i32
        %dma_wait3A_413 = tpu.memref_slice %arg8[%run_scoped3A_388, %run_scoped3A_389, %dma_wait3A_412] : memref<2x4x80xi32, #tpu.memory_space<vmem>> -> memref<1x1x80xi32, #tpu.memory_space<vmem>>
        %dma_wait3A_414 = tpu.memref_squeeze %dma_wait3A_413 : memref<1x1x80xi32, #tpu.memory_space<vmem>> -> memref<80xi32, #tpu.memory_space<vmem>>
        %dma_wait3A_415 = arith.constant 0 : i32
        %dma_wait3A_416 = arith.constant 0 : i32
        %dma_wait3A_417 = tpu.memref_slice %arg10[%dma_wait3A_415, %dma_wait3A_416] : memref<10240x128xf32, #tpu.memory_space<vmem_shared>> -> memref<10240x128xf32, #tpu.memory_space<vmem_shared>>
        tpu.wait_indirect_dma semaphore(%run_scoped3A_397 : memref<!tpu.dma_semaphore, #tpu.memory_space<semaphore_mem>>) src(%dma_wait3A_411 : memref<80x128xf32, #tpu.memory_space<vmem>>) dst(%dma_wait3A_417 : memref<10240x128xf32, #tpu.memory_space<vmem_shared>>)
        tpu.yield
      }) : () -> ()
      %add3A_390 = arith.constant 1 : i32
      %add3A_391 = arith.addi %scan3A_126, %add3A_390 : i32
      %lt3A_392 = arith.constant 16 : i32
      %lt3A_393 = arith.cmpi slt, %add3A_391, %lt3A_392 : i32
      %convert_element_type3A_394 = arith.extui %lt3A_393 : i1 to i32
      %cond3A_395 = arith.constant 0 : i32
      %cond3A_396 = arith.cmpi ne, %convert_element_type3A_394, %cond3A_395 : i32
      scf.if %cond3A_396 {
        %mul3A_397 = arith.constant 2 : i32
        %mul3A_398 = arith.muli %mul3A_397, %scan3A_126 : i32
        %add3A_399 = arith.constant 3 : i32
        %add3A_400 = arith.addi %mul3A_398, %add3A_399 : i32
        %mul3A_401 = arith.constant 4 : i32
        %mul3A_402 = arith.muli %add3A_400, %mul3A_401 : i32
        %dma_start3A_403 = arith.constant 1 : i32
        %dma_start3A_404 = arith.constant 0 : i32
        %dma_start3A_405 = arith.constant 0 : i32
        %dma_start3A_406 = tpu.memref_slice %arg7[%dma_start3A_403, %dma_start3A_404, %dma_start3A_405] : memref<2x4x80xi32, #tpu.memory_space<vmem>> -> memref<1x4x80xi32, #tpu.memory_space<vmem>>
        %dma_start3A_407 = tpu.memref_squeeze %dma_start3A_406 : memref<1x4x80xi32, #tpu.memory_space<vmem>> -> memref<4x80xi32, #tpu.memory_space<vmem>>
        %dma_start3A_408 = arith.constant 0 : i32
        %dma_start3A_409 = tpu.memref_slice %arg2[%add3A, %mul3A_402, %dma_start3A_408] : memref<32x128x80xi32, #tpu.memory_space<hbm>> -> memref<1x4x80xi32, #tpu.memory_space<hbm>>
        %dma_start3A_410 = tpu.memref_squeeze %dma_start3A_409 : memref<1x4x80xi32, #tpu.memory_space<hbm>> -> memref<4x80xi32, #tpu.memory_space<hbm>>
        %dma_start3A_411 = arith.constant 0 : i32
        %dma_start3A_412 = arith.constant 0 : i32
        %dma_start3A_413 = tpu.memref_slice %arg7[%dma_start3A_403, %dma_start3A_411, %dma_start3A_412] : memref<2x4x80xi32, #tpu.memory_space<vmem>> -> memref<1x4x80xi32, #tpu.memory_space<vmem>>
        %dma_start3A_414 = tpu.memref_squeeze %dma_start3A_413 : memref<1x4x80xi32, #tpu.memory_space<vmem>> -> memref<4x80xi32, #tpu.memory_space<vmem>>
        %dma_start3A_415 = arith.constant 0 : i32
        %dma_start3A_416 = tpu.memref_slice %arg2[%add3A, %mul3A_402, %dma_start3A_415] : memref<32x128x80xi32, #tpu.memory_space<hbm>> -> memref<1x4x80xi32, #tpu.memory_space<hbm>>
        %dma_start3A_417 = tpu.memref_squeeze %dma_start3A_416 : memref<1x4x80xi32, #tpu.memory_space<hbm>> -> memref<4x80xi32, #tpu.memory_space<hbm>>
        tpu.enqueue_dma source(%dma_start3A_417 : memref<4x80xi32, #tpu.memory_space<hbm>>) target(%dma_start3A_414 : memref<4x80xi32, #tpu.memory_space<vmem>>) target_semaphore(%arg16 : memref<!tpu.dma_semaphore, #tpu.memory_space<semaphore_mem>>)
        %mul3A_418 = arith.constant 4 : i32
        %mul3A_419 = arith.muli %add3A_400, %mul3A_418 : i32
        %dma_start3A_420 = arith.constant 1 : i32
        %dma_start3A_421 = arith.constant 0 : i32
        %dma_start3A_422 = arith.constant 0 : i32
        %dma_start3A_423 = tpu.memref_slice %arg8[%dma_start3A_420, %dma_start3A_421, %dma_start3A_422] : memref<2x4x80xi32, #tpu.memory_space<vmem>> -> memref<1x4x80xi32, #tpu.memory_space<vmem>>
        %dma_start3A_424 = tpu.memref_squeeze %dma_start3A_423 : memref<1x4x80xi32, #tpu.memory_space<vmem>> -> memref<4x80xi32, #tpu.memory_space<vmem>>
        %dma_start3A_425 = arith.constant 0 : i32
        %dma_start3A_426 = tpu.memref_slice %arg3[%add3A, %mul3A_419, %dma_start3A_425] : memref<32x128x80xi32, #tpu.memory_space<hbm>> -> memref<1x4x80xi32, #tpu.memory_space<hbm>>
        %dma_start3A_427 = tpu.memref_squeeze %dma_start3A_426 : memref<1x4x80xi32, #tpu.memory_space<hbm>> -> memref<4x80xi32, #tpu.memory_space<hbm>>
        %dma_start3A_428 = arith.constant 0 : i32
        %dma_start3A_429 = arith.constant 0 : i32
        %dma_start3A_430 = tpu.memref_slice %arg8[%dma_start3A_420, %dma_start3A_428, %dma_start3A_429] : memref<2x4x80xi32, #tpu.memory_space<vmem>> -> memref<1x4x80xi32, #tpu.memory_space<vmem>>
        %dma_start3A_431 = tpu.memref_squeeze %dma_start3A_430 : memref<1x4x80xi32, #tpu.memory_space<vmem>> -> memref<4x80xi32, #tpu.memory_space<vmem>>
        %dma_start3A_432 = arith.constant 0 : i32
        %dma_start3A_433 = tpu.memref_slice %arg3[%add3A, %mul3A_419, %dma_start3A_432] : memref<32x128x80xi32, #tpu.memory_space<hbm>> -> memref<1x4x80xi32, #tpu.memory_space<hbm>>
        %dma_start3A_434 = tpu.memref_squeeze %dma_start3A_433 : memref<1x4x80xi32, #tpu.memory_space<hbm>> -> memref<4x80xi32, #tpu.memory_space<hbm>>
        tpu.enqueue_dma source(%dma_start3A_434 : memref<4x80xi32, #tpu.memory_space<hbm>>) target(%dma_start3A_431 : memref<4x80xi32, #tpu.memory_space<vmem>>) target_semaphore(%arg16 : memref<!tpu.dma_semaphore, #tpu.memory_space<semaphore_mem>>)
      } else {
      }
    }
    %scan3A_120 = arith.constant 16 : i32
    %barrier3A_121 = arith.constant 0 : index
    tpu.barrier barrier_id(%barrier3A_121)
    %mul3A_122 = arith.constant 640 : i32
    %mul3A_123 = arith.muli %arg1, %mul3A_122 : i32
    %mul3A_124 = arith.constant 640 : i32
    %mul3A_125 = arith.muli %arg1, %mul3A_124 : i32
    "tpu.region"() ({
      %run_scoped3A = tpu.sem_alloc : memref<!tpu.dma_semaphore, #tpu.memory_space<semaphore_mem>>
      %dma_start3A_126 = arith.constant 0 : i32
      %dma_start3A_127 = tpu.memref_slice %arg6[%arg0, %mul3A_125, %dma_start3A_126] : memref<2x10240x128xf32, #tpu.memory_space<hbm>> -> memref<1x640x128xf32, #tpu.memory_space<hbm>>
      %dma_start3A_128 = tpu.memref_squeeze %dma_start3A_127 : memref<1x640x128xf32, #tpu.memory_space<hbm>> -> memref<640x128xf32, #tpu.memory_space<hbm>>
      %dma_start3A_129 = arith.constant 0 : i32
      %dma_start3A_130 = tpu.memref_slice %arg10[%mul3A_123, %dma_start3A_129] : memref<10240x128xf32, #tpu.memory_space<vmem_shared>> -> memref<640x128xf32, #tpu.memory_space<vmem_shared>>
      tpu.enqueue_dma source(%dma_start3A_130 : memref<640x128xf32, #tpu.memory_space<vmem_shared>>) target(%dma_start3A_128 : memref<640x128xf32, #tpu.memory_space<hbm>>) target_semaphore(%run_scoped3A : memref<!tpu.dma_semaphore, #tpu.memory_space<semaphore_mem>>)
      %dma_wait3A_131 = arith.constant 0 : i32
      %dma_wait3A_132 = tpu.memref_slice %arg6[%arg0, %mul3A_125, %dma_wait3A_131] : memref<2x10240x128xf32, #tpu.memory_space<hbm>> -> memref<1x640x128xf32, #tpu.memory_space<hbm>>
      %dma_wait3A_133 = tpu.memref_squeeze %dma_wait3A_132 : memref<1x640x128xf32, #tpu.memory_space<hbm>> -> memref<640x128xf32, #tpu.memory_space<hbm>>
      %dma_wait3A_134 = arith.constant 0 : i32
      %dma_wait3A_135 = tpu.memref_slice %arg10[%mul3A_123, %dma_wait3A_134] : memref<10240x128xf32, #tpu.memory_space<vmem_shared>> -> memref<640x128xf32, #tpu.memory_space<vmem_shared>>
      tpu.wait_dma2 semaphore(%run_scoped3A : memref<!tpu.dma_semaphore, #tpu.memory_space<semaphore_mem>>) src(%dma_wait3A_135 : memref<640x128xf32, #tpu.memory_space<vmem_shared>>) dst(%dma_wait3A_133 : memref<640x128xf32, #tpu.memory_space<hbm>>)
      tpu.yield
    }) : () -> ()
    return
  }
}

module attributes {stable_mosaic.version = 14 : i64} {
  func.func @body(%arg0: i32, %arg1: memref<2000x128xf32, #tpu.memory_space<vmem>>, %arg2: memref<128x128xf32, #tpu.memory_space<vmem>>, %arg3: memref<2000x1xf32, #tpu.memory_space<vmem>>, %arg4: memref<2000x128xf32, #tpu.memory_space<vmem>>) attributes {dimension_semantics = [#tpu.dimension_semantics<arbitrary>], iteration_bounds = array<i64: 5>, scalar_prefetch = 0 : i64, scratch_operands = 0 : i64, tpu.core_type = #tpu.core_type<tc>, window_params = [{transform_indices = @transform_0, window_bounds = array<i64: 2000, 128>}, {pipeline_mode = #tpu.pipeline_mode<synchronous>, transform_indices = @transform_1, window_bounds = array<i64: 128, 128>}, {transform_indices = @transform_2, window_bounds = array<i64: 2000, 1>}, {transform_indices = @transform_3, window_bounds = array<i64: 2000, 128>}]} {
    %get3A = arith.constant 0 : index
    %get3A_0 = arith.constant 0 : index
    %get3A_1 = vector.load %arg3[%get3A, %get3A_0] : memref<2000x1xf32, #tpu.memory_space<vmem>>, vector<2000x1xf32>
    %rsqrt3A = math.rsqrt %get3A_1 : vector<2000x1xf32>
    %broadcast_in_dim3A = vector.shape_cast %rsqrt3A : vector<2000x1xf32> to vector<2000x1xf32>
    %broadcast_in_dim3A_2 = vector.broadcast %broadcast_in_dim3A : vector<2000x1xf32> to vector<2000x128xf32>
    %get3A_3 = arith.constant 0 : index
    %get3A_4 = arith.constant 0 : index
    %get3A_5 = vector.load %arg1[%get3A_3, %get3A_4] : memref<2000x128xf32, #tpu.memory_space<vmem>>, vector<2000x128xf32>
    %get3A_6 = arith.constant 0 : index
    %get3A_7 = arith.constant 0 : index
    %get3A_8 = vector.load %arg2[%get3A_6, %get3A_7] : memref<128x128xf32, #tpu.memory_space<vmem>>, vector<128x128xf32>
    %dot_general3A = arith.constant dense<0.000000e+00> : vector<2000x128xf32>
    %dot_general3A_9 = tpu.matmul %get3A_5, %get3A_8, %dot_general3A {dimension_numbers = #tpu.dot_dimension_numbers<[1], [0], [0], [1], [0, 0, 1, 1], [], []>, transpose_lhs_hint = false} : vector<2000x128xf32>, vector<128x128xf32>, vector<2000x128xf32> -> vector<2000x128xf32>
    %mul3A = arith.mulf %dot_general3A_9, %broadcast_in_dim3A_2 : vector<2000x128xf32>
    %swap3A = arith.constant 0 : index
    %swap3A_10 = arith.constant 0 : index
    %swap3A_11 = vector.load %arg4[%swap3A, %swap3A_10] : memref<2000x128xf32, #tpu.memory_space<vmem>>, vector<2000x128xf32>
    tpu.vector_store %arg4[%swap3A, %swap3A_10], %mul3A {strides = array<i32>} : memref<2000x128xf32, #tpu.memory_space<vmem>>, vector<2000x128xf32>,
    return
  }
  func.func @transform_0(%arg0: i32) -> (i32, i32) {
    %c0_i32 = arith.constant 0 : i32
    %c0_i32_0 = arith.constant 0 : i32
    return %arg0, %c0_i32 : i32, i32
  }
  func.func @transform_1(%arg0: i32) -> (i32, i32) {
    %c0_i32 = arith.constant 0 : i32
    %c0_i32_0 = arith.constant 0 : i32
    %c0_i32_1 = arith.constant 0 : i32
    return %c0_i32, %c0_i32_0 : i32, i32
  }
  func.func @transform_2(%arg0: i32) -> (i32, i32) {
    %c0_i32 = arith.constant 0 : i32
    %c0_i32_0 = arith.constant 0 : i32
    return %arg0, %c0_i32 : i32, i32
  }
  func.func @transform_3(%arg0: i32) -> (i32, i32) {
    %c0_i32 = arith.constant 0 : i32
    %c0_i32_0 = arith.constant 0 : i32
    return %arg0, %c0_i32 : i32, i32
  }
}

module attributes {stable_mosaic.version = 14 : i64} {
  func.func @body(%arg0: i32, %arg1: memref<2x2000x128xf32, #tpu.memory_space<vmem>>, %arg2: memref<2000x128xf32, #tpu.memory_space<vmem>>, %arg3: memref<2000x1xf32, #tpu.memory_space<vmem>>, %arg4: memref<1x128xf32, #tpu.memory_space<vmem>>, %arg5: memref<1x128xf32, #tpu.memory_space<vmem>>, %arg6: memref<1x128xf32, #tpu.memory_space<vmem>>, %arg7: memref<128x128xf32, #tpu.memory_space<vmem>>, %arg8: memref<2000x128xf32, #tpu.memory_space<vmem>>) attributes {dimension_semantics = [#tpu.dimension_semantics<arbitrary>], iteration_bounds = array<i64: 5>, scalar_prefetch = 0 : i64, scratch_operands = 0 : i64, tpu.core_type = #tpu.core_type<tc>, window_params = [{transform_indices = @transform_0, window_bounds = array<i64: 2, 2000, 128>}, {transform_indices = @transform_1, window_bounds = array<i64: 2000, 128>}, {transform_indices = @transform_2, window_bounds = array<i64: 2000, 1>}, {pipeline_mode = #tpu.pipeline_mode<synchronous>, transform_indices = @transform_3, window_bounds = array<i64: 1, 128>}, {pipeline_mode = #tpu.pipeline_mode<synchronous>, transform_indices = @transform_4, window_bounds = array<i64: 1, 128>}, {pipeline_mode = #tpu.pipeline_mode<synchronous>, transform_indices = @transform_5, window_bounds = array<i64: 1, 128>}, {pipeline_mode = #tpu.pipeline_mode<synchronous>, transform_indices = @transform_6, window_bounds = array<i64: 128, 128>}, {transform_indices = @transform_7, window_bounds = array<i64: 2000, 128>}]} {
    %get3A = arith.constant 0 : index
    %get3A_0 = arith.constant 0 : index
    %get3A_1 = vector.load %arg3[%get3A, %get3A_0] : memref<2000x1xf32, #tpu.memory_space<vmem>>, vector<2000x1xf32>
    %rsqrt3A = math.rsqrt %get3A_1 : vector<2000x1xf32>
    %broadcast_in_dim3A = vector.shape_cast %rsqrt3A : vector<2000x1xf32> to vector<2000x1xf32>
    %broadcast_in_dim3A_2 = vector.broadcast %broadcast_in_dim3A : vector<2000x1xf32> to vector<2000x128xf32>
    %get3A_3 = arith.constant 0 : index
    %get3A_4 = arith.constant 0 : index
    %get3A_5 = arith.constant 0 : index
    %get3A_6 = vector.load %arg1[%get3A_3, %get3A_4, %get3A_5] : memref<2x2000x128xf32, #tpu.memory_space<vmem>>, vector<1x2000x128xf32>
    %get3A_7 = vector.shape_cast %get3A_6 : vector<1x2000x128xf32> to vector<2000x128xf32>
    %get3A_8 = arith.constant 1 : index
    %get3A_9 = arith.constant 0 : index
    %get3A_10 = arith.constant 0 : index
    %get3A_11 = vector.load %arg1[%get3A_8, %get3A_9, %get3A_10] : memref<2x2000x128xf32, #tpu.memory_space<vmem>>, vector<1x2000x128xf32>
    %get3A_12 = vector.shape_cast %get3A_11 : vector<1x2000x128xf32> to vector<2000x128xf32>
    %add3A = arith.addf %get3A_7, %get3A_12 : vector<2000x128xf32>
    %get3A_13 = arith.constant 0 : index
    %get3A_14 = arith.constant 0 : index
    %get3A_15 = vector.load %arg2[%get3A_13, %get3A_14] : memref<2000x128xf32, #tpu.memory_space<vmem>>, vector<2000x128xf32>
    %add3A_16 = arith.addf %add3A, %get3A_15 : vector<2000x128xf32>
    %mul3A = arith.mulf %add3A_16, %broadcast_in_dim3A_2 : vector<2000x128xf32>
    %get3A_17 = arith.constant 0 : index
    %get3A_18 = arith.constant 0 : index
    %get3A_19 = vector.load %arg4[%get3A_17, %get3A_18] : memref<1x128xf32, #tpu.memory_space<vmem>>, vector<1x128xf32>
    %add3A_20 = vector.broadcast %get3A_19 : vector<1x128xf32> to vector<2000x128xf32>
    %add3A_21 = arith.addf %mul3A, %add3A_20 : vector<2000x128xf32>
    %reduce_sum3A = arith.constant dense<0.000000e+00> : vector<2000xf32>
    %reduce_sum3A_22 = vector.multi_reduction <add>, %add3A_21, %reduce_sum3A [1] : vector<2000x128xf32> to vector<2000xf32>
    %broadcast_in_dim3A_23 = vector.shape_cast %reduce_sum3A_22 : vector<2000xf32> to vector<2000x1xf32>
    %div3A = arith.constant 1.280000e+02 : f32
    %div3A_24 = vector.broadcast %div3A : f32 to vector<2000x1xf32>
    %div3A_25 = arith.divf %broadcast_in_dim3A_23, %div3A_24 : vector<2000x1xf32>
    %sub3A = vector.broadcast %div3A_25 : vector<2000x1xf32> to vector<2000x128xf32>
    %sub3A_26 = arith.subf %add3A_21, %sub3A : vector<2000x128xf32>
    %mul3A_27 = arith.mulf %sub3A_26, %sub3A_26 : vector<2000x128xf32>
    %reduce_sum3A_28 = arith.constant dense<0.000000e+00> : vector<2000xf32>
    %reduce_sum3A_29 = vector.multi_reduction <add>, %mul3A_27, %reduce_sum3A_28 [1] : vector<2000x128xf32> to vector<2000xf32>
    %broadcast_in_dim3A_30 = vector.shape_cast %reduce_sum3A_29 : vector<2000xf32> to vector<2000x1xf32>
    %div3A_31 = arith.constant 1.280000e+02 : f32
    %div3A_32 = vector.broadcast %div3A_31 : f32 to vector<2000x1xf32>
    %div3A_33 = arith.divf %broadcast_in_dim3A_30, %div3A_32 : vector<2000x1xf32>
    %add3A_34 = arith.constant 9.99999974E-6 : f32
    %add3A_35 = vector.broadcast %add3A_34 : f32 to vector<2000x1xf32>
    %add3A_36 = arith.addf %div3A_33, %add3A_35 : vector<2000x1xf32>
    %rsqrt3A_37 = math.rsqrt %add3A_36 : vector<2000x1xf32>
    %mul3A_38 = vector.broadcast %rsqrt3A_37 : vector<2000x1xf32> to vector<2000x128xf32>
    %mul3A_39 = arith.mulf %sub3A_26, %mul3A_38 : vector<2000x128xf32>
    %get3A_40 = arith.constant 0 : index
    %get3A_41 = arith.constant 0 : index
    %get3A_42 = vector.load %arg5[%get3A_40, %get3A_41] : memref<1x128xf32, #tpu.memory_space<vmem>>, vector<1x128xf32>
    %mul3A_43 = vector.broadcast %get3A_42 : vector<1x128xf32> to vector<2000x128xf32>
    %mul3A_44 = arith.mulf %mul3A_39, %mul3A_43 : vector<2000x128xf32>
    %get3A_45 = arith.constant 0 : index
    %get3A_46 = arith.constant 0 : index
    %get3A_47 = vector.load %arg6[%get3A_45, %get3A_46] : memref<1x128xf32, #tpu.memory_space<vmem>>, vector<1x128xf32>
    %add3A_48 = vector.broadcast %get3A_47 : vector<1x128xf32> to vector<2000x128xf32>
    %add3A_49 = arith.addf %mul3A_44, %add3A_48 : vector<2000x128xf32>
    %max3A = arith.constant 0.000000e+00 : f32
    %max3A_50 = vector.broadcast %max3A : f32 to vector<2000x128xf32>
    %max3A_51 = arith.maximumf %add3A_49, %max3A_50 : vector<2000x128xf32>
    %get3A_52 = arith.constant 0 : index
    %get3A_53 = arith.constant 0 : index
    %get3A_54 = vector.load %arg7[%get3A_52, %get3A_53] : memref<128x128xf32, #tpu.memory_space<vmem>>, vector<128x128xf32>
    %dot_general3A = arith.constant dense<0.000000e+00> : vector<2000x128xf32>
    %dot_general3A_55 = tpu.matmul %max3A_51, %get3A_54, %dot_general3A {dimension_numbers = #tpu.dot_dimension_numbers<[1], [0], [0], [1], [0, 0, 1, 1], [], []>, transpose_lhs_hint = false} : vector<2000x128xf32>, vector<128x128xf32>, vector<2000x128xf32> -> vector<2000x128xf32>
    %mul3A_56 = arith.mulf %dot_general3A_55, %broadcast_in_dim3A_2 : vector<2000x128xf32>
    %swap3A = arith.constant 0 : index
    %swap3A_57 = arith.constant 0 : index
    %swap3A_58 = vector.load %arg8[%swap3A, %swap3A_57] : memref<2000x128xf32, #tpu.memory_space<vmem>>, vector<2000x128xf32>
    tpu.vector_store %arg8[%swap3A, %swap3A_57], %mul3A_56 {strides = array<i32>} : memref<2000x128xf32, #tpu.memory_space<vmem>>, vector<2000x128xf32>,
    return
  }
  func.func @transform_0(%arg0: i32) -> (i32, i32, i32) {
    %c0_i32 = arith.constant 0 : i32
    %c0_i32_0 = arith.constant 0 : i32
    %c0_i32_1 = arith.constant 0 : i32
    return %c0_i32, %arg0, %c0_i32_0 : i32, i32, i32
  }
  func.func @transform_1(%arg0: i32) -> (i32, i32) {
    %c0_i32 = arith.constant 0 : i32
    %c0_i32_0 = arith.constant 0 : i32
    return %arg0, %c0_i32 : i32, i32
  }
  func.func @transform_2(%arg0: i32) -> (i32, i32) {
    %c0_i32 = arith.constant 0 : i32
    %c0_i32_0 = arith.constant 0 : i32
    return %arg0, %c0_i32 : i32, i32
  }
  func.func @transform_3(%arg0: i32) -> (i32, i32) {
    %c0_i32 = arith.constant 0 : i32
    %c0_i32_0 = arith.constant 0 : i32
    %c0_i32_1 = arith.constant 0 : i32
    return %c0_i32, %c0_i32_0 : i32, i32
  }
  func.func @transform_4(%arg0: i32) -> (i32, i32) {
    %c0_i32 = arith.constant 0 : i32
    %c0_i32_0 = arith.constant 0 : i32
    %c0_i32_1 = arith.constant 0 : i32
    return %c0_i32, %c0_i32_0 : i32, i32
  }
  func.func @transform_5(%arg0: i32) -> (i32, i32) {
    %c0_i32 = arith.constant 0 : i32
    %c0_i32_0 = arith.constant 0 : i32
    %c0_i32_1 = arith.constant 0 : i32
    return %c0_i32, %c0_i32_0 : i32, i32
  }
  func.func @transform_6(%arg0: i32) -> (i32, i32) {
    %c0_i32 = arith.constant 0 : i32
    %c0_i32_0 = arith.constant 0 : i32
    %c0_i32_1 = arith.constant 0 : i32
    return %c0_i32, %c0_i32_0 : i32, i32
  }
  func.func @transform_7(%arg0: i32) -> (i32, i32) {
    %c0_i32 = arith.constant 0 : i32
    %c0_i32_0 = arith.constant 0 : i32
    return %arg0, %c0_i32 : i32, i32
  }
}

module attributes {stable_mosaic.version = 14 : i64} {
  func.func @body(%arg0: i32, %arg1: memref<2x2000x128xf32, #tpu.memory_space<vmem>>, %arg2: memref<2000x128xf32, #tpu.memory_space<vmem>>, %arg3: memref<2000x1xf32, #tpu.memory_space<vmem>>, %arg4: memref<1x128xf32, #tpu.memory_space<vmem>>, %arg5: memref<1x128xf32, #tpu.memory_space<vmem>>, %arg6: memref<1x128xf32, #tpu.memory_space<vmem>>, %arg7: memref<2000x1xi32, #tpu.memory_space<vmem>>, %arg8: memref<128x128xf32, #tpu.memory_space<vmem>>, %arg9: memref<1x128xf32, #tpu.memory_space<vmem>>, %arg10: memref<64x128xf32, #tpu.memory_space<vmem>>, %arg11: memref<64x128xf32, #tpu.memory_space<vmem>>, %arg12: memref<64x128xf32, #tpu.memory_space<vmem>>) attributes {dimension_semantics = [#tpu.dimension_semantics<arbitrary>], iteration_bounds = array<i64: 5>, scalar_prefetch = 0 : i64, scratch_operands = 2 : i64, tpu.core_type = #tpu.core_type<tc>, window_params = [{transform_indices = @transform_0, window_bounds = array<i64: 2, 2000, 128>}, {transform_indices = @transform_1, window_bounds = array<i64: 2000, 128>}, {transform_indices = @transform_2, window_bounds = array<i64: 2000, 1>}, {pipeline_mode = #tpu.pipeline_mode<synchronous>, transform_indices = @transform_3, window_bounds = array<i64: 1, 128>}, {pipeline_mode = #tpu.pipeline_mode<synchronous>, transform_indices = @transform_4, window_bounds = array<i64: 1, 128>}, {pipeline_mode = #tpu.pipeline_mode<synchronous>, transform_indices = @transform_5, window_bounds = array<i64: 1, 128>}, {transform_indices = @transform_6, window_bounds = array<i64: 2000, 1>}, {pipeline_mode = #tpu.pipeline_mode<synchronous>, transform_indices = @transform_7, window_bounds = array<i64: 128, 128>}, {pipeline_mode = #tpu.pipeline_mode<synchronous>, transform_indices = @transform_8, window_bounds = array<i64: 1, 128>}, {pipeline_mode = #tpu.pipeline_mode<synchronous>, transform_indices = @transform_9, window_bounds = array<i64: 64, 128>}]} {
    %get3A = arith.constant 0 : index
    %get3A_0 = arith.constant 0 : index
    %get3A_1 = vector.load %arg3[%get3A, %get3A_0] : memref<2000x1xf32, #tpu.memory_space<vmem>>, vector<2000x1xf32>
    %rsqrt3A = math.rsqrt %get3A_1 : vector<2000x1xf32>
    %broadcast_in_dim3A = vector.shape_cast %rsqrt3A : vector<2000x1xf32> to vector<2000x1xf32>
    %broadcast_in_dim3A_2 = vector.broadcast %broadcast_in_dim3A : vector<2000x1xf32> to vector<2000x128xf32>
    %get3A_3 = arith.constant 0 : index
    %get3A_4 = arith.constant 0 : index
    %get3A_5 = arith.constant 0 : index
    %get3A_6 = vector.load %arg1[%get3A_3, %get3A_4, %get3A_5] : memref<2x2000x128xf32, #tpu.memory_space<vmem>>, vector<1x2000x128xf32>
    %get3A_7 = vector.shape_cast %get3A_6 : vector<1x2000x128xf32> to vector<2000x128xf32>
    %get3A_8 = arith.constant 1 : index
    %get3A_9 = arith.constant 0 : index
    %get3A_10 = arith.constant 0 : index
    %get3A_11 = vector.load %arg1[%get3A_8, %get3A_9, %get3A_10] : memref<2x2000x128xf32, #tpu.memory_space<vmem>>, vector<1x2000x128xf32>
    %get3A_12 = vector.shape_cast %get3A_11 : vector<1x2000x128xf32> to vector<2000x128xf32>
    %add3A = arith.addf %get3A_7, %get3A_12 : vector<2000x128xf32>
    %get3A_13 = arith.constant 0 : index
    %get3A_14 = arith.constant 0 : index
    %get3A_15 = vector.load %arg2[%get3A_13, %get3A_14] : memref<2000x128xf32, #tpu.memory_space<vmem>>, vector<2000x128xf32>
    %add3A_16 = arith.addf %add3A, %get3A_15 : vector<2000x128xf32>
    %mul3A = arith.mulf %add3A_16, %broadcast_in_dim3A_2 : vector<2000x128xf32>
    %get3A_17 = arith.constant 0 : index
    %get3A_18 = arith.constant 0 : index
    %get3A_19 = vector.load %arg4[%get3A_17, %get3A_18] : memref<1x128xf32, #tpu.memory_space<vmem>>, vector<1x128xf32>
    %add3A_20 = vector.broadcast %get3A_19 : vector<1x128xf32> to vector<2000x128xf32>
    %add3A_21 = arith.addf %mul3A, %add3A_20 : vector<2000x128xf32>
    %reduce_sum3A = arith.constant dense<0.000000e+00> : vector<2000xf32>
    %reduce_sum3A_22 = vector.multi_reduction <add>, %add3A_21, %reduce_sum3A [1] : vector<2000x128xf32> to vector<2000xf32>
    %broadcast_in_dim3A_23 = vector.shape_cast %reduce_sum3A_22 : vector<2000xf32> to vector<2000x1xf32>
    %div3A = arith.constant 1.280000e+02 : f32
    %div3A_24 = vector.broadcast %div3A : f32 to vector<2000x1xf32>
    %div3A_25 = arith.divf %broadcast_in_dim3A_23, %div3A_24 : vector<2000x1xf32>
    %sub3A = vector.broadcast %div3A_25 : vector<2000x1xf32> to vector<2000x128xf32>
    %sub3A_26 = arith.subf %add3A_21, %sub3A : vector<2000x128xf32>
    %mul3A_27 = arith.mulf %sub3A_26, %sub3A_26 : vector<2000x128xf32>
    %reduce_sum3A_28 = arith.constant dense<0.000000e+00> : vector<2000xf32>
    %reduce_sum3A_29 = vector.multi_reduction <add>, %mul3A_27, %reduce_sum3A_28 [1] : vector<2000x128xf32> to vector<2000xf32>
    %broadcast_in_dim3A_30 = vector.shape_cast %reduce_sum3A_29 : vector<2000xf32> to vector<2000x1xf32>
    %div3A_31 = arith.constant 1.280000e+02 : f32
    %div3A_32 = vector.broadcast %div3A_31 : f32 to vector<2000x1xf32>
    %div3A_33 = arith.divf %broadcast_in_dim3A_30, %div3A_32 : vector<2000x1xf32>
    %add3A_34 = arith.constant 9.99999974E-6 : f32
    %add3A_35 = vector.broadcast %add3A_34 : f32 to vector<2000x1xf32>
    %add3A_36 = arith.addf %div3A_33, %add3A_35 : vector<2000x1xf32>
    %rsqrt3A_37 = math.rsqrt %add3A_36 : vector<2000x1xf32>
    %mul3A_38 = vector.broadcast %rsqrt3A_37 : vector<2000x1xf32> to vector<2000x128xf32>
    %mul3A_39 = arith.mulf %sub3A_26, %mul3A_38 : vector<2000x128xf32>
    %get3A_40 = arith.constant 0 : index
    %get3A_41 = arith.constant 0 : index
    %get3A_42 = vector.load %arg5[%get3A_40, %get3A_41] : memref<1x128xf32, #tpu.memory_space<vmem>>, vector<1x128xf32>
    %mul3A_43 = vector.broadcast %get3A_42 : vector<1x128xf32> to vector<2000x128xf32>
    %mul3A_44 = arith.mulf %mul3A_39, %mul3A_43 : vector<2000x128xf32>
    %get3A_45 = arith.constant 0 : index
    %get3A_46 = arith.constant 0 : index
    %get3A_47 = vector.load %arg6[%get3A_45, %get3A_46] : memref<1x128xf32, #tpu.memory_space<vmem>>, vector<1x128xf32>
    %add3A_48 = vector.broadcast %get3A_47 : vector<1x128xf32> to vector<2000x128xf32>
    %add3A_49 = arith.addf %mul3A_44, %add3A_48 : vector<2000x128xf32>
    %max3A = arith.constant 0.000000e+00 : f32
    %max3A_50 = vector.broadcast %max3A : f32 to vector<2000x128xf32>
    %max3A_51 = arith.maximumf %add3A_49, %max3A_50 : vector<2000x128xf32>
    %iota3A = tpu.iota {dimensions = array<i32: 1>} : vector<2000x64xi32>
    %get3A_52 = arith.constant 0 : index
    %get3A_53 = arith.constant 0 : index
    %get3A_54 = vector.load %arg7[%get3A_52, %get3A_53] : memref<2000x1xi32, #tpu.memory_space<vmem>>, vector<2000x1xi32>
    %eq3A = vector.broadcast %get3A_54 : vector<2000x1xi32> to vector<2000x64xi32>
    %eq3A_55 = arith.cmpi eq, %eq3A, %iota3A : vector<2000x64xi32>
    %convert_element_type3A = arith.extui %eq3A_55 : vector<2000x64xi1> to vector<2000x64xi32>
    %convert_element_type3A_56 = arith.sitofp %convert_element_type3A : vector<2000x64xi32> to vector<2000x64xf32>
    %eq3A_57 = arith.constant 0 : i32
    %eq3A_58 = arith.cmpi eq, %arg0, %eq3A_57 : i32
    %convert_element_type3A_59 = arith.extui %eq3A_58 : i1 to i32
    %cond3A = arith.constant 0 : i32
    %cond3A_60 = arith.cmpi ne, %convert_element_type3A_59, %cond3A : i32
    scf.if %cond3A_60 {
      %broadcast_in_dim3A_86 = arith.constant 0.000000e+00 : f32
      %broadcast_in_dim3A_87 = vector.broadcast %broadcast_in_dim3A_86 : f32 to vector<64x128xf32>
      %swap3A_88 = arith.constant 0 : index
      %swap3A_89 = arith.constant 0 : index
      %swap3A_90 = vector.load %arg11[%swap3A_88, %swap3A_89] : memref<64x128xf32, #tpu.memory_space<vmem>>, vector<64x128xf32>
      tpu.vector_store %arg11[%swap3A_88, %swap3A_89], %broadcast_in_dim3A_87 {strides = array<i32>} : memref<64x128xf32, #tpu.memory_space<vmem>>, vector<64x128xf32>,
      %broadcast_in_dim3A_91 = arith.constant 0.000000e+00 : f32
      %broadcast_in_dim3A_92 = vector.broadcast %broadcast_in_dim3A_91 : f32 to vector<64x128xf32>
      %swap3A_93 = arith.constant 0 : index
      %swap3A_94 = arith.constant 0 : index
      %swap3A_95 = vector.load %arg12[%swap3A_93, %swap3A_94] : memref<64x128xf32, #tpu.memory_space<vmem>>, vector<64x128xf32>
      tpu.vector_store %arg12[%swap3A_93, %swap3A_94], %broadcast_in_dim3A_92 {strides = array<i32>} : memref<64x128xf32, #tpu.memory_space<vmem>>, vector<64x128xf32>,
    } else {
    }
    %get3A_61 = arith.constant 0 : index
    %get3A_62 = arith.constant 0 : index
    %get3A_63 = vector.load %arg11[%get3A_61, %get3A_62] : memref<64x128xf32, #tpu.memory_space<vmem>>, vector<64x128xf32>
    %dot_general3A = arith.constant dense<0.000000e+00> : vector<64x128xf32>
    %dot_general3A_64 = tpu.matmul %convert_element_type3A_56, %max3A_51, %dot_general3A {dimension_numbers = #tpu.dot_dimension_numbers<[0], [0], [1], [1], [0, 1, 1, 1], [], []>, transpose_lhs_hint = false} : vector<2000x64xf32>, vector<2000x128xf32>, vector<64x128xf32> -> vector<64x128xf32>
    %add3A_65 = arith.addf %get3A_63, %dot_general3A_64 : vector<64x128xf32>
    %swap3A = arith.constant 0 : index
    %swap3A_66 = arith.constant 0 : index
    %swap3A_67 = vector.load %arg11[%swap3A, %swap3A_66] : memref<64x128xf32, #tpu.memory_space<vmem>>, vector<64x128xf32>
    tpu.vector_store %arg11[%swap3A, %swap3A_66], %add3A_65 {strides = array<i32>} : memref<64x128xf32, #tpu.memory_space<vmem>>, vector<64x128xf32>,
    %get3A_68 = arith.constant 0 : index
    %get3A_69 = arith.constant 0 : index
    %get3A_70 = vector.load %arg12[%get3A_68, %get3A_69] : memref<64x128xf32, #tpu.memory_space<vmem>>, vector<64x128xf32>
    %broadcast_in_dim3A_71 = arith.constant 1.000000e+00 : f32
    %broadcast_in_dim3A_72 = vector.broadcast %broadcast_in_dim3A_71 : f32 to vector<2000x1xf32>
    %dot_general3A_73 = arith.constant dense<0.000000e+00> : vector<64x1xf32>
    %dot_general3A_74 = tpu.matmul %convert_element_type3A_56, %broadcast_in_dim3A_72, %dot_general3A_73 {dimension_numbers = #tpu.dot_dimension_numbers<[0], [0], [1], [1], [0, 1, 1, 1], [], []>, transpose_lhs_hint = false} : vector<2000x64xf32>, vector<2000x1xf32>, vector<64x1xf32> -> vector<64x1xf32>
    %broadcast_in_dim3A_75 = vector.shape_cast %dot_general3A_74 : vector<64x1xf32> to vector<64x1xf32>
    %broadcast_in_dim3A_76 = vector.broadcast %broadcast_in_dim3A_75 : vector<64x1xf32> to vector<64x128xf32>
    %add3A_77 = arith.addf %get3A_70, %broadcast_in_dim3A_76 : vector<64x128xf32>
    %swap3A_78 = arith.constant 0 : index
    %swap3A_79 = arith.constant 0 : index
    %swap3A_80 = vector.load %arg12[%swap3A_78, %swap3A_79] : memref<64x128xf32, #tpu.memory_space<vmem>>, vector<64x128xf32>
    tpu.vector_store %arg12[%swap3A_78, %swap3A_79], %add3A_77 {strides = array<i32>} : memref<64x128xf32, #tpu.memory_space<vmem>>, vector<64x128xf32>,
    %eq3A_81 = arith.constant 4 : i32
    %eq3A_82 = arith.cmpi eq, %arg0, %eq3A_81 : i32
    %convert_element_type3A_83 = arith.extui %eq3A_82 : i1 to i32
    %cond3A_84 = arith.constant 0 : i32
    %cond3A_85 = arith.cmpi ne, %convert_element_type3A_83, %cond3A_84 : i32
    scf.if %cond3A_85 {
      %get3A_86 = arith.constant 0 : index
      %get3A_87 = arith.constant 0 : index
      %get3A_88 = vector.load %arg11[%get3A_86, %get3A_87] : memref<64x128xf32, #tpu.memory_space<vmem>>, vector<64x128xf32>
      %get3A_89 = arith.constant 0 : index
      %get3A_90 = arith.constant 0 : index
      %get3A_91 = vector.load %arg12[%get3A_89, %get3A_90] : memref<64x128xf32, #tpu.memory_space<vmem>>, vector<64x128xf32>
      %max3A_92 = arith.constant 1.000000e+00 : f32
      %max3A_93 = vector.broadcast %max3A_92 : f32 to vector<64x128xf32>
      %max3A_94 = arith.maximumf %get3A_91, %max3A_93 : vector<64x128xf32>
      %div3A_95 = arith.divf %get3A_88, %max3A_94 : vector<64x128xf32>
      %get3A_96 = arith.constant 0 : index
      %get3A_97 = arith.constant 0 : index
      %get3A_98 = vector.load %arg8[%get3A_96, %get3A_97] : memref<128x128xf32, #tpu.memory_space<vmem>>, vector<128x128xf32>
      %dot_general3A_99 = arith.constant dense<0.000000e+00> : vector<64x128xf32>
      %dot_general3A_100 = tpu.matmul %div3A_95, %get3A_98, %dot_general3A_99 {dimension_numbers = #tpu.dot_dimension_numbers<[1], [0], [0], [1], [0, 0, 1, 1], [], []>, transpose_lhs_hint = false} : vector<64x128xf32>, vector<128x128xf32>, vector<64x128xf32> -> vector<64x128xf32>
      %get3A_101 = arith.constant 0 : index
      %get3A_102 = arith.constant 0 : index
      %get3A_103 = vector.load %arg9[%get3A_101, %get3A_102] : memref<1x128xf32, #tpu.memory_space<vmem>>, vector<1x128xf32>
      %add3A_104 = vector.broadcast %get3A_103 : vector<1x128xf32> to vector<64x128xf32>
      %add3A_105 = arith.addf %dot_general3A_100, %add3A_104 : vector<64x128xf32>
      %swap3A_106 = arith.constant 0 : index
      %swap3A_107 = arith.constant 0 : index
      %swap3A_108 = vector.load %arg10[%swap3A_106, %swap3A_107] : memref<64x128xf32, #tpu.memory_space<vmem>>, vector<64x128xf32>
      tpu.vector_store %arg10[%swap3A_106, %swap3A_107], %add3A_105 {strides = array<i32>} : memref<64x128xf32, #tpu.memory_space<vmem>>, vector<64x128xf32>,
    } else {
    }
    return
  }
  func.func @transform_0(%arg0: i32) -> (i32, i32, i32) {
    %c0_i32 = arith.constant 0 : i32
    %c0_i32_0 = arith.constant 0 : i32
    %c0_i32_1 = arith.constant 0 : i32
    return %c0_i32, %arg0, %c0_i32_0 : i32, i32, i32
  }
  func.func @transform_1(%arg0: i32) -> (i32, i32) {
    %c0_i32 = arith.constant 0 : i32
    %c0_i32_0 = arith.constant 0 : i32
    return %arg0, %c0_i32 : i32, i32
  }
  func.func @transform_2(%arg0: i32) -> (i32, i32) {
    %c0_i32 = arith.constant 0 : i32
    %c0_i32_0 = arith.constant 0 : i32
    return %arg0, %c0_i32 : i32, i32
  }
  func.func @transform_3(%arg0: i32) -> (i32, i32) {
    %c0_i32 = arith.constant 0 : i32
    %c0_i32_0 = arith.constant 0 : i32
    %c0_i32_1 = arith.constant 0 : i32
    return %c0_i32, %c0_i32_0 : i32, i32
  }
  func.func @transform_4(%arg0: i32) -> (i32, i32) {
    %c0_i32 = arith.constant 0 : i32
    %c0_i32_0 = arith.constant 0 : i32
    %c0_i32_1 = arith.constant 0 : i32
    return %c0_i32, %c0_i32_0 : i32, i32
  }
  func.func @transform_5(%arg0: i32) -> (i32, i32) {
    %c0_i32 = arith.constant 0 : i32
    %c0_i32_0 = arith.constant 0 : i32
    %c0_i32_1 = arith.constant 0 : i32
    return %c0_i32, %c0_i32_0 : i32, i32
  }
  func.func @transform_6(%arg0: i32) -> (i32, i32) {
    %c0_i32 = arith.constant 0 : i32
    %c0_i32_0 = arith.constant 0 : i32
    return %arg0, %c0_i32 : i32, i32
  }
  func.func @transform_7(%arg0: i32) -> (i32, i32) {
    %c0_i32 = arith.constant 0 : i32
    %c0_i32_0 = arith.constant 0 : i32
    %c0_i32_1 = arith.constant 0 : i32
    return %c0_i32, %c0_i32_0 : i32, i32
  }
  func.func @transform_8(%arg0: i32) -> (i32, i32) {
    %c0_i32 = arith.constant 0 : i32
    %c0_i32_0 = arith.constant 0 : i32
    %c0_i32_1 = arith.constant 0 : i32
    return %c0_i32, %c0_i32_0 : i32, i32
  }
  func.func @transform_9(%arg0: i32) -> (i32, i32) {
    %c0_i32 = arith.constant 0 : i32
    %c0_i32_0 = arith.constant 0 : i32
    %c0_i32_1 = arith.constant 0 : i32
    return %c0_i32, %c0_i32_0 : i32, i32
  }
}

</mosaic_0001>

<sc_bundles>
// kernel: kernel.11.cloned.1.call-start
scs
__scs_entry_jumppad:
0x0: {  	(pc) =	sbr.rel $0x88, $3  }
0x1: {  	(tag) =	ssettag $0x0;
	lr =	simm.s32 $0x1  }
0x2: {  	[smem:$0x3F96] =	sst lr;
	_ =	strace $0xD0000000  }
0x3: {  	_ = 	snop  }
0x4: {  	_ = 	snop  }
0x5: {  	_ = 	snop  }
0x6: {  	_ = 	snop  }
0x7: {  	_ = 	snop  }
__scs_overlays_trampoline_lowered:
0x8: {  	[smem:$0x3FA5] =	sst s0  }
0x9: {  	[smem:$0x3FA6] =	sst s1  }
0xa: {  	[smem:$0x3FA7] =	sst s2  }
0xb: {  	[smem:$0x3FA8] =	sst s3  }
0xc: {  	[smem:$0x3FA9] =	sst s4  }
0xd: {  	[smem:$0x3FAA] =	sst s5  }
0xe: {  	[smem:$0x3FAB] =	sst s6  }
0xf: {  	[smem:$0x3FAC] =	sst s7  }
0x10: {  	[smem:$0x3FAD] =	sst s8  }
0x11: {  	[smem:$0x3FAE] =	sst s9;
	s0 =	simm.s32 @!p0 $0x0  }
0x12: {  	s1 =	sld [smem:$0x3F94];
	s0 =	simm.s32 @p0 $0x1  }
0x13: {  	[smem:$0x3FAF] =	sst s0;
	s0 =	simm.s32 @!p1 $0x0  }
0x14: {  	s2 =	sld [smem:$0x3F93];
	s0 =	simm.s32 @p1 $0x1  }
0x15: {  	[smem:$0x3FB0] =	sst s0;
	s0 =	simm.s32 @!p2 $0x0  }
0x16: {  	s3 =	sld [smem:$0x3FDB];
	s0 =	simm.s32 @p2 $0x1  }
0x17: {  	s4 =	simm.s32 $0x1BF5;
	[smem:$0x3FB2] =	sst s0  }
0x18: {  	s0 =	sld [smem:$0x3F95];
	_ =	swait.ge [sflag:s4], $0x0  }
0x19: {  	s7 =	sld [smem:$0x3F96]  }
0x1a: {  	s8 =	sadd.s32 $0xFFFFE003, lr  }
0x1b: {  	s9 =	sadd.s32 $0xFFFFFEF7, lr;
	s5 =	simm.s32 $0xFFFFFFFF;
	p2 =	slt.u32 s8, $0xFFFFF086  }
0x1c: {  	p1 =	slt.u32 s9, $0xF7A;
	s5 =	simm.s32 @!p2 $0x0  }
0x1d: {  	s5 =	simm.s32 @p1 $0x1;
	p0 =	seq.s32 s7, s2  }
0x1e: {  	s7 =	smul.u32 @!p0 $0xF7A, s2;
	p2 =	seq.s32 @!p0 s5, $0x0  }
0x1f: {  	s9 =	smul.u32 $0xF7A, s1;
	s8 =	simm.s32 @!p0 $0x1BF5;
	p2 =	por !p2, p0  }
0x20: {  	[sflag:s8] =	ssyncset.s32 @!p0 $0xFFFFF086;
	s6 =	sadd.s32 @!p0 s3, s7;
	s7 =	simm.s32 @!p0 $0x108  }
0x21: {  	s3 =	sadd.s32 s3, s9;
	s6 =	sadd.s32 @!p0 $0x88, s6;
	s7 =	simm.s32 @p2 $0x1082  }
0x22: {  	[simem:s7], [sflag:s8] =	dma.local @!p0 [hbm:s6], $0xF7A  }
0x23: {  	s9 =	sor.u32 $0xD0000000, s2;
	s6 =	simm.s32 $0x108;
	_ =	swait.ge @!p0 [sflag:s8], $0x0  }
0x24: {  	s3 =	sadd.s32 $0x88, s3;
	s6 =	simm.s32 @!p1 $0x1082;
	[sflag:s4] =	ssyncset.s32 $0xFFFFF086  }
0x25: {  	[simem:s6], [sflag:s4] =	dma.local [hbm:s3], $0xF7A  }
0x26: {  	[smem:$0x3F96] =	sst s1;
	(tag) =	ssettag s2;
	_ =	strace s9  }
0x27: {  	s1 =	sld [smem:$0x3FA6]  }
0x28: {  	s2 =	sld [smem:$0x3FA7]  }
0x29: {  	s4 =	sld [smem:$0x3FA9]  }
0x2a: {  	p0 =	seq.s32 s5, $0x0;
	s5 =	sld [smem:$0x3FAA]  }
0x2b: {  	s6 =	sld [smem:$0x3FAB]  }
0x2c: {  	s7 =	sld [smem:$0x3FAC]  }
0x2d: {  	s3 =	simm.s32 $0x108;
	s8 =	sld [smem:$0x3FAD]  }
0x2e: {  	s3 =	simm.s32 @!p0 $0x1082;
	s9 =	sld [smem:$0x3FAE]  }
0x2f: {  	lr =	sadd.s32 s0, s3;
	s0 =	sld [smem:$0x3FA5]  }
0x30: {  	s3 =	sld [smem:$0x3FA8]  }
0x31: {  	[smem:$0x3FB1] =	sst s10  }
0x32: {  	s10 =	sld [smem:$0x3FAF];
	_ =	sdelay $0x3  }
0x33: {  	p0 =	seq.s32 s10, $0x1;
	s10 =	sld [smem:$0x3FB1];
	_ =	sdelay $0x3  }
0x34: {  	[smem:$0x3FB1] =	sst s10  }
0x35: {  	s10 =	sld [smem:$0x3FB0];
	_ =	sdelay $0x3  }
0x36: {  	p1 =	seq.s32 s10, $0x1;
	s10 =	sld [smem:$0x3FB1];
	_ =	sdelay $0x3  }
0x37: {  	[smem:$0x3FB1] =	sst s10  }
0x38: {  	s10 =	sld [smem:$0x3FB2]  }
0x39: {  	_ = 	snop;
	(pc) =	sbr.ind lr, $3  }
0x3a: {  	_ = 	snop  }
0x3b: {  	_ = 	snop  }
0x3c: {  	p2 =	seq.s32 s10, $0x1;
	s10 =	sld [smem:$0x3FB1]  }
0x3d: {  	_ =	shalt  }
0x3e: {  	_ =	shalt  }
0x3f: {  	_ =	shalt  }
0x40: {  	_ =	shalt  }
0x41: {  	_ =	shalt  }
0x42: {  	_ =	shalt  }
0x43: {  	_ =	shalt  }
0x44: {  	_ =	shalt  }
0x45: {  	_ =	shalt  }
0x46: {  	_ =	shalt  }
0x47: {  	_ =	shalt  }
0x48: {  	_ =	shalt  }
0x49: {  	_ =	shalt  }
0x4a: {  	_ =	shalt  }
0x4b: {  	_ =	shalt  }
0x4c: {  	_ =	shalt  }
0x4d: {  	_ =	shalt  }
0x4e: {  	_ =	shalt  }
0x4f: {  	_ =	shalt  }
0x50: {  	_ =	shalt  }
0x51: {  	_ =	shalt  }
0x52: {  	_ =	shalt  }
0x53: {  	_ =	shalt  }
0x54: {  	_ =	shalt  }
0x55: {  	_ =	shalt  }
0x56: {  	_ =	shalt  }
0x57: {  	_ =	shalt  }
0x58: {  	_ =	shalt  }
0x59: {  	_ =	shalt  }
0x5a: {  	_ =	shalt  }
0x5b: {  	_ =	shalt  }
0x5c: {  	_ =	shalt  }
0x5d: {  	_ =	shalt  }
0x5e: {  	_ =	shalt  }
0x5f: {  	_ =	shalt  }
0x60: {  	_ =	shalt  }
0x61: {  	_ =	shalt  }
0x62: {  	_ =	shalt  }
0x63: {  	_ =	shalt  }
0x64: {  	_ =	shalt  }
0x65: {  	_ =	shalt  }
0x66: {  	_ =	shalt  }
0x67: {  	_ =	shalt  }
0x68: {  	_ =	shalt  }
0x69: {  	_ =	shalt  }
0x6a: {  	_ =	shalt  }
0x6b: {  	_ =	shalt  }
0x6c: {  	_ =	shalt  }
0x6d: {  	_ =	shalt  }
0x6e: {  	_ =	shalt  }
0x6f: {  	_ =	shalt  }
0x70: {  	_ =	shalt  }
0x71: {  	_ =	shalt  }
0x72: {  	_ =	shalt  }
0x73: {  	_ =	shalt  }
0x74: {  	_ =	shalt  }
0x75: {  	_ =	shalt  }
0x76: {  	_ =	shalt  }
0x77: {  	_ =	shalt  }
0x78: {  	_ =	shalt  }
0x79: {  	_ =	shalt  }
0x7a: {  	_ =	shalt  }
0x7b: {  	_ =	shalt  }
0x7c: {  	_ =	shalt  }
0x7d: {  	_ =	shalt  }
0x7e: {  	_ =	shalt  }
0x7f: {  	_ =	shalt  }
0x80: {  	_ =	shalt  }
0x81: {  	_ =	shalt  }
0x82: {  	_ =	shalt  }
0x83: {  	_ =	shalt  }
0x84: {  	_ =	shalt  }
0x85: {  	_ =	shalt  }
0x86: {  	_ =	shalt  }
0x87: {  	_ =	shalt  }
.Lfunc_end0:
.L_simem_size_0:
called_computation.1_lowered:
.L_overlay_start_0:
0x88: {  	s2 =	sld [smem:$0x3FD9]  }
0x89: {  	s3 =	sld [smem:$0x3FFE];
	_ =	sdelay $0x1  }
0x8a: {  	s1 =	srdreg.scid  }
0x8b: {  	s0 =	sand.u32 $0x1, s1  }
0x8c: {  	s16 =	sshll.u32 s0, $0xA;
	s2 =	sadd.s32 s3, s2  }
0x8d: {  	s2 =	sadd.s32 s2, s16  }
0x8e: {  	[smem:$0x3FBD] =	sst s2  }
0x8f: {  	_ = 	snop  }
0x90: {  	(tm) =	ssettm $0x1  }
0x91: {  	s17 =	sld [smem:$0x3FFB];
	_ =	sdelay $0x3  }
0x92: {  	_ =	strace s17  }
0x93: {  	s2 =	sld [smem:$0x3FFC];
	_ =	sdelay $0x3  }
0x94: {  	_ =	strace s2  }
0x95: {  	s2 =	sld [smem:$0x3FFD];
	_ =	sdelay $0x3  }
0x96: {  	_ =	strace s2  }
0x97: {  	_ =	strace $0x8FFFFFFF  }
0x98: {  	s18 =	sld [smem:$0x3FDB];
	_ =	sdelay $0x1  }
0x99: {  	s19 =	simm.s32 $_scs_section_size  }
0x9a: {  	s4 =	simm.s32 $_size__tile_overlayer_lowered;
	s5 =	simm.s32 $_tile_overlayer_lowered  }
0x9b: {  	s22 =	simm.s32 $0x1BFF;
	s21 =	sshll.u32 s5, $0x1;
	s2 =	sadd.s32 s19, s18  }
0x9c: {  	s6 =	simm.s32 $0x0;
	s20 =	sshll.u32 s4, $0x1;
	s4 =	sadd.s32 s21, s2  }
0x9d: {  	[timem:s6], [sflag:s22] =	dma.local [hbm:s4], s20  }
0x9e: {  	_ =	swait.ge [sflag:s22], s20  }
0x9f: {  	s3 =	ssub.s32 $0x0, s20;
	[sflag:s22] =	ssyncset.done $0x0  }
0xa0: {  	[sflag:s22] =	ssyncadd.s32 s3;
	_ =	sdelay $0x1  }
0xa1: {  	s23 =	simm.s32 $0x1B8B  }
0xa2: {  	_ =	swait.ge [sflag:s23], $0x1  }
0xa3: {  	[sflag:s23] =	ssyncset.done $0x0  }
0xa4: {  	s25 =	simm.s32 $0x1B8E;
	s24 =	sld [smem:$0x3FFE];
	[sflag:s23] =	ssyncadd.s32 $0xFFFFFFFF  }
0xa5: {  	s26 =	simm.s32 $execute0_lowered;
	[smem:$0x3FD2] =	sst s25  }
0xa6: {  	s4 =	sshll.u32 s26, $0x1;
	_ =	strace $0x80000049;
	[dreg:$0x1] =	wrdreg $0xFFFFFFFF  }
0xa7: {  	s28 =	simm.s32 $_size_execute0_lowered;
	s2 =	sadd.s32 s2, s4;
	[dreg:$0x0] =	wrdreg $0x0  }
0xa8: {  	s4 =	sshll.u32 s28, $0x1;
	[dreg:$0x2] =	wrdreg s2  }
0xa9: {  	[dreg:$0x3] =	wrdreg s4  }
0xaa: {  	[dreg:$0x4] =	wrdreg $0xC0  }
0xab: {  	_ =	task [dreg:s6], $0x5FFFF  }
0xac: {  	[dreg:$0x1] =	wrdreg $0xFFFFFFFF  }
0xad: {  	[dreg:$0x0] =	wrdreg $0x60  }
0xae: {  	[dreg:$0x2] =	wrdreg s24  }
0xaf: {  	[dreg:$0x3] =	wrdreg $0x58000  }
0xb0: {  	[dreg:$0x4] =	wrdreg $0x9  }
0xb1: {  	_ =	task.clear_ibuf [dreg:s6], $0x5FFFF;
	_ =	strace $0x90000049  }
0xb2: {  	s29 =	simm.s32 $0x9;
	_ =	strace $0x8000004B  }
0xb3: {  	_ =	swait.ge [sflag:s29], $0x1  }
0xb4: {  	[sflag:s29] =	ssyncadd.s32 $0xFFFFFFFF  }
0xb5: {  	_ =	strace $0x9000004B  }
0xb6: {  	_ =	sfence  }
0xb7: {  	s30 =	sld [smem:$0x0];
	_ =	sdelay $0x2  }
0xb8: {  	s31 =	sshll.u32 s1, $0xD;
	s1 =	sshrl.u32 s1, $0x2  }
0xb9: {  	s3 =	sand.u32 $0x4000, s31;
	s1 =	sadd.s32 s1, s30  }
0xba: {  	s0 =	sor.u32 s3, s0;
	s1 =	sshll.u32 s1, $0x11  }
0xbb: {  	s0 =	sor.u32 s1, s0  }
0xbc: {  	s0 =	sadd.s32 $0x8F2B, s0  }
0xbd: {  	[sflag:s0] =	ssyncadd.remote.s32 $0x1  }
0xbe: {  	_ =	sfence.sel $0xFFFF  }
0xbf: {  	[dreg:$0x0] =	wrdreg $0xFFFFFFFF;
	(pc) =	sbr.abs _section_cstart, $3  }
0xc0: {  	[dreg:$0x1] =	wrdreg $0xFFFFFFFF  }
0xc1: {  	_ =	task.clear_ibuf [dreg:s6], $0x2FFFF;
	_ =	strace $0x9FFFFFFF  }
0xc2: {  	(tm) =	ssettm $0x7FFFFFFF  }
0xc3: {  	_ =	shalt  }
tec
execute0_lowered:
.L_overlay_start_1:
0x0: {  	(tag) =	ssettag $0x1  }
0x1: {  	s0 =	rddreg [dreg:$0x0]  }
0x2: {  	s1 =	rddreg [dreg:$0x1];
	s3 =	simm.s32 $0x0;
	s2 =	srdreg.scid  }
0x3: {  	s12 =	stileid.u32;
	s28 =	simm.s32 $0x2;
	s29 =	simm.s32 $0x480  }
0x4: {  	s30 =	simm.s32 $0x180;
	s31 =	simm.s32 $0x500;
	[smem:$0x7FF] =	sst s3  }
0x5: {  	s2 =	sand.u32 $0x1, s2;
	s6 =	smul.u32 $0x14000, s12;
	s7 =	sadd.s32 $0x13800, s0  }
0x6: {  	s8 =	sadd.s32 $0x2800, s0;
	s4 =	sadd.s32 $0x23800, s0;
	s9 =	smul.u32 $0x2800, s12  }
0x7: {  	s11 =	smul.u32 $0x50000, s12;
	s19 =	sshll.u32 s12, $0xF;
	s20 =	sshll.u32 s12, $0x6  }
0x8: {  	s5 =	smul.u32 $0x140000, s2;
	_ =	strace $0x8000004A;
	s16 =	ssub.s32 $0x2, s2  }
0x9: {  	s2 =	sshll.u32 s2, $0xE;
	s12 =	sor.u32 $0x1C05, s20;
	s20 =	simm.s32 $0x600  }
0xa: {  	s10 =	sshrl.u32 s16, $0x1;
	s9 =	sadd.s32 s9, s0;
	s18 =	sshrl.u32 s11, $0x2  }
0xb: {  	s2 =	sor.u32 s2, s19;
	s19 =	simm.s32 $0x200;
	s11 =	simm.s32 $0x780  }
0xc: {  	[dreg:$0x4] =	wrdreg s12;
	s5 =	sadd.s32 s6, s5;
	s17 =	ssub.s32 s16, s10  }
0xd: {  	s6 =	sadd.s32 s18, s1;
	s9 =	sadd.s32 $0x4B800, s9;
	s21 =	sshrl.u32 s2, $0x3  }
0xe: {  	s2 =	sor.u32 $0x400, s2;
	s16 =	simm.s32 $0x5;
	s18 =	simm.s32 $0x3  }
0xf: {  	s10 =	simm.s32 $0x700;
	s5 =	sshrl.u32 s5, $0x3;
	[dreg:$0x3] =	wrdreg s9  }
0x10: {  	s22 =	sadd.s32 s7, s21;
	s23 =	sadd.s32 s8, s21;
	s9 =	sor.u32 $0x40, s21  }
0x11: {  	s25 =	smax.u32 s17, $0x1;
	s26 =	sshrl.u32 s2, $0x3;
	s15 =	sshrl.u32 s6, $0x3  }
0x12: {  	s17 =	simm.s32 $0x400;
	s21 =	simm.s32 $0x50;
	[dreg:$0x5] =	wrdreg s22  }
0x13: {  	s2 =	simm.s32 $0x580;
	s0 =	sadd.s32 s5, s0;
	[dreg:$0x6] =	wrdreg s23  }
0x14: {  	s24 =	sadd.s32 s7, s9;
	s9 =	sadd.s32 s8, s9;
	[dreg:$0xa] =	wrdreg s25  }
0x15: {  	s13 =	sadd.s32 s26, s7;
	s14 =	sadd.s32 s26, s8;
	s22 =	simm.s32 $0x800  }
.Ltmp0:
0x16: {  	s25 =	simm.s32 $0x1;
	s26 =	simm.s32 $0x100;
	(pc) =	sbr.rel .LBB2_1-.Ltmp0, $4  }
0x17: {  	s5 =	simm.s32 $0x280;
	s7 =	simm.s32 $0x300;
	[dreg:$0xb] =	wrdreg s15  }
0x18: {  	s8 =	simm.s32 $0x680;
	s23 =	simm.s32 $0x0;
	[dreg:$0x7] =	wrdreg s24  }
0x19: {  	[dreg:$0x8] =	wrdreg s9;
	s0 =	sadd.s32 $0x73800, s0;
	s24 =	simm.s32 $0x3000  }
0x1a: {  	s9 =	simm.s32 $0x380;
	[dreg:$0x9] =	wrdreg s0;
	s0 =	simm.s32 $0x4  }
.LBB2_3:
0x1b: {  	_ =	swait.ge [sflag:s28], $0x2800  }
0x1c: {  	[sflag:s28] =	ssyncset.done $0x0  }
0x1d: {  	[sflag:s28] =	ssyncadd.s32 $0xFFFFD800  }
0x1e: {  	[spmem:s1] =	stream.indirect.scatter.add.f32 [tilespmem:s24], [sflag:$0x5], $0x80, s11, s21, $0xb8;
	[tilespmem:$0x19800] =	vst v63  }
0x1f: {  	_ =	swait.ge [sflag:s16], $0x2800  }
0x20: {  	[sflag:s16] =	ssyncset.done $0x0  }
0x21: {  	[sflag:s16] =	ssyncadd.s32 $0xFFFFD800  }
.LBB2_5:
0x22: {  	[bflag:$0x0] =	sbarrier.arrive $0xFFFF  }
0x23: {  	s12 =	rddreg [dreg:$0x4]  }
0x24: {  	s6 =	rddreg [dreg:$0x9]  }
0x25: {  	s15 =	rddreg [dreg:$0xb]  }
0x26: {  	[hbm:s6], [sflag:s12] =	dma.local [spmem:s15], $0x2800  }
0x27: {  	_ =	swait.ge [sflag:s16], $0x2800  }
0x28: {  	s23 =	rddreg [dreg:$0xc]  }
0x29: {  	s6 =	rddreg [dreg:$0xa];
	s23 =	sadd.s32 $0x1, s23  }
0x2a: {  	p0 =	sne.s32 s23, s6  }
.Ltmp1:
0x2b: {  	_ = 	snop;
	(pc) =	sbr.rel @!p0 .LBB2_6-.Ltmp1, $3  }
0x2c: {  	_ =	sdelay $0x1  }
0x2d: {  	[sflag:s16] =	ssyncset.done $0x0  }
0x2e: {  	[sflag:s16] =	ssyncadd.s32 $0xFFFFD800  }
.LBB2_1:
0x2f: {  	[dreg:$0xc] =	wrdreg s23  }
0x30: {  	s6 =	rddreg [dreg:$0x3]  }
0x31: {  	[spmem:s15], [sflag:s12] =	dma.local [hbm:s6], $0x2800  }
0x32: {  	_ =	swait.ge [sflag:s16], $0x2800  }
0x33: {  	[sflag:s16] =	ssyncset.done $0x0  }
0x34: {  	[sflag:s16] =	ssyncadd.s32 $0xFFFFD800  }
0x35: {  	[bflag:$0x0] =	sbarrier.arrive $0xFFFF  }
0x36: {  	s23 =	rddreg [dreg:$0x5]  }
0x37: {  	[tilespmem:s3], [sflag:$0x3] =	stream.linear.gather [hbm4b:s23+s3], $0x200, $0x38;
	[tilespmem:$0x19800] =	vst v63  }
0x38: {  	s12 =	rddreg [dreg:$0x6]  }
0x39: {  	[tilespmem:s17], [sflag:$0x3] =	stream.linear.gather [hbm4b:s12+s3], $0x200, $0x38;
	[tilespmem:$0x19800] =	vst v63  }
0x3a: {  	_ =	swait.ge [sflag:s18], $0x200  }
0x3b: {  	[sflag:s18] =	ssyncset.done $0x0  }
0x3c: {  	[sflag:s18] =	ssyncadd.s32 $0xFFFFFE00  }
0x3d: {  	_ =	swait.ge [sflag:s18], $0x200  }
0x3e: {  	[sflag:s18] =	ssyncset.done $0x0  }
0x3f: {  	s15 =	rddreg [dreg:$0x7];
	[sflag:s18] =	ssyncadd.s32 $0xFFFFFE00  }
0x40: {  	[tilespmem:s19], [sflag:$0x4] =	stream.linear.gather [hbm4b:s15+s3], $0x200, $0x38;
	[tilespmem:$0x19800] =	vst v63  }
0x41: {  	s23 =	rddreg [dreg:$0x8]  }
0x42: {  	[tilespmem:s20], [sflag:$0x4] =	stream.linear.gather [hbm4b:s23+s3], $0x200, $0x38;
	[tilespmem:$0x19800] =	vst v63  }
0x43: {  	s6 =	simm.s32 $0x0  }
0x44: {  	[tilespmem:s22], [sflag:$0x1] =	stream.indirect.gather [hbm4b:s4+s21], $0x80, s3, s21, $0xb8;
	[tilespmem:$0x19800] =	vst v63  }
.LBB2_2:
0x45: {  	s12 =	simm.s32 $0x80  }
0x46: {  	[tilespmem:s24], [sflag:$0x2] =	stream.indirect.gather [hbm4b:s4+s21], $0x80, s12, s21, $0xb8;
	[tilespmem:$0x19800] =	vst v63  }
0x47: {  	_ =	swait.ge [sflag:s25], $0x2800  }
0x48: {  	[sflag:s25] =	ssyncset.done $0x0  }
0x49: {  	[sflag:s25] =	ssyncadd.s32 $0xFFFFD800  }
0x4a: {  	[spmem:s1] =	stream.indirect.scatter.add.f32 [tilespmem:s22], [sflag:$0x5], $0x80, s17, s21, $0xb8;
	[tilespmem:$0x19800] =	vst v63  }
0x4b: {  	_ =	swait.ge [sflag:s16], $0x2800  }
0x4c: {  	[sflag:s16] =	ssyncset.done $0x0  }
0x4d: {  	[sflag:s16] =	ssyncadd.s32 $0xFFFFD800  }
0x4e: {  	[tilespmem:s22], [sflag:$0x1] =	stream.indirect.gather [hbm4b:s4+s21], $0x80, s26, s21, $0xb8;
	[tilespmem:$0x19800] =	vst v63  }
0x4f: {  	_ =	swait.ge [sflag:s28], $0x2800  }
0x50: {  	[sflag:s28] =	ssyncset.done $0x0  }
0x51: {  	[sflag:s28] =	ssyncadd.s32 $0xFFFFD800  }
0x52: {  	[spmem:s1] =	stream.indirect.scatter.add.f32 [tilespmem:s24], [sflag:$0x5], $0x80, s29, s21, $0xb8;
	[tilespmem:$0x19800] =	vst v63  }
0x53: {  	_ =	swait.ge [sflag:s16], $0x2800  }
0x54: {  	[sflag:s16] =	ssyncset.done $0x0  }
0x55: {  	[sflag:s16] =	ssyncadd.s32 $0xFFFFD800  }
0x56: {  	[tilespmem:s24], [sflag:$0x2] =	stream.indirect.gather [hbm4b:s4+s21], $0x80, s30, s21, $0xb8;
	[tilespmem:$0x19800] =	vst v63  }
0x57: {  	_ =	swait.ge [sflag:s25], $0x2800  }
0x58: {  	[sflag:s25] =	ssyncset.done $0x0  }
0x59: {  	[sflag:s25] =	ssyncadd.s32 $0xFFFFD800  }
0x5a: {  	[spmem:s1] =	stream.indirect.scatter.add.f32 [tilespmem:s22], [sflag:$0x5], $0x80, s31, s21, $0xb8;
	[tilespmem:$0x19800] =	vst v63  }
0x5b: {  	_ =	swait.ge [sflag:s16], $0x2800  }
0x5c: {  	[sflag:s16] =	ssyncset.done $0x0  }
0x5d: {  	[sflag:s16] =	ssyncadd.s32 $0xFFFFD800  }
0x5e: {  	_ =	swait.ge [sflag:s0], $0x200  }
0x5f: {  	[sflag:s0] =	ssyncset.done $0x0  }
0x60: {  	[sflag:s0] =	ssyncadd.s32 $0xFFFFFE00  }
0x61: {  	_ =	swait.ge [sflag:s0], $0x200  }
0x62: {  	[sflag:s0] =	ssyncset.done $0x0  }
0x63: {  	[sflag:s0] =	ssyncadd.s32 $0xFFFFFE00  }
0x64: {  	[tilespmem:s22], [sflag:$0x1] =	stream.indirect.gather [hbm4b:s4+s21], $0x80, s19, s21, $0xb8;
	[tilespmem:$0x19800] =	vst v63  }
0x65: {  	_ =	swait.ge [sflag:s28], $0x2800  }
0x66: {  	[sflag:s28] =	ssyncset.done $0x0  }
0x67: {  	[sflag:s28] =	ssyncadd.s32 $0xFFFFD800  }
0x68: {  	[spmem:s1] =	stream.indirect.scatter.add.f32 [tilespmem:s24], [sflag:$0x5], $0x80, s2, s21, $0xb8;
	[tilespmem:$0x19800] =	vst v63  }
0x69: {  	_ =	swait.ge [sflag:s16], $0x2800  }
0x6a: {  	p0 =	seq.s32 s6, $0x780;
	[sflag:s16] =	ssyncset.done $0x0  }
0x6b: {  	s15 =	sadd.s32 @!p0 s6, s13;
	s12 =	simm.s32 @!p0 $0x0;
	[sflag:s16] =	ssyncadd.s32 $0xFFFFD800  }
0x6c: {  	[tilespmem:s12], [sflag:$0x3] =	stream.linear.gather @!p0 [hbm4b:s15+s12], $0x200, $0x38;
	[tilespmem:$0x19800] =	vst v63  }
0x6d: {  	s23 =	simm.s32 @!p0 $0x400;
	s15 =	sadd.s32 @!p0 s6, s14  }
0x6e: {  	[tilespmem:s23], [sflag:$0x3] =	stream.linear.gather @!p0 [hbm4b:s15+s12], $0x200, $0x38;
	[tilespmem:$0x19800] =	vst v63  }
0x6f: {  	_ = 	snop  }
0x70: {  	[tilespmem:s24], [sflag:$0x2] =	stream.indirect.gather [hbm4b:s4+s21], $0x80, s5, s21, $0xb8;
	[tilespmem:$0x19800] =	vst v63  }
0x71: {  	_ =	swait.ge [sflag:s25], $0x2800  }
0x72: {  	[sflag:s25] =	ssyncset.done $0x0  }
0x73: {  	[sflag:s25] =	ssyncadd.s32 $0xFFFFD800  }
0x74: {  	[spmem:s1] =	stream.indirect.scatter.add.f32 [tilespmem:s22], [sflag:$0x5], $0x80, s20, s21, $0xb8;
	[tilespmem:$0x19800] =	vst v63  }
0x75: {  	_ =	swait.ge [sflag:s16], $0x2800  }
0x76: {  	[sflag:s16] =	ssyncset.done $0x0  }
0x77: {  	[sflag:s16] =	ssyncadd.s32 $0xFFFFD800  }
0x78: {  	[tilespmem:s22], [sflag:$0x1] =	stream.indirect.gather [hbm4b:s4+s21], $0x80, s7, s21, $0xb8;
	[tilespmem:$0x19800] =	vst v63  }
0x79: {  	_ =	swait.ge [sflag:s28], $0x2800  }
0x7a: {  	[sflag:s28] =	ssyncset.done $0x0  }
0x7b: {  	[sflag:s28] =	ssyncadd.s32 $0xFFFFD800  }
0x7c: {  	[spmem:s1] =	stream.indirect.scatter.add.f32 [tilespmem:s24], [sflag:$0x5], $0x80, s8, s21, $0xb8;
	[tilespmem:$0x19800] =	vst v63  }
0x7d: {  	_ =	swait.ge [sflag:s16], $0x2800  }
0x7e: {  	[sflag:s16] =	ssyncset.done $0x0  }
0x7f: {  	[sflag:s16] =	ssyncadd.s32 $0xFFFFD800  }
0x80: {  	[tilespmem:s24], [sflag:$0x2] =	stream.indirect.gather [hbm4b:s4+s21], $0x80, s9, s21, $0xb8;
	[tilespmem:$0x19800] =	vst v63  }
0x81: {  	_ =	swait.ge [sflag:s25], $0x2800  }
0x82: {  	p0 =	sne.s32 s6, $0x780;
	[sflag:s25] =	ssyncset.done $0x0  }
.Ltmp2:
0x83: {  	[sflag:s25] =	ssyncadd.s32 $0xFFFFD800;
	(pc) =	sbr.rel @!p0 .LBB2_3-.Ltmp2, $4  }
0x84: {  	[spmem:s1] =	stream.indirect.scatter.add.f32 [tilespmem:s22], [sflag:$0x5], $0x80, s10, s21, $0xb8;
	[tilespmem:$0x19800] =	vst v63  }
0x85: {  	_ =	swait.ge [sflag:s16], $0x2800  }
0x86: {  	[sflag:s16] =	ssyncset.done $0x0  }
0x87: {  	[sflag:s16] =	ssyncadd.s32 $0xFFFFD800  }
0x88: {  	_ =	swait.ge [sflag:s18], $0x200  }
0x89: {  	[sflag:s18] =	ssyncset.done $0x0  }
0x8a: {  	[sflag:s18] =	ssyncadd.s32 $0xFFFFFE00  }
0x8b: {  	_ =	swait.ge [sflag:s18], $0x200  }
0x8c: {  	[sflag:s18] =	ssyncset.done $0x0  }
0x8d: {  	[sflag:s18] =	ssyncadd.s32 $0xFFFFFE00  }
0x8e: {  	[tilespmem:s22], [sflag:$0x1] =	stream.indirect.gather [hbm4b:s4+s21], $0x80, s3, s21, $0xb8;
	[tilespmem:$0x19800] =	vst v63  }
0x8f: {  	_ =	swait.ge [sflag:s28], $0x2800  }
0x90: {  	s12 =	sadd.s32 s6, s13;
	[sflag:s28] =	ssyncset.done $0x0  }
0x91: {  	s23 =	sadd.s32 s6, s14;
	s6 =	sadd.s32 $0x80, s6;
	[sflag:s28] =	ssyncadd.s32 $0xFFFFD800  }
0x92: {  	[spmem:s1] =	stream.indirect.scatter.add.f32 [tilespmem:s24], [sflag:$0x5], $0x80, s11, s21, $0xb8;
	[tilespmem:$0x19800] =	vst v63  }
0x93: {  	p0 =	sne.s32 s6, $0x800;
	_ =	swait.ge [sflag:s16], $0x2800  }
.Ltmp3:
0x94: {  	[sflag:s16] =	ssyncset.done $0x0;
	(pc) =	sbr.rel @p0 .LBB2_2-.Ltmp3, $4  }
.Ltmp4:
0x95: {  	s12 =	sadd.s32 $0x40, s12;
	[sflag:s16] =	ssyncadd.s32 $0xFFFFD800;
	(pc) =	sbr.rel @!p0 .LBB2_5-.Ltmp4, $4  }
0x96: {  	[tilespmem:s19], [sflag:$0x4] =	stream.linear.gather [hbm4b:s12+s3], $0x200, $0x38;
	[tilespmem:$0x19800] =	vst v63  }
0x97: {  	s12 =	sadd.s32 $0x40, s23  }
0x98: {  	[tilespmem:s20], [sflag:$0x4] =	stream.linear.gather [hbm4b:s12+s3], $0x200, $0x38;
	[tilespmem:$0x19800] =	vst v63  }
0x99: {  	_ = 	snop  }
.LBB2_6:
0x9a: {  	_ =	sfence.sel $0x180000  }
0x9b: {  	[bflag:$0x0] =	sbarrier.arrive $0xFFFF  }
0x9c: {  	_ =	strace $0x9000004A  }
0x9d: {  	s0 =	stileid.u32;
	[bflag:$0x2] =	sbarrier.arrive $0xFFFF  }
0x9e: {  	p0 =	sne.s32 s0, $0x0;
	s0 =	rddreg [dreg:$0x2]  }
0x9f: {  	s0 =	sadd.s32 @!p0 $0x100000, s0  }
0xa0: {  	[sflag:s0] =	ssyncadd.tile.s32 @!p0 $0x1;
	_ =	shalt  }
.Lfunc_end2:
_tile_overlayer_lowered:
.L_overlay_start_2:
0xa1: {  	(tag) =	ssettag $0x2  }
0xa2: {  	s0 =	rddreg [dreg:$0x0];
	s2 =	stileid.u32  }
0xa3: {  	s1 =	rddreg [dreg:$0x1];
	p0 =	sne.s32 s2, $0x0  }
0xa4: {  	s3 =	rddreg [dreg:$0x2];
	[bflag:$0x3] =	sbarrier.arrive $0xFFFF;
	s2 =	simm.s32 @!p0 $0x1C05  }
0xa5: {  	[timem:s3], [sflag:s2] =	dma.local @!p0 [hbm:s0], s1  }
0xa6: {  	s0 =	simm.s32 @!p0 $0x5  }
0xa7: {  	_ =	swait.ge @!p0 [sflag:s0], s1  }
0xa8: {  	s1 =	ssub.s32 @!p0 $0x0, s1;
	[sflag:s0] =	ssyncset.done @!p0 $0x0  }
0xa9: {  	[sflag:s0] =	ssyncadd.s32 @!p0 s1  }
0xaa: {  	[bflag:$0x3] =	sbarrier.arrive $0xFFFF  }
0xab: {  	_ =	shalt  }

// kernel: kernel.14.cloned.1.call-start
scs
__scs_entry_jumppad:
0x0: {  	(pc) =	sbr.rel $0x88, $3  }
0x1: {  	(tag) =	ssettag $0x0;
	lr =	simm.s32 $0x1  }
0x2: {  	[smem:$0x3F96] =	sst lr;
	_ =	strace $0xD0000000  }
0x3: {  	_ = 	snop  }
0x4: {  	_ = 	snop  }
0x5: {  	_ = 	snop  }
0x6: {  	_ = 	snop  }
0x7: {  	_ = 	snop  }
__scs_overlays_trampoline_lowered:
0x8: {  	[smem:$0x3FA5] =	sst s0  }
0x9: {  	[smem:$0x3FA6] =	sst s1  }
0xa: {  	[smem:$0x3FA7] =	sst s2  }
0xb: {  	[smem:$0x3FA8] =	sst s3  }
0xc: {  	[smem:$0x3FA9] =	sst s4  }
0xd: {  	[smem:$0x3FAA] =	sst s5  }
0xe: {  	[smem:$0x3FAB] =	sst s6  }
0xf: {  	[smem:$0x3FAC] =	sst s7  }
0x10: {  	[smem:$0x3FAD] =	sst s8  }
0x11: {  	[smem:$0x3FAE] =	sst s9;
	s0 =	simm.s32 @!p0 $0x0  }
0x12: {  	s1 =	sld [smem:$0x3F94];
	s0 =	simm.s32 @p0 $0x1  }
0x13: {  	[smem:$0x3FAF] =	sst s0;
	s0 =	simm.s32 @!p1 $0x0  }
0x14: {  	s2 =	sld [smem:$0x3F93];
	s0 =	simm.s32 @p1 $0x1  }
0x15: {  	[smem:$0x3FB0] =	sst s0;
	s0 =	simm.s32 @!p2 $0x0  }
0x16: {  	s3 =	sld [smem:$0x3FDB];
	s0 =	simm.s32 @p2 $0x1  }
0x17: {  	s4 =	simm.s32 $0x1BF5;
	[smem:$0x3FB2] =	sst s0  }
0x18: {  	s0 =	sld [smem:$0x3F95];
	_ =	swait.ge [sflag:s4], $0x0  }
0x19: {  	s7 =	sld [smem:$0x3F96]  }
0x1a: {  	s8 =	sadd.s32 $0xFFFFE003, lr  }
0x1b: {  	s9 =	sadd.s32 $0xFFFFFEF7, lr;
	s5 =	simm.s32 $0xFFFFFFFF;
	p2 =	slt.u32 s8, $0xFFFFF086  }
0x1c: {  	p1 =	slt.u32 s9, $0xF7A;
	s5 =	simm.s32 @!p2 $0x0  }
0x1d: {  	s5 =	simm.s32 @p1 $0x1;
	p0 =	seq.s32 s7, s2  }
0x1e: {  	s7 =	smul.u32 @!p0 $0xF7A, s2;
	p2 =	seq.s32 @!p0 s5, $0x0  }
0x1f: {  	s9 =	smul.u32 $0xF7A, s1;
	s8 =	simm.s32 @!p0 $0x1BF5;
	p2 =	por !p2, p0  }
0x20: {  	[sflag:s8] =	ssyncset.s32 @!p0 $0xFFFFF086;
	s6 =	sadd.s32 @!p0 s3, s7;
	s7 =	simm.s32 @!p0 $0x108  }
0x21: {  	s3 =	sadd.s32 s3, s9;
	s6 =	sadd.s32 @!p0 $0x88, s6;
	s7 =	simm.s32 @p2 $0x1082  }
0x22: {  	[simem:s7], [sflag:s8] =	dma.local @!p0 [hbm:s6], $0xF7A  }
0x23: {  	s9 =	sor.u32 $0xD0000000, s2;
	s6 =	simm.s32 $0x108;
	_ =	swait.ge @!p0 [sflag:s8], $0x0  }
0x24: {  	s3 =	sadd.s32 $0x88, s3;
	s6 =	simm.s32 @!p1 $0x1082;
	[sflag:s4] =	ssyncset.s32 $0xFFFFF086  }
0x25: {  	[simem:s6], [sflag:s4] =	dma.local [hbm:s3], $0xF7A  }
0x26: {  	[smem:$0x3F96] =	sst s1;
	(tag) =	ssettag s2;
	_ =	strace s9  }
0x27: {  	s1 =	sld [smem:$0x3FA6]  }
0x28: {  	s2 =	sld [smem:$0x3FA7]  }
0x29: {  	s4 =	sld [smem:$0x3FA9]  }
0x2a: {  	p0 =	seq.s32 s5, $0x0;
	s5 =	sld [smem:$0x3FAA]  }
0x2b: {  	s6 =	sld [smem:$0x3FAB]  }
0x2c: {  	s7 =	sld [smem:$0x3FAC]  }
0x2d: {  	s3 =	simm.s32 $0x108;
	s8 =	sld [smem:$0x3FAD]  }
0x2e: {  	s3 =	simm.s32 @!p0 $0x1082;
	s9 =	sld [smem:$0x3FAE]  }
0x2f: {  	lr =	sadd.s32 s0, s3;
	s0 =	sld [smem:$0x3FA5]  }
0x30: {  	s3 =	sld [smem:$0x3FA8]  }
0x31: {  	[smem:$0x3FB1] =	sst s10  }
0x32: {  	s10 =	sld [smem:$0x3FAF];
	_ =	sdelay $0x3  }
0x33: {  	p0 =	seq.s32 s10, $0x1;
	s10 =	sld [smem:$0x3FB1];
	_ =	sdelay $0x3  }
0x34: {  	[smem:$0x3FB1] =	sst s10  }
0x35: {  	s10 =	sld [smem:$0x3FB0];
	_ =	sdelay $0x3  }
0x36: {  	p1 =	seq.s32 s10, $0x1;
	s10 =	sld [smem:$0x3FB1];
	_ =	sdelay $0x3  }
0x37: {  	[smem:$0x3FB1] =	sst s10  }
0x38: {  	s10 =	sld [smem:$0x3FB2]  }
0x39: {  	_ = 	snop;
	(pc) =	sbr.ind lr, $3  }
0x3a: {  	_ = 	snop  }
0x3b: {  	_ = 	snop  }
0x3c: {  	p2 =	seq.s32 s10, $0x1;
	s10 =	sld [smem:$0x3FB1]  }
0x3d: {  	_ =	shalt  }
0x3e: {  	_ =	shalt  }
0x3f: {  	_ =	shalt  }
0x40: {  	_ =	shalt  }
0x41: {  	_ =	shalt  }
0x42: {  	_ =	shalt  }
0x43: {  	_ =	shalt  }
0x44: {  	_ =	shalt  }
0x45: {  	_ =	shalt  }
0x46: {  	_ =	shalt  }
0x47: {  	_ =	shalt  }
0x48: {  	_ =	shalt  }
0x49: {  	_ =	shalt  }
0x4a: {  	_ =	shalt  }
0x4b: {  	_ =	shalt  }
0x4c: {  	_ =	shalt  }
0x4d: {  	_ =	shalt  }
0x4e: {  	_ =	shalt  }
0x4f: {  	_ =	shalt  }
0x50: {  	_ =	shalt  }
0x51: {  	_ =	shalt  }
0x52: {  	_ =	shalt  }
0x53: {  	_ =	shalt  }
0x54: {  	_ =	shalt  }
0x55: {  	_ =	shalt  }
0x56: {  	_ =	shalt  }
0x57: {  	_ =	shalt  }
0x58: {  	_ =	shalt  }
0x59: {  	_ =	shalt  }
0x5a: {  	_ =	shalt  }
0x5b: {  	_ =	shalt  }
0x5c: {  	_ =	shalt  }
0x5d: {  	_ =	shalt  }
0x5e: {  	_ =	shalt  }
0x5f: {  	_ =	shalt  }
0x60: {  	_ =	shalt  }
0x61: {  	_ =	shalt  }
0x62: {  	_ =	shalt  }
0x63: {  	_ =	shalt  }
0x64: {  	_ =	shalt  }
0x65: {  	_ =	shalt  }
0x66: {  	_ =	shalt  }
0x67: {  	_ =	shalt  }
0x68: {  	_ =	shalt  }
0x69: {  	_ =	shalt  }
0x6a: {  	_ =	shalt  }
0x6b: {  	_ =	shalt  }
0x6c: {  	_ =	shalt  }
0x6d: {  	_ =	shalt  }
0x6e: {  	_ =	shalt  }
0x6f: {  	_ =	shalt  }
0x70: {  	_ =	shalt  }
0x71: {  	_ =	shalt  }
0x72: {  	_ =	shalt  }
0x73: {  	_ =	shalt  }
0x74: {  	_ =	shalt  }
0x75: {  	_ =	shalt  }
0x76: {  	_ =	shalt  }
0x77: {  	_ =	shalt  }
0x78: {  	_ =	shalt  }
0x79: {  	_ =	shalt  }
0x7a: {  	_ =	shalt  }
0x7b: {  	_ =	shalt  }
0x7c: {  	_ =	shalt  }
0x7d: {  	_ =	shalt  }
0x7e: {  	_ =	shalt  }
0x7f: {  	_ =	shalt  }
0x80: {  	_ =	shalt  }
0x81: {  	_ =	shalt  }
0x82: {  	_ =	shalt  }
0x83: {  	_ =	shalt  }
0x84: {  	_ =	shalt  }
0x85: {  	_ =	shalt  }
0x86: {  	_ =	shalt  }
0x87: {  	_ =	shalt  }
.Lfunc_end0:
.L_simem_size_0:
called_computation.2_lowered:
.L_overlay_start_0:
0x88: {  	s2 =	sld [smem:$0x3FD9]  }
0x89: {  	s3 =	sld [smem:$0x3FFE];
	_ =	sdelay $0x1  }
0x8a: {  	s1 =	srdreg.scid  }
0x8b: {  	s0 =	sand.u32 $0x1, s1  }
0x8c: {  	s16 =	sshll.u32 s0, $0xA;
	s2 =	sadd.s32 s3, s2  }
0x8d: {  	s2 =	sadd.s32 s2, s16  }
0x8e: {  	[smem:$0x3FBD] =	sst s2  }
0x8f: {  	_ = 	snop  }
0x90: {  	(tm) =	ssettm $0x1  }
0x91: {  	s17 =	sld [smem:$0x3FFB];
	_ =	sdelay $0x3  }
0x92: {  	_ =	strace s17  }
0x93: {  	s2 =	sld [smem:$0x3FFC];
	_ =	sdelay $0x3  }
0x94: {  	_ =	strace s2  }
0x95: {  	s2 =	sld [smem:$0x3FFD];
	_ =	sdelay $0x3  }
0x96: {  	_ =	strace s2  }
0x97: {  	_ =	strace $0x8FFFFFFF  }
0x98: {  	s18 =	sld [smem:$0x3FDB];
	_ =	sdelay $0x1  }
0x99: {  	s19 =	simm.s32 $_scs_section_size  }
0x9a: {  	s4 =	simm.s32 $_size__tile_overlayer_lowered;
	s5 =	simm.s32 $_tile_overlayer_lowered  }
0x9b: {  	s22 =	simm.s32 $0x1BFF;
	s21 =	sshll.u32 s5, $0x1;
	s2 =	sadd.s32 s19, s18  }
0x9c: {  	s6 =	simm.s32 $0x0;
	s20 =	sshll.u32 s4, $0x1;
	s4 =	sadd.s32 s21, s2  }
0x9d: {  	[timem:s6], [sflag:s22] =	dma.local [hbm:s4], s20  }
0x9e: {  	_ =	swait.ge [sflag:s22], s20  }
0x9f: {  	s3 =	ssub.s32 $0x0, s20;
	[sflag:s22] =	ssyncset.done $0x0  }
0xa0: {  	[sflag:s22] =	ssyncadd.s32 s3;
	_ =	sdelay $0x1  }
0xa1: {  	s23 =	simm.s32 $0x1B8B  }
0xa2: {  	_ =	swait.ge [sflag:s23], $0x1  }
0xa3: {  	[sflag:s23] =	ssyncset.done $0x0  }
0xa4: {  	s25 =	simm.s32 $0x1B8E;
	s24 =	sld [smem:$0x3FFE];
	[sflag:s23] =	ssyncadd.s32 $0xFFFFFFFF  }
0xa5: {  	s26 =	simm.s32 $execute0_lowered;
	[smem:$0x3FD2] =	sst s25  }
0xa6: {  	s4 =	sshll.u32 s26, $0x1;
	_ =	strace $0x8000004C;
	[dreg:$0x1] =	wrdreg $0xFFFFFFFF  }
0xa7: {  	s28 =	simm.s32 $_size_execute0_lowered;
	s2 =	sadd.s32 s2, s4;
	[dreg:$0x0] =	wrdreg $0x0  }
0xa8: {  	s4 =	sshll.u32 s28, $0x1;
	[dreg:$0x2] =	wrdreg s2  }
0xa9: {  	[dreg:$0x3] =	wrdreg s4  }
0xaa: {  	[dreg:$0x4] =	wrdreg $0xC0  }
0xab: {  	_ =	task [dreg:s6], $0x5FFFF  }
0xac: {  	[dreg:$0x1] =	wrdreg $0xFFFFFFFF  }
0xad: {  	[dreg:$0x0] =	wrdreg $0x60  }
0xae: {  	[dreg:$0x2] =	wrdreg s24  }
0xaf: {  	[dreg:$0x3] =	wrdreg $0x58000  }
0xb0: {  	[dreg:$0x4] =	wrdreg $0x9  }
0xb1: {  	_ =	task.clear_ibuf [dreg:s6], $0x5FFFF;
	_ =	strace $0x9000004C  }
0xb2: {  	s29 =	simm.s32 $0x9;
	_ =	strace $0x8000004E  }
0xb3: {  	_ =	swait.ge [sflag:s29], $0x1  }
0xb4: {  	[sflag:s29] =	ssyncadd.s32 $0xFFFFFFFF  }
0xb5: {  	_ =	strace $0x9000004E  }
0xb6: {  	_ =	sfence  }
0xb7: {  	s30 =	sld [smem:$0x0];
	_ =	sdelay $0x2  }
0xb8: {  	s31 =	sshll.u32 s1, $0xD;
	s1 =	sshrl.u32 s1, $0x2  }
0xb9: {  	s3 =	sand.u32 $0x4000, s31;
	s1 =	sadd.s32 s1, s30  }
0xba: {  	s0 =	sor.u32 s3, s0;
	s1 =	sshll.u32 s1, $0x11  }
0xbb: {  	s0 =	sor.u32 s1, s0  }
0xbc: {  	s0 =	sadd.s32 $0x8F2B, s0  }
0xbd: {  	[sflag:s0] =	ssyncadd.remote.s32 $0x1  }
0xbe: {  	_ =	sfence.sel $0xFFFF  }
0xbf: {  	[dreg:$0x0] =	wrdreg $0xFFFFFFFF;
	(pc) =	sbr.abs _section_cstart, $3  }
0xc0: {  	[dreg:$0x1] =	wrdreg $0xFFFFFFFF  }
0xc1: {  	_ =	task.clear_ibuf [dreg:s6], $0x2FFFF;
	_ =	strace $0x9FFFFFFF  }
0xc2: {  	(tm) =	ssettm $0x7FFFFFFF  }
0xc3: {  	_ =	shalt  }
tec
execute0_lowered:
.L_overlay_start_1:
0x0: {  	(tag) =	ssettag $0x1  }
0x1: {  	s0 =	rddreg [dreg:$0x0]  }
0x2: {  	s1 =	rddreg [dreg:$0x1];
	s3 =	simm.s32 $0x0;
	s2 =	srdreg.scid  }
0x3: {  	s12 =	stileid.u32;
	s28 =	simm.s32 $0x2;
	s29 =	simm.s32 $0x480  }
0x4: {  	s30 =	simm.s32 $0x180;
	s31 =	simm.s32 $0x500;
	[smem:$0x7FF] =	sst s3  }
0x5: {  	s2 =	sand.u32 $0x1, s2;
	s6 =	smul.u32 $0x14000, s12;
	s7 =	sadd.s32 $0x13800, s0  }
0x6: {  	s8 =	sadd.s32 $0x2800, s0;
	s4 =	sadd.s32 $0x23800, s0;
	s9 =	smul.u32 $0x2800, s12  }
0x7: {  	s11 =	smul.u32 $0x50000, s12;
	s19 =	sshll.u32 s12, $0xF;
	s20 =	sshll.u32 s12, $0x6  }
0x8: {  	s5 =	smul.u32 $0x140000, s2;
	_ =	strace $0x8000004D;
	s16 =	ssub.s32 $0x2, s2  }
0x9: {  	s2 =	sshll.u32 s2, $0xE;
	s12 =	sor.u32 $0x1C05, s20;
	s20 =	simm.s32 $0x600  }
0xa: {  	s10 =	sshrl.u32 s16, $0x1;
	s9 =	sadd.s32 s9, s0;
	s18 =	sshrl.u32 s11, $0x2  }
0xb: {  	s2 =	sor.u32 s2, s19;
	s19 =	simm.s32 $0x200;
	s11 =	simm.s32 $0x780  }
0xc: {  	[dreg:$0x4] =	wrdreg s12;
	s5 =	sadd.s32 s6, s5;
	s17 =	ssub.s32 s16, s10  }
0xd: {  	s6 =	sadd.s32 s18, s1;
	s9 =	sadd.s32 $0x4B800, s9;
	s21 =	sshrl.u32 s2, $0x3  }
0xe: {  	s2 =	sor.u32 $0x400, s2;
	s16 =	simm.s32 $0x5;
	s18 =	simm.s32 $0x3  }
0xf: {  	s10 =	simm.s32 $0x700;
	s5 =	sshrl.u32 s5, $0x3;
	[dreg:$0x3] =	wrdreg s9  }
0x10: {  	s22 =	sadd.s32 s7, s21;
	s23 =	sadd.s32 s8, s21;
	s9 =	sor.u32 $0x40, s21  }
0x11: {  	s25 =	smax.u32 s17, $0x1;
	s26 =	sshrl.u32 s2, $0x3;
	s15 =	sshrl.u32 s6, $0x3  }
0x12: {  	s17 =	simm.s32 $0x400;
	s21 =	simm.s32 $0x50;
	[dreg:$0x5] =	wrdreg s22  }
0x13: {  	s2 =	simm.s32 $0x580;
	s0 =	sadd.s32 s5, s0;
	[dreg:$0x6] =	wrdreg s23  }
0x14: {  	s24 =	sadd.s32 s7, s9;
	s9 =	sadd.s32 s8, s9;
	[dreg:$0xa] =	wrdreg s25  }
0x15: {  	s13 =	sadd.s32 s26, s7;
	s14 =	sadd.s32 s26, s8;
	s22 =	simm.s32 $0x800  }
.Ltmp0:
0x16: {  	s25 =	simm.s32 $0x1;
	s26 =	simm.s32 $0x100;
	(pc) =	sbr.rel .LBB2_1-.Ltmp0, $4  }
0x17: {  	s5 =	simm.s32 $0x280;
	s7 =	simm.s32 $0x300;
	[dreg:$0xb] =	wrdreg s15  }
0x18: {  	s8 =	simm.s32 $0x680;
	s23 =	simm.s32 $0x0;
	[dreg:$0x7] =	wrdreg s24  }
0x19: {  	[dreg:$0x8] =	wrdreg s9;
	s0 =	sadd.s32 $0x73800, s0;
	s24 =	simm.s32 $0x3000  }
0x1a: {  	s9 =	simm.s32 $0x380;
	[dreg:$0x9] =	wrdreg s0;
	s0 =	simm.s32 $0x4  }
.LBB2_3:
0x1b: {  	_ =	swait.ge [sflag:s28], $0x2800  }
0x1c: {  	[sflag:s28] =	ssyncset.done $0x0  }
0x1d: {  	[sflag:s28] =	ssyncadd.s32 $0xFFFFD800  }
0x1e: {  	[spmem:s1] =	stream.indirect.scatter.add.f32 [tilespmem:s24], [sflag:$0x5], $0x80, s11, s21, $0xb8;
	[tilespmem:$0x19800] =	vst v63  }
0x1f: {  	_ =	swait.ge [sflag:s16], $0x2800  }
0x20: {  	[sflag:s16] =	ssyncset.done $0x0  }
0x21: {  	[sflag:s16] =	ssyncadd.s32 $0xFFFFD800  }
.LBB2_5:
0x22: {  	[bflag:$0x0] =	sbarrier.arrive $0xFFFF  }
0x23: {  	s12 =	rddreg [dreg:$0x4]  }
0x24: {  	s6 =	rddreg [dreg:$0x9]  }
0x25: {  	s15 =	rddreg [dreg:$0xb]  }
0x26: {  	[hbm:s6], [sflag:s12] =	dma.local [spmem:s15], $0x2800  }
0x27: {  	_ =	swait.ge [sflag:s16], $0x2800  }
0x28: {  	s23 =	rddreg [dreg:$0xc]  }
0x29: {  	s6 =	rddreg [dreg:$0xa];
	s23 =	sadd.s32 $0x1, s23  }
0x2a: {  	p0 =	sne.s32 s23, s6  }
.Ltmp1:
0x2b: {  	_ = 	snop;
	(pc) =	sbr.rel @!p0 .LBB2_6-.Ltmp1, $3  }
0x2c: {  	_ =	sdelay $0x1  }
0x2d: {  	[sflag:s16] =	ssyncset.done $0x0  }
0x2e: {  	[sflag:s16] =	ssyncadd.s32 $0xFFFFD800  }
.LBB2_1:
0x2f: {  	[dreg:$0xc] =	wrdreg s23  }
0x30: {  	s6 =	rddreg [dreg:$0x3]  }
0x31: {  	[spmem:s15], [sflag:s12] =	dma.local [hbm:s6], $0x2800  }
0x32: {  	_ =	swait.ge [sflag:s16], $0x2800  }
0x33: {  	[sflag:s16] =	ssyncset.done $0x0  }
0x34: {  	[sflag:s16] =	ssyncadd.s32 $0xFFFFD800  }
0x35: {  	[bflag:$0x0] =	sbarrier.arrive $0xFFFF  }
0x36: {  	s23 =	rddreg [dreg:$0x5]  }
0x37: {  	[tilespmem:s3], [sflag:$0x3] =	stream.linear.gather [hbm4b:s23+s3], $0x200, $0x38;
	[tilespmem:$0x19800] =	vst v63  }
0x38: {  	s12 =	rddreg [dreg:$0x6]  }
0x39: {  	[tilespmem:s17], [sflag:$0x3] =	stream.linear.gather [hbm4b:s12+s3], $0x200, $0x38;
	[tilespmem:$0x19800] =	vst v63  }
0x3a: {  	_ =	swait.ge [sflag:s18], $0x200  }
0x3b: {  	[sflag:s18] =	ssyncset.done $0x0  }
0x3c: {  	[sflag:s18] =	ssyncadd.s32 $0xFFFFFE00  }
0x3d: {  	_ =	swait.ge [sflag:s18], $0x200  }
0x3e: {  	[sflag:s18] =	ssyncset.done $0x0  }
0x3f: {  	s15 =	rddreg [dreg:$0x7];
	[sflag:s18] =	ssyncadd.s32 $0xFFFFFE00  }
0x40: {  	[tilespmem:s19], [sflag:$0x4] =	stream.linear.gather [hbm4b:s15+s3], $0x200, $0x38;
	[tilespmem:$0x19800] =	vst v63  }
0x41: {  	s23 =	rddreg [dreg:$0x8]  }
0x42: {  	[tilespmem:s20], [sflag:$0x4] =	stream.linear.gather [hbm4b:s23+s3], $0x200, $0x38;
	[tilespmem:$0x19800] =	vst v63  }
0x43: {  	s6 =	simm.s32 $0x0  }
0x44: {  	[tilespmem:s22], [sflag:$0x1] =	stream.indirect.gather [hbm4b:s4+s21], $0x80, s3, s21, $0xb8;
	[tilespmem:$0x19800] =	vst v63  }
.LBB2_2:
0x45: {  	s12 =	simm.s32 $0x80  }
0x46: {  	[tilespmem:s24], [sflag:$0x2] =	stream.indirect.gather [hbm4b:s4+s21], $0x80, s12, s21, $0xb8;
	[tilespmem:$0x19800] =	vst v63  }
0x47: {  	_ =	swait.ge [sflag:s25], $0x2800  }
0x48: {  	[sflag:s25] =	ssyncset.done $0x0  }
0x49: {  	[sflag:s25] =	ssyncadd.s32 $0xFFFFD800  }
0x4a: {  	[spmem:s1] =	stream.indirect.scatter.add.f32 [tilespmem:s22], [sflag:$0x5], $0x80, s17, s21, $0xb8;
	[tilespmem:$0x19800] =	vst v63  }
0x4b: {  	_ =	swait.ge [sflag:s16], $0x2800  }
0x4c: {  	[sflag:s16] =	ssyncset.done $0x0  }
0x4d: {  	[sflag:s16] =	ssyncadd.s32 $0xFFFFD800  }
0x4e: {  	[tilespmem:s22], [sflag:$0x1] =	stream.indirect.gather [hbm4b:s4+s21], $0x80, s26, s21, $0xb8;
	[tilespmem:$0x19800] =	vst v63  }
0x4f: {  	_ =	swait.ge [sflag:s28], $0x2800  }
0x50: {  	[sflag:s28] =	ssyncset.done $0x0  }
0x51: {  	[sflag:s28] =	ssyncadd.s32 $0xFFFFD800  }
0x52: {  	[spmem:s1] =	stream.indirect.scatter.add.f32 [tilespmem:s24], [sflag:$0x5], $0x80, s29, s21, $0xb8;
	[tilespmem:$0x19800] =	vst v63  }
0x53: {  	_ =	swait.ge [sflag:s16], $0x2800  }
0x54: {  	[sflag:s16] =	ssyncset.done $0x0  }
0x55: {  	[sflag:s16] =	ssyncadd.s32 $0xFFFFD800  }
0x56: {  	[tilespmem:s24], [sflag:$0x2] =	stream.indirect.gather [hbm4b:s4+s21], $0x80, s30, s21, $0xb8;
	[tilespmem:$0x19800] =	vst v63  }
0x57: {  	_ =	swait.ge [sflag:s25], $0x2800  }
0x58: {  	[sflag:s25] =	ssyncset.done $0x0  }
0x59: {  	[sflag:s25] =	ssyncadd.s32 $0xFFFFD800  }
0x5a: {  	[spmem:s1] =	stream.indirect.scatter.add.f32 [tilespmem:s22], [sflag:$0x5], $0x80, s31, s21, $0xb8;
	[tilespmem:$0x19800] =	vst v63  }
0x5b: {  	_ =	swait.ge [sflag:s16], $0x2800  }
0x5c: {  	[sflag:s16] =	ssyncset.done $0x0  }
0x5d: {  	[sflag:s16] =	ssyncadd.s32 $0xFFFFD800  }
0x5e: {  	_ =	swait.ge [sflag:s0], $0x200  }
0x5f: {  	[sflag:s0] =	ssyncset.done $0x0  }
0x60: {  	[sflag:s0] =	ssyncadd.s32 $0xFFFFFE00  }
0x61: {  	_ =	swait.ge [sflag:s0], $0x200  }
0x62: {  	[sflag:s0] =	ssyncset.done $0x0  }
0x63: {  	[sflag:s0] =	ssyncadd.s32 $0xFFFFFE00  }
0x64: {  	[tilespmem:s22], [sflag:$0x1] =	stream.indirect.gather [hbm4b:s4+s21], $0x80, s19, s21, $0xb8;
	[tilespmem:$0x19800] =	vst v63  }
0x65: {  	_ =	swait.ge [sflag:s28], $0x2800  }
0x66: {  	[sflag:s28] =	ssyncset.done $0x0  }
0x67: {  	[sflag:s28] =	ssyncadd.s32 $0xFFFFD800  }
0x68: {  	[spmem:s1] =	stream.indirect.scatter.add.f32 [tilespmem:s24], [sflag:$0x5], $0x80, s2, s21, $0xb8;
	[tilespmem:$0x19800] =	vst v63  }
0x69: {  	_ =	swait.ge [sflag:s16], $0x2800  }
0x6a: {  	p0 =	seq.s32 s6, $0x780;
	[sflag:s16] =	ssyncset.done $0x0  }
0x6b: {  	s15 =	sadd.s32 @!p0 s6, s13;
	s12 =	simm.s32 @!p0 $0x0;
	[sflag:s16] =	ssyncadd.s32 $0xFFFFD800  }
0x6c: {  	[tilespmem:s12], [sflag:$0x3] =	stream.linear.gather @!p0 [hbm4b:s15+s12], $0x200, $0x38;
	[tilespmem:$0x19800] =	vst v63  }
0x6d: {  	s23 =	simm.s32 @!p0 $0x400;
	s15 =	sadd.s32 @!p0 s6, s14  }
0x6e: {  	[tilespmem:s23], [sflag:$0x3] =	stream.linear.gather @!p0 [hbm4b:s15+s12], $0x200, $0x38;
	[tilespmem:$0x19800] =	vst v63  }
0x6f: {  	_ = 	snop  }
0x70: {  	[tilespmem:s24], [sflag:$0x2] =	stream.indirect.gather [hbm4b:s4+s21], $0x80, s5, s21, $0xb8;
	[tilespmem:$0x19800] =	vst v63  }
0x71: {  	_ =	swait.ge [sflag:s25], $0x2800  }
0x72: {  	[sflag:s25] =	ssyncset.done $0x0  }
0x73: {  	[sflag:s25] =	ssyncadd.s32 $0xFFFFD800  }
0x74: {  	[spmem:s1] =	stream.indirect.scatter.add.f32 [tilespmem:s22], [sflag:$0x5], $0x80, s20, s21, $0xb8;
	[tilespmem:$0x19800] =	vst v63  }
0x75: {  	_ =	swait.ge [sflag:s16], $0x2800  }
0x76: {  	[sflag:s16] =	ssyncset.done $0x0  }
0x77: {  	[sflag:s16] =	ssyncadd.s32 $0xFFFFD800  }
0x78: {  	[tilespmem:s22], [sflag:$0x1] =	stream.indirect.gather [hbm4b:s4+s21], $0x80, s7, s21, $0xb8;
	[tilespmem:$0x19800] =	vst v63  }
0x79: {  	_ =	swait.ge [sflag:s28], $0x2800  }
0x7a: {  	[sflag:s28] =	ssyncset.done $0x0  }
0x7b: {  	[sflag:s28] =	ssyncadd.s32 $0xFFFFD800  }
0x7c: {  	[spmem:s1] =	stream.indirect.scatter.add.f32 [tilespmem:s24], [sflag:$0x5], $0x80, s8, s21, $0xb8;
	[tilespmem:$0x19800] =	vst v63  }
0x7d: {  	_ =	swait.ge [sflag:s16], $0x2800  }
0x7e: {  	[sflag:s16] =	ssyncset.done $0x0  }
0x7f: {  	[sflag:s16] =	ssyncadd.s32 $0xFFFFD800  }
0x80: {  	[tilespmem:s24], [sflag:$0x2] =	stream.indirect.gather [hbm4b:s4+s21], $0x80, s9, s21, $0xb8;
	[tilespmem:$0x19800] =	vst v63  }
0x81: {  	_ =	swait.ge [sflag:s25], $0x2800  }
0x82: {  	p0 =	sne.s32 s6, $0x780;
	[sflag:s25] =	ssyncset.done $0x0  }
.Ltmp2:
0x83: {  	[sflag:s25] =	ssyncadd.s32 $0xFFFFD800;
	(pc) =	sbr.rel @!p0 .LBB2_3-.Ltmp2, $4  }
0x84: {  	[spmem:s1] =	stream.indirect.scatter.add.f32 [tilespmem:s22], [sflag:$0x5], $0x80, s10, s21, $0xb8;
	[tilespmem:$0x19800] =	vst v63  }
0x85: {  	_ =	swait.ge [sflag:s16], $0x2800  }
0x86: {  	[sflag:s16] =	ssyncset.done $0x0  }
0x87: {  	[sflag:s16] =	ssyncadd.s32 $0xFFFFD800  }
0x88: {  	_ =	swait.ge [sflag:s18], $0x200  }
0x89: {  	[sflag:s18] =	ssyncset.done $0x0  }
0x8a: {  	[sflag:s18] =	ssyncadd.s32 $0xFFFFFE00  }
0x8b: {  	_ =	swait.ge [sflag:s18], $0x200  }
0x8c: {  	[sflag:s18] =	ssyncset.done $0x0  }
0x8d: {  	[sflag:s18] =	ssyncadd.s32 $0xFFFFFE00  }
0x8e: {  	[tilespmem:s22], [sflag:$0x1] =	stream.indirect.gather [hbm4b:s4+s21], $0x80, s3, s21, $0xb8;
	[tilespmem:$0x19800] =	vst v63  }
0x8f: {  	_ =	swait.ge [sflag:s28], $0x2800  }
0x90: {  	s12 =	sadd.s32 s6, s13;
	[sflag:s28] =	ssyncset.done $0x0  }
0x91: {  	s23 =	sadd.s32 s6, s14;
	s6 =	sadd.s32 $0x80, s6;
	[sflag:s28] =	ssyncadd.s32 $0xFFFFD800  }
0x92: {  	[spmem:s1] =	stream.indirect.scatter.add.f32 [tilespmem:s24], [sflag:$0x5], $0x80, s11, s21, $0xb8;
	[tilespmem:$0x19800] =	vst v63  }
0x93: {  	p0 =	sne.s32 s6, $0x800;
	_ =	swait.ge [sflag:s16], $0x2800  }
.Ltmp3:
0x94: {  	[sflag:s16] =	ssyncset.done $0x0;
	(pc) =	sbr.rel @p0 .LBB2_2-.Ltmp3, $4  }
.Ltmp4:
0x95: {  	s12 =	sadd.s32 $0x40, s12;
	[sflag:s16] =	ssyncadd.s32 $0xFFFFD800;
	(pc) =	sbr.rel @!p0 .LBB2_5-.Ltmp4, $4  }
0x96: {  	[tilespmem:s19], [sflag:$0x4] =	stream.linear.gather [hbm4b:s12+s3], $0x200, $0x38;
	[tilespmem:$0x19800] =	vst v63  }
0x97: {  	s12 =	sadd.s32 $0x40, s23  }
0x98: {  	[tilespmem:s20], [sflag:$0x4] =	stream.linear.gather [hbm4b:s12+s3], $0x200, $0x38;
	[tilespmem:$0x19800] =	vst v63  }
0x99: {  	_ = 	snop  }
.LBB2_6:
0x9a: {  	_ =	sfence.sel $0x180000  }
0x9b: {  	[bflag:$0x0] =	sbarrier.arrive $0xFFFF  }
0x9c: {  	_ =	strace $0x9000004D  }
0x9d: {  	s0 =	stileid.u32;
	[bflag:$0x2] =	sbarrier.arrive $0xFFFF  }
0x9e: {  	p0 =	sne.s32 s0, $0x0;
	s0 =	rddreg [dreg:$0x2]  }
0x9f: {  	s0 =	sadd.s32 @!p0 $0x100000, s0  }
0xa0: {  	[sflag:s0] =	ssyncadd.tile.s32 @!p0 $0x1;
	_ =	shalt  }
.Lfunc_end2:
_tile_overlayer_lowered:
.L_overlay_start_2:
0xa1: {  	(tag) =	ssettag $0x2  }
0xa2: {  	s0 =	rddreg [dreg:$0x0];
	s2 =	stileid.u32  }
0xa3: {  	s1 =	rddreg [dreg:$0x1];
	p0 =	sne.s32 s2, $0x0  }
0xa4: {  	s3 =	rddreg [dreg:$0x2];
	[bflag:$0x3] =	sbarrier.arrive $0xFFFF;
	s2 =	simm.s32 @!p0 $0x1C05  }
0xa5: {  	[timem:s3], [sflag:s2] =	dma.local @!p0 [hbm:s0], s1  }
0xa6: {  	s0 =	simm.s32 @!p0 $0x5  }
0xa7: {  	_ =	swait.ge @!p0 [sflag:s0], s1  }
0xa8: {  	s1 =	ssub.s32 @!p0 $0x0, s1;
	[sflag:s0] =	ssyncset.done @!p0 $0x0  }
0xa9: {  	[sflag:s0] =	ssyncadd.s32 @!p0 s1  }
0xaa: {  	[bflag:$0x3] =	sbarrier.arrive $0xFFFF  }
0xab: {  	_ =	shalt  }

// kernel: kernel.8.cloned.1.call-start
scs
__scs_entry_jumppad:
0x0: {  	(pc) =	sbr.rel $0x88, $3  }
0x1: {  	(tag) =	ssettag $0x0;
	lr =	simm.s32 $0x1  }
0x2: {  	[smem:$0x3F96] =	sst lr;
	_ =	strace $0xD0000000  }
0x3: {  	_ = 	snop  }
0x4: {  	_ = 	snop  }
0x5: {  	_ = 	snop  }
0x6: {  	_ = 	snop  }
0x7: {  	_ = 	snop  }
__scs_overlays_trampoline_lowered:
0x8: {  	[smem:$0x3FA5] =	sst s0  }
0x9: {  	[smem:$0x3FA6] =	sst s1  }
0xa: {  	[smem:$0x3FA7] =	sst s2  }
0xb: {  	[smem:$0x3FA8] =	sst s3  }
0xc: {  	[smem:$0x3FA9] =	sst s4  }
0xd: {  	[smem:$0x3FAA] =	sst s5  }
0xe: {  	[smem:$0x3FAB] =	sst s6  }
0xf: {  	[smem:$0x3FAC] =	sst s7  }
0x10: {  	[smem:$0x3FAD] =	sst s8  }
0x11: {  	[smem:$0x3FAE] =	sst s9;
	s0 =	simm.s32 @!p0 $0x0  }
0x12: {  	s1 =	sld [smem:$0x3F94];
	s0 =	simm.s32 @p0 $0x1  }
0x13: {  	[smem:$0x3FAF] =	sst s0;
	s0 =	simm.s32 @!p1 $0x0  }
0x14: {  	s2 =	sld [smem:$0x3F93];
	s0 =	simm.s32 @p1 $0x1  }
0x15: {  	[smem:$0x3FB0] =	sst s0;
	s0 =	simm.s32 @!p2 $0x0  }
0x16: {  	s3 =	sld [smem:$0x3FDB];
	s0 =	simm.s32 @p2 $0x1  }
0x17: {  	s4 =	simm.s32 $0x1BF5;
	[smem:$0x3FB2] =	sst s0  }
0x18: {  	s0 =	sld [smem:$0x3F95];
	_ =	swait.ge [sflag:s4], $0x0  }
0x19: {  	s7 =	sld [smem:$0x3F96]  }
0x1a: {  	s8 =	sadd.s32 $0xFFFFE003, lr  }
0x1b: {  	s9 =	sadd.s32 $0xFFFFFEF7, lr;
	s5 =	simm.s32 $0xFFFFFFFF;
	p2 =	slt.u32 s8, $0xFFFFF086  }
0x1c: {  	p1 =	slt.u32 s9, $0xF7A;
	s5 =	simm.s32 @!p2 $0x0  }
0x1d: {  	s5 =	simm.s32 @p1 $0x1;
	p0 =	seq.s32 s7, s2  }
0x1e: {  	s7 =	smul.u32 @!p0 $0xF7A, s2;
	p2 =	seq.s32 @!p0 s5, $0x0  }
0x1f: {  	s9 =	smul.u32 $0xF7A, s1;
	s8 =	simm.s32 @!p0 $0x1BF5;
	p2 =	por !p2, p0  }
0x20: {  	[sflag:s8] =	ssyncset.s32 @!p0 $0xFFFFF086;
	s6 =	sadd.s32 @!p0 s3, s7;
	s7 =	simm.s32 @!p0 $0x108  }
0x21: {  	s3 =	sadd.s32 s3, s9;
	s6 =	sadd.s32 @!p0 $0x88, s6;
	s7 =	simm.s32 @p2 $0x1082  }
0x22: {  	[simem:s7], [sflag:s8] =	dma.local @!p0 [hbm:s6], $0xF7A  }
0x23: {  	s9 =	sor.u32 $0xD0000000, s2;
	s6 =	simm.s32 $0x108;
	_ =	swait.ge @!p0 [sflag:s8], $0x0  }
0x24: {  	s3 =	sadd.s32 $0x88, s3;
	s6 =	simm.s32 @!p1 $0x1082;
	[sflag:s4] =	ssyncset.s32 $0xFFFFF086  }
0x25: {  	[simem:s6], [sflag:s4] =	dma.local [hbm:s3], $0xF7A  }
0x26: {  	[smem:$0x3F96] =	sst s1;
	(tag) =	ssettag s2;
	_ =	strace s9  }
0x27: {  	s1 =	sld [smem:$0x3FA6]  }
0x28: {  	s2 =	sld [smem:$0x3FA7]  }
0x29: {  	s4 =	sld [smem:$0x3FA9]  }
0x2a: {  	p0 =	seq.s32 s5, $0x0;
	s5 =	sld [smem:$0x3FAA]  }
0x2b: {  	s6 =	sld [smem:$0x3FAB]  }
0x2c: {  	s7 =	sld [smem:$0x3FAC]  }
0x2d: {  	s3 =	simm.s32 $0x108;
	s8 =	sld [smem:$0x3FAD]  }
0x2e: {  	s3 =	simm.s32 @!p0 $0x1082;
	s9 =	sld [smem:$0x3FAE]  }
0x2f: {  	lr =	sadd.s32 s0, s3;
	s0 =	sld [smem:$0x3FA5]  }
0x30: {  	s3 =	sld [smem:$0x3FA8]  }
0x31: {  	[smem:$0x3FB1] =	sst s10  }
0x32: {  	s10 =	sld [smem:$0x3FAF];
	_ =	sdelay $0x3  }
0x33: {  	p0 =	seq.s32 s10, $0x1;
	s10 =	sld [smem:$0x3FB1];
	_ =	sdelay $0x3  }
0x34: {  	[smem:$0x3FB1] =	sst s10  }
0x35: {  	s10 =	sld [smem:$0x3FB0];
	_ =	sdelay $0x3  }
0x36: {  	p1 =	seq.s32 s10, $0x1;
	s10 =	sld [smem:$0x3FB1];
	_ =	sdelay $0x3  }
0x37: {  	[smem:$0x3FB1] =	sst s10  }
0x38: {  	s10 =	sld [smem:$0x3FB2]  }
0x39: {  	_ = 	snop;
	(pc) =	sbr.ind lr, $3  }
0x3a: {  	_ = 	snop  }
0x3b: {  	_ = 	snop  }
0x3c: {  	p2 =	seq.s32 s10, $0x1;
	s10 =	sld [smem:$0x3FB1]  }
0x3d: {  	_ =	shalt  }
0x3e: {  	_ =	shalt  }
0x3f: {  	_ =	shalt  }
0x40: {  	_ =	shalt  }
0x41: {  	_ =	shalt  }
0x42: {  	_ =	shalt  }
0x43: {  	_ =	shalt  }
0x44: {  	_ =	shalt  }
0x45: {  	_ =	shalt  }
0x46: {  	_ =	shalt  }
0x47: {  	_ =	shalt  }
0x48: {  	_ =	shalt  }
0x49: {  	_ =	shalt  }
0x4a: {  	_ =	shalt  }
0x4b: {  	_ =	shalt  }
0x4c: {  	_ =	shalt  }
0x4d: {  	_ =	shalt  }
0x4e: {  	_ =	shalt  }
0x4f: {  	_ =	shalt  }
0x50: {  	_ =	shalt  }
0x51: {  	_ =	shalt  }
0x52: {  	_ =	shalt  }
0x53: {  	_ =	shalt  }
0x54: {  	_ =	shalt  }
0x55: {  	_ =	shalt  }
0x56: {  	_ =	shalt  }
0x57: {  	_ =	shalt  }
0x58: {  	_ =	shalt  }
0x59: {  	_ =	shalt  }
0x5a: {  	_ =	shalt  }
0x5b: {  	_ =	shalt  }
0x5c: {  	_ =	shalt  }
0x5d: {  	_ =	shalt  }
0x5e: {  	_ =	shalt  }
0x5f: {  	_ =	shalt  }
0x60: {  	_ =	shalt  }
0x61: {  	_ =	shalt  }
0x62: {  	_ =	shalt  }
0x63: {  	_ =	shalt  }
0x64: {  	_ =	shalt  }
0x65: {  	_ =	shalt  }
0x66: {  	_ =	shalt  }
0x67: {  	_ =	shalt  }
0x68: {  	_ =	shalt  }
0x69: {  	_ =	shalt  }
0x6a: {  	_ =	shalt  }
0x6b: {  	_ =	shalt  }
0x6c: {  	_ =	shalt  }
0x6d: {  	_ =	shalt  }
0x6e: {  	_ =	shalt  }
0x6f: {  	_ =	shalt  }
0x70: {  	_ =	shalt  }
0x71: {  	_ =	shalt  }
0x72: {  	_ =	shalt  }
0x73: {  	_ =	shalt  }
0x74: {  	_ =	shalt  }
0x75: {  	_ =	shalt  }
0x76: {  	_ =	shalt  }
0x77: {  	_ =	shalt  }
0x78: {  	_ =	shalt  }
0x79: {  	_ =	shalt  }
0x7a: {  	_ =	shalt  }
0x7b: {  	_ =	shalt  }
0x7c: {  	_ =	shalt  }
0x7d: {  	_ =	shalt  }
0x7e: {  	_ =	shalt  }
0x7f: {  	_ =	shalt  }
0x80: {  	_ =	shalt  }
0x81: {  	_ =	shalt  }
0x82: {  	_ =	shalt  }
0x83: {  	_ =	shalt  }
0x84: {  	_ =	shalt  }
0x85: {  	_ =	shalt  }
0x86: {  	_ =	shalt  }
0x87: {  	_ =	shalt  }
.Lfunc_end0:
.L_simem_size_0:
called_computation_lowered:
.L_overlay_start_0:
0x88: {  	s2 =	sld [smem:$0x3FD9]  }
0x89: {  	s3 =	sld [smem:$0x3FFE];
	_ =	sdelay $0x1  }
0x8a: {  	s1 =	srdreg.scid  }
0x8b: {  	s0 =	sand.u32 $0x1, s1  }
0x8c: {  	s16 =	sshll.u32 s0, $0xA;
	s2 =	sadd.s32 s3, s2  }
0x8d: {  	s2 =	sadd.s32 s2, s16  }
0x8e: {  	[smem:$0x3FBD] =	sst s2  }
0x8f: {  	_ = 	snop  }
0x90: {  	(tm) =	ssettm $0x1  }
0x91: {  	s17 =	sld [smem:$0x3FFB];
	_ =	sdelay $0x3  }
0x92: {  	_ =	strace s17  }
0x93: {  	s2 =	sld [smem:$0x3FFC];
	_ =	sdelay $0x3  }
0x94: {  	_ =	strace s2  }
0x95: {  	s2 =	sld [smem:$0x3FFD];
	_ =	sdelay $0x3  }
0x96: {  	_ =	strace s2  }
0x97: {  	_ =	strace $0x8FFFFFFF  }
0x98: {  	s18 =	sld [smem:$0x3FDB];
	_ =	sdelay $0x1  }
0x99: {  	s19 =	simm.s32 $_scs_section_size  }
0x9a: {  	s4 =	simm.s32 $_size__tile_overlayer_lowered;
	s5 =	simm.s32 $_tile_overlayer_lowered  }
0x9b: {  	s22 =	simm.s32 $0x1BFF;
	s21 =	sshll.u32 s5, $0x1;
	s2 =	sadd.s32 s19, s18  }
0x9c: {  	s6 =	simm.s32 $0x0;
	s20 =	sshll.u32 s4, $0x1;
	s4 =	sadd.s32 s21, s2  }
0x9d: {  	[timem:s6], [sflag:s22] =	dma.local [hbm:s4], s20  }
0x9e: {  	_ =	swait.ge [sflag:s22], s20  }
0x9f: {  	s3 =	ssub.s32 $0x0, s20;
	[sflag:s22] =	ssyncset.done $0x0  }
0xa0: {  	[sflag:s22] =	ssyncadd.s32 s3;
	_ =	sdelay $0x1  }
0xa1: {  	s23 =	simm.s32 $0x1B8B  }
0xa2: {  	_ =	swait.ge [sflag:s23], $0x1  }
0xa3: {  	[sflag:s23] =	ssyncset.done $0x0  }
0xa4: {  	s25 =	simm.s32 $0x1B8E;
	s24 =	sld [smem:$0x3FFE];
	[sflag:s23] =	ssyncadd.s32 $0xFFFFFFFF  }
0xa5: {  	s26 =	simm.s32 $execute0_lowered;
	[smem:$0x3FD2] =	sst s25  }
0xa6: {  	s4 =	sshll.u32 s26, $0x1;
	_ =	strace $0x80000046;
	[dreg:$0x1] =	wrdreg $0xFFFFFFFF  }
0xa7: {  	s28 =	simm.s32 $_size_execute0_lowered;
	s2 =	sadd.s32 s2, s4;
	[dreg:$0x0] =	wrdreg $0x0  }
0xa8: {  	s4 =	sshll.u32 s28, $0x1;
	[dreg:$0x2] =	wrdreg s2  }
0xa9: {  	[dreg:$0x3] =	wrdreg s4  }
0xaa: {  	[dreg:$0x4] =	wrdreg $0xC0  }
0xab: {  	_ =	task [dreg:s6], $0x5FFFF  }
0xac: {  	[dreg:$0x1] =	wrdreg $0xFFFFFFFF  }
0xad: {  	[dreg:$0x0] =	wrdreg $0x60  }
0xae: {  	[dreg:$0x2] =	wrdreg s24  }
0xaf: {  	[dreg:$0x3] =	wrdreg $0x4800  }
0xb0: {  	[dreg:$0x4] =	wrdreg $0x9  }
0xb1: {  	_ =	task.clear_ibuf [dreg:s6], $0x5FFFF;
	_ =	strace $0x90000046  }
0xb2: {  	s29 =	simm.s32 $0x9;
	_ =	strace $0x80000048  }
0xb3: {  	_ =	swait.ge [sflag:s29], $0x1  }
0xb4: {  	[sflag:s29] =	ssyncadd.s32 $0xFFFFFFFF  }
0xb5: {  	_ =	strace $0x90000048  }
0xb6: {  	_ =	sfence  }
0xb7: {  	s30 =	sld [smem:$0x0];
	_ =	sdelay $0x2  }
0xb8: {  	s31 =	sshll.u32 s1, $0xD;
	s1 =	sshrl.u32 s1, $0x2  }
0xb9: {  	s3 =	sand.u32 $0x4000, s31;
	s1 =	sadd.s32 s1, s30  }
0xba: {  	s0 =	sor.u32 s3, s0;
	s1 =	sshll.u32 s1, $0x11  }
0xbb: {  	s0 =	sor.u32 s1, s0  }
0xbc: {  	s0 =	sadd.s32 $0x8F2B, s0  }
0xbd: {  	[sflag:s0] =	ssyncadd.remote.s32 $0x1  }
0xbe: {  	_ =	sfence.sel $0xFFFF  }
0xbf: {  	[dreg:$0x0] =	wrdreg $0xFFFFFFFF;
	(pc) =	sbr.abs _section_cstart, $3  }
0xc0: {  	[dreg:$0x1] =	wrdreg $0xFFFFFFFF  }
0xc1: {  	_ =	task.clear_ibuf [dreg:s6], $0x2FFFF;
	_ =	strace $0x9FFFFFFF  }
0xc2: {  	(tm) =	ssettm $0x7FFFFFFF  }
0xc3: {  	_ =	shalt  }
tec
execute0_lowered:
.L_overlay_start_1:
0x0: {  	(tag) =	ssettag $0x1  }
0x1: {  	s4 =	rddreg [dreg:$0x0]  }
0x2: {  	s2 =	rddreg [dreg:$0x1]  }
0x3: {  	s0 =	rddreg [dreg:$0x2]  }
0x4: {  	s1 =	stileid.u32;
	s3 =	simm.s32 $0x0;
	s6 =	srdreg.scid  }
0x5: {  	s14 =	simm.s32 $0x3;
	s15 =	simm.s32 $0x50;
	s16 =	simm.s32 $0x400  }
0x6: {  	s17 =	simm.s32 $0x80;
	s18 =	simm.s32 $0x100;
	s19 =	simm.s32 $0x180  }
0x7: {  	s20 =	simm.s32 $0x4;
	s21 =	simm.s32 $0x280;
	s28 =	simm.s32 $0x10  }
0x8: {  	s29 =	simm.s32 $0x0;
	s5 =	smul.u32 $0x280, s1;
	[smem:$0x7FF] =	sst s3  }
0x9: {  	s6 =	sand.u32 $0x1, s6;
	s7 =	smul.u32 $0x500, s1;
	s10 =	sadd.s32 $0x2800, s4  }
0xa: {  	s12 =	sshll.u32 s1, $0xF;
	s26 =	sshll.u32 s1, $0x6;
	_ =	strace $0x80000047  }
0xb: {  	s8 =	sshll.u32 s6, $0x7;
	s23 =	ssub.s32 $0x2, s6;
	s6 =	sshll.u32 s6, $0xE  }
0xc: {  	s9 =	sshrl.u32 s5, $0x3;
	s7 =	sor.u32 s8, s7;
	s11 =	sshrl.u32 s23, $0x1  }
0xd: {  	s6 =	sor.u32 s6, s12;
	s24 =	sadd.s32 s5, s2;
	s12 =	simm.s32 $0x5  }
0xe: {  	s22 =	sadd.s32 s9, s4;
	s7 =	sshrl.u32 s7, $0x3;
	s9 =	ssub.s32 s23, s11  }
0xf: {  	s25 =	sshrl.u32 s6, $0x3;
	s30 =	sor.u32 $0x400, s6;
	s6 =	sor.u32 $0x1C05, s26  }
0x10: {  	s11 =	sshrl.u32 s24, $0x3;
	s23 =	simm.s32 $0x380;
	s24 =	simm.s32 $0x1  }
0x11: {  	s26 =	simm.s32 $0x20;
	s13 =	sadd.s32 s7, s4;
	s4 =	sadd.s32 $0x12800, s22  }
0x12: {  	s5 =	sadd.s32 s10, s25;
	s31 =	sshrl.u32 s30, $0x3;
	s9 =	smax.u32 s9, $0x1  }
0x13: {  	s22 =	simm.s32 $0x300;
	s25 =	simm.s32 $0x2;
	s7 =	sadd.s32 $0x40, s5  }
0x14: {  	v0 =	vimm.f32 $1.000000000e+00;
	s8 =	sadd.s32 $0x12E00, s13;
	s10 =	sadd.s32 s31, s10;
	s13 =	simm.s32 $0x200  }
.LBB2_1:
0x15: {  	[tilespmem:$0x400] =	vst v0  }
0x16: {  	[tilespmem:$0x410] =	vst v0  }
0x17: {  	[tilespmem:$0x420] =	vst v0  }
0x18: {  	[tilespmem:$0x430] =	vst v0  }
0x19: {  	[tilespmem:$0x440] =	vst v0  }
0x1a: {  	[spmem:s11], [sflag:s6] =	dma.local [hbm:s4], $0x50  }
0x1b: {  	_ =	swait.ge [sflag:s12], $0x50  }
0x1c: {  	[sflag:s12] =	ssyncset.done $0x0  }
0x1d: {  	[sflag:s12] =	ssyncadd.s32 $0xFFFFFFB0  }
0x1e: {  	[bflag:$0x0] =	sbarrier.arrive $0xFFFF  }
0x1f: {  	[tilespmem:s3], [sflag:$0x3] =	stream.linear.gather [hbm4b:s5+s3], $0x200, $0x38;
	[tilespmem:$0x700] =	vst v63  }
0x20: {  	_ = 	snop  }
0x21: {  	[tilespmem:s13], [sflag:$0x4] =	stream.linear.gather [hbm4b:s7+s3], $0x200, $0x38;
	[tilespmem:$0x700] =	vst v63  }
0x22: {  	_ =	swait.ge [sflag:s14], $0x200  }
0x23: {  	[sflag:s14] =	ssyncset.done $0x0  }
0x24: {  	[sflag:s14] =	ssyncadd.s32 $0xFFFFFE00  }
0x25: {  	[spmem:s2] =	stream.indirect.scatter.add.f32 [tilespmem:s16], [sflag:$0x1], $0x1, s3, s15, $0xb8;
	[tilespmem:$0x700] =	vst v63  }
0x26: {  	_ = 	snop  }
0x27: {  	[spmem:s2] =	stream.indirect.scatter.add.f32 [tilespmem:s16], [sflag:$0x1], $0x1, s17, s15, $0xb8;
	[tilespmem:$0x700] =	vst v63  }
0x28: {  	_ = 	snop  }
0x29: {  	[spmem:s2] =	stream.indirect.scatter.add.f32 [tilespmem:s16], [sflag:$0x1], $0x1, s18, s15, $0xb8;
	[tilespmem:$0x700] =	vst v63  }
0x2a: {  	_ = 	snop  }
0x2b: {  	[spmem:s2] =	stream.indirect.scatter.add.f32 [tilespmem:s16], [sflag:$0x1], $0x1, s19, s15, $0xb8;
	[tilespmem:$0x700] =	vst v63  }
0x2c: {  	_ =	swait.ge [sflag:s20], $0x200  }
0x2d: {  	[sflag:s20] =	ssyncset.done $0x0  }
0x2e: {  	[sflag:s20] =	ssyncadd.s32 $0xFFFFFE00  }
0x2f: {  	[spmem:s2] =	stream.indirect.scatter.add.f32 [tilespmem:s16], [sflag:$0x2], $0x1, s13, s15, $0xb8;
	[tilespmem:$0x700] =	vst v63  }
0x30: {  	_ = 	snop  }
0x31: {  	[spmem:s2] =	stream.indirect.scatter.add.f32 [tilespmem:s16], [sflag:$0x2], $0x1, s21, s15, $0xb8;
	[tilespmem:$0x700] =	vst v63  }
0x32: {  	_ = 	snop  }
0x33: {  	[spmem:s2] =	stream.indirect.scatter.add.f32 [tilespmem:s16], [sflag:$0x2], $0x1, s22, s15, $0xb8;
	[tilespmem:$0x700] =	vst v63  }
0x34: {  	_ = 	snop  }
0x35: {  	[spmem:s2] =	stream.indirect.scatter.add.f32 [tilespmem:s16], [sflag:$0x2], $0x1, s23, s15, $0xb8;
	[tilespmem:$0x700] =	vst v63  }
0x36: {  	_ =	swait.ge [sflag:s24], $0x50  }
0x37: {  	[sflag:s24] =	ssyncset.done $0x0  }
0x38: {  	[sflag:s24] =	ssyncadd.s32 $0xFFFFFFB0  }
0x39: {  	_ =	swait.ge [sflag:s24], $0x50  }
0x3a: {  	[sflag:s24] =	ssyncset.done $0x0  }
0x3b: {  	[sflag:s24] =	ssyncadd.s32 $0xFFFFFFB0  }
0x3c: {  	_ =	swait.ge [sflag:s24], $0x50  }
0x3d: {  	[sflag:s24] =	ssyncset.done $0x0  }
0x3e: {  	[sflag:s24] =	ssyncadd.s32 $0xFFFFFFB0  }
0x3f: {  	_ =	swait.ge [sflag:s24], $0x50  }
0x40: {  	[sflag:s24] =	ssyncset.done $0x0  }
0x41: {  	s31 =	sadd.s32 $0x0, s10;
	[sflag:s24] =	ssyncadd.s32 $0xFFFFFFB0  }
0x42: {  	[tilespmem:s3], [sflag:$0x3] =	stream.linear.gather [hbm4b:s31+s3], $0x200, $0x38;
	[tilespmem:$0x700] =	vst v63  }
0x43: {  	_ =	swait.ge [sflag:s25], $0x50  }
0x44: {  	[sflag:s25] =	ssyncset.done $0x0  }
0x45: {  	[sflag:s25] =	ssyncadd.s32 $0xFFFFFFB0  }
0x46: {  	_ =	swait.ge [sflag:s25], $0x50  }
0x47: {  	[sflag:s25] =	ssyncset.done $0x0  }
0x48: {  	[sflag:s25] =	ssyncadd.s32 $0xFFFFFFB0  }
0x49: {  	_ =	swait.ge [sflag:s25], $0x50  }
0x4a: {  	[sflag:s25] =	ssyncset.done $0x0  }
0x4b: {  	[sflag:s25] =	ssyncadd.s32 $0xFFFFFFB0  }
0x4c: {  	_ =	swait.ge [sflag:s25], $0x50  }
0x4d: {  	[sflag:s25] =	ssyncset.done $0x0  }
0x4e: {  	s30 =	simm.s32 $0x80;
	s31 =	sadd.s32 $0x40, s31;
	[sflag:s25] =	ssyncadd.s32 $0xFFFFFFB0  }
.LBB2_2:
0x4f: {  	[tilespmem:s13], [sflag:$0x4] =	stream.linear.gather [hbm4b:s31+s3], $0x200, $0x38;
	[tilespmem:$0x700] =	vst v63  }
0x50: {  	s31 =	smov.u32 s30  }
0x51: {  	p0 =	sne.s32 s30, $0x700;
	s30 =	sadd.s32 $0x80, s30;
	_ =	swait.ge [sflag:s14], $0x200  }
0x52: {  	[sflag:s14] =	ssyncset.done $0x0  }
0x53: {  	[sflag:s14] =	ssyncadd.s32 $0xFFFFFE00  }
0x54: {  	[spmem:s2] =	stream.indirect.scatter.add.f32 [tilespmem:s16], [sflag:$0x1], $0x1, s3, s15, $0xb8;
	[tilespmem:$0x700] =	vst v63  }
0x55: {  	_ = 	snop  }
0x56: {  	[spmem:s2] =	stream.indirect.scatter.add.f32 [tilespmem:s16], [sflag:$0x1], $0x1, s17, s15, $0xb8;
	[tilespmem:$0x700] =	vst v63  }
0x57: {  	_ = 	snop  }
0x58: {  	[spmem:s2] =	stream.indirect.scatter.add.f32 [tilespmem:s16], [sflag:$0x1], $0x1, s18, s15, $0xb8;
	[tilespmem:$0x700] =	vst v63  }
0x59: {  	_ = 	snop  }
0x5a: {  	[spmem:s2] =	stream.indirect.scatter.add.f32 [tilespmem:s16], [sflag:$0x1], $0x1, s19, s15, $0xb8;
	[tilespmem:$0x700] =	vst v63  }
0x5b: {  	_ =	swait.ge [sflag:s20], $0x200  }
0x5c: {  	[sflag:s20] =	ssyncset.done $0x0  }
0x5d: {  	[sflag:s20] =	ssyncadd.s32 $0xFFFFFE00  }
0x5e: {  	[spmem:s2] =	stream.indirect.scatter.add.f32 [tilespmem:s16], [sflag:$0x2], $0x1, s13, s15, $0xb8;
	[tilespmem:$0x700] =	vst v63  }
0x5f: {  	_ = 	snop  }
0x60: {  	[spmem:s2] =	stream.indirect.scatter.add.f32 [tilespmem:s16], [sflag:$0x2], $0x1, s21, s15, $0xb8;
	[tilespmem:$0x700] =	vst v63  }
0x61: {  	_ = 	snop  }
0x62: {  	[spmem:s2] =	stream.indirect.scatter.add.f32 [tilespmem:s16], [sflag:$0x2], $0x1, s22, s15, $0xb8;
	[tilespmem:$0x700] =	vst v63  }
0x63: {  	_ = 	snop  }
0x64: {  	[spmem:s2] =	stream.indirect.scatter.add.f32 [tilespmem:s16], [sflag:$0x2], $0x1, s23, s15, $0xb8;
	[tilespmem:$0x700] =	vst v63  }
0x65: {  	_ =	swait.ge [sflag:s24], $0x50  }
0x66: {  	[sflag:s24] =	ssyncset.done $0x0  }
0x67: {  	[sflag:s24] =	ssyncadd.s32 $0xFFFFFFB0  }
0x68: {  	_ =	swait.ge [sflag:s24], $0x50  }
0x69: {  	[sflag:s24] =	ssyncset.done $0x0  }
0x6a: {  	[sflag:s24] =	ssyncadd.s32 $0xFFFFFFB0  }
0x6b: {  	_ =	swait.ge [sflag:s24], $0x50  }
0x6c: {  	[sflag:s24] =	ssyncset.done $0x0  }
0x6d: {  	[sflag:s24] =	ssyncadd.s32 $0xFFFFFFB0  }
0x6e: {  	_ =	swait.ge [sflag:s24], $0x50  }
0x6f: {  	[sflag:s24] =	ssyncset.done $0x0  }
0x70: {  	s31 =	sadd.s32 s31, s10;
	[sflag:s24] =	ssyncadd.s32 $0xFFFFFFB0  }
0x71: {  	[tilespmem:s3], [sflag:$0x3] =	stream.linear.gather [hbm4b:s31+s3], $0x200, $0x38;
	[tilespmem:$0x700] =	vst v63  }
0x72: {  	_ =	swait.ge [sflag:s25], $0x50  }
0x73: {  	[sflag:s25] =	ssyncset.done $0x0  }
0x74: {  	[sflag:s25] =	ssyncadd.s32 $0xFFFFFFB0  }
0x75: {  	_ =	swait.ge [sflag:s25], $0x50  }
0x76: {  	[sflag:s25] =	ssyncset.done $0x0  }
0x77: {  	[sflag:s25] =	ssyncadd.s32 $0xFFFFFFB0  }
0x78: {  	_ =	swait.ge [sflag:s25], $0x50  }
.Ltmp0:
0x79: {  	[sflag:s25] =	ssyncset.done $0x0;
	(pc) =	sbr.rel @p0 .LBB2_2-.Ltmp0, $4  }
0x7a: {  	[sflag:s25] =	ssyncadd.s32 $0xFFFFFFB0  }
0x7b: {  	_ =	swait.ge [sflag:s25], $0x50  }
0x7c: {  	[sflag:s25] =	ssyncset.done $0x0  }
0x7d: {  	s31 =	sadd.s32 $0x40, s31;
	[sflag:s25] =	ssyncadd.s32 $0xFFFFFFB0  }
0x7e: {  	[tilespmem:s13], [sflag:$0x4] =	stream.linear.gather [hbm4b:s31+s3], $0x200, $0x38;
	[tilespmem:$0x700] =	vst v63  }
0x7f: {  	_ =	swait.ge [sflag:s14], $0x200  }
0x80: {  	[sflag:s14] =	ssyncset.done $0x0  }
0x81: {  	[sflag:s14] =	ssyncadd.s32 $0xFFFFFE00  }
0x82: {  	[spmem:s2] =	stream.indirect.scatter.add.f32 [tilespmem:s16], [sflag:$0x1], $0x1, s3, s15, $0xb8;
	[tilespmem:$0x700] =	vst v63  }
0x83: {  	_ = 	snop  }
0x84: {  	[spmem:s2] =	stream.indirect.scatter.add.f32 [tilespmem:s16], [sflag:$0x1], $0x1, s17, s15, $0xb8;
	[tilespmem:$0x700] =	vst v63  }
0x85: {  	_ = 	snop  }
0x86: {  	[spmem:s2] =	stream.indirect.scatter.add.f32 [tilespmem:s16], [sflag:$0x1], $0x1, s18, s15, $0xb8;
	[tilespmem:$0x700] =	vst v63  }
0x87: {  	_ = 	snop  }
0x88: {  	[spmem:s2] =	stream.indirect.scatter.add.f32 [tilespmem:s16], [sflag:$0x1], $0x1, s19, s15, $0xb8;
	[tilespmem:$0x700] =	vst v63  }
0x89: {  	_ =	swait.ge [sflag:s20], $0x200  }
0x8a: {  	[sflag:s20] =	ssyncset.done $0x0  }
0x8b: {  	[sflag:s20] =	ssyncadd.s32 $0xFFFFFE00  }
0x8c: {  	[spmem:s2] =	stream.indirect.scatter.add.f32 [tilespmem:s16], [sflag:$0x2], $0x1, s13, s15, $0xb8;
	[tilespmem:$0x700] =	vst v63  }
0x8d: {  	_ = 	snop  }
0x8e: {  	[spmem:s2] =	stream.indirect.scatter.add.f32 [tilespmem:s16], [sflag:$0x2], $0x1, s21, s15, $0xb8;
	[tilespmem:$0x700] =	vst v63  }
0x8f: {  	_ = 	snop  }
0x90: {  	[spmem:s2] =	stream.indirect.scatter.add.f32 [tilespmem:s16], [sflag:$0x2], $0x1, s22, s15, $0xb8;
	[tilespmem:$0x700] =	vst v63  }
0x91: {  	_ = 	snop  }
0x92: {  	[spmem:s2] =	stream.indirect.scatter.add.f32 [tilespmem:s16], [sflag:$0x2], $0x1, s23, s15, $0xb8;
	[tilespmem:$0x700] =	vst v63  }
0x93: {  	_ =	swait.ge [sflag:s24], $0x50  }
0x94: {  	[sflag:s24] =	ssyncset.done $0x0  }
0x95: {  	[sflag:s24] =	ssyncadd.s32 $0xFFFFFFB0  }
0x96: {  	_ =	swait.ge [sflag:s24], $0x50  }
0x97: {  	[sflag:s24] =	ssyncset.done $0x0  }
0x98: {  	[sflag:s24] =	ssyncadd.s32 $0xFFFFFFB0  }
0x99: {  	_ =	swait.ge [sflag:s24], $0x50  }
0x9a: {  	[sflag:s24] =	ssyncset.done $0x0  }
0x9b: {  	[sflag:s24] =	ssyncadd.s32 $0xFFFFFFB0  }
0x9c: {  	_ =	swait.ge [sflag:s24], $0x50  }
0x9d: {  	[sflag:s24] =	ssyncset.done $0x0  }
0x9e: {  	[sflag:s24] =	ssyncadd.s32 $0xFFFFFFB0  }
0x9f: {  	_ =	swait.ge [sflag:s25], $0x50  }
0xa0: {  	[sflag:s25] =	ssyncset.done $0x0  }
0xa1: {  	[sflag:s25] =	ssyncadd.s32 $0xFFFFFFB0  }
0xa2: {  	_ =	swait.ge [sflag:s25], $0x50  }
0xa3: {  	[sflag:s25] =	ssyncset.done $0x0  }
0xa4: {  	[sflag:s25] =	ssyncadd.s32 $0xFFFFFFB0  }
0xa5: {  	_ =	swait.ge [sflag:s25], $0x50  }
0xa6: {  	[sflag:s25] =	ssyncset.done $0x0  }
0xa7: {  	[sflag:s25] =	ssyncadd.s32 $0xFFFFFFB0  }
0xa8: {  	_ =	swait.ge [sflag:s25], $0x50  }
0xa9: {  	s29 =	sadd.s32 $0x1, s29;
	[sflag:s25] =	ssyncset.done $0x0  }
0xaa: {  	p0 =	sne.s32 s29, s9;
	[sflag:s25] =	ssyncadd.s32 $0xFFFFFFB0  }
.Ltmp1:
0xab: {  	[bflag:$0x0] =	sbarrier.arrive $0xFFFF;
	(pc) =	sbr.rel @p0 .LBB2_1-.Ltmp1, $4  }
0xac: {  	[hbm:s8@s26], [sflag:s6] =	dma.strided [spmem:s11@s28], $0x50, s24, $0x10   }
0xad: {  	_ =	swait.ge [sflag:s12], $0x50  }
0xae: {  	[sflag:s12] =	ssyncset.done $0x0  }
0xaf: {  	[sflag:s12] =	ssyncadd.s32 $0xFFFFFFB0  }
0xb0: {  	_ =	sfence.sel $0x180000  }
0xb1: {  	[bflag:$0x0] =	sbarrier.arrive $0xFFFF  }
0xb2: {  	p0 =	sne.s32 s1, $0x0;
	_ =	strace $0x90000047  }
0xb3: {  	s0 =	sadd.s32 @!p0 $0x100000, s0;
	[bflag:$0x2] =	sbarrier.arrive $0xFFFF  }
0xb4: {  	[sflag:s0] =	ssyncadd.tile.s32 @!p0 $0x1;
	_ =	shalt  }
.Lfunc_end2:
_tile_overlayer_lowered:
.L_overlay_start_2:
0xb5: {  	(tag) =	ssettag $0x2  }
0xb6: {  	s0 =	rddreg [dreg:$0x0];
	s2 =	stileid.u32  }
0xb7: {  	s1 =	rddreg [dreg:$0x1];
	p0 =	sne.s32 s2, $0x0  }
0xb8: {  	s3 =	rddreg [dreg:$0x2];
	[bflag:$0x3] =	sbarrier.arrive $0xFFFF;
	s2 =	simm.s32 @!p0 $0x1C05  }
0xb9: {  	[timem:s3], [sflag:s2] =	dma.local @!p0 [hbm:s0], s1  }
0xba: {  	s0 =	simm.s32 @!p0 $0x5  }
0xbb: {  	_ =	swait.ge @!p0 [sflag:s0], s1  }
0xbc: {  	s1 =	ssub.s32 @!p0 $0x0, s1;
	[sflag:s0] =	ssyncset.done @!p0 $0x0  }
0xbd: {  	[sflag:s0] =	ssyncadd.s32 @!p0 s1  }
0xbe: {  	[bflag:$0x3] =	sbarrier.arrive $0xFFFF  }
0xbf: {  	_ =	shalt  }

</sc_bundles>
